<compile_context>
chip_gen: v7x
topology: tpu7x:2x2x1
jax: 0.10.2.dev20260603
libtpu: 0.0.44.dev20260713+nightly
codegen_flags: <defaults>
</compile_context>

<pallas_src>
import functools

import jax
import jax.numpy as jnp
import numpy as np
from jax import lax
from jax.experimental import pallas as pl
from jax.experimental.pallas import tpu as pltpu
from jax.experimental.pallas import tpu_sc as plsc

_T = 1000
_NUM_NODES = 4096
_NPE = _NUM_NODES * (_NUM_NODES - 1) // 2
_EM0, _EM1 = 0.9, 0.1


def _cos_schedule(T, s=0.008):
    num_steps = T + 2
    t = np.linspace(0, num_steps, num_steps)
    alpha_bars = np.cos(0.5 * np.pi * (t / num_steps + s) / (1 + s)) ** 2
    alpha_bars = alpha_bars / alpha_bars[0]
    alphas = alpha_bars[1:] / alpha_bars[:-1]
    betas = np.clip(1 - alphas, 0, 0.9999)
    alphas = 1 - betas
    log_alphas = np.log(alphas)
    log_alpha_bars = np.cumsum(log_alphas)
    alpha_bars = np.exp(log_alpha_bars)
    return alpha_bars.astype(np.float32), alphas.astype(np.float32)


_AB_NP, _AL_NP = _cos_schedule(_T)

_NB = _NPE // 128
_NW = 32
_NB_HI = 2048
_NB_LO = 2047
_CB = 64
_NCH = 32
_CE = _CB * 128
_CF = _CB * 256


def _posterior_sc(consts, e_t, logits_phys):
    mesh = plsc.VectorSubcoreMesh(core_axis_name="c", subcore_axis_name="s")

    @functools.partial(
        pl.kernel,
        mesh=mesh,
        out_type=jax.ShapeDtypeStruct((2 * _NPE,), jnp.float32),
        compiler_params=pltpu.CompilerParams(needs_layout_passes=False),
        scratch_types=[
            pltpu.VMEM((8, 16), jnp.float32),
            pltpu.VMEM((_CE,), jnp.int32),
            pltpu.VMEM((_CE,), jnp.int32),
            pltpu.VMEM((_CF,), jnp.float32),
            pltpu.VMEM((_CF,), jnp.float32),
            pltpu.VMEM((_CF,), jnp.float32),
            pltpu.VMEM((_CF,), jnp.float32),
            pltpu.SemaphoreType.DMA,
            pltpu.SemaphoreType.DMA,
            pltpu.SemaphoreType.DMA,
            pltpu.SemaphoreType.DMA,
        ],
    )
    def k(consts_hbm, e_hbm, l_hbm, out_hbm, cbuf, eb0, eb1, lb0, lb1,
          ob0, ob1, si0, si1, so0, so1):
        wid = lax.axis_index("s") * 2 + lax.axis_index("c")
        base_b = wid * _NB_HI - jnp.maximum(wid - 16, 0)
        nb = _NB_HI - (wid >= 16).astype(jnp.int32)
        pltpu.sync_copy(consts_hbm, cbuf)

        b0 = cbuf[0, :]
        c0 = cbuf[1, :]
        b1 = cbuf[2, :]
        c1 = cbuf[3, :]
        a0 = cbuf[4, :]
        da0 = cbuf[5, :]
        a1 = cbuf[6, :]
        da1 = cbuf[7, :]

        banks = ((eb0, lb0, ob0, si0, so0), (eb1, lb1, ob1, si1, so1))

        def chunk_off(c):
            return base_b + jnp.minimum(c * _CB, nb - _CB)

        def start_in(c, bank):
            eb, lb, _, si, _ = banks[bank]
            ob_ = chunk_off(c)
            pltpu.async_copy(e_hbm.at[pl.ds(ob_ * 128, _CE)], eb, si)
            pltpu.async_copy(l_hbm.at[pl.ds(ob_ * 256, _CF)], lb, si)

        def wait_in(bank):
            eb, lb, _, si, _ = banks[bank]
            pltpu.make_async_copy(e_hbm.at[pl.ds(0, _CE)], eb, si).wait()
            pltpu.make_async_copy(l_hbm.at[pl.ds(0, _CF)], lb, si).wait()

        def start_out(c, bank):
            _, _, ob, _, so = banks[bank]
            ob_ = chunk_off(c)
            pltpu.async_copy(ob, out_hbm.at[pl.ds(ob_ * 256, _CF)], so)

        def wait_out(bank):
            _, _, ob, _, so = banks[bank]
            pltpu.make_async_copy(ob, out_hbm.at[pl.ds(0, _CF)], so).wait()

        def compute(bank):
            eb, lb, ob, _, _ = banks[bank]

            @plsc.parallel_loop(0, _CB, 1, unroll=4)
            def _(ib):
                for j in range(8):
                    off = ib * 256 + j * 16
                    eoff = ib * 128 + j * 16
                    l0 = lb[pl.ds(off, 16)]
                    l1 = lb[pl.ds(off + 128, 16)]
                    e = eb[pl.ds(eoff, 16)]
                    ef = e.astype(jnp.float32)
                    u = jnp.exp(jnp.minimum(l1 - l0, 60.0))
                    m0 = b0 + u * c0
                    m1 = b1 + u * c1
                    q0 = a0 + ef * da0
                    q1 = a1 + ef * da1
                    v0 = q0 * m0
                    v1 = q1 * m1
                    r = 1.0 / (v0 + v1 + 1e-10)
                    ob[pl.ds(off, 16)] = v0 * r
                    ob[pl.ds(off + 128, 16)] = v1 * r

        start_in(0, 0)

        def pair_body(g, carry):
            for b in range(2):
                c = g * 2 + b

                @pl.when(c + 1 < _NCH)
                def _():
                    start_in(c + 1, 1 - b)

                wait_in(b)

                @pl.when(g >= 1)
                def _():
                    wait_out(b)

                compute(b)
                start_out(c, b)
            return carry

        lax.fori_loop(0, _NCH // 2, pair_body, 0)
        wait_out(0)
        wait_out(1)

    return k(consts, e_t, logits_phys)


def kernel(E_t, pred_E_logits, t):
    t = jnp.asarray(t)
    s = jnp.maximum(t - 1, 0)
    ab_s = jnp.asarray(_AB_NP)[s]
    a_t = jnp.asarray(_AL_NP)[t]
    is0 = t == 0
    one = jnp.float32(1.0)
    ab = jnp.where(is0, one, ab_s)
    qt00 = jnp.where(is0, one, a_t + (1 - a_t) * _EM0)
    qt01 = jnp.where(is0, one, (1 - a_t) * _EM1)
    qt10 = jnp.where(is0, one, (1 - a_t) * _EM0)
    qt11 = jnp.where(is0, one, a_t + (1 - a_t) * _EM1)
    qb00 = ab + (1 - ab) * _EM0
    qb01 = (1 - ab) * _EM1
    qb10 = (1 - ab) * _EM0
    qb11 = ab + (1 - ab) * _EM1
    consts = jnp.stack(
        [qb00, qb10, qb01, qb11, qt00, qt01 - qt00, qt10, qt11 - qt10]
    ).astype(jnp.float32)
    consts = jnp.broadcast_to(consts[:, None], (8, 16))
    logits_phys = (
        pred_E_logits.reshape(_NB, 128, 2).transpose(0, 2, 1).reshape(-1)
    )
    out_flat = _posterior_sc(consts, E_t, logits_phys)
    return out_flat.reshape(_NB, 2, 128).transpose(0, 2, 1).reshape(_NPE, 2)

# --- scband reference (transcript-rebuilt; emitter-appended) ---
"""Pipeline reference for scband-graph-diffusion-57114475102683 (READ-ONLY COPY).

The authoritative reference and input builder live on the scoring server;
editing this copy changes nothing except your own understanding.
"""

import jax, jax.numpy as jnp
import numpy as np

T = 1000
NUM_NODES = 4096
NPE = NUM_NODES * (NUM_NODES - 1) // 2  # 8386560 possible edges
E_MARGINAL = np.array([0.9, 0.1], dtype=np.float32)


def _cosine_schedule(T, s=0.008):
    num_steps = T + 2
    t = np.linspace(0, num_steps, num_steps)
    alpha_bars = np.cos(0.5 * np.pi * (t / num_steps + s) / (1 + s)) ** 2
    alpha_bars = alpha_bars / alpha_bars[0]
    alphas = alpha_bars[1:] / alpha_bars[:-1]
    betas = np.clip(1 - alphas, 0, 0.9999)
    alphas = 1 - betas
    log_alphas = np.log(alphas)
    log_alpha_bars = np.cumsum(log_alphas)
    alpha_bars = np.exp(log_alpha_bars)
    return alpha_bars.astype(np.float32), alphas.astype(np.float32)

ALPHA_BARS, ALPHAS = _cosine_schedule(T)


def _get_Q_bar_E(alpha_bar):
    I_E = jnp.eye(2, dtype=jnp.float32)
    m_E = jnp.broadcast_to(jnp.asarray(E_MARGINAL), (2, 2))
    return alpha_bar * I_E + (1.0 - alpha_bar) * m_E


def setup_inputs(seed: int = 0) -> dict:
    key = jax.random.key(seed)
    k1, k2 = jax.random.split(key)
    E_t = jax.random.randint(k1, (NPE,), 0, 2, dtype=jnp.int32)
    pred_E_logits = jax.random.normal(k2, (NPE, 2), dtype=jnp.float32)
    t = 500
    return {"E_t": E_t, "pred_E_logits": pred_E_logits, "t": t}


def reference(E_t, pred_E_logits, t):
    # Faithful translation of GraphDiffusion.compute_posterior:
    # q(E_{t-1} | E_t, pred_E_0) for the reverse-diffusion sampling step.
    pred_E_prob = jax.nn.softmax(pred_E_logits, axis=-1)
    s = jnp.maximum(t - 1, 0)
    alpha_bar_s = jnp.asarray(ALPHA_BARS)[s]
    alpha_t = jnp.asarray(ALPHAS)[t]
    Q_bar_s_E = _get_Q_bar_E(alpha_bar_s)
    Q_t_E = _get_Q_bar_E(alpha_t)
    E_t_one_hot = jax.nn.one_hot(E_t, 2, dtype=jnp.float32)
    left_term = (E_t_one_hot @ Q_t_E.T)[:, None, :]
    right_term = Q_bar_s_E[None, :, :]
    numerator = left_term * right_term
    prob_E_prev = (pred_E_prob[:, :, None] * numerator).sum(axis=-2)
    prob_E_prev = prob_E_prev / (prob_E_prev.sum(axis=-1, keepdims=True) + 1e-10)
    return jnp.where(t == 0, pred_E_prob, prob_E_prev)

if __name__ == "__main__":
    import jax
    _d = setup_inputs()
    print(jax.jit(kernel)(*tuple(_d.values())))

</pallas_src>

<mosaic_0001>
#map = affine_map<(d0, d1) -> (0, 0)>
#map1 = affine_map<(d0, d1) -> (0)>
module attributes {stable_mosaic.version = 14 : i64} {
  func.func @k(%arg0: i32, %arg1: i32, %arg2: memref<8x16xf32, #tpu.memory_space<hbm>>, %arg3: memref<8386560xi32, #tpu.memory_space<hbm>>, %arg4: memref<16773120xf32, #tpu.memory_space<hbm>>, %arg5: memref<16773120xf32, #tpu.memory_space<hbm>>, %arg6: memref<8x16xf32, #tpu.memory_space<vmem>>, %arg7: memref<8192xi32, #tpu.memory_space<vmem>>, %arg8: memref<8192xi32, #tpu.memory_space<vmem>>, %arg9: memref<16384xf32, #tpu.memory_space<vmem>>, %arg10: memref<16384xf32, #tpu.memory_space<vmem>>, %arg11: memref<16384xf32, #tpu.memory_space<vmem>>, %arg12: memref<16384xf32, #tpu.memory_space<vmem>>, %arg13: memref<!tpu.dma_semaphore, #tpu.memory_space<semaphore_mem>>, %arg14: memref<!tpu.dma_semaphore, #tpu.memory_space<semaphore_mem>>, %arg15: memref<!tpu.dma_semaphore, #tpu.memory_space<semaphore_mem>>, %arg16: memref<!tpu.dma_semaphore, #tpu.memory_space<semaphore_mem>>) attributes {dimension_semantics = [#tpu.dimension_semantics<core_parallel>, #tpu.dimension_semantics<subcore_parallel>], iteration_bounds = array<i64: 2, 16>, scalar_prefetch = 0 : i64, scratch_operands = 11 : i64, tpu.core_type = #tpu.core_type<sc_vector_subcore>, window_params = [{transform_indices = #map}, {transform_indices = #map1}, {transform_indices = #map1}, {transform_indices = #map1}]} {
    %mul3A = arith.constant 2 : i32
    %mul3A_0 = arith.muli %arg1, %mul3A : i32
    %add3A = arith.addi %mul3A_0, %arg0 : i32
    %mul3A_1 = arith.constant 2048 : i32
    %mul3A_2 = arith.muli %add3A, %mul3A_1 : i32
    %sub3A = arith.constant 16 : i32
    %sub3A_3 = arith.subi %add3A, %sub3A : i32
    %max3A = arith.constant 0 : i32
    %max3A_4 = arith.maxsi %sub3A_3, %max3A : i32
    %sub3A_5 = arith.subi %mul3A_2, %max3A_4 : i32
    %ge3A = arith.constant 16 : i32
    %ge3A_6 = arith.cmpi sge, %add3A, %ge3A : i32
    %convert_element_type3A = arith.extui %ge3A_6 : i1 to i32
    %sub3A_7 = arith.constant 2048 : i32
    %sub3A_8 = arith.subi %sub3A_7, %convert_element_type3A : i32
    "tpu.region"() ({
      %run_scoped3A = tpu.sem_alloc : memref<!tpu.dma_semaphore, #tpu.memory_space<semaphore_mem>>
      tpu.enqueue_dma source(%arg2 : memref<8x16xf32, #tpu.memory_space<hbm>>) target(%arg6 : memref<8x16xf32, #tpu.memory_space<vmem>>) target_semaphore(%run_scoped3A : memref<!tpu.dma_semaphore, #tpu.memory_space<semaphore_mem>>)
      tpu.wait_dma2 semaphore(%run_scoped3A : memref<!tpu.dma_semaphore, #tpu.memory_space<semaphore_mem>>) src(%arg2 : memref<8x16xf32, #tpu.memory_space<hbm>>) dst(%arg6 : memref<8x16xf32, #tpu.memory_space<vmem>>)
      tpu.yield
    }) : () -> ()
    %get3A = arith.constant 0 : i32
    %get3A_9 = arith.index_cast %get3A : i32 to index
    %get3A_10 = arith.constant 0 : index
    %get3A_11 = tpu.vector_load %arg6[%get3A_9, %get3A_10] {strides = array<i32>} : memref<8x16xf32, #tpu.memory_space<vmem>>, vector<16xf32>,
    %get3A_12 = arith.constant 1 : i32
    %get3A_13 = arith.index_cast %get3A_12 : i32 to index
    %get3A_14 = arith.constant 0 : index
    %get3A_15 = tpu.vector_load %arg6[%get3A_13, %get3A_14] {strides = array<i32>} : memref<8x16xf32, #tpu.memory_space<vmem>>, vector<16xf32>,
    %get3A_16 = arith.constant 2 : i32
    %get3A_17 = arith.index_cast %get3A_16 : i32 to index
    %get3A_18 = arith.constant 0 : index
    %get3A_19 = tpu.vector_load %arg6[%get3A_17, %get3A_18] {strides = array<i32>} : memref<8x16xf32, #tpu.memory_space<vmem>>, vector<16xf32>,
    %get3A_20 = arith.constant 3 : i32
    %get3A_21 = arith.index_cast %get3A_20 : i32 to index
    %get3A_22 = arith.constant 0 : index
    %get3A_23 = tpu.vector_load %arg6[%get3A_21, %get3A_22] {strides = array<i32>} : memref<8x16xf32, #tpu.memory_space<vmem>>, vector<16xf32>,
    %get3A_24 = arith.constant 4 : i32
    %get3A_25 = arith.index_cast %get3A_24 : i32 to index
    %get3A_26 = arith.constant 0 : index
    %get3A_27 = tpu.vector_load %arg6[%get3A_25, %get3A_26] {strides = array<i32>} : memref<8x16xf32, #tpu.memory_space<vmem>>, vector<16xf32>,
    %get3A_28 = arith.constant 5 : i32
    %get3A_29 = arith.index_cast %get3A_28 : i32 to index
    %get3A_30 = arith.constant 0 : index
    %get3A_31 = tpu.vector_load %arg6[%get3A_29, %get3A_30] {strides = array<i32>} : memref<8x16xf32, #tpu.memory_space<vmem>>, vector<16xf32>,
    %get3A_32 = arith.constant 6 : i32
    %get3A_33 = arith.index_cast %get3A_32 : i32 to index
    %get3A_34 = arith.constant 0 : index
    %get3A_35 = tpu.vector_load %arg6[%get3A_33, %get3A_34] {strides = array<i32>} : memref<8x16xf32, #tpu.memory_space<vmem>>, vector<16xf32>,
    %get3A_36 = arith.constant 7 : i32
    %get3A_37 = arith.index_cast %get3A_36 : i32 to index
    %get3A_38 = arith.constant 0 : index
    %get3A_39 = tpu.vector_load %arg6[%get3A_37, %get3A_38] {strides = array<i32>} : memref<8x16xf32, #tpu.memory_space<vmem>>, vector<16xf32>,
    %sub3A_40 = arith.constant 64 : i32
    %sub3A_41 = arith.subi %sub3A_8, %sub3A_40 : i32
    %min3A = arith.constant 0 : i32
    %min3A_42 = arith.minsi %min3A, %sub3A_41 : i32
    %add3A_43 = arith.addi %sub3A_5, %min3A_42 : i32
    %mul3A_44 = arith.constant 128 : i32
    %mul3A_45 = arith.muli %add3A_43, %mul3A_44 : i32
    %dma_start3A = tpu.memref_slice %arg3[%mul3A_45] : memref<8386560xi32, #tpu.memory_space<hbm>> -> memref<8192xi32, #tpu.memory_space<hbm>>
    %dma_start3A_46 = tpu.memref_slice %arg3[%mul3A_45] : memref<8386560xi32, #tpu.memory_space<hbm>> -> memref<8192xi32, #tpu.memory_space<hbm>>
    tpu.enqueue_dma source(%dma_start3A_46 : memref<8192xi32, #tpu.memory_space<hbm>>) target(%arg7 : memref<8192xi32, #tpu.memory_space<vmem>>) target_semaphore(%arg13 : memref<!tpu.dma_semaphore, #tpu.memory_space<semaphore_mem>>)
    %mul3A_47 = arith.constant 256 : i32
    %mul3A_48 = arith.muli %add3A_43, %mul3A_47 : i32
    %dma_start3A_49 = tpu.memref_slice %arg4[%mul3A_48] : memref<16773120xf32, #tpu.memory_space<hbm>> -> memref<16384xf32, #tpu.memory_space<hbm>>
    %dma_start3A_50 = tpu.memref_slice %arg4[%mul3A_48] : memref<16773120xf32, #tpu.memory_space<hbm>> -> memref<16384xf32, #tpu.memory_space<hbm>>
    tpu.enqueue_dma source(%dma_start3A_50 : memref<16384xf32, #tpu.memory_space<hbm>>) target(%arg9 : memref<16384xf32, #tpu.memory_space<vmem>>) target_semaphore(%arg13 : memref<!tpu.dma_semaphore, #tpu.memory_space<semaphore_mem>>)
    %scan3A = arith.constant 0 : i32
    %scan3A_51 = arith.constant 0 : i32
    %scan3A_52 = arith.constant 16 : i32
    %scan3A_53 = arith.addi %scan3A_51, %scan3A_52 : i32
    %scan3A_54 = arith.constant 1 : i32
    scf.for %scan3A_63 = %scan3A_51 to %scan3A_53 step %scan3A_54  : i32 {
      %mul3A_64 = arith.constant 2 : i32
      %mul3A_65 = arith.muli %scan3A_63, %mul3A_64 : i32
      %add3A_66 = arith.constant 0 : i32
      %add3A_67 = arith.addi %mul3A_65, %add3A_66 : i32
      %add3A_68 = arith.constant 1 : i32
      %add3A_69 = arith.addi %add3A_67, %add3A_68 : i32
      %lt3A = arith.constant 32 : i32
      %lt3A_70 = arith.cmpi slt, %add3A_69, %lt3A : i32
      %convert_element_type3A_71 = arith.extui %lt3A_70 : i1 to i32
      %cond3A = arith.constant 0 : i32
      %cond3A_72 = arith.cmpi ne, %convert_element_type3A_71, %cond3A : i32
      scf.if %cond3A_72 {
        %add3A_135 = arith.constant 1 : i32
        %add3A_136 = arith.addi %add3A_67, %add3A_135 : i32
        %mul3A_137 = arith.constant 64 : i32
        %mul3A_138 = arith.muli %add3A_136, %mul3A_137 : i32
        %sub3A_139 = arith.constant 64 : i32
        %sub3A_140 = arith.subi %sub3A_8, %sub3A_139 : i32
        %min3A_141 = arith.minsi %mul3A_138, %sub3A_140 : i32
        %add3A_142 = arith.addi %sub3A_5, %min3A_141 : i32
        %mul3A_143 = arith.constant 128 : i32
        %mul3A_144 = arith.muli %add3A_142, %mul3A_143 : i32
        %dma_start3A_145 = tpu.memref_slice %arg3[%mul3A_144] : memref<8386560xi32, #tpu.memory_space<hbm>> -> memref<8192xi32, #tpu.memory_space<hbm>>
        %dma_start3A_146 = tpu.memref_slice %arg3[%mul3A_144] : memref<8386560xi32, #tpu.memory_space<hbm>> -> memref<8192xi32, #tpu.memory_space<hbm>>
        tpu.enqueue_dma source(%dma_start3A_146 : memref<8192xi32, #tpu.memory_space<hbm>>) target(%arg8 : memref<8192xi32, #tpu.memory_space<vmem>>) target_semaphore(%arg14 : memref<!tpu.dma_semaphore, #tpu.memory_space<semaphore_mem>>)
        %mul3A_147 = arith.constant 256 : i32
        %mul3A_148 = arith.muli %add3A_142, %mul3A_147 : i32
        %dma_start3A_149 = tpu.memref_slice %arg4[%mul3A_148] : memref<16773120xf32, #tpu.memory_space<hbm>> -> memref<16384xf32, #tpu.memory_space<hbm>>
        %dma_start3A_150 = tpu.memref_slice %arg4[%mul3A_148] : memref<16773120xf32, #tpu.memory_space<hbm>> -> memref<16384xf32, #tpu.memory_space<hbm>>
        tpu.enqueue_dma source(%dma_start3A_150 : memref<16384xf32, #tpu.memory_space<hbm>>) target(%arg10 : memref<16384xf32, #tpu.memory_space<vmem>>) target_semaphore(%arg14 : memref<!tpu.dma_semaphore, #tpu.memory_space<semaphore_mem>>)
      } else {
      }
      %dma_wait3A_73 = arith.constant 0 : i32
      %dma_wait3A_74 = tpu.memref_slice %arg3[%dma_wait3A_73] : memref<8386560xi32, #tpu.memory_space<hbm>> -> memref<8192xi32, #tpu.memory_space<hbm>>
      %dma_wait3A_75 = arith.constant 0 : i32
      %dma_wait3A_76 = tpu.memref_slice %arg3[%dma_wait3A_75] : memref<8386560xi32, #tpu.memory_space<hbm>> -> memref<8192xi32, #tpu.memory_space<hbm>>
      tpu.wait_dma2 semaphore(%arg13 : memref<!tpu.dma_semaphore, #tpu.memory_space<semaphore_mem>>) src(%dma_wait3A_76 : memref<8192xi32, #tpu.memory_space<hbm>>) dst(%arg7 : memref<8192xi32, #tpu.memory_space<vmem>>)
      %dma_wait3A_77 = arith.constant 0 : i32
      %dma_wait3A_78 = tpu.memref_slice %arg4[%dma_wait3A_77] : memref<16773120xf32, #tpu.memory_space<hbm>> -> memref<16384xf32, #tpu.memory_space<hbm>>
      %dma_wait3A_79 = arith.constant 0 : i32
      %dma_wait3A_80 = tpu.memref_slice %arg4[%dma_wait3A_79] : memref<16773120xf32, #tpu.memory_space<hbm>> -> memref<16384xf32, #tpu.memory_space<hbm>>
      tpu.wait_dma2 semaphore(%arg13 : memref<!tpu.dma_semaphore, #tpu.memory_space<semaphore_mem>>) src(%dma_wait3A_80 : memref<16384xf32, #tpu.memory_space<hbm>>) dst(%arg9 : memref<16384xf32, #tpu.memory_space<vmem>>)
      %ge3A_81 = arith.constant 1 : i32
      %ge3A_82 = arith.cmpi sge, %scan3A_63, %ge3A_81 : i32
      %convert_element_type3A_83 = arith.extui %ge3A_82 : i1 to i32
      %cond3A_84 = arith.constant 0 : i32
      %cond3A_85 = arith.cmpi ne, %convert_element_type3A_83, %cond3A_84 : i32
      scf.if %cond3A_85 {
        %dma_wait3A_135 = arith.constant 0 : i32
        %dma_wait3A_136 = tpu.memref_slice %arg5[%dma_wait3A_135] : memref<16773120xf32, #tpu.memory_space<hbm>> -> memref<16384xf32, #tpu.memory_space<hbm>>
        %dma_wait3A_137 = arith.constant 0 : i32
        %dma_wait3A_138 = tpu.memref_slice %arg5[%dma_wait3A_137] : memref<16773120xf32, #tpu.memory_space<hbm>> -> memref<16384xf32, #tpu.memory_space<hbm>>
        tpu.wait_dma2 semaphore(%arg15 : memref<!tpu.dma_semaphore, #tpu.memory_space<semaphore_mem>>) src(%arg11 : memref<16384xf32, #tpu.memory_space<vmem>>) dst(%dma_wait3A_138 : memref<16384xf32, #tpu.memory_space<hbm>>)
      } else {
      }
      %parallel_loop3A = arith.constant 0 : i32
      %parallel_loop3A_86 = arith.constant 64 : i32
      %parallel_loop3A_87 = arith.constant 1 : i32
      scf.for %parallel_loop3A_135 = %parallel_loop3A to %parallel_loop3A_86 step %parallel_loop3A_87  : i32 {
        %parallel_loop3A_136 = arith.constant 256 : i32
        %parallel_loop3A_137 = arith.muli %parallel_loop3A_135, %parallel_loop3A_136 : i32
        %parallel_loop3A_138 = arith.constant 0 : i32
        %parallel_loop3A_139 = arith.addi %parallel_loop3A_137, %parallel_loop3A_138 : i32
        %parallel_loop3A_140 = arith.constant 128 : i32
        %parallel_loop3A_141 = arith.muli %parallel_loop3A_135, %parallel_loop3A_140 : i32
        %parallel_loop3A_142 = arith.constant 0 : i32
        %parallel_loop3A_143 = arith.addi %parallel_loop3A_141, %parallel_loop3A_142 : i32
        %parallel_loop3A_144 = arith.index_cast %parallel_loop3A_139 : i32 to index
        %parallel_loop3A_145 = tpu.vector_load %arg9[%parallel_loop3A_144] {strides = array<i32>} : memref<16384xf32, #tpu.memory_space<vmem>>, vector<16xf32>,
        %parallel_loop3A_146 = arith.constant 128 : i32
        %parallel_loop3A_147 = arith.addi %parallel_loop3A_139, %parallel_loop3A_146 : i32
        %parallel_loop3A_148 = arith.index_cast %parallel_loop3A_147 : i32 to index
        %parallel_loop3A_149 = tpu.vector_load %arg9[%parallel_loop3A_148] {strides = array<i32>} : memref<16384xf32, #tpu.memory_space<vmem>>, vector<16xf32>,
        %parallel_loop3A_150 = arith.index_cast %parallel_loop3A_143 : i32 to index
        %parallel_loop3A_151 = tpu.vector_load %arg7[%parallel_loop3A_150] {strides = array<i32>} : memref<8192xi32, #tpu.memory_space<vmem>>, vector<16xi32>,
        %parallel_loop3A_152 = arith.sitofp %parallel_loop3A_151 : vector<16xi32> to vector<16xf32>
        %parallel_loop3A_153 = arith.subf %parallel_loop3A_149, %parallel_loop3A_145 : vector<16xf32>
        %parallel_loop3A_154 = arith.constant 6.000000e+01 : f32
        %parallel_loop3A_155 = vector.broadcast %parallel_loop3A_154 : f32 to vector<16xf32>
        %parallel_loop3A_156 = arith.minimumf %parallel_loop3A_153, %parallel_loop3A_155 : vector<16xf32>
        %parallel_loop3A_157 = math.exp %parallel_loop3A_156 : vector<16xf32>
        %parallel_loop3A_158 = arith.mulf %parallel_loop3A_157, %get3A_15 : vector<16xf32>
        %parallel_loop3A_159 = arith.addf %get3A_11, %parallel_loop3A_158 : vector<16xf32>
        %parallel_loop3A_160 = arith.mulf %parallel_loop3A_157, %get3A_23 : vector<16xf32>
        %parallel_loop3A_161 = arith.addf %get3A_19, %parallel_loop3A_160 : vector<16xf32>
        %parallel_loop3A_162 = arith.mulf %parallel_loop3A_152, %get3A_31 : vector<16xf32>
        %parallel_loop3A_163 = arith.addf %get3A_27, %parallel_loop3A_162 : vector<16xf32>
        %parallel_loop3A_164 = arith.mulf %parallel_loop3A_152, %get3A_39 : vector<16xf32>
        %parallel_loop3A_165 = arith.addf %get3A_35, %parallel_loop3A_164 : vector<16xf32>
        %parallel_loop3A_166 = arith.mulf %parallel_loop3A_163, %parallel_loop3A_159 : vector<16xf32>
        %parallel_loop3A_167 = arith.mulf %parallel_loop3A_165, %parallel_loop3A_161 : vector<16xf32>
        %parallel_loop3A_168 = arith.addf %parallel_loop3A_166, %parallel_loop3A_167 : vector<16xf32>
        %parallel_loop3A_169 = arith.constant 1.000000e-10 : f32
        %parallel_loop3A_170 = vector.broadcast %parallel_loop3A_169 : f32 to vector<16xf32>
        %parallel_loop3A_171 = arith.addf %parallel_loop3A_168, %parallel_loop3A_170 : vector<16xf32>
        %parallel_loop3A_172 = arith.constant 1.000000e+00 : f32
        %parallel_loop3A_173 = vector.broadcast %parallel_loop3A_172 : f32 to vector<16xf32>
        %parallel_loop3A_174 = arith.divf %parallel_loop3A_173, %parallel_loop3A_171 : vector<16xf32>
        %parallel_loop3A_175 = arith.mulf %parallel_loop3A_166, %parallel_loop3A_174 : vector<16xf32>
        %parallel_loop3A_176 = arith.index_cast %parallel_loop3A_139 : i32 to index
        %parallel_loop3A_177 = tpu.vector_load %arg11[%parallel_loop3A_176] {strides = array<i32>} : memref<16384xf32, #tpu.memory_space<vmem>>, vector<16xf32>,
        tpu.vector_store %arg11[%parallel_loop3A_176], %parallel_loop3A_175 {strides = array<i32>} : memref<16384xf32, #tpu.memory_space<vmem>>, vector<16xf32>,
        %parallel_loop3A_178 = arith.mulf %parallel_loop3A_167, %parallel_loop3A_174 : vector<16xf32>
        %parallel_loop3A_179 = arith.constant 128 : i32
        %parallel_loop3A_180 = arith.addi %parallel_loop3A_139, %parallel_loop3A_179 : i32
        %parallel_loop3A_181 = arith.index_cast %parallel_loop3A_180 : i32 to index
        %parallel_loop3A_182 = tpu.vector_load %arg11[%parallel_loop3A_181] {strides = array<i32>} : memref<16384xf32, #tpu.memory_space<vmem>>, vector<16xf32>,
        tpu.vector_store %arg11[%parallel_loop3A_181], %parallel_loop3A_178 {strides = array<i32>} : memref<16384xf32, #tpu.memory_space<vmem>>, vector<16xf32>,
        %parallel_loop3A_183 = arith.constant 256 : i32
        %parallel_loop3A_184 = arith.muli %parallel_loop3A_135, %parallel_loop3A_183 : i32
        %parallel_loop3A_185 = arith.constant 16 : i32
        %parallel_loop3A_186 = arith.addi %parallel_loop3A_184, %parallel_loop3A_185 : i32
        %parallel_loop3A_187 = arith.constant 128 : i32
        %parallel_loop3A_188 = arith.muli %parallel_loop3A_135, %parallel_loop3A_187 : i32
        %parallel_loop3A_189 = arith.constant 16 : i32
        %parallel_loop3A_190 = arith.addi %parallel_loop3A_188, %parallel_loop3A_189 : i32
        %parallel_loop3A_191 = arith.index_cast %parallel_loop3A_186 : i32 to index
        %parallel_loop3A_192 = tpu.vector_load %arg9[%parallel_loop3A_191] {strides = array<i32>} : memref<16384xf32, #tpu.memory_space<vmem>>, vector<16xf32>,
        %parallel_loop3A_193 = arith.constant 128 : i32
        %parallel_loop3A_194 = arith.addi %parallel_loop3A_186, %parallel_loop3A_193 : i32
        %parallel_loop3A_195 = arith.index_cast %parallel_loop3A_194 : i32 to index
        %parallel_loop3A_196 = tpu.vector_load %arg9[%parallel_loop3A_195] {strides = array<i32>} : memref<16384xf32, #tpu.memory_space<vmem>>, vector<16xf32>,
        %parallel_loop3A_197 = arith.index_cast %parallel_loop3A_190 : i32 to index
        %parallel_loop3A_198 = tpu.vector_load %arg7[%parallel_loop3A_197] {strides = array<i32>} : memref<8192xi32, #tpu.memory_space<vmem>>, vector<16xi32>,
        %parallel_loop3A_199 = arith.sitofp %parallel_loop3A_198 : vector<16xi32> to vector<16xf32>
        %parallel_loop3A_200 = arith.subf %parallel_loop3A_196, %parallel_loop3A_192 : vector<16xf32>
        %parallel_loop3A_201 = arith.constant 6.000000e+01 : f32
        %parallel_loop3A_202 = vector.broadcast %parallel_loop3A_201 : f32 to vector<16xf32>
        %parallel_loop3A_203 = arith.minimumf %parallel_loop3A_200, %parallel_loop3A_202 : vector<16xf32>
        %parallel_loop3A_204 = math.exp %parallel_loop3A_203 : vector<16xf32>
        %parallel_loop3A_205 = arith.mulf %parallel_loop3A_204, %get3A_15 : vector<16xf32>
        %parallel_loop3A_206 = arith.addf %get3A_11, %parallel_loop3A_205 : vector<16xf32>
        %parallel_loop3A_207 = arith.mulf %parallel_loop3A_204, %get3A_23 : vector<16xf32>
        %parallel_loop3A_208 = arith.addf %get3A_19, %parallel_loop3A_207 : vector<16xf32>
        %parallel_loop3A_209 = arith.mulf %parallel_loop3A_199, %get3A_31 : vector<16xf32>
        %parallel_loop3A_210 = arith.addf %get3A_27, %parallel_loop3A_209 : vector<16xf32>
        %parallel_loop3A_211 = arith.mulf %parallel_loop3A_199, %get3A_39 : vector<16xf32>
        %parallel_loop3A_212 = arith.addf %get3A_35, %parallel_loop3A_211 : vector<16xf32>
        %parallel_loop3A_213 = arith.mulf %parallel_loop3A_210, %parallel_loop3A_206 : vector<16xf32>
        %parallel_loop3A_214 = arith.mulf %parallel_loop3A_212, %parallel_loop3A_208 : vector<16xf32>
        %parallel_loop3A_215 = arith.addf %parallel_loop3A_213, %parallel_loop3A_214 : vector<16xf32>
        %parallel_loop3A_216 = arith.constant 1.000000e-10 : f32
        %parallel_loop3A_217 = vector.broadcast %parallel_loop3A_216 : f32 to vector<16xf32>
        %parallel_loop3A_218 = arith.addf %parallel_loop3A_215, %parallel_loop3A_217 : vector<16xf32>
        %parallel_loop3A_219 = arith.constant 1.000000e+00 : f32
        %parallel_loop3A_220 = vector.broadcast %parallel_loop3A_219 : f32 to vector<16xf32>
        %parallel_loop3A_221 = arith.divf %parallel_loop3A_220, %parallel_loop3A_218 : vector<16xf32>
        %parallel_loop3A_222 = arith.mulf %parallel_loop3A_213, %parallel_loop3A_221 : vector<16xf32>
        %parallel_loop3A_223 = arith.index_cast %parallel_loop3A_186 : i32 to index
        %parallel_loop3A_224 = tpu.vector_load %arg11[%parallel_loop3A_223] {strides = array<i32>} : memref<16384xf32, #tpu.memory_space<vmem>>, vector<16xf32>,
        tpu.vector_store %arg11[%parallel_loop3A_223], %parallel_loop3A_222 {strides = array<i32>} : memref<16384xf32, #tpu.memory_space<vmem>>, vector<16xf32>,
        %parallel_loop3A_225 = arith.mulf %parallel_loop3A_214, %parallel_loop3A_221 : vector<16xf32>
        %parallel_loop3A_226 = arith.constant 128 : i32
        %parallel_loop3A_227 = arith.addi %parallel_loop3A_186, %parallel_loop3A_226 : i32
        %parallel_loop3A_228 = arith.index_cast %parallel_loop3A_227 : i32 to index
        %parallel_loop3A_229 = tpu.vector_load %arg11[%parallel_loop3A_228] {strides = array<i32>} : memref<16384xf32, #tpu.memory_space<vmem>>, vector<16xf32>,
        tpu.vector_store %arg11[%parallel_loop3A_228], %parallel_loop3A_225 {strides = array<i32>} : memref<16384xf32, #tpu.memory_space<vmem>>, vector<16xf32>,
        %parallel_loop3A_230 = arith.constant 256 : i32
        %parallel_loop3A_231 = arith.muli %parallel_loop3A_135, %parallel_loop3A_230 : i32
        %parallel_loop3A_232 = arith.constant 32 : i32
        %parallel_loop3A_233 = arith.addi %parallel_loop3A_231, %parallel_loop3A_232 : i32
        %parallel_loop3A_234 = arith.constant 128 : i32
        %parallel_loop3A_235 = arith.muli %parallel_loop3A_135, %parallel_loop3A_234 : i32
        %parallel_loop3A_236 = arith.constant 32 : i32
        %parallel_loop3A_237 = arith.addi %parallel_loop3A_235, %parallel_loop3A_236 : i32
        %parallel_loop3A_238 = arith.index_cast %parallel_loop3A_233 : i32 to index
        %parallel_loop3A_239 = tpu.vector_load %arg9[%parallel_loop3A_238] {strides = array<i32>} : memref<16384xf32, #tpu.memory_space<vmem>>, vector<16xf32>,
        %parallel_loop3A_240 = arith.constant 128 : i32
        %parallel_loop3A_241 = arith.addi %parallel_loop3A_233, %parallel_loop3A_240 : i32
        %parallel_loop3A_242 = arith.index_cast %parallel_loop3A_241 : i32 to index
        %parallel_loop3A_243 = tpu.vector_load %arg9[%parallel_loop3A_242] {strides = array<i32>} : memref<16384xf32, #tpu.memory_space<vmem>>, vector<16xf32>,
        %parallel_loop3A_244 = arith.index_cast %parallel_loop3A_237 : i32 to index
        %parallel_loop3A_245 = tpu.vector_load %arg7[%parallel_loop3A_244] {strides = array<i32>} : memref<8192xi32, #tpu.memory_space<vmem>>, vector<16xi32>,
        %parallel_loop3A_246 = arith.sitofp %parallel_loop3A_245 : vector<16xi32> to vector<16xf32>
        %parallel_loop3A_247 = arith.subf %parallel_loop3A_243, %parallel_loop3A_239 : vector<16xf32>
        %parallel_loop3A_248 = arith.constant 6.000000e+01 : f32
        %parallel_loop3A_249 = vector.broadcast %parallel_loop3A_248 : f32 to vector<16xf32>
        %parallel_loop3A_250 = arith.minimumf %parallel_loop3A_247, %parallel_loop3A_249 : vector<16xf32>
        %parallel_loop3A_251 = math.exp %parallel_loop3A_250 : vector<16xf32>
        %parallel_loop3A_252 = arith.mulf %parallel_loop3A_251, %get3A_15 : vector<16xf32>
        %parallel_loop3A_253 = arith.addf %get3A_11, %parallel_loop3A_252 : vector<16xf32>
        %parallel_loop3A_254 = arith.mulf %parallel_loop3A_251, %get3A_23 : vector<16xf32>
        %parallel_loop3A_255 = arith.addf %get3A_19, %parallel_loop3A_254 : vector<16xf32>
        %parallel_loop3A_256 = arith.mulf %parallel_loop3A_246, %get3A_31 : vector<16xf32>
        %parallel_loop3A_257 = arith.addf %get3A_27, %parallel_loop3A_256 : vector<16xf32>
        %parallel_loop3A_258 = arith.mulf %parallel_loop3A_246, %get3A_39 : vector<16xf32>
        %parallel_loop3A_259 = arith.addf %get3A_35, %parallel_loop3A_258 : vector<16xf32>
        %parallel_loop3A_260 = arith.mulf %parallel_loop3A_257, %parallel_loop3A_253 : vector<16xf32>
        %parallel_loop3A_261 = arith.mulf %parallel_loop3A_259, %parallel_loop3A_255 : vector<16xf32>
        %parallel_loop3A_262 = arith.addf %parallel_loop3A_260, %parallel_loop3A_261 : vector<16xf32>
        %parallel_loop3A_263 = arith.constant 1.000000e-10 : f32
        %parallel_loop3A_264 = vector.broadcast %parallel_loop3A_263 : f32 to vector<16xf32>
        %parallel_loop3A_265 = arith.addf %parallel_loop3A_262, %parallel_loop3A_264 : vector<16xf32>
        %parallel_loop3A_266 = arith.constant 1.000000e+00 : f32
        %parallel_loop3A_267 = vector.broadcast %parallel_loop3A_266 : f32 to vector<16xf32>
        %parallel_loop3A_268 = arith.divf %parallel_loop3A_267, %parallel_loop3A_265 : vector<16xf32>
        %parallel_loop3A_269 = arith.mulf %parallel_loop3A_260, %parallel_loop3A_268 : vector<16xf32>
        %parallel_loop3A_270 = arith.index_cast %parallel_loop3A_233 : i32 to index
        %parallel_loop3A_271 = tpu.vector_load %arg11[%parallel_loop3A_270] {strides = array<i32>} : memref<16384xf32, #tpu.memory_space<vmem>>, vector<16xf32>,
        tpu.vector_store %arg11[%parallel_loop3A_270], %parallel_loop3A_269 {strides = array<i32>} : memref<16384xf32, #tpu.memory_space<vmem>>, vector<16xf32>,
        %parallel_loop3A_272 = arith.mulf %parallel_loop3A_261, %parallel_loop3A_268 : vector<16xf32>
        %parallel_loop3A_273 = arith.constant 128 : i32
        %parallel_loop3A_274 = arith.addi %parallel_loop3A_233, %parallel_loop3A_273 : i32
        %parallel_loop3A_275 = arith.index_cast %parallel_loop3A_274 : i32 to index
        %parallel_loop3A_276 = tpu.vector_load %arg11[%parallel_loop3A_275] {strides = array<i32>} : memref<16384xf32, #tpu.memory_space<vmem>>, vector<16xf32>,
        tpu.vector_store %arg11[%parallel_loop3A_275], %parallel_loop3A_272 {strides = array<i32>} : memref<16384xf32, #tpu.memory_space<vmem>>, vector<16xf32>,
        %parallel_loop3A_277 = arith.constant 256 : i32
        %parallel_loop3A_278 = arith.muli %parallel_loop3A_135, %parallel_loop3A_277 : i32
        %parallel_loop3A_279 = arith.constant 48 : i32
        %parallel_loop3A_280 = arith.addi %parallel_loop3A_278, %parallel_loop3A_279 : i32
        %parallel_loop3A_281 = arith.constant 128 : i32
        %parallel_loop3A_282 = arith.muli %parallel_loop3A_135, %parallel_loop3A_281 : i32
        %parallel_loop3A_283 = arith.constant 48 : i32
        %parallel_loop3A_284 = arith.addi %parallel_loop3A_282, %parallel_loop3A_283 : i32
        %parallel_loop3A_285 = arith.index_cast %parallel_loop3A_280 : i32 to index
        %parallel_loop3A_286 = tpu.vector_load %arg9[%parallel_loop3A_285] {strides = array<i32>} : memref<16384xf32, #tpu.memory_space<vmem>>, vector<16xf32>,
        %parallel_loop3A_287 = arith.constant 128 : i32
        %parallel_loop3A_288 = arith.addi %parallel_loop3A_280, %parallel_loop3A_287 : i32
        %parallel_loop3A_289 = arith.index_cast %parallel_loop3A_288 : i32 to index
        %parallel_loop3A_290 = tpu.vector_load %arg9[%parallel_loop3A_289] {strides = array<i32>} : memref<16384xf32, #tpu.memory_space<vmem>>, vector<16xf32>,
        %parallel_loop3A_291 = arith.index_cast %parallel_loop3A_284 : i32 to index
        %parallel_loop3A_292 = tpu.vector_load %arg7[%parallel_loop3A_291] {strides = array<i32>} : memref<8192xi32, #tpu.memory_space<vmem>>, vector<16xi32>,
        %parallel_loop3A_293 = arith.sitofp %parallel_loop3A_292 : vector<16xi32> to vector<16xf32>
        %parallel_loop3A_294 = arith.subf %parallel_loop3A_290, %parallel_loop3A_286 : vector<16xf32>
        %parallel_loop3A_295 = arith.constant 6.000000e+01 : f32
        %parallel_loop3A_296 = vector.broadcast %parallel_loop3A_295 : f32 to vector<16xf32>
        %parallel_loop3A_297 = arith.minimumf %parallel_loop3A_294, %parallel_loop3A_296 : vector<16xf32>
        %parallel_loop3A_298 = math.exp %parallel_loop3A_297 : vector<16xf32>
        %parallel_loop3A_299 = arith.mulf %parallel_loop3A_298, %get3A_15 : vector<16xf32>
        %parallel_loop3A_300 = arith.addf %get3A_11, %parallel_loop3A_299 : vector<16xf32>
        %parallel_loop3A_301 = arith.mulf %parallel_loop3A_298, %get3A_23 : vector<16xf32>
        %parallel_loop3A_302 = arith.addf %get3A_19, %parallel_loop3A_301 : vector<16xf32>
        %parallel_loop3A_303 = arith.mulf %parallel_loop3A_293, %get3A_31 : vector<16xf32>
        %parallel_loop3A_304 = arith.addf %get3A_27, %parallel_loop3A_303 : vector<16xf32>
        %parallel_loop3A_305 = arith.mulf %parallel_loop3A_293, %get3A_39 : vector<16xf32>
        %parallel_loop3A_306 = arith.addf %get3A_35, %parallel_loop3A_305 : vector<16xf32>
        %parallel_loop3A_307 = arith.mulf %parallel_loop3A_304, %parallel_loop3A_300 : vector<16xf32>
        %parallel_loop3A_308 = arith.mulf %parallel_loop3A_306, %parallel_loop3A_302 : vector<16xf32>
        %parallel_loop3A_309 = arith.addf %parallel_loop3A_307, %parallel_loop3A_308 : vector<16xf32>
        %parallel_loop3A_310 = arith.constant 1.000000e-10 : f32
        %parallel_loop3A_311 = vector.broadcast %parallel_loop3A_310 : f32 to vector<16xf32>
        %parallel_loop3A_312 = arith.addf %parallel_loop3A_309, %parallel_loop3A_311 : vector<16xf32>
        %parallel_loop3A_313 = arith.constant 1.000000e+00 : f32
        %parallel_loop3A_314 = vector.broadcast %parallel_loop3A_313 : f32 to vector<16xf32>
        %parallel_loop3A_315 = arith.divf %parallel_loop3A_314, %parallel_loop3A_312 : vector<16xf32>
        %parallel_loop3A_316 = arith.mulf %parallel_loop3A_307, %parallel_loop3A_315 : vector<16xf32>
        %parallel_loop3A_317 = arith.index_cast %parallel_loop3A_280 : i32 to index
        %parallel_loop3A_318 = tpu.vector_load %arg11[%parallel_loop3A_317] {strides = array<i32>} : memref<16384xf32, #tpu.memory_space<vmem>>, vector<16xf32>,
        tpu.vector_store %arg11[%parallel_loop3A_317], %parallel_loop3A_316 {strides = array<i32>} : memref<16384xf32, #tpu.memory_space<vmem>>, vector<16xf32>,
        %parallel_loop3A_319 = arith.mulf %parallel_loop3A_308, %parallel_loop3A_315 : vector<16xf32>
        %parallel_loop3A_320 = arith.constant 128 : i32
        %parallel_loop3A_321 = arith.addi %parallel_loop3A_280, %parallel_loop3A_320 : i32
        %parallel_loop3A_322 = arith.index_cast %parallel_loop3A_321 : i32 to index
        %parallel_loop3A_323 = tpu.vector_load %arg11[%parallel_loop3A_322] {strides = array<i32>} : memref<16384xf32, #tpu.memory_space<vmem>>, vector<16xf32>,
        tpu.vector_store %arg11[%parallel_loop3A_322], %parallel_loop3A_319 {strides = array<i32>} : memref<16384xf32, #tpu.memory_space<vmem>>, vector<16xf32>,
        %parallel_loop3A_324 = arith.constant 256 : i32
        %parallel_loop3A_325 = arith.muli %parallel_loop3A_135, %parallel_loop3A_324 : i32
        %parallel_loop3A_326 = arith.constant 64 : i32
        %parallel_loop3A_327 = arith.addi %parallel_loop3A_325, %parallel_loop3A_326 : i32
        %parallel_loop3A_328 = arith.constant 128 : i32
        %parallel_loop3A_329 = arith.muli %parallel_loop3A_135, %parallel_loop3A_328 : i32
        %parallel_loop3A_330 = arith.constant 64 : i32
        %parallel_loop3A_331 = arith.addi %parallel_loop3A_329, %parallel_loop3A_330 : i32
        %parallel_loop3A_332 = arith.index_cast %parallel_loop3A_327 : i32 to index
        %parallel_loop3A_333 = tpu.vector_load %arg9[%parallel_loop3A_332] {strides = array<i32>} : memref<16384xf32, #tpu.memory_space<vmem>>, vector<16xf32>,
        %parallel_loop3A_334 = arith.constant 128 : i32
        %parallel_loop3A_335 = arith.addi %parallel_loop3A_327, %parallel_loop3A_334 : i32
        %parallel_loop3A_336 = arith.index_cast %parallel_loop3A_335 : i32 to index
        %parallel_loop3A_337 = tpu.vector_load %arg9[%parallel_loop3A_336] {strides = array<i32>} : memref<16384xf32, #tpu.memory_space<vmem>>, vector<16xf32>,
        %parallel_loop3A_338 = arith.index_cast %parallel_loop3A_331 : i32 to index
        %parallel_loop3A_339 = tpu.vector_load %arg7[%parallel_loop3A_338] {strides = array<i32>} : memref<8192xi32, #tpu.memory_space<vmem>>, vector<16xi32>,
        %parallel_loop3A_340 = arith.sitofp %parallel_loop3A_339 : vector<16xi32> to vector<16xf32>
        %parallel_loop3A_341 = arith.subf %parallel_loop3A_337, %parallel_loop3A_333 : vector<16xf32>
        %parallel_loop3A_342 = arith.constant 6.000000e+01 : f32
        %parallel_loop3A_343 = vector.broadcast %parallel_loop3A_342 : f32 to vector<16xf32>
        %parallel_loop3A_344 = arith.minimumf %parallel_loop3A_341, %parallel_loop3A_343 : vector<16xf32>
        %parallel_loop3A_345 = math.exp %parallel_loop3A_344 : vector<16xf32>
        %parallel_loop3A_346 = arith.mulf %parallel_loop3A_345, %get3A_15 : vector<16xf32>
        %parallel_loop3A_347 = arith.addf %get3A_11, %parallel_loop3A_346 : vector<16xf32>
        %parallel_loop3A_348 = arith.mulf %parallel_loop3A_345, %get3A_23 : vector<16xf32>
        %parallel_loop3A_349 = arith.addf %get3A_19, %parallel_loop3A_348 : vector<16xf32>
        %parallel_loop3A_350 = arith.mulf %parallel_loop3A_340, %get3A_31 : vector<16xf32>
        %parallel_loop3A_351 = arith.addf %get3A_27, %parallel_loop3A_350 : vector<16xf32>
        %parallel_loop3A_352 = arith.mulf %parallel_loop3A_340, %get3A_39 : vector<16xf32>
        %parallel_loop3A_353 = arith.addf %get3A_35, %parallel_loop3A_352 : vector<16xf32>
        %parallel_loop3A_354 = arith.mulf %parallel_loop3A_351, %parallel_loop3A_347 : vector<16xf32>
        %parallel_loop3A_355 = arith.mulf %parallel_loop3A_353, %parallel_loop3A_349 : vector<16xf32>
        %parallel_loop3A_356 = arith.addf %parallel_loop3A_354, %parallel_loop3A_355 : vector<16xf32>
        %parallel_loop3A_357 = arith.constant 1.000000e-10 : f32
        %parallel_loop3A_358 = vector.broadcast %parallel_loop3A_357 : f32 to vector<16xf32>
        %parallel_loop3A_359 = arith.addf %parallel_loop3A_356, %parallel_loop3A_358 : vector<16xf32>
        %parallel_loop3A_360 = arith.constant 1.000000e+00 : f32
        %parallel_loop3A_361 = vector.broadcast %parallel_loop3A_360 : f32 to vector<16xf32>
        %parallel_loop3A_362 = arith.divf %parallel_loop3A_361, %parallel_loop3A_359 : vector<16xf32>
        %parallel_loop3A_363 = arith.mulf %parallel_loop3A_354, %parallel_loop3A_362 : vector<16xf32>
        %parallel_loop3A_364 = arith.index_cast %parallel_loop3A_327 : i32 to index
        %parallel_loop3A_365 = tpu.vector_load %arg11[%parallel_loop3A_364] {strides = array<i32>} : memref<16384xf32, #tpu.memory_space<vmem>>, vector<16xf32>,
        tpu.vector_store %arg11[%parallel_loop3A_364], %parallel_loop3A_363 {strides = array<i32>} : memref<16384xf32, #tpu.memory_space<vmem>>, vector<16xf32>,
        %parallel_loop3A_366 = arith.mulf %parallel_loop3A_355, %parallel_loop3A_362 : vector<16xf32>
        %parallel_loop3A_367 = arith.constant 128 : i32
        %parallel_loop3A_368 = arith.addi %parallel_loop3A_327, %parallel_loop3A_367 : i32
        %parallel_loop3A_369 = arith.index_cast %parallel_loop3A_368 : i32 to index
        %parallel_loop3A_370 = tpu.vector_load %arg11[%parallel_loop3A_369] {strides = array<i32>} : memref<16384xf32, #tpu.memory_space<vmem>>, vector<16xf32>,
        tpu.vector_store %arg11[%parallel_loop3A_369], %parallel_loop3A_366 {strides = array<i32>} : memref<16384xf32, #tpu.memory_space<vmem>>, vector<16xf32>,
        %parallel_loop3A_371 = arith.constant 256 : i32
        %parallel_loop3A_372 = arith.muli %parallel_loop3A_135, %parallel_loop3A_371 : i32
        %parallel_loop3A_373 = arith.constant 80 : i32
        %parallel_loop3A_374 = arith.addi %parallel_loop3A_372, %parallel_loop3A_373 : i32
        %parallel_loop3A_375 = arith.constant 128 : i32
        %parallel_loop3A_376 = arith.muli %parallel_loop3A_135, %parallel_loop3A_375 : i32
        %parallel_loop3A_377 = arith.constant 80 : i32
        %parallel_loop3A_378 = arith.addi %parallel_loop3A_376, %parallel_loop3A_377 : i32
        %parallel_loop3A_379 = arith.index_cast %parallel_loop3A_374 : i32 to index
        %parallel_loop3A_380 = tpu.vector_load %arg9[%parallel_loop3A_379] {strides = array<i32>} : memref<16384xf32, #tpu.memory_space<vmem>>, vector<16xf32>,
        %parallel_loop3A_381 = arith.constant 128 : i32
        %parallel_loop3A_382 = arith.addi %parallel_loop3A_374, %parallel_loop3A_381 : i32
        %parallel_loop3A_383 = arith.index_cast %parallel_loop3A_382 : i32 to index
        %parallel_loop3A_384 = tpu.vector_load %arg9[%parallel_loop3A_383] {strides = array<i32>} : memref<16384xf32, #tpu.memory_space<vmem>>, vector<16xf32>,
        %parallel_loop3A_385 = arith.index_cast %parallel_loop3A_378 : i32 to index
        %parallel_loop3A_386 = tpu.vector_load %arg7[%parallel_loop3A_385] {strides = array<i32>} : memref<8192xi32, #tpu.memory_space<vmem>>, vector<16xi32>,
        %parallel_loop3A_387 = arith.sitofp %parallel_loop3A_386 : vector<16xi32> to vector<16xf32>
        %parallel_loop3A_388 = arith.subf %parallel_loop3A_384, %parallel_loop3A_380 : vector<16xf32>
        %parallel_loop3A_389 = arith.constant 6.000000e+01 : f32
        %parallel_loop3A_390 = vector.broadcast %parallel_loop3A_389 : f32 to vector<16xf32>
        %parallel_loop3A_391 = arith.minimumf %parallel_loop3A_388, %parallel_loop3A_390 : vector<16xf32>
        %parallel_loop3A_392 = math.exp %parallel_loop3A_391 : vector<16xf32>
        %parallel_loop3A_393 = arith.mulf %parallel_loop3A_392, %get3A_15 : vector<16xf32>
        %parallel_loop3A_394 = arith.addf %get3A_11, %parallel_loop3A_393 : vector<16xf32>
        %parallel_loop3A_395 = arith.mulf %parallel_loop3A_392, %get3A_23 : vector<16xf32>
        %parallel_loop3A_396 = arith.addf %get3A_19, %parallel_loop3A_395 : vector<16xf32>
        %parallel_loop3A_397 = arith.mulf %parallel_loop3A_387, %get3A_31 : vector<16xf32>
        %parallel_loop3A_398 = arith.addf %get3A_27, %parallel_loop3A_397 : vector<16xf32>
        %parallel_loop3A_399 = arith.mulf %parallel_loop3A_387, %get3A_39 : vector<16xf32>
        %parallel_loop3A_400 = arith.addf %get3A_35, %parallel_loop3A_399 : vector<16xf32>
        %parallel_loop3A_401 = arith.mulf %parallel_loop3A_398, %parallel_loop3A_394 : vector<16xf32>
        %parallel_loop3A_402 = arith.mulf %parallel_loop3A_400, %parallel_loop3A_396 : vector<16xf32>
        %parallel_loop3A_403 = arith.addf %parallel_loop3A_401, %parallel_loop3A_402 : vector<16xf32>
        %parallel_loop3A_404 = arith.constant 1.000000e-10 : f32
        %parallel_loop3A_405 = vector.broadcast %parallel_loop3A_404 : f32 to vector<16xf32>
        %parallel_loop3A_406 = arith.addf %parallel_loop3A_403, %parallel_loop3A_405 : vector<16xf32>
        %parallel_loop3A_407 = arith.constant 1.000000e+00 : f32
        %parallel_loop3A_408 = vector.broadcast %parallel_loop3A_407 : f32 to vector<16xf32>
        %parallel_loop3A_409 = arith.divf %parallel_loop3A_408, %parallel_loop3A_406 : vector<16xf32>
        %parallel_loop3A_410 = arith.mulf %parallel_loop3A_401, %parallel_loop3A_409 : vector<16xf32>
        %parallel_loop3A_411 = arith.index_cast %parallel_loop3A_374 : i32 to index
        %parallel_loop3A_412 = tpu.vector_load %arg11[%parallel_loop3A_411] {strides = array<i32>} : memref<16384xf32, #tpu.memory_space<vmem>>, vector<16xf32>,
        tpu.vector_store %arg11[%parallel_loop3A_411], %parallel_loop3A_410 {strides = array<i32>} : memref<16384xf32, #tpu.memory_space<vmem>>, vector<16xf32>,
        %parallel_loop3A_413 = arith.mulf %parallel_loop3A_402, %parallel_loop3A_409 : vector<16xf32>
        %parallel_loop3A_414 = arith.constant 128 : i32
        %parallel_loop3A_415 = arith.addi %parallel_loop3A_374, %parallel_loop3A_414 : i32
        %parallel_loop3A_416 = arith.index_cast %parallel_loop3A_415 : i32 to index
        %parallel_loop3A_417 = tpu.vector_load %arg11[%parallel_loop3A_416] {strides = array<i32>} : memref<16384xf32, #tpu.memory_space<vmem>>, vector<16xf32>,
        tpu.vector_store %arg11[%parallel_loop3A_416], %parallel_loop3A_413 {strides = array<i32>} : memref<16384xf32, #tpu.memory_space<vmem>>, vector<16xf32>,
        %parallel_loop3A_418 = arith.constant 256 : i32
        %parallel_loop3A_419 = arith.muli %parallel_loop3A_135, %parallel_loop3A_418 : i32
        %parallel_loop3A_420 = arith.constant 96 : i32
        %parallel_loop3A_421 = arith.addi %parallel_loop3A_419, %parallel_loop3A_420 : i32
        %parallel_loop3A_422 = arith.constant 128 : i32
        %parallel_loop3A_423 = arith.muli %parallel_loop3A_135, %parallel_loop3A_422 : i32
        %parallel_loop3A_424 = arith.constant 96 : i32
        %parallel_loop3A_425 = arith.addi %parallel_loop3A_423, %parallel_loop3A_424 : i32
        %parallel_loop3A_426 = arith.index_cast %parallel_loop3A_421 : i32 to index
        %parallel_loop3A_427 = tpu.vector_load %arg9[%parallel_loop3A_426] {strides = array<i32>} : memref<16384xf32, #tpu.memory_space<vmem>>, vector<16xf32>,
        %parallel_loop3A_428 = arith.constant 128 : i32
        %parallel_loop3A_429 = arith.addi %parallel_loop3A_421, %parallel_loop3A_428 : i32
        %parallel_loop3A_430 = arith.index_cast %parallel_loop3A_429 : i32 to index
        %parallel_loop3A_431 = tpu.vector_load %arg9[%parallel_loop3A_430] {strides = array<i32>} : memref<16384xf32, #tpu.memory_space<vmem>>, vector<16xf32>,
        %parallel_loop3A_432 = arith.index_cast %parallel_loop3A_425 : i32 to index
        %parallel_loop3A_433 = tpu.vector_load %arg7[%parallel_loop3A_432] {strides = array<i32>} : memref<8192xi32, #tpu.memory_space<vmem>>, vector<16xi32>,
        %parallel_loop3A_434 = arith.sitofp %parallel_loop3A_433 : vector<16xi32> to vector<16xf32>
        %parallel_loop3A_435 = arith.subf %parallel_loop3A_431, %parallel_loop3A_427 : vector<16xf32>
        %parallel_loop3A_436 = arith.constant 6.000000e+01 : f32
        %parallel_loop3A_437 = vector.broadcast %parallel_loop3A_436 : f32 to vector<16xf32>
        %parallel_loop3A_438 = arith.minimumf %parallel_loop3A_435, %parallel_loop3A_437 : vector<16xf32>
        %parallel_loop3A_439 = math.exp %parallel_loop3A_438 : vector<16xf32>
        %parallel_loop3A_440 = arith.mulf %parallel_loop3A_439, %get3A_15 : vector<16xf32>
        %parallel_loop3A_441 = arith.addf %get3A_11, %parallel_loop3A_440 : vector<16xf32>
        %parallel_loop3A_442 = arith.mulf %parallel_loop3A_439, %get3A_23 : vector<16xf32>
        %parallel_loop3A_443 = arith.addf %get3A_19, %parallel_loop3A_442 : vector<16xf32>
        %parallel_loop3A_444 = arith.mulf %parallel_loop3A_434, %get3A_31 : vector<16xf32>
        %parallel_loop3A_445 = arith.addf %get3A_27, %parallel_loop3A_444 : vector<16xf32>
        %parallel_loop3A_446 = arith.mulf %parallel_loop3A_434, %get3A_39 : vector<16xf32>
        %parallel_loop3A_447 = arith.addf %get3A_35, %parallel_loop3A_446 : vector<16xf32>
        %parallel_loop3A_448 = arith.mulf %parallel_loop3A_445, %parallel_loop3A_441 : vector<16xf32>
        %parallel_loop3A_449 = arith.mulf %parallel_loop3A_447, %parallel_loop3A_443 : vector<16xf32>
        %parallel_loop3A_450 = arith.addf %parallel_loop3A_448, %parallel_loop3A_449 : vector<16xf32>
        %parallel_loop3A_451 = arith.constant 1.000000e-10 : f32
        %parallel_loop3A_452 = vector.broadcast %parallel_loop3A_451 : f32 to vector<16xf32>
        %parallel_loop3A_453 = arith.addf %parallel_loop3A_450, %parallel_loop3A_452 : vector<16xf32>
        %parallel_loop3A_454 = arith.constant 1.000000e+00 : f32
        %parallel_loop3A_455 = vector.broadcast %parallel_loop3A_454 : f32 to vector<16xf32>
        %parallel_loop3A_456 = arith.divf %parallel_loop3A_455, %parallel_loop3A_453 : vector<16xf32>
        %parallel_loop3A_457 = arith.mulf %parallel_loop3A_448, %parallel_loop3A_456 : vector<16xf32>
        %parallel_loop3A_458 = arith.index_cast %parallel_loop3A_421 : i32 to index
        %parallel_loop3A_459 = tpu.vector_load %arg11[%parallel_loop3A_458] {strides = array<i32>} : memref<16384xf32, #tpu.memory_space<vmem>>, vector<16xf32>,
        tpu.vector_store %arg11[%parallel_loop3A_458], %parallel_loop3A_457 {strides = array<i32>} : memref<16384xf32, #tpu.memory_space<vmem>>, vector<16xf32>,
        %parallel_loop3A_460 = arith.mulf %parallel_loop3A_449, %parallel_loop3A_456 : vector<16xf32>
        %parallel_loop3A_461 = arith.constant 128 : i32
        %parallel_loop3A_462 = arith.addi %parallel_loop3A_421, %parallel_loop3A_461 : i32
        %parallel_loop3A_463 = arith.index_cast %parallel_loop3A_462 : i32 to index
        %parallel_loop3A_464 = tpu.vector_load %arg11[%parallel_loop3A_463] {strides = array<i32>} : memref<16384xf32, #tpu.memory_space<vmem>>, vector<16xf32>,
        tpu.vector_store %arg11[%parallel_loop3A_463], %parallel_loop3A_460 {strides = array<i32>} : memref<16384xf32, #tpu.memory_space<vmem>>, vector<16xf32>,
        %parallel_loop3A_465 = arith.constant 256 : i32
        %parallel_loop3A_466 = arith.muli %parallel_loop3A_135, %parallel_loop3A_465 : i32
        %parallel_loop3A_467 = arith.constant 112 : i32
        %parallel_loop3A_468 = arith.addi %parallel_loop3A_466, %parallel_loop3A_467 : i32
        %parallel_loop3A_469 = arith.constant 128 : i32
        %parallel_loop3A_470 = arith.muli %parallel_loop3A_135, %parallel_loop3A_469 : i32
        %parallel_loop3A_471 = arith.constant 112 : i32
        %parallel_loop3A_472 = arith.addi %parallel_loop3A_470, %parallel_loop3A_471 : i32
        %parallel_loop3A_473 = arith.index_cast %parallel_loop3A_468 : i32 to index
        %parallel_loop3A_474 = tpu.vector_load %arg9[%parallel_loop3A_473] {strides = array<i32>} : memref<16384xf32, #tpu.memory_space<vmem>>, vector<16xf32>,
        %parallel_loop3A_475 = arith.constant 128 : i32
        %parallel_loop3A_476 = arith.addi %parallel_loop3A_468, %parallel_loop3A_475 : i32
        %parallel_loop3A_477 = arith.index_cast %parallel_loop3A_476 : i32 to index
        %parallel_loop3A_478 = tpu.vector_load %arg9[%parallel_loop3A_477] {strides = array<i32>} : memref<16384xf32, #tpu.memory_space<vmem>>, vector<16xf32>,
        %parallel_loop3A_479 = arith.index_cast %parallel_loop3A_472 : i32 to index
        %parallel_loop3A_480 = tpu.vector_load %arg7[%parallel_loop3A_479] {strides = array<i32>} : memref<8192xi32, #tpu.memory_space<vmem>>, vector<16xi32>,
        %parallel_loop3A_481 = arith.sitofp %parallel_loop3A_480 : vector<16xi32> to vector<16xf32>
        %parallel_loop3A_482 = arith.subf %parallel_loop3A_478, %parallel_loop3A_474 : vector<16xf32>
        %parallel_loop3A_483 = arith.constant 6.000000e+01 : f32
        %parallel_loop3A_484 = vector.broadcast %parallel_loop3A_483 : f32 to vector<16xf32>
        %parallel_loop3A_485 = arith.minimumf %parallel_loop3A_482, %parallel_loop3A_484 : vector<16xf32>
        %parallel_loop3A_486 = math.exp %parallel_loop3A_485 : vector<16xf32>
        %parallel_loop3A_487 = arith.mulf %parallel_loop3A_486, %get3A_15 : vector<16xf32>
        %parallel_loop3A_488 = arith.addf %get3A_11, %parallel_loop3A_487 : vector<16xf32>
        %parallel_loop3A_489 = arith.mulf %parallel_loop3A_486, %get3A_23 : vector<16xf32>
        %parallel_loop3A_490 = arith.addf %get3A_19, %parallel_loop3A_489 : vector<16xf32>
        %parallel_loop3A_491 = arith.mulf %parallel_loop3A_481, %get3A_31 : vector<16xf32>
        %parallel_loop3A_492 = arith.addf %get3A_27, %parallel_loop3A_491 : vector<16xf32>
        %parallel_loop3A_493 = arith.mulf %parallel_loop3A_481, %get3A_39 : vector<16xf32>
        %parallel_loop3A_494 = arith.addf %get3A_35, %parallel_loop3A_493 : vector<16xf32>
        %parallel_loop3A_495 = arith.mulf %parallel_loop3A_492, %parallel_loop3A_488 : vector<16xf32>
        %parallel_loop3A_496 = arith.mulf %parallel_loop3A_494, %parallel_loop3A_490 : vector<16xf32>
        %parallel_loop3A_497 = arith.addf %parallel_loop3A_495, %parallel_loop3A_496 : vector<16xf32>
        %parallel_loop3A_498 = arith.constant 1.000000e-10 : f32
        %parallel_loop3A_499 = vector.broadcast %parallel_loop3A_498 : f32 to vector<16xf32>
        %parallel_loop3A_500 = arith.addf %parallel_loop3A_497, %parallel_loop3A_499 : vector<16xf32>
        %parallel_loop3A_501 = arith.constant 1.000000e+00 : f32
        %parallel_loop3A_502 = vector.broadcast %parallel_loop3A_501 : f32 to vector<16xf32>
        %parallel_loop3A_503 = arith.divf %parallel_loop3A_502, %parallel_loop3A_500 : vector<16xf32>
        %parallel_loop3A_504 = arith.mulf %parallel_loop3A_495, %parallel_loop3A_503 : vector<16xf32>
        %parallel_loop3A_505 = arith.index_cast %parallel_loop3A_468 : i32 to index
        %parallel_loop3A_506 = tpu.vector_load %arg11[%parallel_loop3A_505] {strides = array<i32>} : memref<16384xf32, #tpu.memory_space<vmem>>, vector<16xf32>,
        tpu.vector_store %arg11[%parallel_loop3A_505], %parallel_loop3A_504 {strides = array<i32>} : memref<16384xf32, #tpu.memory_space<vmem>>, vector<16xf32>,
        %parallel_loop3A_507 = arith.mulf %parallel_loop3A_496, %parallel_loop3A_503 : vector<16xf32>
        %parallel_loop3A_508 = arith.constant 128 : i32
        %parallel_loop3A_509 = arith.addi %parallel_loop3A_468, %parallel_loop3A_508 : i32
        %parallel_loop3A_510 = arith.index_cast %parallel_loop3A_509 : i32 to index
        %parallel_loop3A_511 = tpu.vector_load %arg11[%parallel_loop3A_510] {strides = array<i32>} : memref<16384xf32, #tpu.memory_space<vmem>>, vector<16xf32>,
        tpu.vector_store %arg11[%parallel_loop3A_510], %parallel_loop3A_507 {strides = array<i32>} : memref<16384xf32, #tpu.memory_space<vmem>>, vector<16xf32>,
      } {sc.loop_unroll_factor = 4 : i64, sc.parallel_access}
      %mul3A_88 = arith.constant 64 : i32
      %mul3A_89 = arith.muli %add3A_67, %mul3A_88 : i32
      %sub3A_90 = arith.constant 64 : i32
      %sub3A_91 = arith.subi %sub3A_8, %sub3A_90 : i32
      %min3A_92 = arith.minsi %mul3A_89, %sub3A_91 : i32
      %add3A_93 = arith.addi %sub3A_5, %min3A_92 : i32
      %mul3A_94 = arith.constant 256 : i32
      %mul3A_95 = arith.muli %add3A_93, %mul3A_94 : i32
      %dma_start3A_96 = tpu.memref_slice %arg5[%mul3A_95] : memref<16773120xf32, #tpu.memory_space<hbm>> -> memref<16384xf32, #tpu.memory_space<hbm>>
      %dma_start3A_97 = tpu.memref_slice %arg5[%mul3A_95] : memref<16773120xf32, #tpu.memory_space<hbm>> -> memref<16384xf32, #tpu.memory_space<hbm>>
      tpu.enqueue_dma source(%arg11 : memref<16384xf32, #tpu.memory_space<vmem>>) target(%dma_start3A_97 : memref<16384xf32, #tpu.memory_space<hbm>>) target_semaphore(%arg15 : memref<!tpu.dma_semaphore, #tpu.memory_space<semaphore_mem>>)
      %mul3A_98 = arith.constant 2 : i32
      %mul3A_99 = arith.muli %scan3A_63, %mul3A_98 : i32
      %add3A_100 = arith.constant 1 : i32
      %add3A_101 = arith.addi %mul3A_99, %add3A_100 : i32
      %add3A_102 = arith.constant 1 : i32
      %add3A_103 = arith.addi %add3A_101, %add3A_102 : i32
      %lt3A_104 = arith.constant 32 : i32
      %lt3A_105 = arith.cmpi slt, %add3A_103, %lt3A_104 : i32
      %convert_element_type3A_106 = arith.extui %lt3A_105 : i1 to i32
      %cond3A_107 = arith.constant 0 : i32
      %cond3A_108 = arith.cmpi ne, %convert_element_type3A_106, %cond3A_107 : i32
      scf.if %cond3A_108 {
        %add3A_135 = arith.constant 1 : i32
        %add3A_136 = arith.addi %add3A_101, %add3A_135 : i32
        %mul3A_137 = arith.constant 64 : i32
        %mul3A_138 = arith.muli %add3A_136, %mul3A_137 : i32
        %sub3A_139 = arith.constant 64 : i32
        %sub3A_140 = arith.subi %sub3A_8, %sub3A_139 : i32
        %min3A_141 = arith.minsi %mul3A_138, %sub3A_140 : i32
        %add3A_142 = arith.addi %sub3A_5, %min3A_141 : i32
        %mul3A_143 = arith.constant 128 : i32
        %mul3A_144 = arith.muli %add3A_142, %mul3A_143 : i32
        %dma_start3A_145 = tpu.memref_slice %arg3[%mul3A_144] : memref<8386560xi32, #tpu.memory_space<hbm>> -> memref<8192xi32, #tpu.memory_space<hbm>>
        %dma_start3A_146 = tpu.memref_slice %arg3[%mul3A_144] : memref<8386560xi32, #tpu.memory_space<hbm>> -> memref<8192xi32, #tpu.memory_space<hbm>>
        tpu.enqueue_dma source(%dma_start3A_146 : memref<8192xi32, #tpu.memory_space<hbm>>) target(%arg7 : memref<8192xi32, #tpu.memory_space<vmem>>) target_semaphore(%arg13 : memref<!tpu.dma_semaphore, #tpu.memory_space<semaphore_mem>>)
        %mul3A_147 = arith.constant 256 : i32
        %mul3A_148 = arith.muli %add3A_142, %mul3A_147 : i32
        %dma_start3A_149 = tpu.memref_slice %arg4[%mul3A_148] : memref<16773120xf32, #tpu.memory_space<hbm>> -> memref<16384xf32, #tpu.memory_space<hbm>>
        %dma_start3A_150 = tpu.memref_slice %arg4[%mul3A_148] : memref<16773120xf32, #tpu.memory_space<hbm>> -> memref<16384xf32, #tpu.memory_space<hbm>>
        tpu.enqueue_dma source(%dma_start3A_150 : memref<16384xf32, #tpu.memory_space<hbm>>) target(%arg9 : memref<16384xf32, #tpu.memory_space<vmem>>) target_semaphore(%arg13 : memref<!tpu.dma_semaphore, #tpu.memory_space<semaphore_mem>>)
      } else {
      }
      %dma_wait3A_109 = arith.constant 0 : i32
      %dma_wait3A_110 = tpu.memref_slice %arg3[%dma_wait3A_109] : memref<8386560xi32, #tpu.memory_space<hbm>> -> memref<8192xi32, #tpu.memory_space<hbm>>
      %dma_wait3A_111 = arith.constant 0 : i32
      %dma_wait3A_112 = tpu.memref_slice %arg3[%dma_wait3A_111] : memref<8386560xi32, #tpu.memory_space<hbm>> -> memref<8192xi32, #tpu.memory_space<hbm>>
      tpu.wait_dma2 semaphore(%arg14 : memref<!tpu.dma_semaphore, #tpu.memory_space<semaphore_mem>>) src(%dma_wait3A_112 : memref<8192xi32, #tpu.memory_space<hbm>>) dst(%arg8 : memref<8192xi32, #tpu.memory_space<vmem>>)
      %dma_wait3A_113 = arith.constant 0 : i32
      %dma_wait3A_114 = tpu.memref_slice %arg4[%dma_wait3A_113] : memref<16773120xf32, #tpu.memory_space<hbm>> -> memref<16384xf32, #tpu.memory_space<hbm>>
      %dma_wait3A_115 = arith.constant 0 : i32
      %dma_wait3A_116 = tpu.memref_slice %arg4[%dma_wait3A_115] : memref<16773120xf32, #tpu.memory_space<hbm>> -> memref<16384xf32, #tpu.memory_space<hbm>>
      tpu.wait_dma2 semaphore(%arg14 : memref<!tpu.dma_semaphore, #tpu.memory_space<semaphore_mem>>) src(%dma_wait3A_116 : memref<16384xf32, #tpu.memory_space<hbm>>) dst(%arg10 : memref<16384xf32, #tpu.memory_space<vmem>>)
      %ge3A_117 = arith.constant 1 : i32
      %ge3A_118 = arith.cmpi sge, %scan3A_63, %ge3A_117 : i32
      %convert_element_type3A_119 = arith.extui %ge3A_118 : i1 to i32
      %cond3A_120 = arith.constant 0 : i32
      %cond3A_121 = arith.cmpi ne, %convert_element_type3A_119, %cond3A_120 : i32
      scf.if %cond3A_121 {
        %dma_wait3A_135 = arith.constant 0 : i32
        %dma_wait3A_136 = tpu.memref_slice %arg5[%dma_wait3A_135] : memref<16773120xf32, #tpu.memory_space<hbm>> -> memref<16384xf32, #tpu.memory_space<hbm>>
        %dma_wait3A_137 = arith.constant 0 : i32
        %dma_wait3A_138 = tpu.memref_slice %arg5[%dma_wait3A_137] : memref<16773120xf32, #tpu.memory_space<hbm>> -> memref<16384xf32, #tpu.memory_space<hbm>>
        tpu.wait_dma2 semaphore(%arg16 : memref<!tpu.dma_semaphore, #tpu.memory_space<semaphore_mem>>) src(%arg12 : memref<16384xf32, #tpu.memory_space<vmem>>) dst(%dma_wait3A_138 : memref<16384xf32, #tpu.memory_space<hbm>>)
      } else {
      }
      %parallel_loop3A_122 = arith.constant 0 : i32
      %parallel_loop3A_123 = arith.constant 64 : i32
      %parallel_loop3A_124 = arith.constant 1 : i32
      scf.for %parallel_loop3A_135 = %parallel_loop3A_122 to %parallel_loop3A_123 step %parallel_loop3A_124  : i32 {
        %parallel_loop3A_136 = arith.constant 256 : i32
        %parallel_loop3A_137 = arith.muli %parallel_loop3A_135, %parallel_loop3A_136 : i32
        %parallel_loop3A_138 = arith.constant 0 : i32
        %parallel_loop3A_139 = arith.addi %parallel_loop3A_137, %parallel_loop3A_138 : i32
        %parallel_loop3A_140 = arith.constant 128 : i32
        %parallel_loop3A_141 = arith.muli %parallel_loop3A_135, %parallel_loop3A_140 : i32
        %parallel_loop3A_142 = arith.constant 0 : i32
        %parallel_loop3A_143 = arith.addi %parallel_loop3A_141, %parallel_loop3A_142 : i32
        %parallel_loop3A_144 = arith.index_cast %parallel_loop3A_139 : i32 to index
        %parallel_loop3A_145 = tpu.vector_load %arg10[%parallel_loop3A_144] {strides = array<i32>} : memref<16384xf32, #tpu.memory_space<vmem>>, vector<16xf32>,
        %parallel_loop3A_146 = arith.constant 128 : i32
        %parallel_loop3A_147 = arith.addi %parallel_loop3A_139, %parallel_loop3A_146 : i32
        %parallel_loop3A_148 = arith.index_cast %parallel_loop3A_147 : i32 to index
        %parallel_loop3A_149 = tpu.vector_load %arg10[%parallel_loop3A_148] {strides = array<i32>} : memref<16384xf32, #tpu.memory_space<vmem>>, vector<16xf32>,
        %parallel_loop3A_150 = arith.index_cast %parallel_loop3A_143 : i32 to index
        %parallel_loop3A_151 = tpu.vector_load %arg8[%parallel_loop3A_150] {strides = array<i32>} : memref<8192xi32, #tpu.memory_space<vmem>>, vector<16xi32>,
        %parallel_loop3A_152 = arith.sitofp %parallel_loop3A_151 : vector<16xi32> to vector<16xf32>
        %parallel_loop3A_153 = arith.subf %parallel_loop3A_149, %parallel_loop3A_145 : vector<16xf32>
        %parallel_loop3A_154 = arith.constant 6.000000e+01 : f32
        %parallel_loop3A_155 = vector.broadcast %parallel_loop3A_154 : f32 to vector<16xf32>
        %parallel_loop3A_156 = arith.minimumf %parallel_loop3A_153, %parallel_loop3A_155 : vector<16xf32>
        %parallel_loop3A_157 = math.exp %parallel_loop3A_156 : vector<16xf32>
        %parallel_loop3A_158 = arith.mulf %parallel_loop3A_157, %get3A_15 : vector<16xf32>
        %parallel_loop3A_159 = arith.addf %get3A_11, %parallel_loop3A_158 : vector<16xf32>
        %parallel_loop3A_160 = arith.mulf %parallel_loop3A_157, %get3A_23 : vector<16xf32>
        %parallel_loop3A_161 = arith.addf %get3A_19, %parallel_loop3A_160 : vector<16xf32>
        %parallel_loop3A_162 = arith.mulf %parallel_loop3A_152, %get3A_31 : vector<16xf32>
        %parallel_loop3A_163 = arith.addf %get3A_27, %parallel_loop3A_162 : vector<16xf32>
        %parallel_loop3A_164 = arith.mulf %parallel_loop3A_152, %get3A_39 : vector<16xf32>
        %parallel_loop3A_165 = arith.addf %get3A_35, %parallel_loop3A_164 : vector<16xf32>
        %parallel_loop3A_166 = arith.mulf %parallel_loop3A_163, %parallel_loop3A_159 : vector<16xf32>
        %parallel_loop3A_167 = arith.mulf %parallel_loop3A_165, %parallel_loop3A_161 : vector<16xf32>
        %parallel_loop3A_168 = arith.addf %parallel_loop3A_166, %parallel_loop3A_167 : vector<16xf32>
        %parallel_loop3A_169 = arith.constant 1.000000e-10 : f32
        %parallel_loop3A_170 = vector.broadcast %parallel_loop3A_169 : f32 to vector<16xf32>
        %parallel_loop3A_171 = arith.addf %parallel_loop3A_168, %parallel_loop3A_170 : vector<16xf32>
        %parallel_loop3A_172 = arith.constant 1.000000e+00 : f32
        %parallel_loop3A_173 = vector.broadcast %parallel_loop3A_172 : f32 to vector<16xf32>
        %parallel_loop3A_174 = arith.divf %parallel_loop3A_173, %parallel_loop3A_171 : vector<16xf32>
        %parallel_loop3A_175 = arith.mulf %parallel_loop3A_166, %parallel_loop3A_174 : vector<16xf32>
        %parallel_loop3A_176 = arith.index_cast %parallel_loop3A_139 : i32 to index
        %parallel_loop3A_177 = tpu.vector_load %arg12[%parallel_loop3A_176] {strides = array<i32>} : memref<16384xf32, #tpu.memory_space<vmem>>, vector<16xf32>,
        tpu.vector_store %arg12[%parallel_loop3A_176], %parallel_loop3A_175 {strides = array<i32>} : memref<16384xf32, #tpu.memory_space<vmem>>, vector<16xf32>,
        %parallel_loop3A_178 = arith.mulf %parallel_loop3A_167, %parallel_loop3A_174 : vector<16xf32>
        %parallel_loop3A_179 = arith.constant 128 : i32
        %parallel_loop3A_180 = arith.addi %parallel_loop3A_139, %parallel_loop3A_179 : i32
        %parallel_loop3A_181 = arith.index_cast %parallel_loop3A_180 : i32 to index
        %parallel_loop3A_182 = tpu.vector_load %arg12[%parallel_loop3A_181] {strides = array<i32>} : memref<16384xf32, #tpu.memory_space<vmem>>, vector<16xf32>,
        tpu.vector_store %arg12[%parallel_loop3A_181], %parallel_loop3A_178 {strides = array<i32>} : memref<16384xf32, #tpu.memory_space<vmem>>, vector<16xf32>,
        %parallel_loop3A_183 = arith.constant 256 : i32
        %parallel_loop3A_184 = arith.muli %parallel_loop3A_135, %parallel_loop3A_183 : i32
        %parallel_loop3A_185 = arith.constant 16 : i32
        %parallel_loop3A_186 = arith.addi %parallel_loop3A_184, %parallel_loop3A_185 : i32
        %parallel_loop3A_187 = arith.constant 128 : i32
        %parallel_loop3A_188 = arith.muli %parallel_loop3A_135, %parallel_loop3A_187 : i32
        %parallel_loop3A_189 = arith.constant 16 : i32
        %parallel_loop3A_190 = arith.addi %parallel_loop3A_188, %parallel_loop3A_189 : i32
        %parallel_loop3A_191 = arith.index_cast %parallel_loop3A_186 : i32 to index
        %parallel_loop3A_192 = tpu.vector_load %arg10[%parallel_loop3A_191] {strides = array<i32>} : memref<16384xf32, #tpu.memory_space<vmem>>, vector<16xf32>,
        %parallel_loop3A_193 = arith.constant 128 : i32
        %parallel_loop3A_194 = arith.addi %parallel_loop3A_186, %parallel_loop3A_193 : i32
        %parallel_loop3A_195 = arith.index_cast %parallel_loop3A_194 : i32 to index
        %parallel_loop3A_196 = tpu.vector_load %arg10[%parallel_loop3A_195] {strides = array<i32>} : memref<16384xf32, #tpu.memory_space<vmem>>, vector<16xf32>,
        %parallel_loop3A_197 = arith.index_cast %parallel_loop3A_190 : i32 to index
        %parallel_loop3A_198 = tpu.vector_load %arg8[%parallel_loop3A_197] {strides = array<i32>} : memref<8192xi32, #tpu.memory_space<vmem>>, vector<16xi32>,
        %parallel_loop3A_199 = arith.sitofp %parallel_loop3A_198 : vector<16xi32> to vector<16xf32>
        %parallel_loop3A_200 = arith.subf %parallel_loop3A_196, %parallel_loop3A_192 : vector<16xf32>
        %parallel_loop3A_201 = arith.constant 6.000000e+01 : f32
        %parallel_loop3A_202 = vector.broadcast %parallel_loop3A_201 : f32 to vector<16xf32>
        %parallel_loop3A_203 = arith.minimumf %parallel_loop3A_200, %parallel_loop3A_202 : vector<16xf32>
        %parallel_loop3A_204 = math.exp %parallel_loop3A_203 : vector<16xf32>
        %parallel_loop3A_205 = arith.mulf %parallel_loop3A_204, %get3A_15 : vector<16xf32>
        %parallel_loop3A_206 = arith.addf %get3A_11, %parallel_loop3A_205 : vector<16xf32>
        %parallel_loop3A_207 = arith.mulf %parallel_loop3A_204, %get3A_23 : vector<16xf32>
        %parallel_loop3A_208 = arith.addf %get3A_19, %parallel_loop3A_207 : vector<16xf32>
        %parallel_loop3A_209 = arith.mulf %parallel_loop3A_199, %get3A_31 : vector<16xf32>
        %parallel_loop3A_210 = arith.addf %get3A_27, %parallel_loop3A_209 : vector<16xf32>
        %parallel_loop3A_211 = arith.mulf %parallel_loop3A_199, %get3A_39 : vector<16xf32>
        %parallel_loop3A_212 = arith.addf %get3A_35, %parallel_loop3A_211 : vector<16xf32>
        %parallel_loop3A_213 = arith.mulf %parallel_loop3A_210, %parallel_loop3A_206 : vector<16xf32>
        %parallel_loop3A_214 = arith.mulf %parallel_loop3A_212, %parallel_loop3A_208 : vector<16xf32>
        %parallel_loop3A_215 = arith.addf %parallel_loop3A_213, %parallel_loop3A_214 : vector<16xf32>
        %parallel_loop3A_216 = arith.constant 1.000000e-10 : f32
        %parallel_loop3A_217 = vector.broadcast %parallel_loop3A_216 : f32 to vector<16xf32>
        %parallel_loop3A_218 = arith.addf %parallel_loop3A_215, %parallel_loop3A_217 : vector<16xf32>
        %parallel_loop3A_219 = arith.constant 1.000000e+00 : f32
        %parallel_loop3A_220 = vector.broadcast %parallel_loop3A_219 : f32 to vector<16xf32>
        %parallel_loop3A_221 = arith.divf %parallel_loop3A_220, %parallel_loop3A_218 : vector<16xf32>
        %parallel_loop3A_222 = arith.mulf %parallel_loop3A_213, %parallel_loop3A_221 : vector<16xf32>
        %parallel_loop3A_223 = arith.index_cast %parallel_loop3A_186 : i32 to index
        %parallel_loop3A_224 = tpu.vector_load %arg12[%parallel_loop3A_223] {strides = array<i32>} : memref<16384xf32, #tpu.memory_space<vmem>>, vector<16xf32>,
        tpu.vector_store %arg12[%parallel_loop3A_223], %parallel_loop3A_222 {strides = array<i32>} : memref<16384xf32, #tpu.memory_space<vmem>>, vector<16xf32>,
        %parallel_loop3A_225 = arith.mulf %parallel_loop3A_214, %parallel_loop3A_221 : vector<16xf32>
        %parallel_loop3A_226 = arith.constant 128 : i32
        %parallel_loop3A_227 = arith.addi %parallel_loop3A_186, %parallel_loop3A_226 : i32
        %parallel_loop3A_228 = arith.index_cast %parallel_loop3A_227 : i32 to index
        %parallel_loop3A_229 = tpu.vector_load %arg12[%parallel_loop3A_228] {strides = array<i32>} : memref<16384xf32, #tpu.memory_space<vmem>>, vector<16xf32>,
        tpu.vector_store %arg12[%parallel_loop3A_228], %parallel_loop3A_225 {strides = array<i32>} : memref<16384xf32, #tpu.memory_space<vmem>>, vector<16xf32>,
        %parallel_loop3A_230 = arith.constant 256 : i32
        %parallel_loop3A_231 = arith.muli %parallel_loop3A_135, %parallel_loop3A_230 : i32
        %parallel_loop3A_232 = arith.constant 32 : i32
        %parallel_loop3A_233 = arith.addi %parallel_loop3A_231, %parallel_loop3A_232 : i32
        %parallel_loop3A_234 = arith.constant 128 : i32
        %parallel_loop3A_235 = arith.muli %parallel_loop3A_135, %parallel_loop3A_234 : i32
        %parallel_loop3A_236 = arith.constant 32 : i32
        %parallel_loop3A_237 = arith.addi %parallel_loop3A_235, %parallel_loop3A_236 : i32
        %parallel_loop3A_238 = arith.index_cast %parallel_loop3A_233 : i32 to index
        %parallel_loop3A_239 = tpu.vector_load %arg10[%parallel_loop3A_238] {strides = array<i32>} : memref<16384xf32, #tpu.memory_space<vmem>>, vector<16xf32>,
        %parallel_loop3A_240 = arith.constant 128 : i32
        %parallel_loop3A_241 = arith.addi %parallel_loop3A_233, %parallel_loop3A_240 : i32
        %parallel_loop3A_242 = arith.index_cast %parallel_loop3A_241 : i32 to index
        %parallel_loop3A_243 = tpu.vector_load %arg10[%parallel_loop3A_242] {strides = array<i32>} : memref<16384xf32, #tpu.memory_space<vmem>>, vector<16xf32>,
        %parallel_loop3A_244 = arith.index_cast %parallel_loop3A_237 : i32 to index
        %parallel_loop3A_245 = tpu.vector_load %arg8[%parallel_loop3A_244] {strides = array<i32>} : memref<8192xi32, #tpu.memory_space<vmem>>, vector<16xi32>,
        %parallel_loop3A_246 = arith.sitofp %parallel_loop3A_245 : vector<16xi32> to vector<16xf32>
        %parallel_loop3A_247 = arith.subf %parallel_loop3A_243, %parallel_loop3A_239 : vector<16xf32>
        %parallel_loop3A_248 = arith.constant 6.000000e+01 : f32
        %parallel_loop3A_249 = vector.broadcast %parallel_loop3A_248 : f32 to vector<16xf32>
        %parallel_loop3A_250 = arith.minimumf %parallel_loop3A_247, %parallel_loop3A_249 : vector<16xf32>
        %parallel_loop3A_251 = math.exp %parallel_loop3A_250 : vector<16xf32>
        %parallel_loop3A_252 = arith.mulf %parallel_loop3A_251, %get3A_15 : vector<16xf32>
        %parallel_loop3A_253 = arith.addf %get3A_11, %parallel_loop3A_252 : vector<16xf32>
        %parallel_loop3A_254 = arith.mulf %parallel_loop3A_251, %get3A_23 : vector<16xf32>
        %parallel_loop3A_255 = arith.addf %get3A_19, %parallel_loop3A_254 : vector<16xf32>
        %parallel_loop3A_256 = arith.mulf %parallel_loop3A_246, %get3A_31 : vector<16xf32>
        %parallel_loop3A_257 = arith.addf %get3A_27, %parallel_loop3A_256 : vector<16xf32>
        %parallel_loop3A_258 = arith.mulf %parallel_loop3A_246, %get3A_39 : vector<16xf32>
        %parallel_loop3A_259 = arith.addf %get3A_35, %parallel_loop3A_258 : vector<16xf32>
        %parallel_loop3A_260 = arith.mulf %parallel_loop3A_257, %parallel_loop3A_253 : vector<16xf32>
        %parallel_loop3A_261 = arith.mulf %parallel_loop3A_259, %parallel_loop3A_255 : vector<16xf32>
        %parallel_loop3A_262 = arith.addf %parallel_loop3A_260, %parallel_loop3A_261 : vector<16xf32>
        %parallel_loop3A_263 = arith.constant 1.000000e-10 : f32
        %parallel_loop3A_264 = vector.broadcast %parallel_loop3A_263 : f32 to vector<16xf32>
        %parallel_loop3A_265 = arith.addf %parallel_loop3A_262, %parallel_loop3A_264 : vector<16xf32>
        %parallel_loop3A_266 = arith.constant 1.000000e+00 : f32
        %parallel_loop3A_267 = vector.broadcast %parallel_loop3A_266 : f32 to vector<16xf32>
        %parallel_loop3A_268 = arith.divf %parallel_loop3A_267, %parallel_loop3A_265 : vector<16xf32>
        %parallel_loop3A_269 = arith.mulf %parallel_loop3A_260, %parallel_loop3A_268 : vector<16xf32>
        %parallel_loop3A_270 = arith.index_cast %parallel_loop3A_233 : i32 to index
        %parallel_loop3A_271 = tpu.vector_load %arg12[%parallel_loop3A_270] {strides = array<i32>} : memref<16384xf32, #tpu.memory_space<vmem>>, vector<16xf32>,
        tpu.vector_store %arg12[%parallel_loop3A_270], %parallel_loop3A_269 {strides = array<i32>} : memref<16384xf32, #tpu.memory_space<vmem>>, vector<16xf32>,
        %parallel_loop3A_272 = arith.mulf %parallel_loop3A_261, %parallel_loop3A_268 : vector<16xf32>
        %parallel_loop3A_273 = arith.constant 128 : i32
        %parallel_loop3A_274 = arith.addi %parallel_loop3A_233, %parallel_loop3A_273 : i32
        %parallel_loop3A_275 = arith.index_cast %parallel_loop3A_274 : i32 to index
        %parallel_loop3A_276 = tpu.vector_load %arg12[%parallel_loop3A_275] {strides = array<i32>} : memref<16384xf32, #tpu.memory_space<vmem>>, vector<16xf32>,
        tpu.vector_store %arg12[%parallel_loop3A_275], %parallel_loop3A_272 {strides = array<i32>} : memref<16384xf32, #tpu.memory_space<vmem>>, vector<16xf32>,
        %parallel_loop3A_277 = arith.constant 256 : i32
        %parallel_loop3A_278 = arith.muli %parallel_loop3A_135, %parallel_loop3A_277 : i32
        %parallel_loop3A_279 = arith.constant 48 : i32
        %parallel_loop3A_280 = arith.addi %parallel_loop3A_278, %parallel_loop3A_279 : i32
        %parallel_loop3A_281 = arith.constant 128 : i32
        %parallel_loop3A_282 = arith.muli %parallel_loop3A_135, %parallel_loop3A_281 : i32
        %parallel_loop3A_283 = arith.constant 48 : i32
        %parallel_loop3A_284 = arith.addi %parallel_loop3A_282, %parallel_loop3A_283 : i32
        %parallel_loop3A_285 = arith.index_cast %parallel_loop3A_280 : i32 to index
        %parallel_loop3A_286 = tpu.vector_load %arg10[%parallel_loop3A_285] {strides = array<i32>} : memref<16384xf32, #tpu.memory_space<vmem>>, vector<16xf32>,
        %parallel_loop3A_287 = arith.constant 128 : i32
        %parallel_loop3A_288 = arith.addi %parallel_loop3A_280, %parallel_loop3A_287 : i32
        %parallel_loop3A_289 = arith.index_cast %parallel_loop3A_288 : i32 to index
        %parallel_loop3A_290 = tpu.vector_load %arg10[%parallel_loop3A_289] {strides = array<i32>} : memref<16384xf32, #tpu.memory_space<vmem>>, vector<16xf32>,
        %parallel_loop3A_291 = arith.index_cast %parallel_loop3A_284 : i32 to index
        %parallel_loop3A_292 = tpu.vector_load %arg8[%parallel_loop3A_291] {strides = array<i32>} : memref<8192xi32, #tpu.memory_space<vmem>>, vector<16xi32>,
        %parallel_loop3A_293 = arith.sitofp %parallel_loop3A_292 : vector<16xi32> to vector<16xf32>
        %parallel_loop3A_294 = arith.subf %parallel_loop3A_290, %parallel_loop3A_286 : vector<16xf32>
        %parallel_loop3A_295 = arith.constant 6.000000e+01 : f32
        %parallel_loop3A_296 = vector.broadcast %parallel_loop3A_295 : f32 to vector<16xf32>
        %parallel_loop3A_297 = arith.minimumf %parallel_loop3A_294, %parallel_loop3A_296 : vector<16xf32>
        %parallel_loop3A_298 = math.exp %parallel_loop3A_297 : vector<16xf32>
        %parallel_loop3A_299 = arith.mulf %parallel_loop3A_298, %get3A_15 : vector<16xf32>
        %parallel_loop3A_300 = arith.addf %get3A_11, %parallel_loop3A_299 : vector<16xf32>
        %parallel_loop3A_301 = arith.mulf %parallel_loop3A_298, %get3A_23 : vector<16xf32>
        %parallel_loop3A_302 = arith.addf %get3A_19, %parallel_loop3A_301 : vector<16xf32>
        %parallel_loop3A_303 = arith.mulf %parallel_loop3A_293, %get3A_31 : vector<16xf32>
        %parallel_loop3A_304 = arith.addf %get3A_27, %parallel_loop3A_303 : vector<16xf32>
        %parallel_loop3A_305 = arith.mulf %parallel_loop3A_293, %get3A_39 : vector<16xf32>
        %parallel_loop3A_306 = arith.addf %get3A_35, %parallel_loop3A_305 : vector<16xf32>
        %parallel_loop3A_307 = arith.mulf %parallel_loop3A_304, %parallel_loop3A_300 : vector<16xf32>
        %parallel_loop3A_308 = arith.mulf %parallel_loop3A_306, %parallel_loop3A_302 : vector<16xf32>
        %parallel_loop3A_309 = arith.addf %parallel_loop3A_307, %parallel_loop3A_308 : vector<16xf32>
        %parallel_loop3A_310 = arith.constant 1.000000e-10 : f32
        %parallel_loop3A_311 = vector.broadcast %parallel_loop3A_310 : f32 to vector<16xf32>
        %parallel_loop3A_312 = arith.addf %parallel_loop3A_309, %parallel_loop3A_311 : vector<16xf32>
        %parallel_loop3A_313 = arith.constant 1.000000e+00 : f32
        %parallel_loop3A_314 = vector.broadcast %parallel_loop3A_313 : f32 to vector<16xf32>
        %parallel_loop3A_315 = arith.divf %parallel_loop3A_314, %parallel_loop3A_312 : vector<16xf32>
        %parallel_loop3A_316 = arith.mulf %parallel_loop3A_307, %parallel_loop3A_315 : vector<16xf32>
        %parallel_loop3A_317 = arith.index_cast %parallel_loop3A_280 : i32 to index
        %parallel_loop3A_318 = tpu.vector_load %arg12[%parallel_loop3A_317] {strides = array<i32>} : memref<16384xf32, #tpu.memory_space<vmem>>, vector<16xf32>,
        tpu.vector_store %arg12[%parallel_loop3A_317], %parallel_loop3A_316 {strides = array<i32>} : memref<16384xf32, #tpu.memory_space<vmem>>, vector<16xf32>,
        %parallel_loop3A_319 = arith.mulf %parallel_loop3A_308, %parallel_loop3A_315 : vector<16xf32>
        %parallel_loop3A_320 = arith.constant 128 : i32
        %parallel_loop3A_321 = arith.addi %parallel_loop3A_280, %parallel_loop3A_320 : i32
        %parallel_loop3A_322 = arith.index_cast %parallel_loop3A_321 : i32 to index
        %parallel_loop3A_323 = tpu.vector_load %arg12[%parallel_loop3A_322] {strides = array<i32>} : memref<16384xf32, #tpu.memory_space<vmem>>, vector<16xf32>,
        tpu.vector_store %arg12[%parallel_loop3A_322], %parallel_loop3A_319 {strides = array<i32>} : memref<16384xf32, #tpu.memory_space<vmem>>, vector<16xf32>,
        %parallel_loop3A_324 = arith.constant 256 : i32
        %parallel_loop3A_325 = arith.muli %parallel_loop3A_135, %parallel_loop3A_324 : i32
        %parallel_loop3A_326 = arith.constant 64 : i32
        %parallel_loop3A_327 = arith.addi %parallel_loop3A_325, %parallel_loop3A_326 : i32
        %parallel_loop3A_328 = arith.constant 128 : i32
        %parallel_loop3A_329 = arith.muli %parallel_loop3A_135, %parallel_loop3A_328 : i32
        %parallel_loop3A_330 = arith.constant 64 : i32
        %parallel_loop3A_331 = arith.addi %parallel_loop3A_329, %parallel_loop3A_330 : i32
        %parallel_loop3A_332 = arith.index_cast %parallel_loop3A_327 : i32 to index
        %parallel_loop3A_333 = tpu.vector_load %arg10[%parallel_loop3A_332] {strides = array<i32>} : memref<16384xf32, #tpu.memory_space<vmem>>, vector<16xf32>,
        %parallel_loop3A_334 = arith.constant 128 : i32
        %parallel_loop3A_335 = arith.addi %parallel_loop3A_327, %parallel_loop3A_334 : i32
        %parallel_loop3A_336 = arith.index_cast %parallel_loop3A_335 : i32 to index
        %parallel_loop3A_337 = tpu.vector_load %arg10[%parallel_loop3A_336] {strides = array<i32>} : memref<16384xf32, #tpu.memory_space<vmem>>, vector<16xf32>,
        %parallel_loop3A_338 = arith.index_cast %parallel_loop3A_331 : i32 to index
        %parallel_loop3A_339 = tpu.vector_load %arg8[%parallel_loop3A_338] {strides = array<i32>} : memref<8192xi32, #tpu.memory_space<vmem>>, vector<16xi32>,
        %parallel_loop3A_340 = arith.sitofp %parallel_loop3A_339 : vector<16xi32> to vector<16xf32>
        %parallel_loop3A_341 = arith.subf %parallel_loop3A_337, %parallel_loop3A_333 : vector<16xf32>
        %parallel_loop3A_342 = arith.constant 6.000000e+01 : f32
        %parallel_loop3A_343 = vector.broadcast %parallel_loop3A_342 : f32 to vector<16xf32>
        %parallel_loop3A_344 = arith.minimumf %parallel_loop3A_341, %parallel_loop3A_343 : vector<16xf32>
        %parallel_loop3A_345 = math.exp %parallel_loop3A_344 : vector<16xf32>
        %parallel_loop3A_346 = arith.mulf %parallel_loop3A_345, %get3A_15 : vector<16xf32>
        %parallel_loop3A_347 = arith.addf %get3A_11, %parallel_loop3A_346 : vector<16xf32>
        %parallel_loop3A_348 = arith.mulf %parallel_loop3A_345, %get3A_23 : vector<16xf32>
        %parallel_loop3A_349 = arith.addf %get3A_19, %parallel_loop3A_348 : vector<16xf32>
        %parallel_loop3A_350 = arith.mulf %parallel_loop3A_340, %get3A_31 : vector<16xf32>
        %parallel_loop3A_351 = arith.addf %get3A_27, %parallel_loop3A_350 : vector<16xf32>
        %parallel_loop3A_352 = arith.mulf %parallel_loop3A_340, %get3A_39 : vector<16xf32>
        %parallel_loop3A_353 = arith.addf %get3A_35, %parallel_loop3A_352 : vector<16xf32>
        %parallel_loop3A_354 = arith.mulf %parallel_loop3A_351, %parallel_loop3A_347 : vector<16xf32>
        %parallel_loop3A_355 = arith.mulf %parallel_loop3A_353, %parallel_loop3A_349 : vector<16xf32>
        %parallel_loop3A_356 = arith.addf %parallel_loop3A_354, %parallel_loop3A_355 : vector<16xf32>
        %parallel_loop3A_357 = arith.constant 1.000000e-10 : f32
        %parallel_loop3A_358 = vector.broadcast %parallel_loop3A_357 : f32 to vector<16xf32>
        %parallel_loop3A_359 = arith.addf %parallel_loop3A_356, %parallel_loop3A_358 : vector<16xf32>
        %parallel_loop3A_360 = arith.constant 1.000000e+00 : f32
        %parallel_loop3A_361 = vector.broadcast %parallel_loop3A_360 : f32 to vector<16xf32>
        %parallel_loop3A_362 = arith.divf %parallel_loop3A_361, %parallel_loop3A_359 : vector<16xf32>
        %parallel_loop3A_363 = arith.mulf %parallel_loop3A_354, %parallel_loop3A_362 : vector<16xf32>
        %parallel_loop3A_364 = arith.index_cast %parallel_loop3A_327 : i32 to index
        %parallel_loop3A_365 = tpu.vector_load %arg12[%parallel_loop3A_364] {strides = array<i32>} : memref<16384xf32, #tpu.memory_space<vmem>>, vector<16xf32>,
        tpu.vector_store %arg12[%parallel_loop3A_364], %parallel_loop3A_363 {strides = array<i32>} : memref<16384xf32, #tpu.memory_space<vmem>>, vector<16xf32>,
        %parallel_loop3A_366 = arith.mulf %parallel_loop3A_355, %parallel_loop3A_362 : vector<16xf32>
        %parallel_loop3A_367 = arith.constant 128 : i32
        %parallel_loop3A_368 = arith.addi %parallel_loop3A_327, %parallel_loop3A_367 : i32
        %parallel_loop3A_369 = arith.index_cast %parallel_loop3A_368 : i32 to index
        %parallel_loop3A_370 = tpu.vector_load %arg12[%parallel_loop3A_369] {strides = array<i32>} : memref<16384xf32, #tpu.memory_space<vmem>>, vector<16xf32>,
        tpu.vector_store %arg12[%parallel_loop3A_369], %parallel_loop3A_366 {strides = array<i32>} : memref<16384xf32, #tpu.memory_space<vmem>>, vector<16xf32>,
        %parallel_loop3A_371 = arith.constant 256 : i32
        %parallel_loop3A_372 = arith.muli %parallel_loop3A_135, %parallel_loop3A_371 : i32
        %parallel_loop3A_373 = arith.constant 80 : i32
        %parallel_loop3A_374 = arith.addi %parallel_loop3A_372, %parallel_loop3A_373 : i32
        %parallel_loop3A_375 = arith.constant 128 : i32
        %parallel_loop3A_376 = arith.muli %parallel_loop3A_135, %parallel_loop3A_375 : i32
        %parallel_loop3A_377 = arith.constant 80 : i32
        %parallel_loop3A_378 = arith.addi %parallel_loop3A_376, %parallel_loop3A_377 : i32
        %parallel_loop3A_379 = arith.index_cast %parallel_loop3A_374 : i32 to index
        %parallel_loop3A_380 = tpu.vector_load %arg10[%parallel_loop3A_379] {strides = array<i32>} : memref<16384xf32, #tpu.memory_space<vmem>>, vector<16xf32>,
        %parallel_loop3A_381 = arith.constant 128 : i32
        %parallel_loop3A_382 = arith.addi %parallel_loop3A_374, %parallel_loop3A_381 : i32
        %parallel_loop3A_383 = arith.index_cast %parallel_loop3A_382 : i32 to index
        %parallel_loop3A_384 = tpu.vector_load %arg10[%parallel_loop3A_383] {strides = array<i32>} : memref<16384xf32, #tpu.memory_space<vmem>>, vector<16xf32>,
        %parallel_loop3A_385 = arith.index_cast %parallel_loop3A_378 : i32 to index
        %parallel_loop3A_386 = tpu.vector_load %arg8[%parallel_loop3A_385] {strides = array<i32>} : memref<8192xi32, #tpu.memory_space<vmem>>, vector<16xi32>,
        %parallel_loop3A_387 = arith.sitofp %parallel_loop3A_386 : vector<16xi32> to vector<16xf32>
        %parallel_loop3A_388 = arith.subf %parallel_loop3A_384, %parallel_loop3A_380 : vector<16xf32>
        %parallel_loop3A_389 = arith.constant 6.000000e+01 : f32
        %parallel_loop3A_390 = vector.broadcast %parallel_loop3A_389 : f32 to vector<16xf32>
        %parallel_loop3A_391 = arith.minimumf %parallel_loop3A_388, %parallel_loop3A_390 : vector<16xf32>
        %parallel_loop3A_392 = math.exp %parallel_loop3A_391 : vector<16xf32>
        %parallel_loop3A_393 = arith.mulf %parallel_loop3A_392, %get3A_15 : vector<16xf32>
        %parallel_loop3A_394 = arith.addf %get3A_11, %parallel_loop3A_393 : vector<16xf32>
        %parallel_loop3A_395 = arith.mulf %parallel_loop3A_392, %get3A_23 : vector<16xf32>
        %parallel_loop3A_396 = arith.addf %get3A_19, %parallel_loop3A_395 : vector<16xf32>
        %parallel_loop3A_397 = arith.mulf %parallel_loop3A_387, %get3A_31 : vector<16xf32>
        %parallel_loop3A_398 = arith.addf %get3A_27, %parallel_loop3A_397 : vector<16xf32>
        %parallel_loop3A_399 = arith.mulf %parallel_loop3A_387, %get3A_39 : vector<16xf32>
        %parallel_loop3A_400 = arith.addf %get3A_35, %parallel_loop3A_399 : vector<16xf32>
        %parallel_loop3A_401 = arith.mulf %parallel_loop3A_398, %parallel_loop3A_394 : vector<16xf32>
        %parallel_loop3A_402 = arith.mulf %parallel_loop3A_400, %parallel_loop3A_396 : vector<16xf32>
        %parallel_loop3A_403 = arith.addf %parallel_loop3A_401, %parallel_loop3A_402 : vector<16xf32>
        %parallel_loop3A_404 = arith.constant 1.000000e-10 : f32
        %parallel_loop3A_405 = vector.broadcast %parallel_loop3A_404 : f32 to vector<16xf32>
        %parallel_loop3A_406 = arith.addf %parallel_loop3A_403, %parallel_loop3A_405 : vector<16xf32>
        %parallel_loop3A_407 = arith.constant 1.000000e+00 : f32
        %parallel_loop3A_408 = vector.broadcast %parallel_loop3A_407 : f32 to vector<16xf32>
        %parallel_loop3A_409 = arith.divf %parallel_loop3A_408, %parallel_loop3A_406 : vector<16xf32>
        %parallel_loop3A_410 = arith.mulf %parallel_loop3A_401, %parallel_loop3A_409 : vector<16xf32>
        %parallel_loop3A_411 = arith.index_cast %parallel_loop3A_374 : i32 to index
        %parallel_loop3A_412 = tpu.vector_load %arg12[%parallel_loop3A_411] {strides = array<i32>} : memref<16384xf32, #tpu.memory_space<vmem>>, vector<16xf32>,
        tpu.vector_store %arg12[%parallel_loop3A_411], %parallel_loop3A_410 {strides = array<i32>} : memref<16384xf32, #tpu.memory_space<vmem>>, vector<16xf32>,
        %parallel_loop3A_413 = arith.mulf %parallel_loop3A_402, %parallel_loop3A_409 : vector<16xf32>
        %parallel_loop3A_414 = arith.constant 128 : i32
        %parallel_loop3A_415 = arith.addi %parallel_loop3A_374, %parallel_loop3A_414 : i32
        %parallel_loop3A_416 = arith.index_cast %parallel_loop3A_415 : i32 to index
        %parallel_loop3A_417 = tpu.vector_load %arg12[%parallel_loop3A_416] {strides = array<i32>} : memref<16384xf32, #tpu.memory_space<vmem>>, vector<16xf32>,
        tpu.vector_store %arg12[%parallel_loop3A_416], %parallel_loop3A_413 {strides = array<i32>} : memref<16384xf32, #tpu.memory_space<vmem>>, vector<16xf32>,
        %parallel_loop3A_418 = arith.constant 256 : i32
        %parallel_loop3A_419 = arith.muli %parallel_loop3A_135, %parallel_loop3A_418 : i32
        %parallel_loop3A_420 = arith.constant 96 : i32
        %parallel_loop3A_421 = arith.addi %parallel_loop3A_419, %parallel_loop3A_420 : i32
        %parallel_loop3A_422 = arith.constant 128 : i32
        %parallel_loop3A_423 = arith.muli %parallel_loop3A_135, %parallel_loop3A_422 : i32
        %parallel_loop3A_424 = arith.constant 96 : i32
        %parallel_loop3A_425 = arith.addi %parallel_loop3A_423, %parallel_loop3A_424 : i32
        %parallel_loop3A_426 = arith.index_cast %parallel_loop3A_421 : i32 to index
        %parallel_loop3A_427 = tpu.vector_load %arg10[%parallel_loop3A_426] {strides = array<i32>} : memref<16384xf32, #tpu.memory_space<vmem>>, vector<16xf32>,
        %parallel_loop3A_428 = arith.constant 128 : i32
        %parallel_loop3A_429 = arith.addi %parallel_loop3A_421, %parallel_loop3A_428 : i32
        %parallel_loop3A_430 = arith.index_cast %parallel_loop3A_429 : i32 to index
        %parallel_loop3A_431 = tpu.vector_load %arg10[%parallel_loop3A_430] {strides = array<i32>} : memref<16384xf32, #tpu.memory_space<vmem>>, vector<16xf32>,
        %parallel_loop3A_432 = arith.index_cast %parallel_loop3A_425 : i32 to index
        %parallel_loop3A_433 = tpu.vector_load %arg8[%parallel_loop3A_432] {strides = array<i32>} : memref<8192xi32, #tpu.memory_space<vmem>>, vector<16xi32>,
        %parallel_loop3A_434 = arith.sitofp %parallel_loop3A_433 : vector<16xi32> to vector<16xf32>
        %parallel_loop3A_435 = arith.subf %parallel_loop3A_431, %parallel_loop3A_427 : vector<16xf32>
        %parallel_loop3A_436 = arith.constant 6.000000e+01 : f32
        %parallel_loop3A_437 = vector.broadcast %parallel_loop3A_436 : f32 to vector<16xf32>
        %parallel_loop3A_438 = arith.minimumf %parallel_loop3A_435, %parallel_loop3A_437 : vector<16xf32>
        %parallel_loop3A_439 = math.exp %parallel_loop3A_438 : vector<16xf32>
        %parallel_loop3A_440 = arith.mulf %parallel_loop3A_439, %get3A_15 : vector<16xf32>
        %parallel_loop3A_441 = arith.addf %get3A_11, %parallel_loop3A_440 : vector<16xf32>
        %parallel_loop3A_442 = arith.mulf %parallel_loop3A_439, %get3A_23 : vector<16xf32>
        %parallel_loop3A_443 = arith.addf %get3A_19, %parallel_loop3A_442 : vector<16xf32>
        %parallel_loop3A_444 = arith.mulf %parallel_loop3A_434, %get3A_31 : vector<16xf32>
        %parallel_loop3A_445 = arith.addf %get3A_27, %parallel_loop3A_444 : vector<16xf32>
        %parallel_loop3A_446 = arith.mulf %parallel_loop3A_434, %get3A_39 : vector<16xf32>
        %parallel_loop3A_447 = arith.addf %get3A_35, %parallel_loop3A_446 : vector<16xf32>
        %parallel_loop3A_448 = arith.mulf %parallel_loop3A_445, %parallel_loop3A_441 : vector<16xf32>
        %parallel_loop3A_449 = arith.mulf %parallel_loop3A_447, %parallel_loop3A_443 : vector<16xf32>
        %parallel_loop3A_450 = arith.addf %parallel_loop3A_448, %parallel_loop3A_449 : vector<16xf32>
        %parallel_loop3A_451 = arith.constant 1.000000e-10 : f32
        %parallel_loop3A_452 = vector.broadcast %parallel_loop3A_451 : f32 to vector<16xf32>
        %parallel_loop3A_453 = arith.addf %parallel_loop3A_450, %parallel_loop3A_452 : vector<16xf32>
        %parallel_loop3A_454 = arith.constant 1.000000e+00 : f32
        %parallel_loop3A_455 = vector.broadcast %parallel_loop3A_454 : f32 to vector<16xf32>
        %parallel_loop3A_456 = arith.divf %parallel_loop3A_455, %parallel_loop3A_453 : vector<16xf32>
        %parallel_loop3A_457 = arith.mulf %parallel_loop3A_448, %parallel_loop3A_456 : vector<16xf32>
        %parallel_loop3A_458 = arith.index_cast %parallel_loop3A_421 : i32 to index
        %parallel_loop3A_459 = tpu.vector_load %arg12[%parallel_loop3A_458] {strides = array<i32>} : memref<16384xf32, #tpu.memory_space<vmem>>, vector<16xf32>,
        tpu.vector_store %arg12[%parallel_loop3A_458], %parallel_loop3A_457 {strides = array<i32>} : memref<16384xf32, #tpu.memory_space<vmem>>, vector<16xf32>,
        %parallel_loop3A_460 = arith.mulf %parallel_loop3A_449, %parallel_loop3A_456 : vector<16xf32>
        %parallel_loop3A_461 = arith.constant 128 : i32
        %parallel_loop3A_462 = arith.addi %parallel_loop3A_421, %parallel_loop3A_461 : i32
        %parallel_loop3A_463 = arith.index_cast %parallel_loop3A_462 : i32 to index
        %parallel_loop3A_464 = tpu.vector_load %arg12[%parallel_loop3A_463] {strides = array<i32>} : memref<16384xf32, #tpu.memory_space<vmem>>, vector<16xf32>,
        tpu.vector_store %arg12[%parallel_loop3A_463], %parallel_loop3A_460 {strides = array<i32>} : memref<16384xf32, #tpu.memory_space<vmem>>, vector<16xf32>,
        %parallel_loop3A_465 = arith.constant 256 : i32
        %parallel_loop3A_466 = arith.muli %parallel_loop3A_135, %parallel_loop3A_465 : i32
        %parallel_loop3A_467 = arith.constant 112 : i32
        %parallel_loop3A_468 = arith.addi %parallel_loop3A_466, %parallel_loop3A_467 : i32
        %parallel_loop3A_469 = arith.constant 128 : i32
        %parallel_loop3A_470 = arith.muli %parallel_loop3A_135, %parallel_loop3A_469 : i32
        %parallel_loop3A_471 = arith.constant 112 : i32
        %parallel_loop3A_472 = arith.addi %parallel_loop3A_470, %parallel_loop3A_471 : i32
        %parallel_loop3A_473 = arith.index_cast %parallel_loop3A_468 : i32 to index
        %parallel_loop3A_474 = tpu.vector_load %arg10[%parallel_loop3A_473] {strides = array<i32>} : memref<16384xf32, #tpu.memory_space<vmem>>, vector<16xf32>,
        %parallel_loop3A_475 = arith.constant 128 : i32
        %parallel_loop3A_476 = arith.addi %parallel_loop3A_468, %parallel_loop3A_475 : i32
        %parallel_loop3A_477 = arith.index_cast %parallel_loop3A_476 : i32 to index
        %parallel_loop3A_478 = tpu.vector_load %arg10[%parallel_loop3A_477] {strides = array<i32>} : memref<16384xf32, #tpu.memory_space<vmem>>, vector<16xf32>,
        %parallel_loop3A_479 = arith.index_cast %parallel_loop3A_472 : i32 to index
        %parallel_loop3A_480 = tpu.vector_load %arg8[%parallel_loop3A_479] {strides = array<i32>} : memref<8192xi32, #tpu.memory_space<vmem>>, vector<16xi32>,
        %parallel_loop3A_481 = arith.sitofp %parallel_loop3A_480 : vector<16xi32> to vector<16xf32>
        %parallel_loop3A_482 = arith.subf %parallel_loop3A_478, %parallel_loop3A_474 : vector<16xf32>
        %parallel_loop3A_483 = arith.constant 6.000000e+01 : f32
        %parallel_loop3A_484 = vector.broadcast %parallel_loop3A_483 : f32 to vector<16xf32>
        %parallel_loop3A_485 = arith.minimumf %parallel_loop3A_482, %parallel_loop3A_484 : vector<16xf32>
        %parallel_loop3A_486 = math.exp %parallel_loop3A_485 : vector<16xf32>
        %parallel_loop3A_487 = arith.mulf %parallel_loop3A_486, %get3A_15 : vector<16xf32>
        %parallel_loop3A_488 = arith.addf %get3A_11, %parallel_loop3A_487 : vector<16xf32>
        %parallel_loop3A_489 = arith.mulf %parallel_loop3A_486, %get3A_23 : vector<16xf32>
        %parallel_loop3A_490 = arith.addf %get3A_19, %parallel_loop3A_489 : vector<16xf32>
        %parallel_loop3A_491 = arith.mulf %parallel_loop3A_481, %get3A_31 : vector<16xf32>
        %parallel_loop3A_492 = arith.addf %get3A_27, %parallel_loop3A_491 : vector<16xf32>
        %parallel_loop3A_493 = arith.mulf %parallel_loop3A_481, %get3A_39 : vector<16xf32>
        %parallel_loop3A_494 = arith.addf %get3A_35, %parallel_loop3A_493 : vector<16xf32>
        %parallel_loop3A_495 = arith.mulf %parallel_loop3A_492, %parallel_loop3A_488 : vector<16xf32>
        %parallel_loop3A_496 = arith.mulf %parallel_loop3A_494, %parallel_loop3A_490 : vector<16xf32>
        %parallel_loop3A_497 = arith.addf %parallel_loop3A_495, %parallel_loop3A_496 : vector<16xf32>
        %parallel_loop3A_498 = arith.constant 1.000000e-10 : f32
        %parallel_loop3A_499 = vector.broadcast %parallel_loop3A_498 : f32 to vector<16xf32>
        %parallel_loop3A_500 = arith.addf %parallel_loop3A_497, %parallel_loop3A_499 : vector<16xf32>
        %parallel_loop3A_501 = arith.constant 1.000000e+00 : f32
        %parallel_loop3A_502 = vector.broadcast %parallel_loop3A_501 : f32 to vector<16xf32>
        %parallel_loop3A_503 = arith.divf %parallel_loop3A_502, %parallel_loop3A_500 : vector<16xf32>
        %parallel_loop3A_504 = arith.mulf %parallel_loop3A_495, %parallel_loop3A_503 : vector<16xf32>
        %parallel_loop3A_505 = arith.index_cast %parallel_loop3A_468 : i32 to index
        %parallel_loop3A_506 = tpu.vector_load %arg12[%parallel_loop3A_505] {strides = array<i32>} : memref<16384xf32, #tpu.memory_space<vmem>>, vector<16xf32>,
        tpu.vector_store %arg12[%parallel_loop3A_505], %parallel_loop3A_504 {strides = array<i32>} : memref<16384xf32, #tpu.memory_space<vmem>>, vector<16xf32>,
        %parallel_loop3A_507 = arith.mulf %parallel_loop3A_496, %parallel_loop3A_503 : vector<16xf32>
        %parallel_loop3A_508 = arith.constant 128 : i32
        %parallel_loop3A_509 = arith.addi %parallel_loop3A_468, %parallel_loop3A_508 : i32
        %parallel_loop3A_510 = arith.index_cast %parallel_loop3A_509 : i32 to index
        %parallel_loop3A_511 = tpu.vector_load %arg12[%parallel_loop3A_510] {strides = array<i32>} : memref<16384xf32, #tpu.memory_space<vmem>>, vector<16xf32>,
        tpu.vector_store %arg12[%parallel_loop3A_510], %parallel_loop3A_507 {strides = array<i32>} : memref<16384xf32, #tpu.memory_space<vmem>>, vector<16xf32>,
      } {sc.loop_unroll_factor = 4 : i64, sc.parallel_access}
      %mul3A_125 = arith.constant 64 : i32
      %mul3A_126 = arith.muli %add3A_101, %mul3A_125 : i32
      %sub3A_127 = arith.constant 64 : i32
      %sub3A_128 = arith.subi %sub3A_8, %sub3A_127 : i32
      %min3A_129 = arith.minsi %mul3A_126, %sub3A_128 : i32
      %add3A_130 = arith.addi %sub3A_5, %min3A_129 : i32
      %mul3A_131 = arith.constant 256 : i32
      %mul3A_132 = arith.muli %add3A_130, %mul3A_131 : i32
      %dma_start3A_133 = tpu.memref_slice %arg5[%mul3A_132] : memref<16773120xf32, #tpu.memory_space<hbm>> -> memref<16384xf32, #tpu.memory_space<hbm>>
      %dma_start3A_134 = tpu.memref_slice %arg5[%mul3A_132] : memref<16773120xf32, #tpu.memory_space<hbm>> -> memref<16384xf32, #tpu.memory_space<hbm>>
      tpu.enqueue_dma source(%arg12 : memref<16384xf32, #tpu.memory_space<vmem>>) target(%dma_start3A_134 : memref<16384xf32, #tpu.memory_space<hbm>>) target_semaphore(%arg16 : memref<!tpu.dma_semaphore, #tpu.memory_space<semaphore_mem>>)
    }
    %scan3A_55 = arith.constant 16 : i32
    %dma_wait3A = arith.constant 0 : i32
    %dma_wait3A_56 = tpu.memref_slice %arg5[%dma_wait3A] : memref<16773120xf32, #tpu.memory_space<hbm>> -> memref<16384xf32, #tpu.memory_space<hbm>>
    %dma_wait3A_57 = arith.constant 0 : i32
    %dma_wait3A_58 = tpu.memref_slice %arg5[%dma_wait3A_57] : memref<16773120xf32, #tpu.memory_space<hbm>> -> memref<16384xf32, #tpu.memory_space<hbm>>
    tpu.wait_dma2 semaphore(%arg15 : memref<!tpu.dma_semaphore, #tpu.memory_space<semaphore_mem>>) src(%arg11 : memref<16384xf32, #tpu.memory_space<vmem>>) dst(%dma_wait3A_58 : memref<16384xf32, #tpu.memory_space<hbm>>)
    %dma_wait3A_59 = arith.constant 0 : i32
    %dma_wait3A_60 = tpu.memref_slice %arg5[%dma_wait3A_59] : memref<16773120xf32, #tpu.memory_space<hbm>> -> memref<16384xf32, #tpu.memory_space<hbm>>
    %dma_wait3A_61 = arith.constant 0 : i32
    %dma_wait3A_62 = tpu.memref_slice %arg5[%dma_wait3A_61] : memref<16773120xf32, #tpu.memory_space<hbm>> -> memref<16384xf32, #tpu.memory_space<hbm>>
    tpu.wait_dma2 semaphore(%arg16 : memref<!tpu.dma_semaphore, #tpu.memory_space<semaphore_mem>>) src(%arg12 : memref<16384xf32, #tpu.memory_space<vmem>>) dst(%dma_wait3A_62 : memref<16384xf32, #tpu.memory_space<hbm>>)
    return
  }
}

</mosaic_0001>

<sc_bundles>
// kernel: kernel.3.cloned.1.call-start
scs
__scs_entry_jumppad:
0x0: {  	(pc) =	sbr.rel $0x88, $3  }
0x1: {  	(tag) =	ssettag $0x0;
	lr =	simm.s32 $0x1  }
0x2: {  	[smem:$0x3F9E] =	sst lr;
	_ =	strace $0xD0000000  }
0x3: {  	_ = 	snop  }
0x4: {  	_ = 	snop  }
0x5: {  	_ = 	snop  }
0x6: {  	_ = 	snop  }
0x7: {  	_ = 	snop  }
__scs_overlays_trampoline_lowered:
0x8: {  	[smem:$0x3FAD] =	sst s0  }
0x9: {  	[smem:$0x3FAE] =	sst s1  }
0xa: {  	[smem:$0x3FAF] =	sst s2  }
0xb: {  	[smem:$0x3FB0] =	sst s3  }
0xc: {  	[smem:$0x3FB1] =	sst s4  }
0xd: {  	[smem:$0x3FB2] =	sst s5  }
0xe: {  	[smem:$0x3FB3] =	sst s6  }
0xf: {  	[smem:$0x3FB4] =	sst s7  }
0x10: {  	[smem:$0x3FB5] =	sst s8  }
0x11: {  	[smem:$0x3FB6] =	sst s9;
	s0 =	simm.s32 @!p0 $0x0  }
0x12: {  	s1 =	sld [smem:$0x3F9C];
	s0 =	simm.s32 @p0 $0x1  }
0x13: {  	[smem:$0x3FB7] =	sst s0;
	s0 =	simm.s32 @!p1 $0x0  }
0x14: {  	s2 =	sld [smem:$0x3F9B];
	s0 =	simm.s32 @p1 $0x1  }
0x15: {  	[smem:$0x3FB8] =	sst s0;
	s0 =	simm.s32 @!p2 $0x0  }
0x16: {  	s3 =	sld [smem:$0x3FDB];
	s0 =	simm.s32 @p2 $0x1  }
0x17: {  	s4 =	simm.s32 $0x1BF5;
	[smem:$0x3FBA] =	sst s0  }
0x18: {  	s0 =	sld [smem:$0x3F9D];
	_ =	swait.ge [sflag:s4], $0x0  }
0x19: {  	s7 =	sld [smem:$0x3F9E]  }
0x1a: {  	s8 =	sadd.s32 $0xFFFFE003, lr  }
0x1b: {  	s9 =	sadd.s32 $0xFFFFFEF7, lr;
	s5 =	simm.s32 $0xFFFFFFFF;
	p2 =	slt.u32 s8, $0xFFFFF086  }
0x1c: {  	p1 =	slt.u32 s9, $0xF7A;
	s5 =	simm.s32 @!p2 $0x0  }
0x1d: {  	s5 =	simm.s32 @p1 $0x1;
	p0 =	seq.s32 s7, s2  }
0x1e: {  	s7 =	smul.u32 @!p0 $0xF7A, s2;
	p2 =	seq.s32 @!p0 s5, $0x0  }
0x1f: {  	s9 =	smul.u32 $0xF7A, s1;
	s8 =	simm.s32 @!p0 $0x1BF5;
	p2 =	por !p2, p0  }
0x20: {  	[sflag:s8] =	ssyncset.s32 @!p0 $0xFFFFF086;
	s6 =	sadd.s32 @!p0 s3, s7;
	s7 =	simm.s32 @!p0 $0x108  }
0x21: {  	s3 =	sadd.s32 s3, s9;
	s6 =	sadd.s32 @!p0 $0x88, s6;
	s7 =	simm.s32 @p2 $0x1082  }
0x22: {  	[simem:s7], [sflag:s8] =	dma.local @!p0 [hbm:s6], $0xF7A  }
0x23: {  	s9 =	sor.u32 $0xD0000000, s2;
	s6 =	simm.s32 $0x108;
	_ =	swait.ge @!p0 [sflag:s8], $0x0  }
0x24: {  	s3 =	sadd.s32 $0x88, s3;
	s6 =	simm.s32 @!p1 $0x1082;
	[sflag:s4] =	ssyncset.s32 $0xFFFFF086  }
0x25: {  	[simem:s6], [sflag:s4] =	dma.local [hbm:s3], $0xF7A  }
0x26: {  	[smem:$0x3F9E] =	sst s1;
	(tag) =	ssettag s2;
	_ =	strace s9  }
0x27: {  	s1 =	sld [smem:$0x3FAE]  }
0x28: {  	s2 =	sld [smem:$0x3FAF]  }
0x29: {  	s4 =	sld [smem:$0x3FB1]  }
0x2a: {  	p0 =	seq.s32 s5, $0x0;
	s5 =	sld [smem:$0x3FB2]  }
0x2b: {  	s6 =	sld [smem:$0x3FB3]  }
0x2c: {  	s7 =	sld [smem:$0x3FB4]  }
0x2d: {  	s3 =	simm.s32 $0x108;
	s8 =	sld [smem:$0x3FB5]  }
0x2e: {  	s3 =	simm.s32 @!p0 $0x1082;
	s9 =	sld [smem:$0x3FB6]  }
0x2f: {  	lr =	sadd.s32 s0, s3;
	s0 =	sld [smem:$0x3FAD]  }
0x30: {  	s3 =	sld [smem:$0x3FB0]  }
0x31: {  	[smem:$0x3FB9] =	sst s10  }
0x32: {  	s10 =	sld [smem:$0x3FB7];
	_ =	sdelay $0x3  }
0x33: {  	p0 =	seq.s32 s10, $0x1;
	s10 =	sld [smem:$0x3FB9];
	_ =	sdelay $0x3  }
0x34: {  	[smem:$0x3FB9] =	sst s10  }
0x35: {  	s10 =	sld [smem:$0x3FB8];
	_ =	sdelay $0x3  }
0x36: {  	p1 =	seq.s32 s10, $0x1;
	s10 =	sld [smem:$0x3FB9];
	_ =	sdelay $0x3  }
0x37: {  	[smem:$0x3FB9] =	sst s10  }
0x38: {  	s10 =	sld [smem:$0x3FBA]  }
0x39: {  	_ = 	snop;
	(pc) =	sbr.ind lr, $3  }
0x3a: {  	_ = 	snop  }
0x3b: {  	_ = 	snop  }
0x3c: {  	p2 =	seq.s32 s10, $0x1;
	s10 =	sld [smem:$0x3FB9]  }
0x3d: {  	_ =	shalt  }
0x3e: {  	_ =	shalt  }
0x3f: {  	_ =	shalt  }
0x40: {  	_ =	shalt  }
0x41: {  	_ =	shalt  }
0x42: {  	_ =	shalt  }
0x43: {  	_ =	shalt  }
0x44: {  	_ =	shalt  }
0x45: {  	_ =	shalt  }
0x46: {  	_ =	shalt  }
0x47: {  	_ =	shalt  }
0x48: {  	_ =	shalt  }
0x49: {  	_ =	shalt  }
0x4a: {  	_ =	shalt  }
0x4b: {  	_ =	shalt  }
0x4c: {  	_ =	shalt  }
0x4d: {  	_ =	shalt  }
0x4e: {  	_ =	shalt  }
0x4f: {  	_ =	shalt  }
0x50: {  	_ =	shalt  }
0x51: {  	_ =	shalt  }
0x52: {  	_ =	shalt  }
0x53: {  	_ =	shalt  }
0x54: {  	_ =	shalt  }
0x55: {  	_ =	shalt  }
0x56: {  	_ =	shalt  }
0x57: {  	_ =	shalt  }
0x58: {  	_ =	shalt  }
0x59: {  	_ =	shalt  }
0x5a: {  	_ =	shalt  }
0x5b: {  	_ =	shalt  }
0x5c: {  	_ =	shalt  }
0x5d: {  	_ =	shalt  }
0x5e: {  	_ =	shalt  }
0x5f: {  	_ =	shalt  }
0x60: {  	_ =	shalt  }
0x61: {  	_ =	shalt  }
0x62: {  	_ =	shalt  }
0x63: {  	_ =	shalt  }
0x64: {  	_ =	shalt  }
0x65: {  	_ =	shalt  }
0x66: {  	_ =	shalt  }
0x67: {  	_ =	shalt  }
0x68: {  	_ =	shalt  }
0x69: {  	_ =	shalt  }
0x6a: {  	_ =	shalt  }
0x6b: {  	_ =	shalt  }
0x6c: {  	_ =	shalt  }
0x6d: {  	_ =	shalt  }
0x6e: {  	_ =	shalt  }
0x6f: {  	_ =	shalt  }
0x70: {  	_ =	shalt  }
0x71: {  	_ =	shalt  }
0x72: {  	_ =	shalt  }
0x73: {  	_ =	shalt  }
0x74: {  	_ =	shalt  }
0x75: {  	_ =	shalt  }
0x76: {  	_ =	shalt  }
0x77: {  	_ =	shalt  }
0x78: {  	_ =	shalt  }
0x79: {  	_ =	shalt  }
0x7a: {  	_ =	shalt  }
0x7b: {  	_ =	shalt  }
0x7c: {  	_ =	shalt  }
0x7d: {  	_ =	shalt  }
0x7e: {  	_ =	shalt  }
0x7f: {  	_ =	shalt  }
0x80: {  	_ =	shalt  }
0x81: {  	_ =	shalt  }
0x82: {  	_ =	shalt  }
0x83: {  	_ =	shalt  }
0x84: {  	_ =	shalt  }
0x85: {  	_ =	shalt  }
0x86: {  	_ =	shalt  }
0x87: {  	_ =	shalt  }
.Lfunc_end0:
.L_simem_size_0:
called_computation_lowered:
.L_overlay_start_0:
0x88: {  	s2 =	sld [smem:$0x3FD9]  }
0x89: {  	s3 =	sld [smem:$0x3FFE];
	_ =	sdelay $0x1  }
0x8a: {  	s1 =	srdreg.scid  }
0x8b: {  	s0 =	sand.u32 $0x1, s1  }
0x8c: {  	s17 =	sshll.u32 s0, $0xA;
	s2 =	sadd.s32 s3, s2  }
0x8d: {  	s2 =	sadd.s32 s2, s17  }
0x8e: {  	[smem:$0x3FC5] =	sst s2  }
0x8f: {  	_ = 	snop  }
0x90: {  	s2 =	sld [smem:$0x3FC9]  }
0x91: {  	s18 =	sld [smem:$0x3FC8]  }
0x92: {  	s4 =	sld [smem:$0x3FD0];
	(tm) =	ssettm $0x1  }
0x93: {  	s5 =	sld [smem:$0x3FFB];
	_ =	sdelay $0x3  }
0x94: {  	_ =	strace s5  }
0x95: {  	s5 =	sld [smem:$0x3FFC];
	_ =	sdelay $0x3  }
0x96: {  	_ =	strace s5  }
0x97: {  	s5 =	sld [smem:$0x3FFD];
	_ =	sdelay $0x3  }
0x98: {  	_ =	strace s5  }
0x99: {  	_ =	strace $0x8FFFFFFF  }
0x9a: {  	s19 =	sld [smem:$0x3FDB];
	_ =	sdelay $0x1  }
0x9b: {  	s6 =	simm.s32 $_scs_section_size  }
0x9c: {  	s7 =	simm.s32 $_size__tile_overlayer_lowered;
	s8 =	simm.s32 $_tile_overlayer_lowered  }
0x9d: {  	s22 =	simm.s32 $0x1BFF;
	s21 =	sshll.u32 s8, $0x1;
	s5 =	sadd.s32 s6, s19  }
0x9e: {  	s9 =	simm.s32 $0x0;
	s20 =	sshll.u32 s7, $0x1;
	s7 =	sadd.s32 s21, s5  }
0x9f: {  	[timem:s9], [sflag:s22] =	dma.local [hbm:s7], s20  }
0xa0: {  	_ =	swait.ge [sflag:s22], s20  }
0xa1: {  	s6 =	ssub.s32 $0x0, s20;
	[sflag:s22] =	ssyncset.done $0x0  }
0xa2: {  	[sflag:s22] =	ssyncadd.s32 s6;
	_ =	sdelay $0x1  }
0xa3: {  	s23 =	simm.s32 $0x1B8B  }
0xa4: {  	_ =	swait.ge [sflag:s23], $0x1  }
0xa5: {  	[sflag:s23] =	ssyncset.done $0x0  }
0xa6: {  	s25 =	simm.s32 $0x1B8E;
	s24 =	sld [smem:$0x3FFE];
	[sflag:s23] =	ssyncadd.s32 $0xFFFFFFFF  }
0xa7: {  	s26 =	simm.s32 $execute0_lowered;
	[smem:$0x3FD2] =	sst s25  }
0xa8: {  	s7 =	sshll.u32 s26, $0x1;
	_ =	strace $0x80000046;
	[dreg:$0x1] =	wrdreg $0xFFFFFFFF  }
0xa9: {  	s28 =	simm.s32 $_size_execute0_lowered;
	s5 =	sadd.s32 s5, s7;
	[dreg:$0x0] =	wrdreg $0x0  }
0xaa: {  	s7 =	sshll.u32 s28, $0x1;
	[dreg:$0x2] =	wrdreg s5  }
0xab: {  	[dreg:$0x3] =	wrdreg s7  }
0xac: {  	[dreg:$0x4] =	wrdreg $0xC0  }
0xad: {  	_ =	task [dreg:s9], $0x5FFFF  }
0xae: {  	[dreg:$0x1] =	wrdreg $0xFFFFFFFF  }
0xaf: {  	[dreg:$0x0] =	wrdreg $0x60  }
0xb0: {  	[dreg:$0x2] =	wrdreg s24  }
0xb1: {  	[dreg:$0x3] =	wrdreg s2  }
0xb2: {  	[dreg:$0x4] =	wrdreg s18  }
0xb3: {  	[dreg:$0x5] =	wrdreg s4  }
0xb4: {  	[dreg:$0x6] =	wrdreg $0x9  }
0xb5: {  	_ =	task.clear_ibuf [dreg:s9], $0x7FFFF;
	_ =	strace $0x90000046  }
0xb6: {  	s29 =	simm.s32 $0x9;
	_ =	strace $0x80000048  }
0xb7: {  	_ =	swait.ge [sflag:s29], $0x1  }
0xb8: {  	[sflag:s29] =	ssyncadd.s32 $0xFFFFFFFF  }
0xb9: {  	_ =	strace $0x90000048  }
0xba: {  	_ =	sfence  }
0xbb: {  	s30 =	sld [smem:$0x0];
	_ =	sdelay $0x2  }
0xbc: {  	s31 =	sshll.u32 s1, $0xD;
	s1 =	sshrl.u32 s1, $0x2  }
0xbd: {  	s3 =	sand.u32 $0x4000, s31;
	s1 =	sadd.s32 s1, s30  }
0xbe: {  	s0 =	sor.u32 s3, s0;
	s1 =	sshll.u32 s1, $0x11  }
0xbf: {  	s0 =	sor.u32 s1, s0  }
0xc0: {  	s0 =	sadd.s32 $0x8F2B, s0  }
0xc1: {  	[sflag:s0] =	ssyncadd.remote.s32 $0x1  }
0xc2: {  	_ =	sfence.sel $0xFFFF  }
0xc3: {  	[dreg:$0x0] =	wrdreg $0xFFFFFFFF;
	(pc) =	sbr.abs _section_cstart, $3  }
0xc4: {  	[dreg:$0x1] =	wrdreg $0xFFFFFFFF  }
0xc5: {  	_ =	task.clear_ibuf [dreg:s9], $0x2FFFF;
	_ =	strace $0x9FFFFFFF  }
0xc6: {  	(tm) =	ssettm $0x7FFFFFFF  }
0xc7: {  	_ =	shalt  }
tec
execute0_lowered:
.L_overlay_start_1:
0x0: {  	(tag) =	ssettag $0x1  }
0x1: {  	s0 =	rddreg [dreg:$0x0]  }
0x2: {  	s1 =	rddreg [dreg:$0x1]  }
0x3: {  	s2 =	rddreg [dreg:$0x2]  }
0x4: {  	s4 =	rddreg [dreg:$0x3];
	s5 =	simm.s32 $0x0;
	s3 =	srdreg.scid  }
0x5: {  	s8 =	stileid.u32;
	s12 =	simm.s32 $0x5;
	s15 =	simm.s32 $0x2400  }
0x6: {  	s16 =	simm.s32 $0x8400;
	s17 =	simm.s32 $0x1;
	s18 =	simm.s32 $0xC400  }
0x7: {  	s19 =	simm.s32 $0x2;
	s20 =	simm.s32 $0x10400;
	s21 =	simm.s32 $0x3  }
0x8: {  	s22 =	simm.s32 $0x4;
	s3 =	sand.u32 $0x1, s3;
	s6 =	sshll.u32 s8, $0x1  }
0x9: {  	s23 =	simm.s32 $0x0;
	[smem:$0x7FF] =	sst s5;
	s6 =	sor.u32 s3, s6  }
0xa: {  	s0 =	sadd.s32 $0x400, s0;
	s7 =	sshll.u32 s6, $0xB;
	s6 =	smax.u32 s6, $0x10  }
0xb: {  	p0 =	sgt.u32 s8, $0x7;
	s8 =	simm.s32 $0x7BF;
	s6 =	ssub.s32 s7, s6  }
0xc: {  	_ =	strace $0x80000047;
	s3 =	ssub.s32 $0x2, s3;
	s7 =	sadd.s32 $0x10, s6  }
0xd: {  	[dreg:$0x5] =	wrdreg s0;
	s30 =	sshrl.u32 s3, $0x1;
	s31 =	sshll.u32 s7, $0x4  }
0xe: {  	s0 =	ssub.s32 s3, s30;
	s6 =	sshll.u32 s7, $0x5;
	s3 =	sand.u32 $0x1FFFFFF0, s31  }
0xf: {  	s8 =	simm.s32 @!p0 $0x7C0;
	s6 =	sand.u32 $0x1FFFFFE0, s6;
	s3 =	sadd.s32 s1, s3  }
0x10: {  	s11 =	smax.u32 s0, $0x1;
	s10 =	sadd.s32 s2, s6;
	[dreg:$0x6] =	wrdreg s3  }
.LBB2_1:
0x11: {  	s0 =	rddreg [dreg:$0x5]  }
0x12: {  	[tilespmem:s5], [sflag:$0x5] =	stream.linear.gather [hbm4b:s0+s5], $0x400, $0x38;
	[tilespmem:$0x14400] =	vst v63  }
0x13: {  	_ =	swait.ge [sflag:s12], $0x400  }
0x14: {  	[sflag:s12] =	ssyncset.done $0x0  }
0x15: {  	[sflag:s12] =	ssyncadd.s32 $0xFFFFFC00  }
0x16: {  	v0 =	vld [tilespmem:$0x0]  }
0x17: {  	v1 =	vld [tilespmem:$0x80]  }
0x18: {  	v2 =	vld [tilespmem:$0x100]  }
0x19: {  	v3 =	vld [tilespmem:$0x180]  }
0x1a: {  	v4 =	vld [tilespmem:$0x200]  }
0x1b: {  	v5 =	vld [tilespmem:$0x280]  }
0x1c: {  	s3 =	simm.s32 $0x400;
	s30 =	rddreg [dreg:$0x6];
	v7 =	vld [tilespmem:$0x380]  }
0x1d: {  	v6 =	vld [tilespmem:$0x300];
	[tilespmem:s3], [sflag:$0x1] =	stream.linear.gather [hbm4b:s30+s5], $0x2000, $0x38  }
0x1e: {  	s31 =	simm.s32 $0x4400;
	s24 =	simm.s32 $0x0  }
0x1f: {  	[tilespmem:s31], [sflag:$0x1] =	stream.linear.gather [hbm4b:s10+s5], $0x4000, $0x38;
	[tilespmem:$0x14400] =	vst v63  }
.LBB2_2:
0x20: {  	s26 =	sshll.u32 s24, $0x7  }
0x21: {  	s0 =	sor.u32 $0x40, s26  }
0x22: {  	s0 =	smin.u32 s0, s8  }
0x23: {  	s0 =	sadd.s32 s7, s0  }
0x24: {  	s3 =	sshll.u32 s0, $0x4  }
0x25: {  	s0 =	sshll.u32 s0, $0x5;
	s3 =	sand.u32 $0x1FFFFFF0, s3  }
0x26: {  	s25 =	sand.u32 $0x1FFFFFE0, s0;
	s3 =	sadd.s32 s1, s3  }
0x27: {  	[tilespmem:s15], [sflag:$0x2] =	stream.linear.gather [hbm4b:s3+s5], $0x2000, $0x38;
	[tilespmem:$0x14400] =	vst v63  }
0x28: {  	s0 =	sadd.s32 s2, s25  }
0x29: {  	[tilespmem:s16], [sflag:$0x2] =	stream.linear.gather [hbm4b:s0+s5], $0x4000, $0x38;
	[tilespmem:$0x14400] =	vst v63  }
0x2a: {  	_ =	swait.ge [sflag:s17], $0x2000  }
0x2b: {  	[sflag:s17] =	ssyncset.done $0x0  }
0x2c: {  	[sflag:s17] =	ssyncadd.s32 $0xFFFFE000  }
0x2d: {  	_ =	swait.ge [sflag:s17], $0x4000  }
0x2e: {  	p0 =	seq.s32 s24, $0x0;
	[sflag:s17] =	ssyncset.done $0x0  }
0x2f: {  	s0 =	simm.s32 @!p0 $0x3;
	[sflag:s17] =	ssyncadd.s32 $0xFFFFC000  }
0x30: {  	_ =	swait.ge @!p0 [sflag:s0], $0x4000  }
0x31: {  	[sflag:s0] =	ssyncset.done @!p0 $0x0  }
0x32: {  	s30 =	simm.s32 $0x4600;
	[sflag:s0] =	ssyncadd.s32 @!p0 $0xFFFFC000  }
0x33: {  	v8 =	vld [tilespmem:s30+$0x100]  }
0x34: {  	v9 =	vld [tilespmem:s30+$0x180];
	_ =	sdelay $0x4  }
0x35: {  	v8 =	vsub.f32 v9, v8;
	_ =	sdelay $0x1  }
0x36: {  	v8 =	vmin.f32 v8, $6.000000000e+01  }
0x37: {  	v10 =	vld [tilespmem:s30+$0xFFFFFF00];
	v8 =	vmul.f32 $1.442695020e+00, v8  }
0x38: {  	s29 =	simm.s32 $0x500;
	v11 =	vld [tilespmem:s30+$0xFFFFFF80]  }
0x39: {  	v12 =	vld [tilespmem:s29+$0x80];
	(erf) = vpow2.f32 v8  }
0x3a: {  	v13 =	vld [tilespmem:s30+$0x80]  }
0x3b: {  	v14 =	vld [tilespmem:s30+$0xFFFFFE00]  }
0x3c: {  	v9 =	vld [tilespmem:s30+$0xFFFFFE80]  }
0x3d: {  	v8 =	vld [tilespmem:s30+$0x0];
	_ =	sdelay $0x1  }
0x3e: {  	v10 =	vsub.f32 v11, v10;
	v11 =	vcvt.s32.f32 v12;
	_ =	sdelay $0x1  }
0x3f: {  	v10 =	vmin.f32 v10, $6.000000000e+01;
	v12 =	vmul.f32 v11, v5;
	v11 =	vmul.f32 v11, v7  }
0x40: {  	v10 =	vmul.f32 $1.442695020e+00, v10;
	v9 =	vsub.f32 v9, v14;
	v8 =	vsub.f32 v13, v8;
	v13 =	vpop (erf)  }
0x41: {  	v12 =	vadd.f32 v12, v4;
	v14 =	vmul.f32 v13, v1;
	v13 =	vmul.f32 v13, v3  }
0x42: {  	v11 =	vadd.f32 v11, v6;
	(erf) = vpow2.f32 v10;
	v9 =	vmin.f32 v9, $6.000000000e+01  }
0x43: {  	v8 =	vmin.f32 v8, $6.000000000e+01;
	v14 =	vadd.f32 v14, v0;
	v13 =	vadd.f32 v13, v2  }
0x44: {  	v9 =	vmul.f32 $1.442695020e+00, v9;
	v8 =	vmul.f32 $1.442695020e+00, v8  }
0x45: {  	v10 =	vmul.f32 v14, v12;
	v11 =	vmul.f32 v13, v11  }
0x46: {  	(erf) = vpow2.f32 v8  }
0x47: {  	(erf) = vpow2.f32 v9;
	v9 =	vld [tilespmem:s29+$0xFFFFFF00];
	v8 =	vadd.f32 v11, v10  }
0x48: {  	v12 =	vld [tilespmem:s29+$0xFFFFFF80]  }
0x49: {  	v13 =	vld [tilespmem:s29+$0x0];
	v8 =	vadd.f32 $1.000000010e-10, v8;
	_ =	sdelay $0x1  }
0x4a: {  	(erf) = vrcp.f32 v8;
	_ =	sdelay $0x1  }
0x4b: {  	v12 =	vcvt.s32.f32 v12  }
0x4c: {  	v13 =	vcvt.s32.f32 v13;
	v8 =	vcvt.s32.f32 v9;
	v9 =	vpop (erf)  }
0x4d: {  	v16 =	vmul.f32 v9, v1;
	v9 =	vmul.f32 v9, v3  }
0x4e: {  	v20 =	vmul.f32 v12, v5;
	v12 =	vmul.f32 v12, v7  }
0x4f: {  	v15 =	vpop (erf);
	v22 =	vmul.f32 v13, v5;
	v14 =	vmul.f32 v8, v5  }
0x50: {  	v17 =	vpop (erf);
	v8 =	vmul.f32 v8, v7;
	v19 =	vmul.f32 v15, v1  }
0x51: {  	v18 =	vmul.f32 v17, v1;
	v17 =	vmul.f32 v17, v3;
	v16 =	vadd.f32 v16, v0  }
0x52: {  	v15 =	vmul.f32 v15, v3;
	v14 =	vadd.f32 v14, v4;
	v8 =	vadd.f32 v8, v6;
	v21 =	vpop (erf)  }
0x53: {  	v18 =	vadd.f32 v18, v0;
	v17 =	vadd.f32 v17, v2;
	v10 =	vmul.f32 v21, v10  }
0x54: {  	s28 =	simm.s32 $0xC600;
	v9 =	vadd.f32 v9, v2;
	v12 =	vadd.f32 v12, v6;
	v11 =	vmul.f32 v21, v11  }
0x55: {  	v14 =	vmul.f32 v18, v14;
	v18 =	vadd.f32 v20, v4;
	v8 =	vmul.f32 v17, v8;
	[tilespmem:s28+$0x100] =	vst v10  }
0x56: {  	v15 =	vadd.f32 v15, v2;
	v9 =	vmul.f32 v9, v12;
	v10 =	vmul.f32 v13, v7;
	[tilespmem:s28+$0x180] =	vst v11  }
0x57: {  	v17 =	vadd.f32 v22, v4;
	v12 =	vadd.f32 v8, v14;
	v11 =	vmul.f32 v16, v18;
	v16 =	vld [tilespmem:s30+$0x110]  }
0x58: {  	v13 =	vadd.f32 v19, v0;
	v18 =	vld [tilespmem:s30+$0x190];
	v10 =	vadd.f32 v10, v6  }
0x59: {  	v12 =	vadd.f32 $1.000000010e-10, v12;
	v19 =	vadd.f32 v9, v11  }
0x5a: {  	v13 =	vmul.f32 v13, v17;
	v10 =	vmul.f32 v15, v10  }
0x5b: {  	(erf) = vrcp.f32 v12;
	v15 =	vadd.f32 $1.000000010e-10, v19  }
0x5c: {  	v12 =	vadd.f32 v10, v13  }
0x5d: {  	(erf) = vrcp.f32 v15;
	v15 =	vsub.f32 v18, v16  }
0x5e: {  	v12 =	vadd.f32 $1.000000010e-10, v12  }
0x5f: {  	v15 =	vmin.f32 v15, $6.000000000e+01  }
0x60: {  	(erf) = vrcp.f32 v12;
	v12 =	vmul.f32 $1.442695020e+00, v15;
	_ =	sdelay $0x3  }
0x61: {  	(erf) = vpow2.f32 v12;
	v12 =	vpop (erf)  }
0x62: {  	v14 =	vmul.f32 v12, v14  }
0x63: {  	v8 =	vmul.f32 v12, v8  }
0x64: {  	v15 =	vld [tilespmem:s29+$0x90];
	v16 =	vpop (erf);
	[tilespmem:s28+$0xFFFFFE00] =	vst v14  }
0x65: {  	v9 =	vmul.f32 v16, v9;
	[tilespmem:s28+$0xFFFFFE80] =	vst v8  }
0x66: {  	v12 =	vld [tilespmem:s30+$0xFFFFFE10]  }
0x67: {  	v11 =	vmul.f32 v16, v11;
	[tilespmem:s28+$0xFFFFFF80] =	vst v9;
	v9 =	vld [tilespmem:s30+$0xFFFFFE90]  }
0x68: {  	v8 =	vpop (erf)  }
0x69: {  	[tilespmem:s28+$0xFFFFFF00] =	vst v11;
	v11 =	vmul.f32 v8, v13;
	v13 =	vcvt.s32.f32 v15  }
0x6a: {  	v8 =	vmul.f32 v8, v10;
	v10 =	vld [tilespmem:s30+$0xFFFFFF10];
	v14 =	vpop (erf)  }
0x6b: {  	[tilespmem:s28+$0x0] =	vst v11;
	v11 =	vld [tilespmem:s30+$0xFFFFFF90];
	v15 =	vmul.f32 v14, v1;
	v16 =	vmul.f32 v13, v5  }
0x6c: {  	[tilespmem:s28+$0x80] =	vst v8;
	v8 =	vmul.f32 v13, v7;
	v13 =	vmul.f32 v14, v3;
	v9 =	vsub.f32 v9, v12  }
0x6d: {  	v14 =	vld [tilespmem:s30+$0x10];
	v15 =	vadd.f32 v15, v0;
	v16 =	vadd.f32 v16, v4  }
0x6e: {  	v17 =	vld [tilespmem:s30+$0x90];
	v8 =	vadd.f32 v8, v6;
	v13 =	vadd.f32 v13, v2  }
0x6f: {  	v9 =	vmin.f32 v9, $6.000000000e+01  }
0x70: {  	v8 =	vmul.f32 v13, v8;
	v10 =	vsub.f32 v11, v10;
	v11 =	vmul.f32 v15, v16  }
0x71: {  	v9 =	vmul.f32 $1.442695020e+00, v9  }
0x72: {  	v10 =	vmin.f32 v10, $6.000000000e+01;
	v12 =	vadd.f32 v8, v11  }
0x73: {  	v13 =	vld [tilespmem:s29+$0xFFFFFF10];
	v14 =	vsub.f32 v17, v14;
	(erf) = vpow2.f32 v9;
	v10 =	vmul.f32 $1.442695020e+00, v10  }
0x74: {  	v9 =	vld [tilespmem:s29+$0xFFFFFF90];
	v12 =	vadd.f32 $1.000000010e-10, v12  }
0x75: {  	v14 =	vmin.f32 v14, $6.000000000e+01;
	(erf) = vpow2.f32 v10  }
0x76: {  	v14 =	vmul.f32 $1.442695020e+00, v14;
	(erf) = vrcp.f32 v12  }
0x77: {  	v10 =	vld [tilespmem:s29+$0x10]  }
0x78: {  	v12 =	vcvt.s32.f32 v13;
	(erf) = vpow2.f32 v14  }
0x79: {  	v9 =	vcvt.s32.f32 v9  }
0x7a: {  	v13 =	vmul.f32 v12, v5  }
0x7b: {  	v12 =	vmul.f32 v12, v7;
	v14 =	vmul.f32 v9, v5  }
0x7c: {  	v9 =	vmul.f32 v9, v7;
	v10 =	vcvt.s32.f32 v10;
	v13 =	vadd.f32 v13, v4;
	v16 =	vpop (erf)  }
0x7d: {  	v12 =	vadd.f32 v12, v6;
	v14 =	vadd.f32 v14, v4;
	v17 =	vmul.f32 v16, v1  }
0x7e: {  	v9 =	vadd.f32 v9, v6;
	v16 =	vmul.f32 v16, v3;
	v15 =	vmul.f32 v10, v5;
	v18 =	vpop (erf)  }
0x7f: {  	v10 =	vmul.f32 v10, v7;
	v17 =	vadd.f32 v17, v0;
	v19 =	vpop (erf);
	v20 =	vmul.f32 v18, v1  }
0x80: {  	v16 =	vadd.f32 v16, v2;
	v18 =	vmul.f32 v18, v3;
	v11 =	vmul.f32 v19, v11  }
0x81: {  	v15 =	vadd.f32 v15, v4;
	v13 =	vmul.f32 v17, v13;
	v21 =	vpop (erf);
	v8 =	vmul.f32 v19, v8  }
0x82: {  	v12 =	vmul.f32 v16, v12;
	v19 =	vadd.f32 v20, v0;
	v20 =	vmul.f32 v21, v1;
	[tilespmem:s28+$0x110] =	vst v11  }
0x83: {  	v17 =	vmul.f32 v21, v3;
	v11 =	vadd.f32 v18, v2;
	[tilespmem:s28+$0x190] =	vst v8;
	v8 =	vadd.f32 v10, v6  }
0x84: {  	v18 =	vadd.f32 v12, v13;
	v10 =	vadd.f32 v20, v0;
	v16 =	vld [tilespmem:s30+$0x120]  }
0x85: {  	v14 =	vmul.f32 v19, v14;
	v17 =	vadd.f32 v17, v2;
	v9 =	vmul.f32 v11, v9;
	v11 =	vld [tilespmem:s30+$0x1A0]  }
0x86: {  	v10 =	vmul.f32 v10, v15  }
0x87: {  	v8 =	vmul.f32 v17, v8;
	v15 =	vadd.f32 $1.000000010e-10, v18;
	v17 =	vadd.f32 v9, v14;
	_ =	sdelay $0x1  }
0x88: {  	v18 =	vadd.f32 v8, v10;
	(erf) = vrcp.f32 v15;
	v17 =	vadd.f32 $1.000000010e-10, v17  }
0x89: {  	v11 =	vsub.f32 v11, v16  }
0x8a: {  	v15 =	vadd.f32 $1.000000010e-10, v18;
	(erf) = vrcp.f32 v17  }
0x8b: {  	v11 =	vmin.f32 v11, $6.000000000e+01  }
0x8c: {  	(erf) = vrcp.f32 v15;
	v11 =	vmul.f32 $1.442695020e+00, v11;
	_ =	sdelay $0x1  }
0x8d: {  	(erf) = vpow2.f32 v11;
	_ =	sdelay $0x1  }
0x8e: {  	v11 =	vld [tilespmem:s29+$0xA0]  }
0x8f: {  	v15 =	vpop (erf)  }
0x90: {  	v13 =	vmul.f32 v15, v13  }
0x91: {  	v12 =	vmul.f32 v15, v12;
	v15 =	vpop (erf)  }
0x92: {  	[tilespmem:s28+$0xFFFFFE10] =	vst v13;
	v13 =	vmul.f32 v15, v14  }
0x93: {  	[tilespmem:s28+$0xFFFFFE90] =	vst v12;
	v11 =	vcvt.s32.f32 v11;
	v9 =	vmul.f32 v15, v9;
	v14 =	vpop (erf)  }
0x94: {  	v12 =	vld [tilespmem:s30+$0xFFFFFE20];
	v10 =	vmul.f32 v14, v10;
	v8 =	vmul.f32 v14, v8;
	[tilespmem:s28+$0xFFFFFF10] =	vst v13  }
0x95: {  	v13 =	vld [tilespmem:s30+$0xFFFFFEA0];
	[tilespmem:s28+$0xFFFFFF90] =	vst v9;
	v9 =	vmul.f32 v11, v5;
	v11 =	vmul.f32 v11, v7;
	v14 =	vpop (erf)  }
0x96: {  	[tilespmem:s28+$0x10] =	vst v10;
	v10 =	vmul.f32 v14, v1;
	v14 =	vmul.f32 v14, v3  }
0x97: {  	[tilespmem:s28+$0x90] =	vst v8;
	v8 =	vadd.f32 v9, v4;
	v9 =	vadd.f32 v11, v6  }
0x98: {  	v15 =	vld [tilespmem:s30+$0xFFFFFF20];
	v10 =	vadd.f32 v10, v0;
	v14 =	vadd.f32 v14, v2  }
0x99: {  	v16 =	vld [tilespmem:s30+$0xFFFFFFA0]  }
0x9a: {  	v11 =	vld [tilespmem:s30+$0x20];
	v12 =	vsub.f32 v13, v12;
	v8 =	vmul.f32 v10, v8;
	v9 =	vmul.f32 v14, v9  }
0x9b: {  	v17 =	vld [tilespmem:s30+$0xA0]  }
0x9c: {  	v10 =	vmin.f32 v12, $6.000000000e+01;
	v12 =	vadd.f32 v9, v8  }
0x9d: {  	v10 =	vmul.f32 $1.442695020e+00, v10  }
0x9e: {  	v13 =	vsub.f32 v16, v15;
	v12 =	vadd.f32 $1.000000010e-10, v12  }
0x9f: {  	(erf) = vpow2.f32 v10  }
0xa0: {  	v14 =	vld [tilespmem:s29+$0xFFFFFF20];
	v11 =	vsub.f32 v17, v11;
	v13 =	vmin.f32 v13, $6.000000000e+01;
	(erf) = vrcp.f32 v12  }
0xa1: {  	v10 =	vmul.f32 $1.442695020e+00, v13;
	v13 =	vld [tilespmem:s29+$0x20]  }
0xa2: {  	v11 =	vmin.f32 v11, $6.000000000e+01;
	v12 =	vld [tilespmem:s29+$0xFFFFFFA0]  }
0xa3: {  	v11 =	vmul.f32 $1.442695020e+00, v11;
	(erf) = vpow2.f32 v10;
	_ =	sdelay $0x1  }
0xa4: {  	v10 =	vcvt.s32.f32 v14;
	(erf) = vpow2.f32 v11  }
0xa5: {  	v13 =	vcvt.s32.f32 v13  }
0xa6: {  	v11 =	vcvt.s32.f32 v12;
	v12 =	vmul.f32 v10, v5  }
0xa7: {  	v10 =	vmul.f32 v10, v7;
	v16 =	vmul.f32 v13, v5;
	v15 =	vpop (erf)  }
0xa8: {  	v13 =	vmul.f32 v13, v7;
	v14 =	vmul.f32 v11, v5;
	v17 =	vpop (erf)  }
0xa9: {  	v12 =	vadd.f32 v12, v4;
	v18 =	vmul.f32 v15, v1;
	v8 =	vmul.f32 v17, v8  }
0xaa: {  	v10 =	vadd.f32 v10, v6;
	v15 =	vmul.f32 v15, v3;
	v9 =	vmul.f32 v17, v9  }
0xab: {  	v11 =	vmul.f32 v11, v7;
	v16 =	vadd.f32 v16, v4;
	v19 =	vpop (erf);
	v17 =	vadd.f32 v18, v0;
	[tilespmem:s28+$0x120] =	vst v8  }
0xac: {  	v14 =	vadd.f32 v14, v4;
	v15 =	vadd.f32 v15, v2;
	v18 =	vmul.f32 v19, v1;
	[tilespmem:s28+$0x1A0] =	vst v9  }
0xad: {  	v19 =	vmul.f32 v19, v3;
	v9 =	vadd.f32 v13, v6;
	v12 =	vmul.f32 v17, v12;
	v13 =	vld [tilespmem:s30+$0x130];
	v8 =	vpop (erf)  }
0xae: {  	v17 =	vadd.f32 v18, v0;
	v18 =	vld [tilespmem:s30+$0x1B0];
	v20 =	vmul.f32 v8, v1;
	v8 =	vmul.f32 v8, v3  }
0xaf: {  	v11 =	vadd.f32 v11, v6;
	v10 =	vmul.f32 v15, v10;
	v15 =	vadd.f32 v19, v2  }
0xb0: {  	v19 =	vadd.f32 v20, v0;
	v8 =	vadd.f32 v8, v2  }
0xb1: {  	v14 =	vmul.f32 v17, v14;
	v11 =	vmul.f32 v15, v11  }
0xb2: {  	v17 =	vadd.f32 v10, v12;
	v15 =	vmul.f32 v19, v16;
	v8 =	vmul.f32 v8, v9  }
0xb3: {  	v13 =	vsub.f32 v18, v13;
	v16 =	vadd.f32 v11, v14  }
0xb4: {  	v9 =	vadd.f32 $1.000000010e-10, v17;
	v17 =	vadd.f32 v8, v15  }
0xb5: {  	v16 =	vadd.f32 $1.000000010e-10, v16  }
0xb6: {  	v13 =	vmin.f32 v13, $6.000000000e+01;
	(erf) = vrcp.f32 v9;
	v9 =	vadd.f32 $1.000000010e-10, v17  }
0xb7: {  	v13 =	vmul.f32 $1.442695020e+00, v13;
	(erf) = vrcp.f32 v16  }
0xb8: {  	(erf) = vrcp.f32 v9  }
0xb9: {  	(erf) = vpow2.f32 v13  }
0xba: {  	v9 =	vld [tilespmem:s29+$0xB0];
	_ =	sdelay $0x4  }
0xbb: {  	v13 =	vpop (erf);
	v9 =	vcvt.s32.f32 v9  }
0xbc: {  	v12 =	vmul.f32 v13, v12;
	v10 =	vmul.f32 v13, v10;
	v13 =	vpop (erf)  }
0xbd: {  	v14 =	vmul.f32 v13, v14;
	v11 =	vmul.f32 v13, v11;
	v16 =	vpop (erf)  }
0xbe: {  	[tilespmem:s28+$0xFFFFFE20] =	vst v12;
	v12 =	vmul.f32 v9, v5;
	v9 =	vmul.f32 v9, v7;
	v13 =	vpop (erf)  }
0xbf: {  	[tilespmem:s28+$0xFFFFFEA0] =	vst v10;
	v10 =	vmul.f32 v13, v1;
	v13 =	vmul.f32 v13, v3  }
0xc0: {  	v12 =	vadd.f32 v12, v4;
	v9 =	vadd.f32 v9, v6  }
0xc1: {  	v17 =	vld [tilespmem:s30+$0xFFFFFE30];
	[tilespmem:s28+$0xFFFFFFA0] =	vst v11;
	v10 =	vadd.f32 v10, v0;
	v11 =	vadd.f32 v13, v2  }
0xc2: {  	[tilespmem:s28+$0xFFFFFF20] =	vst v14;
	v14 =	vld [tilespmem:s30+$0xFFFFFEB0]  }
0xc3: {  	v18 =	vld [tilespmem:s30+$0xFFFFFFB0];
	v10 =	vmul.f32 v10, v12;
	v9 =	vmul.f32 v11, v9  }
0xc4: {  	v13 =	vld [tilespmem:s30+$0xFFFFFF30]  }
0xc5: {  	v12 =	vadd.f32 v9, v10  }
0xc6: {  	v11 =	vmul.f32 v16, v15  }
0xc7: {  	v8 =	vmul.f32 v16, v8;
	v12 =	vadd.f32 $1.000000010e-10, v12  }
0xc8: {  	v15 =	vld [tilespmem:s29+$0xFFFFFFB0];
	[tilespmem:s28+$0x20] =	vst v11;
	v11 =	vsub.f32 v14, v17  }
0xc9: {  	[tilespmem:s28+$0xA0] =	vst v8;
	v14 =	vld [tilespmem:s29+$0xFFFFFF30];
	v8 =	vsub.f32 v18, v13;
	(erf) = vrcp.f32 v12  }
0xca: {  	v13 =	vld [tilespmem:s30+$0x30];
	v11 =	vmin.f32 v11, $6.000000000e+01  }
0xcb: {  	v11 =	vmul.f32 $1.442695020e+00, v11;
	v8 =	vmin.f32 v8, $6.000000000e+01;
	v12 =	vld [tilespmem:s30+$0xB0]  }
0xcc: {  	v8 =	vmul.f32 $1.442695020e+00, v8  }
0xcd: {  	(erf) = vpow2.f32 v11  }
0xce: {  	(erf) = vpow2.f32 v8;
	_ =	sdelay $0x1  }
0xcf: {  	v8 =	vcvt.s32.f32 v14;
	v11 =	vsub.f32 v12, v13;
	v12 =	vcvt.s32.f32 v15;
	_ =	sdelay $0x1  }
0xd0: {  	v13 =	vmul.f32 v8, v5;
	v11 =	vmin.f32 v11, $6.000000000e+01;
	v15 =	vmul.f32 v12, v5;
	v14 =	vpop (erf)  }
0xd1: {  	v11 =	vmul.f32 $1.442695020e+00, v11;
	v10 =	vmul.f32 v14, v10  }
0xd2: {  	v8 =	vmul.f32 v8, v7;
	v9 =	vmul.f32 v14, v9  }
0xd3: {  	v16 =	vld [tilespmem:s29+$0x30];
	(erf) = vpow2.f32 v11;
	[tilespmem:s28+$0x130] =	vst v10  }
0xd4: {  	v12 =	vmul.f32 v12, v7;
	v8 =	vadd.f32 v8, v6;
	v11 =	vadd.f32 v13, v4;
	v13 =	vpop (erf);
	[tilespmem:s28+$0x1B0] =	vst v9  }
0xd5: {  	v14 =	vmul.f32 v13, v1;
	v13 =	vmul.f32 v13, v3;
	v10 =	vadd.f32 v15, v4;
	v15 =	vpop (erf);
	v17 =	vld [tilespmem:s30+$0x140]  }
0xd6: {  	v9 =	vadd.f32 v12, v6;
	v12 =	vmul.f32 v15, v1;
	v15 =	vmul.f32 v15, v3;
	v18 =	vld [tilespmem:s30+$0x1C0]  }
0xd7: {  	v14 =	vadd.f32 v14, v0;
	v13 =	vadd.f32 v13, v2  }
0xd8: {  	v16 =	vcvt.s32.f32 v16;
	v12 =	vadd.f32 v12, v0;
	v15 =	vadd.f32 v15, v2  }
0xd9: {  	v11 =	vmul.f32 v14, v11;
	v8 =	vmul.f32 v13, v8  }
0xda: {  	v10 =	vmul.f32 v12, v10;
	v9 =	vmul.f32 v15, v9  }
0xdb: {  	v12 =	vadd.f32 v8, v11;
	v17 =	vsub.f32 v18, v17  }
0xdc: {  	v13 =	vmul.f32 v16, v5;
	v16 =	vmul.f32 v16, v7;
	v14 =	vpop (erf);
	v15 =	vadd.f32 v9, v10  }
0xdd: {  	v12 =	vadd.f32 $1.000000010e-10, v12;
	v18 =	vmul.f32 v14, v1;
	v17 =	vmin.f32 v17, $6.000000000e+01  }
0xde: {  	v14 =	vmul.f32 v14, v3;
	v15 =	vadd.f32 $1.000000010e-10, v15;
	v17 =	vmul.f32 $1.442695020e+00, v17  }
0xdf: {  	(erf) = vrcp.f32 v12;
	v12 =	vadd.f32 v13, v4;
	v13 =	vadd.f32 v16, v6  }
0xe0: {  	v14 =	vadd.f32 v14, v2;
	(erf) = vrcp.f32 v15;
	v15 =	vadd.f32 v18, v0  }
0xe1: {  	(erf) = vpow2.f32 v17  }
0xe2: {  	v13 =	vmul.f32 v14, v13;
	v12 =	vmul.f32 v15, v12;
	_ =	sdelay $0x1  }
0xe3: {  	v14 =	vld [tilespmem:s29+$0xC0];
	v15 =	vadd.f32 v13, v12;
	_ =	sdelay $0x1  }
0xe4: {  	v15 =	vadd.f32 $1.000000010e-10, v15;
	_ =	sdelay $0x2  }
0xe5: {  	v14 =	vcvt.s32.f32 v14;
	v16 =	vpop (erf)  }
0xe6: {  	(erf) = vrcp.f32 v15;
	v15 =	vpop (erf)  }
0xe7: {  	v17 =	vmul.f32 v14, v5;
	v14 =	vmul.f32 v14, v7;
	v18 =	vpop (erf)  }
0xe8: {  	v19 =	vmul.f32 v18, v1;
	v18 =	vmul.f32 v18, v3  }
0xe9: {  	v17 =	vadd.f32 v17, v4;
	v14 =	vadd.f32 v14, v6  }
0xea: {  	v19 =	vadd.f32 v19, v0;
	v18 =	vadd.f32 v18, v2  }
0xeb: {  	v11 =	vmul.f32 v16, v11;
	v8 =	vmul.f32 v16, v8  }
0xec: {  	v16 =	vmul.f32 v19, v17;
	v14 =	vmul.f32 v18, v14;
	_ =	sdelay $0x1  }
0xed: {  	s0 =	simm.s32 $0x700;
	[tilespmem:s28+$0xFFFFFEB0] =	vst v8;
	v8 =	vmul.f32 v15, v10;
	v10 =	vadd.f32 v14, v16  }
0xee: {  	v25 =	vld [tilespmem:s0+$0xFFFFFF00]  }
0xef: {  	s31 =	simm.s32 $0x4A00;
	v32 =	vld [tilespmem:s0+$0x0];
	v10 =	vadd.f32 $1.000000010e-10, v10  }
0xf0: {  	v21 =	vld [tilespmem:s31+$0xFFFFFE80];
	[tilespmem:s28+$0xFFFFFE30] =	vst v11;
	v9 =	vmul.f32 v15, v9  }
0xf1: {  	v20 =	vld [tilespmem:s31+$0x180];
	[tilespmem:s28+$0xFFFFFF30] =	vst v8;
	v11 =	vpop (erf);
	(erf) = vrcp.f32 v10  }
0xf2: {  	v15 =	vld [tilespmem:s30+$0xFFFFFEC0];
	[tilespmem:s28+$0xFFFFFFB0] =	vst v9;
	v8 =	vmul.f32 v11, v12  }
0xf3: {  	v9 =	vld [tilespmem:s30+$0xFFFFFF40];
	v11 =	vmul.f32 v11, v13  }
0xf4: {  	v17 =	vld [tilespmem:s30+$0xFFFFFE40];
	[tilespmem:s28+$0x30] =	vst v8  }
0xf5: {  	v8 =	vld [tilespmem:s30+$0xFFFFFFC0];
	[tilespmem:s28+$0xB0] =	vst v11  }
0xf6: {  	v11 =	vld [tilespmem:s30+$0xC0]  }
0xf7: {  	v10 =	vld [tilespmem:s30+$0x40]  }
0xf8: {  	v19 =	vld [tilespmem:s31+$0x100]  }
0xf9: {  	v12 =	vld [tilespmem:s29+$0xFFFFFF40]  }
0xfa: {  	v13 =	vld [tilespmem:s29+$0xFFFFFFC0];
	v15 =	vsub.f32 v15, v17;
	v22 =	vpop (erf)  }
0xfb: {  	v17 =	vld [tilespmem:s31+$0xFFFFFF00];
	v8 =	vsub.f32 v8, v9;
	v16 =	vmul.f32 v22, v16  }
0xfc: {  	v15 =	vmin.f32 v15, $6.000000000e+01;
	v9 =	vld [tilespmem:s31+$0xFFFFFF80];
	v10 =	vsub.f32 v11, v10;
	v14 =	vmul.f32 v22, v14  }
0xfd: {  	v19 =	vsub.f32 v20, v19;
	v15 =	vmul.f32 $1.442695020e+00, v15;
	v11 =	vld [tilespmem:s31+$0x0];
	v8 =	vmin.f32 v8, $6.000000000e+01;
	[tilespmem:s28+$0x140] =	vst v16  }
0xfe: {  	v8 =	vmul.f32 $1.442695020e+00, v8;
	v10 =	vmin.f32 v10, $6.000000000e+01;
	v22 =	vld [tilespmem:s31+$0x80];
	[tilespmem:s28+$0x1C0] =	vst v14  }
0xff: {  	(erf) = vpow2.f32 v15;
	v10 =	vmul.f32 $1.442695020e+00, v10;
	v14 =	vmin.f32 v19, $6.000000000e+01;
	v15 =	vld [tilespmem:s30+$0x150]  }
0x100: {  	(erf) = vpow2.f32 v8;
	v8 =	vmul.f32 $1.442695020e+00, v14;
	v14 =	vld [tilespmem:s30+$0x1D0]  }
0x101: {  	v16 =	vld [tilespmem:s31+$0xFFFFFE00]  }
0x102: {  	v25 =	vcvt.s32.f32 v25;
	(erf) = vpow2.f32 v10  }
0x103: {  	v56 =	vcvt.s32.f32 v32;
	(erf) = vpow2.f32 v8  }
0x104: {  	v55 =	vmul.f32 v25, v5;
	v25 =	vmul.f32 v25, v7;
	v9 =	vsub.f32 v9, v17  }
0x105: {  	v12 =	vcvt.s32.f32 v12;
	v11 =	vsub.f32 v22, v11;
	v14 =	vsub.f32 v14, v15  }
0x106: {  	v18 =	vld [tilespmem:s29+$0x40];
	v10 =	vcvt.s32.f32 v13;
	v9 =	vmin.f32 v9, $6.000000000e+01;
	v16 =	vsub.f32 v21, v16  }
0x107: {  	v9 =	vmul.f32 $1.442695020e+00, v9;
	v19 =	vmul.f32 v12, v5;
	v11 =	vmin.f32 v11, $6.000000000e+01  }
0x108: {  	v17 =	vld [tilespmem:s0+$0x80];
	v8 =	vmul.f32 v12, v7;
	v11 =	vmul.f32 $1.442695020e+00, v11;
	v15 =	vmin.f32 v16, $6.000000000e+01  }
0x109: {  	(erf) = vpow2.f32 v9;
	v15 =	vmul.f32 $1.442695020e+00, v15;
	v9 =	vmin.f32 v14, $6.000000000e+01;
	v14 =	vpop (erf)  }
0x10a: {  	(erf) = vpow2.f32 v11;
	v9 =	vmul.f32 $1.442695020e+00, v9;
	v16 =	vpop (erf)  }
0x10b: {  	v12 =	vcvt.s32.f32 v18;
	v21 =	vld [tilespmem:s29+$0xD0];
	(erf) = vpow2.f32 v15;
	v18 =	vpop (erf)  }
0x10c: {  	v13 =	vmul.f32 v10, v5;
	v11 =	vadd.f32 v19, v4;
	(erf) = vpow2.f32 v9;
	v19 =	vpop (erf)  }
0x10d: {  	v15 =	vcvt.s32.f32 v17;
	v20 =	vmul.f32 v19, v1  }
0x10e: {  	v34 =	vmul.f32 v56, v5;
	v10 =	vmul.f32 v10, v7  }
0x10f: {  	v9 =	vadd.f32 v13, v4;
	v13 =	vmul.f32 v15, v5;
	v20 =	vadd.f32 v20, v0  }
0x110: {  	v25 =	vadd.f32 v25, v6;
	v21 =	vcvt.s32.f32 v21;
	v17 =	vmul.f32 v12, v5  }
0x111: {  	v15 =	vmul.f32 v15, v7;
	v19 =	vmul.f32 v19, v3;
	v13 =	vadd.f32 v13, v4  }
0x112: {  	v10 =	vadd.f32 v10, v6;
	v12 =	vmul.f32 v12, v7;
	v22 =	vmul.f32 v14, v1;
	v23 =	vpop (erf)  }
0x113: {  	v15 =	vadd.f32 v15, v6;
	v19 =	vadd.f32 v19, v2;
	v13 =	vmul.f32 v20, v13;
	v20 =	vpop (erf)  }
0x114: {  	v8 =	vadd.f32 v8, v6;
	v28 =	vmul.f32 v21, v5;
	v21 =	vmul.f32 v21, v7;
	v26 =	vpop (erf)  }
0x115: {  	v17 =	vadd.f32 v17, v4;
	v22 =	vadd.f32 v22, v0;
	v15 =	vmul.f32 v19, v15;
	v29 =	vpop (erf)  }
0x116: {  	v28 =	vadd.f32 v28, v4;
	v31 =	vmul.f32 v29, v1;
	v29 =	vmul.f32 v29, v3  }
0x117: {  	v14 =	vmul.f32 v14, v3;
	v21 =	vadd.f32 v21, v6;
	v27 =	vadd.f32 v15, v13  }
0x118: {  	v11 =	vmul.f32 v22, v11;
	v22 =	vadd.f32 v31, v0;
	v29 =	vadd.f32 v29, v2  }
0x119: {  	v24 =	vmul.f32 v18, v1;
	v57 =	vmul.f32 v23, v1;
	v27 =	vadd.f32 $1.000000010e-10, v27  }
0x11a: {  	v30 =	vld [tilespmem:s0+$0xFFFFFF80];
	v14 =	vadd.f32 v14, v2;
	v22 =	vmul.f32 v22, v28;
	v21 =	vmul.f32 v29, v21  }
0x11b: {  	v12 =	vadd.f32 v12, v6;
	v23 =	vmul.f32 v23, v3;
	(erf) = vrcp.f32 v27  }
0x11c: {  	v18 =	vmul.f32 v18, v3;
	v8 =	vmul.f32 v14, v8;
	v58 =	vadd.f32 v21, v22  }
0x11d: {  	v23 =	vadd.f32 v23, v2;
	v19 =	vmul.f32 v16, v1;
	v16 =	vmul.f32 v16, v3  }
0x11e: {  	v33 =	vmul.f32 v20, v1;
	v59 =	vmul.f32 v26, v1;
	v31 =	vadd.f32 $1.000000010e-10, v58  }
0x11f: {  	v19 =	vadd.f32 v19, v0;
	v26 =	vmul.f32 v26, v3;
	v27 =	vcvt.s32.f32 v30  }
0x120: {  	v16 =	vadd.f32 v16, v2;
	v61 =	vadd.f32 v33, v0;
	(erf) = vrcp.f32 v31  }
0x121: {  	v26 =	vadd.f32 v26, v2;
	v60 =	vmul.f32 v27, v5;
	v27 =	vmul.f32 v27, v7  }
0x122: {  	v20 =	vmul.f32 v20, v3;
	v32 =	vadd.f32 v59, v0;
	v28 =	vadd.f32 v55, v4  }
0x123: {  	v30 =	vadd.f32 v57, v0;
	v25 =	vmul.f32 v26, v25;
	v27 =	vadd.f32 v27, v6  }
0x124: {  	v29 =	vmul.f32 v56, v7;
	v28 =	vmul.f32 v32, v28;
	v31 =	vadd.f32 v60, v4;
	v62 =	vpop (erf)  }
0x125: {  	v20 =	vadd.f32 v20, v2;
	v23 =	vmul.f32 v23, v27;
	v13 =	vmul.f32 v62, v13  }
0x126: {  	s3 =	simm.s32 $0xCA00;
	v27 =	vadd.f32 v25, v28;
	v15 =	vmul.f32 v62, v15;
	v30 =	vmul.f32 v30, v31  }
0x127: {  	v9 =	vmul.f32 v19, v9;
	v26 =	vadd.f32 v34, v4;
	[tilespmem:s3+$0x100] =	vst v13;
	v13 =	vadd.f32 v29, v6  }
0x128: {  	v10 =	vmul.f32 v16, v10;
	v19 =	vadd.f32 $1.000000010e-10, v27;
	[tilespmem:s3+$0x180] =	vst v15;
	v15 =	vadd.f32 v23, v30  }
0x129: {  	v24 =	vadd.f32 v24, v0;
	v14 =	vmul.f32 v61, v26;
	v26 =	vld [tilespmem:s31+$0x110];
	v13 =	vmul.f32 v20, v13;
	v20 =	vpop (erf)  }
0x12a: {  	(erf) = vrcp.f32 v19;
	v16 =	vld [tilespmem:s31+$0x190];
	v15 =	vadd.f32 $1.000000010e-10, v15;
	v19 =	vmul.f32 v20, v22  }
0x12b: {  	v18 =	vadd.f32 v18, v2;
	v22 =	vadd.f32 v13, v14;
	v20 =	vmul.f32 v20, v21  }
0x12c: {  	v27 =	vadd.f32 v8, v11;
	(erf) = vrcp.f32 v15;
	[tilespmem:s28+$0x150] =	vst v19  }
0x12d: {  	v17 =	vmul.f32 v24, v17;
	v12 =	vmul.f32 v18, v12;
	v15 =	vadd.f32 $1.000000010e-10, v22;
	[tilespmem:s28+$0x1D0] =	vst v20  }
0x12e: {  	v18 =	vadd.f32 $1.000000010e-10, v27;
	v21 =	vadd.f32 v10, v9;
	v20 =	vld [tilespmem:s30+$0x160]  }
0x12f: {  	v16 =	vsub.f32 v16, v26;
	v19 =	vadd.f32 v12, v17;
	(erf) = vrcp.f32 v15;
	v15 =	vld [tilespmem:s30+$0x1E0]  }
0x130: {  	v21 =	vadd.f32 $1.000000010e-10, v21  }
0x131: {  	v16 =	vmin.f32 v16, $6.000000000e+01;
	v19 =	vadd.f32 $1.000000010e-10, v19;
	(erf) = vrcp.f32 v18  }
0x132: {  	v16 =	vmul.f32 $1.442695020e+00, v16;
	(erf) = vrcp.f32 v21  }
0x133: {  	(erf) = vrcp.f32 v19  }
0x134: {  	v18 =	vpop (erf);
	(erf) = vpow2.f32 v16;
	v15 =	vsub.f32 v15, v20  }
0x135: {  	v16 =	vmul.f32 v18, v28;
	v19 =	vpop (erf);
	v18 =	vmul.f32 v18, v25  }
0x136: {  	v20 =	vmul.f32 v19, v30;
	v15 =	vmin.f32 v15, $6.000000000e+01  }
0x137: {  	[tilespmem:s3+$0xFFFFFE00] =	vst v16;
	v16 =	vld [tilespmem:s0+$0x90];
	v15 =	vmul.f32 $1.442695020e+00, v15  }
0x138: {  	v19 =	vmul.f32 v19, v23;
	[tilespmem:s3+$0xFFFFFE80] =	vst v18  }
0x139: {  	v21 =	vld [tilespmem:s31+$0xFFFFFE10];
	[tilespmem:s3+$0xFFFFFF00] =	vst v20;
	v18 =	vpop (erf)  }
0x13a: {  	[tilespmem:s3+$0xFFFFFF80] =	vst v19;
	v19 =	vld [tilespmem:s31+$0xFFFFFE90];
	v20 =	vpop (erf);
	v14 =	vmul.f32 v18, v14;
	(erf) = vpow2.f32 v15  }
0x13b: {  	v13 =	vmul.f32 v18, v13;
	v11 =	vmul.f32 v20, v11;
	v15 =	vpop (erf)  }
0x13c: {  	v18 =	vld [tilespmem:s31+$0xFFFFFF10];
	v8 =	vmul.f32 v20, v8;
	[tilespmem:s3+$0x0] =	vst v14;
	v14 =	vcvt.s32.f32 v16;
	v20 =	vpop (erf)  }
0x13d: {  	v16 =	vld [tilespmem:s29+$0xE0];
	v9 =	vmul.f32 v15, v9;
	v10 =	vmul.f32 v15, v10;
	v15 =	vpop (erf)  }
0x13e: {  	[tilespmem:s3+$0x80] =	vst v13;
	v13 =	vld [tilespmem:s31+$0xFFFFFF90];
	v24 =	vmul.f32 v14, v5;
	v23 =	vmul.f32 v15, v1  }
0x13f: {  	v19 =	vsub.f32 v19, v21;
	v22 =	vld [tilespmem:s31+$0x10];
	v17 =	vmul.f32 v20, v17  }
0x140: {  	v12 =	vmul.f32 v20, v12;
	v20 =	vld [tilespmem:s31+$0x90];
	v21 =	vadd.f32 v23, v0;
	v23 =	vadd.f32 v24, v4  }
0x141: {  	v14 =	vmul.f32 v14, v7  }
0x142: {  	[tilespmem:s28+$0xFFFFFE40] =	vst v11;
	v15 =	vmul.f32 v15, v3;
	v16 =	vcvt.s32.f32 v16  }
0x143: {  	v11 =	vld [tilespmem:s0+$0xFFFFFF90];
	[tilespmem:s28+$0xFFFFFEC0] =	vst v8;
	v19 =	vmin.f32 v19, $6.000000000e+01;
	v14 =	vadd.f32 v14, v6;
	v13 =	vsub.f32 v13, v18  }
0x144: {  	v8 =	vld [tilespmem:s0+$0x10];
	[tilespmem:s28+$0xFFFFFF40] =	vst v9;
	v15 =	vadd.f32 v15, v2;
	v18 =	vmul.f32 v21, v23;
	v21 =	vmul.f32 v16, v5;
	v23 =	vpop (erf)  }
0x145: {  	v9 =	vld [tilespmem:s30+$0xFFFFFE50];
	[tilespmem:s28+$0xFFFFFFC0] =	vst v10;
	v16 =	vmul.f32 v16, v7;
	v20 =	vsub.f32 v20, v22;
	v22 =	vmul.f32 v23, v1  }
0x146: {  	[tilespmem:s28+$0x40] =	vst v17;
	v17 =	vld [tilespmem:s30+$0xFFFFFF50];
	v14 =	vmul.f32 v15, v14;
	v15 =	vadd.f32 v21, v4;
	v23 =	vmul.f32 v23, v3  }
0x147: {  	v19 =	vmul.f32 $1.442695020e+00, v19;
	[tilespmem:s28+$0xC0] =	vst v12;
	v12 =	vld [tilespmem:s30+$0xFFFFFFD0];
	v16 =	vadd.f32 v16, v6;
	v21 =	vadd.f32 v22, v0  }
0x148: {  	v10 =	vmin.f32 v13, $6.000000000e+01;
	v13 =	vld [tilespmem:s30+$0xFFFFFED0];
	v22 =	vadd.f32 v23, v2;
	v23 =	vadd.f32 v14, v18  }
0x149: {  	v24 =	vld [tilespmem:s0+$0xFFFFFF10];
	(erf) = vpow2.f32 v19;
	v10 =	vmul.f32 $1.442695020e+00, v10  }
0x14a: {  	v11 =	vcvt.s32.f32 v11;
	v16 =	vmul.f32 v22, v16;
	v22 =	vadd.f32 $1.000000010e-10, v23  }
0x14b: {  	(erf) = vpow2.f32 v10;
	v15 =	vmul.f32 v21, v15  }
0x14c: {  	v20 =	vmin.f32 v20, $6.000000000e+01;
	v12 =	vsub.f32 v12, v17;
	(erf) = vrcp.f32 v22  }
0x14d: {  	v19 =	vld [tilespmem:s30+$0xD0];
	v20 =	vmul.f32 $1.442695020e+00, v20;
	v9 =	vsub.f32 v13, v9;
	v10 =	vadd.f32 v16, v15  }
0x14e: {  	v8 =	vcvt.s32.f32 v8;
	v12 =	vmin.f32 v12, $6.000000000e+01;
	v21 =	vld [tilespmem:s30+$0x50];
	v23 =	vcvt.s32.f32 v24  }
0x14f: {  	v9 =	vmin.f32 v9, $6.000000000e+01;
	(erf) = vpow2.f32 v20;
	v10 =	vadd.f32 $1.000000010e-10, v10  }
0x150: {  	v12 =	vmul.f32 $1.442695020e+00, v12;
	v9 =	vmul.f32 $1.442695020e+00, v9  }
0x151: {  	v13 =	vmul.f32 v23, v5;
	(erf) = vrcp.f32 v10  }
0x152: {  	v17 =	vmul.f32 v23, v7;
	v20 =	vmul.f32 v8, v5  }
0x153: {  	v8 =	vmul.f32 v8, v7;
	v13 =	vadd.f32 v13, v4;
	v19 =	vsub.f32 v19, v21;
	v21 =	vpop (erf)  }
0x154: {  	v17 =	vadd.f32 v17, v6;
	v10 =	vmul.f32 v11, v5;
	v22 =	vmul.f32 v21, v1;
	v23 =	vpop (erf)  }
0x155: {  	v20 =	vadd.f32 v20, v4;
	v11 =	vmul.f32 v11, v7;
	v21 =	vmul.f32 v21, v3;
	v25 =	vpop (erf)  }
0x156: {  	v24 =	vmul.f32 v23, v1;
	v22 =	vadd.f32 v22, v0;
	v18 =	vmul.f32 v25, v18  }
0x157: {  	v8 =	vadd.f32 v8, v6;
	v23 =	vmul.f32 v23, v3;
	(erf) = vpow2.f32 v9  }
0x158: {  	v10 =	vadd.f32 v10, v4;
	v21 =	vadd.f32 v21, v2;
	v13 =	vmul.f32 v22, v13;
	v26 =	vpop (erf)  }
0x159: {  	v11 =	vadd.f32 v11, v6;
	v14 =	vmul.f32 v25, v14;
	v22 =	vmul.f32 v26, v3  }
0x15a: {  	v24 =	vadd.f32 v24, v0;
	v17 =	vmul.f32 v21, v17;
	v25 =	vld [tilespmem:s29+$0xFFFFFF50];
	v27 =	vmul.f32 v26, v1;
	[tilespmem:s3+$0x110] =	vst v18;
	v18 =	vpop (erf)  }
0x15b: {  	v23 =	vadd.f32 v23, v2;
	v26 =	vld [tilespmem:s29+$0xFFFFFFD0];
	[tilespmem:s3+$0x190] =	vst v14;
	v21 =	vadd.f32 v22, v2;
	v14 =	vmul.f32 v18, v15  }
0x15c: {  	v22 =	vld [tilespmem:s31+$0x120];
	v15 =	vadd.f32 v27, v0;
	v16 =	vmul.f32 v18, v16;
	v18 =	vadd.f32 v17, v13  }
0x15d: {  	v19 =	vmin.f32 v19, $6.000000000e+01;
	v10 =	vmul.f32 v24, v10;
	v11 =	vmul.f32 v23, v11;
	v23 =	vld [tilespmem:s31+$0x1A0];
	[tilespmem:s28+$0x160] =	vst v14  }
0x15e: {  	v8 =	vmul.f32 v21, v8;
	v14 =	vld [tilespmem:s29+$0x50];
	v15 =	vmul.f32 v15, v20;
	[tilespmem:s28+$0x1E0] =	vst v16;
	v16 =	vadd.f32 $1.000000010e-10, v18  }
0x15f: {  	v9 =	vmul.f32 $1.442695020e+00, v19;
	(erf) = vpow2.f32 v12;
	v18 =	vadd.f32 v11, v10;
	v20 =	vld [tilespmem:s30+$0x170]  }
0x160: {  	v21 =	vld [tilespmem:s30+$0x1F0];
	v19 =	vadd.f32 v8, v15;
	(erf) = vrcp.f32 v16  }
0x161: {  	v12 =	vcvt.s32.f32 v25;
	v18 =	vadd.f32 $1.000000010e-10, v18;
	(erf) = vpow2.f32 v9  }
0x162: {  	v9 =	vcvt.s32.f32 v26;
	v16 =	vadd.f32 $1.000000010e-10, v19;
	v19 =	vsub.f32 v23, v22  }
0x163: {  	(erf) = vrcp.f32 v18;
	v14 =	vcvt.s32.f32 v14  }
0x164: {  	v18 =	vmin.f32 v19, $6.000000000e+01;
	(erf) = vrcp.f32 v16;
	v16 =	vmul.f32 v12, v5  }
0x165: {  	v19 =	vsub.f32 v21, v20;
	v12 =	vmul.f32 v12, v7;
	v20 =	vmul.f32 v9, v5  }
0x166: {  	v9 =	vmul.f32 v9, v7;
	v21 =	vpop (erf);
	v18 =	vmul.f32 $1.442695020e+00, v18  }
0x167: {  	v23 =	vmul.f32 v21, v1;
	v21 =	vmul.f32 v21, v3  }
0x168: {  	v24 =	vpop (erf);
	v12 =	vadd.f32 v12, v6;
	(erf) = vpow2.f32 v18;
	v18 =	vmin.f32 v19, $6.000000000e+01  }
0x169: {  	v22 =	vld [tilespmem:s0+$0xA0];
	v19 =	vmul.f32 v14, v5;
	v21 =	vadd.f32 v21, v2;
	v18 =	vmul.f32 $1.442695020e+00, v18;
	v25 =	vpop (erf)  }
0x16a: {  	v27 =	vld [tilespmem:s29+$0xF0];
	v14 =	vmul.f32 v14, v7;
	v13 =	vmul.f32 v25, v13  }
0x16b: {  	v12 =	vmul.f32 v21, v12;
	(erf) = vpow2.f32 v18;
	v26 =	vpop (erf)  }
0x16c: {  	v18 =	vmul.f32 v24, v1;
	v17 =	vmul.f32 v25, v17;
	v25 =	vpop (erf)  }
0x16d: {  	v63 =	vadd.f32 v9, v6;
	v24 =	vmul.f32 v24, v3;
	[tilespmem:s3+$0xFFFFFE10] =	vst v13;
	v9 =	vmul.f32 v25, v10  }
0x16e: {  	v16 =	vadd.f32 v16, v4;
	v11 =	vmul.f32 v25, v11;
	[tilespmem:s3+$0xFFFFFE90] =	vst v17;
	v17 =	vcvt.s32.f32 v22;
	v13 =	vpop (erf)  }
0x16f: {  	v10 =	vadd.f32 v23, v0;
	v25 =	vcvt.s32.f32 v27;
	v22 =	vld [tilespmem:s31+$0xFFFFFE20];
	[tilespmem:s3+$0xFFFFFF10] =	vst v9;
	v15 =	vmul.f32 v13, v15  }
0x170: {  	v23 =	vadd.f32 v24, v2;
	v9 =	vld [tilespmem:s31+$0xFFFFFEA0];
	[tilespmem:s3+$0xFFFFFF90] =	vst v11;
	v11 =	vmul.f32 v17, v5;
	v8 =	vmul.f32 v13, v8  }
0x171: {  	v17 =	vmul.f32 v17, v7;
	v37 =	vmul.f32 v25, v5;
	v13 =	vadd.f32 v18, v0;
	v18 =	vpop (erf);
	[tilespmem:s3+$0x10] =	vst v15  }
0x172: {  	v24 =	vld [tilespmem:s31+$0xFFFFFF20];
	v11 =	vadd.f32 v11, v4;
	v15 =	vmul.f32 v18, v1;
	[tilespmem:s3+$0x90] =	vst v8;
	v8 =	vmul.f32 v18, v3  }
0x173: {  	v25 =	vmul.f32 v25, v7;
	v27 =	vld [tilespmem:s31+$0xFFFFFFA0];
	v17 =	vadd.f32 v17, v6;
	v30 =	vadd.f32 v37, v4  }
0x174: {  	v16 =	vmul.f32 v10, v16;
	v15 =	vadd.f32 v15, v0;
	v38 =	vpop (erf);
	v8 =	vadd.f32 v8, v2  }
0x175: {  	v22 =	vsub.f32 v9, v22;
	v40 =	vmul.f32 v38, v1;
	v31 =	vmul.f32 v38, v3  }
0x176: {  	v25 =	vadd.f32 v25, v6;
	v18 =	vld [tilespmem:s31+$0x20];
	v11 =	vmul.f32 v15, v11;
	v15 =	vmul.f32 v8, v17  }
0x177: {  	v39 =	vld [tilespmem:s31+$0xA0];
	v22 =	vmin.f32 v22, $6.000000000e+01;
	v10 =	vadd.f32 v40, v0;
	v31 =	vadd.f32 v31, v2  }
0x178: {  	v17 =	vsub.f32 v27, v24;
	v22 =	vmul.f32 $1.442695020e+00, v22;
	v24 =	vadd.f32 v15, v11  }
0x179: {  	v20 =	vadd.f32 v20, v4;
	v21 =	vld [tilespmem:s0+$0x20];
	v8 =	vmul.f32 v10, v30;
	v9 =	vmul.f32 v31, v25  }
0x17a: {  	v19 =	vadd.f32 v19, v4;
	v36 =	vmul.f32 v26, v1;
	v24 =	vadd.f32 $1.000000010e-10, v24  }
0x17b: {  	v26 =	vmul.f32 v26, v3;
	v10 =	vld [tilespmem:s0+$0xFFFFFF20];
	(erf) = vpow2.f32 v22;
	v27 =	vadd.f32 v9, v8  }
0x17c: {  	v23 =	vmul.f32 v23, v63;
	v18 =	vsub.f32 v39, v18;
	v25 =	vld [tilespmem:s0+$0xFFFFFFA0];
	(erf) = vrcp.f32 v24  }
0x17d: {  	v13 =	vmul.f32 v13, v20;
	v17 =	vmin.f32 v17, $6.000000000e+01;
	v22 =	vadd.f32 $1.000000010e-10, v27  }
0x17e: {  	v21 =	vcvt.s32.f32 v21;
	v17 =	vmul.f32 $1.442695020e+00, v17;
	v18 =	vmin.f32 v18, $6.000000000e+01  }
0x17f: {  	v14 =	vadd.f32 v14, v6;
	v18 =	vmul.f32 $1.442695020e+00, v18;
	(erf) = vrcp.f32 v22  }
0x180: {  	v43 =	vadd.f32 v23, v13;
	v10 =	vcvt.s32.f32 v10;
	(erf) = vpow2.f32 v17  }
0x181: {  	v27 =	vadd.f32 v36, v0;
	v24 =	vcvt.s32.f32 v25;
	(erf) = vpow2.f32 v18  }
0x182: {  	v30 =	vadd.f32 $1.000000010e-10, v43;
	v18 =	vmul.f32 v10, v5;
	v10 =	vmul.f32 v10, v7  }
0x183: {  	v19 =	vmul.f32 v27, v19;
	v17 =	vadd.f32 v12, v16;
	v25 =	vmul.f32 v24, v5  }
0x184: {  	v24 =	vmul.f32 v24, v7;
	v20 =	vpop (erf);
	v41 =	vadd.f32 v10, v6;
	v10 =	vmul.f32 v21, v7  }
0x185: {  	v22 =	vadd.f32 v26, v2;
	v27 =	vmul.f32 v20, v1;
	v20 =	vmul.f32 v20, v3;
	v42 =	vpop (erf)  }
0x186: {  	v26 =	vmul.f32 v21, v5;
	v17 =	vadd.f32 $1.000000010e-10, v17;
	v11 =	vmul.f32 v42, v11  }
0x187: {  	v14 =	vmul.f32 v22, v14;
	v21 =	vadd.f32 v24, v6;
	v20 =	vadd.f32 v20, v2  }
0x188: {  	v24 =	vadd.f32 v26, v4;
	v26 =	vadd.f32 v10, v6;
	v15 =	vmul.f32 v42, v15;
	v10 =	vpop (erf)  }
0x189: {  	v25 =	vadd.f32 v25, v4;
	v22 =	vadd.f32 v27, v0;
	v20 =	vmul.f32 v20, v41;
	[tilespmem:s3+$0x120] =	vst v11;
	v27 =	vpop (erf)  }
0x18a: {  	v18 =	vadd.f32 v18, v4;
	[tilespmem:s3+$0x1A0] =	vst v15;
	v44 =	vmul.f32 v27, v1;
	v11 =	vpop (erf);
	v27 =	vmul.f32 v27, v3  }
0x18b: {  	v45 =	vadd.f32 v14, v19;
	v48 =	vld [tilespmem:s31+$0x1B0];
	v46 =	vmul.f32 v11, v1;
	v11 =	vmul.f32 v11, v3  }
0x18c: {  	v15 =	vmul.f32 v22, v18;
	v18 =	vadd.f32 v44, v0;
	v22 =	vadd.f32 v27, v2;
	v27 =	vld [tilespmem:s31+$0x130]  }
0x18d: {  	(erf) = vrcp.f32 v17;
	v47 =	vadd.f32 v46, v0;
	v11 =	vadd.f32 v11, v2  }
0x18e: {  	v18 =	vmul.f32 v18, v25;
	v21 =	vmul.f32 v22, v21;
	v22 =	vadd.f32 v20, v15  }
0x18f: {  	v25 =	vadd.f32 $1.000000010e-10, v45;
	v24 =	vmul.f32 v47, v24;
	v11 =	vmul.f32 v11, v26  }
0x190: {  	(erf) = vrcp.f32 v30;
	v17 =	vadd.f32 v21, v18;
	v22 =	vadd.f32 $1.000000010e-10, v22  }
0x191: {  	(erf) = vrcp.f32 v25;
	v26 =	vadd.f32 v11, v24;
	v25 =	vsub.f32 v48, v27  }
0x192: {  	v17 =	vadd.f32 $1.000000010e-10, v17;
	(erf) = vrcp.f32 v22  }
0x193: {  	v22 =	vadd.f32 $1.000000010e-10, v26;
	v25 =	vmin.f32 v25, $6.000000000e+01  }
0x194: {  	(erf) = vrcp.f32 v17;
	v17 =	vmul.f32 $1.442695020e+00, v25  }
0x195: {  	(erf) = vrcp.f32 v22;
	_ =	sdelay $0x1  }
0x196: {  	(erf) = vpow2.f32 v17  }
0x197: {  	v22 =	vld [tilespmem:s0+$0xB0];
	v17 =	vpop (erf)  }
0x198: {  	v16 =	vmul.f32 v17, v16;
	v25 =	vpop (erf);
	v12 =	vmul.f32 v17, v12  }
0x199: {  	v17 =	vpop (erf)  }
0x19a: {  	v26 =	vpop (erf);
	[tilespmem:s28+$0xFFFFFE50] =	vst v16  }
0x19b: {  	[tilespmem:s28+$0xFFFFFED0] =	vst v12;
	v15 =	vmul.f32 v26, v15  }
0x19c: {  	v22 =	vcvt.s32.f32 v22;
	v16 =	vmul.f32 v26, v20;
	v20 =	vld [tilespmem:s30+$0xFFFFFE60];
	v12 =	vpop (erf)  }
0x19d: {  	v18 =	vmul.f32 v12, v18;
	v26 =	vpop (erf);
	[tilespmem:s3+$0xFFFFFE20] =	vst v15;
	v15 =	vld [tilespmem:s30+$0xFFFFFEE0];
	v12 =	vmul.f32 v12, v21  }
0x19e: {  	[tilespmem:s3+$0xFFFFFEA0] =	vst v16;
	v16 =	vld [tilespmem:s29+$0xFFFFFF60];
	v21 =	vmul.f32 v26, v24;
	v24 =	vmul.f32 v22, v5  }
0x19f: {  	v22 =	vmul.f32 v22, v7;
	v27 =	vpop (erf);
	v49 =	vld [tilespmem:s31+$0xFFFFFE30];
	v11 =	vmul.f32 v26, v11;
	[tilespmem:s3+$0xFFFFFF20] =	vst v18  }
0x1a0: {  	v50 =	vld [tilespmem:s31+$0xFFFFFEB0];
	v18 =	vmul.f32 v27, v1;
	v27 =	vmul.f32 v27, v3;
	[tilespmem:s3+$0xFFFFFFA0] =	vst v12  }
0x1a1: {  	v13 =	vmul.f32 v25, v13;
	v12 =	vadd.f32 v24, v4;
	v22 =	vadd.f32 v22, v6;
	v24 =	vld [tilespmem:s31+$0xFFFFFF30];
	[tilespmem:s3+$0x20] =	vst v21  }
0x1a2: {  	v23 =	vmul.f32 v25, v23;
	v25 =	vld [tilespmem:s31+$0xFFFFFFB0];
	[tilespmem:s3+$0xA0] =	vst v11;
	v18 =	vadd.f32 v18, v0;
	v21 =	vadd.f32 v27, v2  }
0x1a3: {  	v19 =	vmul.f32 v17, v19;
	v14 =	vmul.f32 v17, v14;
	v17 =	vld [tilespmem:s31+$0xB0]  }
0x1a4: {  	v11 =	vsub.f32 v15, v20;
	v15 =	vld [tilespmem:s31+$0x30];
	v12 =	vmul.f32 v18, v12;
	v18 =	vmul.f32 v21, v22;
	_ =	sdelay $0x1  }
0x1a5: {  	v16 =	vcvt.s32.f32 v16;
	v11 =	vmin.f32 v11, $6.000000000e+01;
	v21 =	vadd.f32 v18, v12  }
0x1a6: {  	[tilespmem:s28+$0xFFFFFF50] =	vst v13;
	v13 =	vld [tilespmem:s0+$0xFFFFFFB0];
	v20 =	vsub.f32 v50, v49;
	v11 =	vmul.f32 $1.442695020e+00, v11  }
0x1a7: {  	v22 =	vld [tilespmem:s0+$0xFFFFFF30];
	v26 =	vmul.f32 v16, v5;
	v24 =	vsub.f32 v25, v24;
	v21 =	vadd.f32 $1.000000010e-10, v21  }
0x1a8: {  	[tilespmem:s28+$0xFFFFFFD0] =	vst v23;
	v23 =	vld [tilespmem:s0+$0x30];
	v20 =	vmin.f32 v20, $6.000000000e+01;
	(erf) = vpow2.f32 v11;
	v15 =	vsub.f32 v17, v15  }
0x1a9: {  	v20 =	vmul.f32 $1.442695020e+00, v20;
	v11 =	vld [tilespmem:s30+$0xFFFFFF60];
	v24 =	vmin.f32 v24, $6.000000000e+01;
	(erf) = vrcp.f32 v21  }
0x1aa: {  	[tilespmem:s28+$0x50] =	vst v19;
	v16 =	vmul.f32 v16, v7;
	v17 =	vld [tilespmem:s30+$0xFFFFFFE0];
	v19 =	vmul.f32 $1.442695020e+00, v24;
	v15 =	vmin.f32 v15, $6.000000000e+01  }
0x1ab: {  	(erf) = vpow2.f32 v20;
	v15 =	vmul.f32 $1.442695020e+00, v15  }
0x1ac: {  	[tilespmem:s28+$0xD0] =	vst v14;
	v14 =	vcvt.s32.f32 v22;
	v22 =	vld [tilespmem:s29+$0xFFFFFFE0];
	(erf) = vpow2.f32 v19  }
0x1ad: {  	v13 =	vcvt.s32.f32 v13;
	v21 =	vld [tilespmem:s30+$0xE0];
	(erf) = vpow2.f32 v15  }
0x1ae: {  	v20 =	vld [tilespmem:s30+$0x60];
	v24 =	vmul.f32 v14, v5;
	v14 =	vmul.f32 v14, v7  }
0x1af: {  	v19 =	vadd.f32 v26, v4;
	v15 =	vcvt.s32.f32 v23;
	v11 =	vsub.f32 v17, v11  }
0x1b0: {  	v17 =	vmul.f32 v13, v5;
	v24 =	vadd.f32 v24, v4;
	v13 =	vmul.f32 v13, v7  }
0x1b1: {  	v22 =	vcvt.s32.f32 v22;
	v25 =	vmul.f32 v15, v5;
	v11 =	vmin.f32 v11, $6.000000000e+01;
	v26 =	vpop (erf)  }
0x1b2: {  	v14 =	vadd.f32 v14, v6;
	v15 =	vmul.f32 v15, v7;
	v11 =	vmul.f32 $1.442695020e+00, v11;
	v27 =	vpop (erf)  }
0x1b3: {  	v17 =	vadd.f32 v17, v4;
	v20 =	vsub.f32 v21, v20;
	v12 =	vmul.f32 v27, v12  }
0x1b4: {  	v13 =	vadd.f32 v13, v6;
	v21 =	vpop (erf);
	v18 =	vmul.f32 v27, v18;
	(erf) = vpow2.f32 v11  }
0x1b5: {  	v11 =	vmul.f32 v21, v1;
	v27 =	vpop (erf);
	[tilespmem:s3+$0x130] =	vst v12;
	v12 =	vmin.f32 v20, $6.000000000e+01;
	v20 =	vmul.f32 v21, v3  }
0x1b6: {  	v25 =	vadd.f32 v25, v4;
	v21 =	vmul.f32 v27, v1;
	[tilespmem:s3+$0x1B0] =	vst v18;
	v18 =	vmul.f32 v27, v3;
	v51 =	vpop (erf)  }
0x1b7: {  	v23 =	vld [tilespmem:s29+$0x60];
	v11 =	vadd.f32 v11, v0;
	v12 =	vmul.f32 $1.442695020e+00, v12;
	v52 =	vmul.f32 v51, v1  }
0x1b8: {  	v27 =	vld [tilespmem:s31+$0x140];
	v28 =	vmul.f32 v51, v3;
	v20 =	vadd.f32 v20, v2;
	v21 =	vadd.f32 v21, v0  }
0x1b9: {  	v53 =	vld [tilespmem:s31+$0x1C0];
	v18 =	vadd.f32 v18, v2;
	v11 =	vmul.f32 v11, v24;
	(erf) = vpow2.f32 v12  }
0x1ba: {  	v15 =	vadd.f32 v15, v6;
	v12 =	vmul.f32 v26, v1;
	v20 =	vmul.f32 v20, v14  }
0x1bb: {  	v21 =	vmul.f32 v21, v17;
	v14 =	vadd.f32 v52, v0;
	v13 =	vmul.f32 v18, v13  }
0x1bc: {  	v23 =	vcvt.s32.f32 v23;
	v17 =	vadd.f32 v28, v2;
	v18 =	vadd.f32 v20, v11  }
0x1bd: {  	v12 =	vadd.f32 v12, v0;
	v24 =	vmul.f32 v14, v25;
	v14 =	vadd.f32 v13, v21  }
0x1be: {  	v25 =	vsub.f32 v53, v27;
	v15 =	vmul.f32 v17, v15;
	v18 =	vadd.f32 $1.000000010e-10, v18  }
0x1bf: {  	v26 =	vmul.f32 v26, v3;
	v19 =	vmul.f32 v12, v19;
	v14 =	vadd.f32 $1.000000010e-10, v14  }
0x1c0: {  	v17 =	vpop (erf);
	v25 =	vmin.f32 v25, $6.000000000e+01;
	v54 =	vadd.f32 v15, v24;
	(erf) = vrcp.f32 v18  }
0x1c1: {  	v27 =	vmul.f32 v17, v1;
	v25 =	vmul.f32 $1.442695020e+00, v25  }
0x1c2: {  	v17 =	vmul.f32 v17, v3;
	(erf) = vrcp.f32 v14;
	v14 =	vadd.f32 $1.000000010e-10, v54  }
0x1c3: {  	v18 =	vadd.f32 v26, v2;
	(erf) = vpow2.f32 v25;
	v25 =	vmul.f32 v22, v5  }
0x1c4: {  	v26 =	vadd.f32 v27, v0;
	v27 =	vld [tilespmem:s0+$0xC0];
	v22 =	vmul.f32 v22, v7;
	(erf) = vrcp.f32 v14  }
0x1c5: {  	v55 =	vpop (erf);
	v14 =	vadd.f32 v17, v2;
	v17 =	vmul.f32 v23, v5;
	v25 =	vadd.f32 v25, v4  }
0x1c6: {  	v16 =	vadd.f32 v16, v6;
	v56 =	vmul.f32 v55, v1;
	v23 =	vmul.f32 v23, v7  }
0x1c7: {  	v28 =	vmul.f32 v55, v3;
	v22 =	vadd.f32 v22, v6;
	v57 =	vadd.f32 v17, v4  }
0x1c8: {  	v17 =	vmul.f32 v18, v16;
	v12 =	vadd.f32 v56, v0;
	v16 =	vmul.f32 v26, v25  }
0x1c9: {  	v18 =	vmul.f32 v14, v22;
	v22 =	vadd.f32 v23, v6;
	v23 =	vcvt.s32.f32 v27;
	v25 =	vpop (erf)  }
0x1ca: {  	v14 =	vmul.f32 v12, v57;
	v11 =	vmul.f32 v25, v11  }
0x1cb: {  	v27 =	vmul.f32 v23, v5;
	v20 =	vmul.f32 v25, v20;
	v25 =	vpop (erf)  }
0x1cc: {  	v12 =	vadd.f32 v28, v2;
	v26 =	vadd.f32 v17, v19;
	v23 =	vmul.f32 v23, v7;
	v58 =	vpop (erf);
	[tilespmem:s3+$0xFFFFFE30] =	vst v11  }
0x1cd: {  	v59 =	vadd.f32 v18, v16;
	v11 =	vmul.f32 v58, v1;
	v28 =	vmul.f32 v58, v3;
	[tilespmem:s3+$0xFFFFFEB0] =	vst v20  }
0x1ce: {  	v23 =	vadd.f32 v23, v6;
	v20 =	vmul.f32 v25, v21;
	v21 =	vadd.f32 v27, v4;
	v60 =	vld [tilespmem:s31+$0xFFFFFE40]  }
0x1cf: {  	v13 =	vmul.f32 v25, v13;
	v27 =	vpop (erf);
	v61 =	vld [tilespmem:s31+$0xFFFFFEC0];
	v11 =	vadd.f32 v11, v0;
	v28 =	vadd.f32 v28, v2  }
0x1d0: {  	v26 =	vadd.f32 $1.000000010e-10, v26;
	v15 =	vmul.f32 v27, v15;
	v62 =	vld [tilespmem:s0+$0xFFFFFF40];
	[tilespmem:s3+$0xFFFFFF30] =	vst v20;
	v20 =	vmul.f32 v27, v24  }
0x1d1: {  	[tilespmem:s3+$0xFFFFFFB0] =	vst v13;
	v27 =	vadd.f32 $1.000000010e-10, v59;
	v25 =	vmul.f32 v11, v21;
	v24 =	vmul.f32 v28, v23  }
0x1d2: {  	(erf) = vrcp.f32 v26;
	v11 =	vld [tilespmem:s31+$0xFFFFFF40];
	[tilespmem:s3+$0x30] =	vst v20;
	v20 =	vmul.f32 v12, v22  }
0x1d3: {  	[tilespmem:s3+$0xB0] =	vst v15;
	v12 =	vld [tilespmem:s31+$0xFFFFFFC0];
	(erf) = vrcp.f32 v27;
	v13 =	vadd.f32 v24, v25  }
0x1d4: {  	v15 =	vld [tilespmem:s31+$0x40];
	v21 =	vadd.f32 v20, v14  }
0x1d5: {  	v23 =	vld [tilespmem:s31+$0xC0];
	v22 =	vsub.f32 v61, v60;
	v26 =	vcvt.s32.f32 v62;
	v13 =	vadd.f32 $1.000000010e-10, v13  }
0x1d6: {  	v9 =	vmul.f32 v10, v9;
	v63 =	vld [tilespmem:s0+$0x40];
	v21 =	vadd.f32 $1.000000010e-10, v21  }
0x1d7: {  	v27 =	vld [tilespmem:s0+$0xFFFFFFC0];
	v22 =	vmin.f32 v22, $6.000000000e+01;
	(erf) = vrcp.f32 v13;
	v13 =	vmul.f32 v26, v5  }
0x1d8: {  	v8 =	vmul.f32 v10, v8;
	v10 =	vmul.f32 $1.442695020e+00, v22;
	v11 =	vsub.f32 v12, v11  }
0x1d9: {  	v22 =	vmul.f32 v26, v7;
	(erf) = vrcp.f32 v21  }
0x1da: {  	v15 =	vsub.f32 v23, v15;
	v12 =	vmin.f32 v11, $6.000000000e+01;
	(erf) = vpow2.f32 v10  }
0x1db: {  	s6 =	simm.s32 $0x4;
	[tilespmem:s28+$0x1F0] =	vst v9;
	v9 =	vcvt.s32.f32 v63;
	v10 =	vadd.f32 v13, v4;
	v12 =	vmul.f32 $1.442695020e+00, v12;
	v13 =	vpop (erf)  }
0x1dc: {  	s9 =	simm.s32 $0x4E00;
	s14 =	simm.s32 $0x700;
	s13 =	simm.s32 $0xCA00;
	[tilespmem:s28+$0x170] =	vst v8;
	v11 =	vcvt.s32.f32 v27;
	v8 =	vadd.f32 v22, v6;
	v15 =	vmin.f32 v15, $6.000000000e+01;
	v21 =	vpop (erf)  }
.LBB2_3:
0x1dd: {  	v22 =	vld [tilespmem:s9+$0x100];
	v15 =	vmul.f32 $1.442695020e+00, v15;
	(erf) = vpow2.f32 v12  }
0x1de: {  	v12 =	vmul.f32 v11, v5;
	v11 =	vmul.f32 v11, v7;
	v23 =	vld [tilespmem:s9+$0x180]  }
0x1df: {  	v27 =	vmul.f32 v9, v5;
	v26 =	vld [tilespmem:s9+$0xFFFFFE80];
	(erf) = vpow2.f32 v15  }
0x1e0: {  	v9 =	vmul.f32 v9, v7;
	v15 =	vadd.f32 v12, v4;
	v11 =	vadd.f32 v11, v6;
	v28 =	vld [tilespmem:s9+$0xFFFFFF00];
	v29 =	vpop (erf)  }
0x1e1: {  	v19 =	vmul.f32 v13, v19;
	v12 =	vadd.f32 v27, v4;
	v30 =	vld [tilespmem:s9+$0xFFFFFF80];
	v25 =	vmul.f32 v29, v25  }
0x1e2: {  	v13 =	vmul.f32 v13, v17;
	v9 =	vadd.f32 v9, v6;
	v24 =	vmul.f32 v29, v24;
	v27 =	vld [tilespmem:s9+$0x0];
	v17 =	vpop (erf)  }
0x1e3: {  	v16 =	vmul.f32 v21, v16;
	v18 =	vmul.f32 v21, v18;
	v29 =	vld [tilespmem:s9+$0x80];
	v22 =	vsub.f32 v23, v22;
	[tilespmem:s3+$0x140] =	vst v25;
	v23 =	vpop (erf)  }
0x1e4: {  	v21 =	vld [tilespmem:s9+$0xFFFFFE00];
	v25 =	vmul.f32 v23, v1;
	v23 =	vmul.f32 v23, v3;
	[tilespmem:s3+$0x1C0] =	vst v24  }
0x1e5: {  	v14 =	vmul.f32 v17, v14;
	v22 =	vmin.f32 v22, $6.000000000e+01;
	v24 =	vld [tilespmem:s31+$0x150];
	[tilespmem:s28+$0xFFFFFE60] =	vst v19;
	v19 =	vmul.f32 v17, v20  }
0x1e6: {  	v20 =	vsub.f32 v30, v28;
	v31 =	vmul.f32 $1.442695020e+00, v22;
	v25 =	vadd.f32 v25, v0;
	v28 =	vld [tilespmem:s31+$0x1D0];
	v30 =	vpop (erf);
	[tilespmem:s28+$0xFFFFFEE0] =	vst v13  }
0x1e7: {  	v17 =	vadd.f32 v23, v2;
	v13 =	vmul.f32 v30, v1;
	v23 =	vmul.f32 v30, v3;
	v30 =	vld [tilespmem:s30+$0xFFFFFE70];
	[tilespmem:s28+$0xFFFFFF60] =	vst v16  }
0x1e8: {  	v16 =	vmin.f32 v20, $6.000000000e+01;
	v20 =	vsub.f32 v29, v27;
	(erf) = vpow2.f32 v31;
	v22 =	vpop (erf);
	v27 =	vld [tilespmem:s30+$0xFFFFFEF0];
	[tilespmem:s28+$0xFFFFFFE0] =	vst v18  }
0x1e9: {  	s0 =	sadd.s32 $0x200, s0;
	v18 =	vsub.f32 v26, v21;
	v16 =	vmul.f32 $1.442695020e+00, v16;
	v21 =	vmul.f32 v22, v1;
	v26 =	vld [tilespmem:s30+$0xFFFFFF70];
	[tilespmem:s28+$0x60] =	vst v14  }
0x1ea: {  	v29 =	vadd.f32 v13, v0;
	v13 =	vmul.f32 v22, v3;
	v14 =	vmin.f32 v20, $6.000000000e+01;
	v20 =	vld [tilespmem:s0+$0x80];
	[tilespmem:s28+$0xE0] =	vst v19  }
0x1eb: {  	v19 =	vld [tilespmem:s0+$0xFFFFFF00];
	v18 =	vmin.f32 v18, $6.000000000e+01;
	v14 =	vmul.f32 $1.442695020e+00, v14;
	v22 =	vsub.f32 v28, v24  }
0x1ec: {  	v23 =	vadd.f32 v23, v2;
	v18 =	vmul.f32 $1.442695020e+00, v18;
	v24 =	vld [tilespmem:s0+$0xFFFFFF80];
	(erf) = vpow2.f32 v16  }
0x1ed: {  	v21 =	vadd.f32 v21, v0;
	v16 =	vld [tilespmem:s0+$0x0];
	(erf) = vpow2.f32 v14;
	v14 =	vmin.f32 v22, $6.000000000e+01  }
0x1ee: {  	(erf) = vpow2.f32 v18;
	v18 =	vadd.f32 v13, v2;
	v14 =	vmul.f32 $1.442695020e+00, v14;
	v22 =	vld [tilespmem:s30+$0xFFFFFFF0]  }
0x1ef: {  	v13 =	vmul.f32 v25, v10;
	v25 =	vsub.f32 v27, v30;
	v20 =	vcvt.s32.f32 v20;
	v27 =	vld [tilespmem:s30+$0x70]  }
0x1f0: {  	v19 =	vcvt.s32.f32 v19;
	(erf) = vpow2.f32 v14;
	v28 =	vld [tilespmem:s30+$0xF0];
	s30 =	smov.u32 s31;
	s31 =	smov.u32 s9  }
0x1f1: {  	v25 =	vmin.f32 v25, $6.000000000e+01;
	v14 =	vmul.f32 v20, v5;
	v20 =	vmul.f32 v20, v7;
	v30 =	vpop (erf);
	v10 =	vld [tilespmem:s29+$0xFFFFFF70]  }
0x1f2: {  	v31 =	vmul.f32 v30, v1;
	v30 =	vmul.f32 v30, v3;
	v32 =	vld [tilespmem:s14+$0xD0]  }
0x1f3: {  	v24 =	vcvt.s32.f32 v24;
	v33 =	vadd.f32 v14, v4;
	v20 =	vadd.f32 v20, v6;
	v14 =	vld [tilespmem:s29+$0xFFFFFFF0]  }
0x1f4: {  	s6 =	sadd.s32 $0x4, s6;
	v34 =	vcvt.s32.f32 v16;
	v31 =	vadd.f32 v31, v0;
	v37 =	vadd.f32 v30, v2;
	v16 =	vld [tilespmem:s29+$0x70];
	s29 =	smov.u32 s14;
	s14 =	smov.u32 s0  }
0x1f5: {  	p1 =	slt.u32 s6, $0x3C;
	v35 =	vmul.f32 v19, v5;
	v19 =	vmul.f32 v19, v7;
	v22 =	vsub.f32 v22, v26;
	v36 =	vpop (erf)  }
0x1f6: {  	v27 =	vsub.f32 v28, v27;
	v26 =	vmul.f32 v31, v33;
	v20 =	vmul.f32 v37, v20;
	v30 =	vpop (erf)  }
0x1f7: {  	v28 =	vadd.f32 v35, v4;
	v31 =	vmul.f32 v36, v1;
	v33 =	vpop (erf);
	v32 =	vcvt.s32.f32 v32  }
0x1f8: {  	v35 =	vmul.f32 v33, v1;
	v33 =	vmul.f32 v33, v3;
	v37 =	vadd.f32 v20, v26  }
0x1f9: {  	v31 =	vadd.f32 v31, v0;
	v38 =	vmul.f32 v32, v5;
	v32 =	vmul.f32 v32, v7;
	v39 =	vpop (erf)  }
0x1fa: {  	v37 =	vadd.f32 $1.000000010e-10, v37;
	v40 =	vmul.f32 v39, v1;
	v39 =	vmul.f32 v39, v3  }
0x1fb: {  	v36 =	vmul.f32 v36, v3;
	v38 =	vadd.f32 v38, v4;
	v32 =	vadd.f32 v32, v6  }
0x1fc: {  	v41 =	vmul.f32 v30, v1;
	v40 =	vadd.f32 v40, v0;
	v39 =	vadd.f32 v39, v2  }
0x1fd: {  	v30 =	vmul.f32 v30, v3;
	v35 =	vadd.f32 v35, v0;
	(erf) = vrcp.f32 v37  }
0x1fe: {  	v33 =	vadd.f32 v33, v2;
	v37 =	vmul.f32 v40, v38;
	v32 =	vmul.f32 v39, v32  }
0x1ff: {  	v36 =	vadd.f32 v36, v2;
	v38 =	vmul.f32 v24, v5;
	v24 =	vmul.f32 v24, v7  }
0x200: {  	v39 =	vmul.f32 v34, v5;
	v34 =	vmul.f32 v34, v7;
	v40 =	vadd.f32 v32, v37  }
0x201: {  	v30 =	vadd.f32 v30, v2;
	v28 =	vmul.f32 v35, v28;
	v35 =	vadd.f32 v41, v0  }
0x202: {  	v17 =	vmul.f32 v17, v8;
	v19 =	vadd.f32 v19, v6;
	v8 =	vadd.f32 $1.000000010e-10, v40  }
0x203: {  	v15 =	vmul.f32 v29, v15;
	v38 =	vadd.f32 v38, v4;
	v24 =	vadd.f32 v24, v6  }
0x204: {  	v29 =	vadd.f32 v39, v4;
	v34 =	vadd.f32 v34, v6;
	(erf) = vrcp.f32 v8  }
0x205: {  	v8 =	vmul.f32 v33, v19;
	v19 =	vmul.f32 v31, v38;
	v31 =	vadd.f32 v17, v13  }
0x206: {  	v22 =	vmin.f32 v22, $6.000000000e+01;
	v24 =	vmul.f32 v36, v24;
	v29 =	vmul.f32 v35, v29;
	v33 =	vpop (erf)  }
0x207: {  	v11 =	vmul.f32 v23, v11;
	v30 =	vmul.f32 v30, v34;
	v35 =	vadd.f32 v8, v28  }
0x208: {  	v12 =	vmul.f32 v21, v12;
	v23 =	vadd.f32 v24, v19;
	v26 =	vmul.f32 v33, v26  }
0x209: {  	s3 =	sadd.s32 $0x400, s3;
	v34 =	vadd.f32 v30, v29;
	v20 =	vmul.f32 v33, v20;
	v21 =	vadd.f32 $1.000000010e-10, v35  }
0x20a: {  	v18 =	vmul.f32 v18, v9;
	v23 =	vadd.f32 $1.000000010e-10, v23;
	[tilespmem:s3+$0x100] =	vst v26;
	v26 =	vadd.f32 v11, v15  }
0x20b: {  	v33 =	vadd.f32 $1.000000010e-10, v34;
	[tilespmem:s3+$0x180] =	vst v20;
	(erf) = vrcp.f32 v21;
	v20 =	vadd.f32 $1.000000010e-10, v31  }
0x20c: {  	v21 =	vld [tilespmem:s9+$0x110];
	(erf) = vrcp.f32 v23;
	v23 =	vadd.f32 $1.000000010e-10, v26;
	v26 =	vadd.f32 v18, v12  }
0x20d: {  	v25 =	vmul.f32 $1.442695020e+00, v25;
	v27 =	vmin.f32 v27, $6.000000000e+01;
	v31 =	vld [tilespmem:s9+$0x190];
	(erf) = vrcp.f32 v33;
	v9 =	vpop (erf)  }
0x20e: {  	v26 =	vadd.f32 $1.000000010e-10, v26;
	v33 =	vmul.f32 v9, v37;
	(erf) = vrcp.f32 v20  }
0x20f: {  	v9 =	vmul.f32 v9, v32;
	(erf) = vrcp.f32 v23  }
0x210: {  	v20 =	vmul.f32 $1.442695020e+00, v22;
	[tilespmem:s13+$0x150] =	vst v33;
	(erf) = vrcp.f32 v26  }
0x211: {  	[tilespmem:s13+$0x1D0] =	vst v9;
	v9 =	vmul.f32 $1.442695020e+00, v27;
	(erf) = vpow2.f32 v25  }
0x212: {  	v23 =	vcvt.s32.f32 v10;
	v25 =	vsub.f32 v31, v21;
	v22 =	vld [tilespmem:s30+$0x160];
	(erf) = vpow2.f32 v20  }
0x213: {  	v10 =	vcvt.s32.f32 v14;
	v20 =	vld [tilespmem:s30+$0x1E0];
	(erf) = vpow2.f32 v9  }
0x214: {  	v9 =	vcvt.s32.f32 v16;
	v14 =	vmin.f32 v25, $6.000000000e+01;
	v21 =	vpop (erf);
	v25 =	vmul.f32 v23, v5  }
0x215: {  	v16 =	vmul.f32 v21, v28;
	v28 =	vmul.f32 $1.442695020e+00, v14;
	v26 =	vpop (erf)  }
0x216: {  	v21 =	vmul.f32 v21, v8;
	v19 =	vmul.f32 v26, v19;
	v27 =	vpop (erf);
	v8 =	vadd.f32 v25, v4  }
0x217: {  	[tilespmem:s3+$0xFFFFFE00] =	vst v16;
	v16 =	vmul.f32 v26, v24;
	(erf) = vpow2.f32 v28;
	v14 =	vpop (erf)  }
0x218: {  	v24 =	vmul.f32 v27, v30;
	[tilespmem:s3+$0xFFFFFE80] =	vst v21;
	v21 =	vmul.f32 v27, v29;
	v26 =	vsub.f32 v20, v22;
	v22 =	vpop (erf)  }
0x219: {  	v13 =	vmul.f32 v14, v13;
	v14 =	vmul.f32 v14, v17;
	v25 =	vld [tilespmem:s9+$0xFFFFFE10];
	[tilespmem:s3+$0xFFFFFF00] =	vst v19;
	v17 =	vpop (erf)  }
0x21a: {  	v15 =	vmul.f32 v22, v15;
	v11 =	vmul.f32 v22, v11;
	[tilespmem:s3+$0xFFFFFF80] =	vst v16;
	v16 =	vld [tilespmem:s0+$0x90];
	v26 =	vmin.f32 v26, $6.000000000e+01;
	v20 =	vpop (erf)  }
0x21b: {  	v22 =	vld [tilespmem:s9+$0xFFFFFE90];
	[tilespmem:s3+$0x0] =	vst v21;
	v21 =	vmul.f32 v17, v12;
	v12 =	vmul.f32 $1.442695020e+00, v26;
	v19 =	vpop (erf)  }
0x21c: {  	v17 =	vmul.f32 v17, v18;
	v18 =	vmul.f32 v20, v1;
	v26 =	vld [tilespmem:s9+$0xFFFFFF10];
	[tilespmem:s3+$0x80] =	vst v24;
	v24 =	vpop (erf)  }
0x21d: {  	v27 =	vld [tilespmem:s9+$0xFFFFFF90];
	[tilespmem:s13+$0xFFFFFE40] =	vst v13;
	(erf) = vpow2.f32 v12;
	v13 =	vmul.f32 v20, v3  }
0x21e: {  	v12 =	vadd.f32 v18, v0;
	v20 =	vld [tilespmem:s9+$0x10];
	[tilespmem:s13+$0xFFFFFEC0] =	vst v14;
	v14 =	vmul.f32 v19, v1;
	v19 =	vmul.f32 v19, v3  }
0x21f: {  	v29 =	vmul.f32 v24, v1;
	v16 =	vcvt.s32.f32 v16;
	[tilespmem:s13+$0xFFFFFF40] =	vst v15;
	v28 =	vld [tilespmem:s29+$0xE0];
	v13 =	vadd.f32 v13, v2  }
0x220: {  	v18 =	vmul.f32 v24, v3;
	v15 =	vsub.f32 v22, v25;
	v22 =	vld [tilespmem:s9+$0x90];
	v25 =	vpop (erf);
	[tilespmem:s13+$0xFFFFFFC0] =	vst v11;
	v11 =	vmul.f32 v23, v7  }
0x221: {  	v14 =	vadd.f32 v14, v0;
	v23 =	vld [tilespmem:s0+$0xFFFFFF10];
	v24 =	vmul.f32 v25, v1;
	v30 =	vmul.f32 v16, v5;
	[tilespmem:s13+$0x40] =	vst v21  }
0x222: {  	v21 =	vmin.f32 v15, $6.000000000e+01;
	v31 =	vld [tilespmem:s0+$0xFFFFFF90];
	v26 =	vsub.f32 v27, v26;
	[tilespmem:s13+$0xC0] =	vst v17;
	v15 =	vmul.f32 v10, v5  }
0x223: {  	v16 =	vmul.f32 v16, v7;
	v17 =	vld [tilespmem:s0+$0x10];
	v24 =	vadd.f32 v24, v0;
	v27 =	vadd.f32 v30, v4  }
0x224: {  	v25 =	vmul.f32 v25, v3;
	v26 =	vmin.f32 v26, $6.000000000e+01;
	v30 =	vld [tilespmem:s30+$0xFFFFFE50];
	v28 =	vcvt.s32.f32 v28  }
0x225: {  	v16 =	vadd.f32 v16, v6;
	v20 =	vsub.f32 v22, v20;
	v22 =	vmul.f32 v24, v27;
	v24 =	vld [tilespmem:s30+$0xFFFFFED0]  }
0x226: {  	v25 =	vadd.f32 v25, v2;
	v27 =	vld [tilespmem:s30+$0xFFFFFF50];
	v32 =	vmul.f32 v28, v5;
	v28 =	vmul.f32 v28, v7;
	v33 =	vpop (erf)  }
0x227: {  	v20 =	vmin.f32 v20, $6.000000000e+01;
	v34 =	vld [tilespmem:s30+$0xFFFFFFD0];
	v35 =	vmul.f32 v33, v1;
	v33 =	vmul.f32 v33, v3  }
0x228: {  	v25 =	vmul.f32 v25, v16;
	v16 =	vld [tilespmem:s30+$0x50];
	v32 =	vadd.f32 v32, v4;
	v28 =	vadd.f32 v28, v6  }
0x229: {  	v21 =	vmul.f32 $1.442695020e+00, v21;
	v36 =	vld [tilespmem:s30+$0xD0];
	v35 =	vadd.f32 v35, v0;
	v33 =	vadd.f32 v33, v2  }
0x22a: {  	v26 =	vmul.f32 $1.442695020e+00, v26;
	v37 =	vadd.f32 v25, v22;
	v20 =	vmul.f32 $1.442695020e+00, v20;
	v38 =	vld [tilespmem:s29+$0xFFFFFF50]  }
0x22b: {  	v24 =	vsub.f32 v24, v30;
	v30 =	vld [tilespmem:s29+$0xFFFFFFD0];
	v32 =	vmul.f32 v35, v32;
	v28 =	vmul.f32 v33, v28  }
0x22c: {  	v23 =	vcvt.s32.f32 v23;
	v33 =	vadd.f32 $1.000000010e-10, v37;
	(erf) = vpow2.f32 v21;
	v21 =	vld [tilespmem:s29+$0x50]  }
0x22d: {  	v31 =	vcvt.s32.f32 v31;
	(erf) = vpow2.f32 v26;
	v26 =	vadd.f32 v28, v32  }
0x22e: {  	v17 =	vcvt.s32.f32 v17;
	v27 =	vsub.f32 v34, v27;
	(erf) = vrcp.f32 v33  }
0x22f: {  	v33 =	vmul.f32 v23, v5;
	(erf) = vpow2.f32 v20;
	v20 =	vadd.f32 $1.000000010e-10, v26  }
0x230: {  	v23 =	vmul.f32 v23, v7;
	v16 =	vsub.f32 v36, v16;
	v26 =	vmul.f32 v31, v5  }
0x231: {  	v31 =	vmul.f32 v31, v7;
	v33 =	vadd.f32 v33, v4;
	(erf) = vrcp.f32 v20  }
0x232: {  	v20 =	vadd.f32 v23, v6;
	v23 =	vmul.f32 v17, v5;
	v17 =	vmul.f32 v17, v7  }
0x233: {  	v24 =	vmin.f32 v24, $6.000000000e+01;
	v26 =	vadd.f32 v26, v4;
	v31 =	vadd.f32 v31, v6  }
0x234: {  	v39 =	vmin.f32 v27, $6.000000000e+01;
	v23 =	vadd.f32 v23, v4;
	v34 =	vadd.f32 v17, v6  }
0x235: {  	v24 =	vmul.f32 $1.442695020e+00, v24;
	v35 =	vmul.f32 $1.442695020e+00, v39;
	v36 =	vmin.f32 v16, $6.000000000e+01;
	v27 =	vpop (erf)  }
0x236: {  	v16 =	vadd.f32 v19, v2;
	v41 =	vmul.f32 v27, v1;
	v27 =	vmul.f32 v27, v3;
	v17 =	vpop (erf)  }
0x237: {  	v19 =	vmul.f32 v17, v1;
	v39 =	vmul.f32 v17, v3;
	v40 =	vpop (erf);
	v17 =	vadd.f32 v29, v0  }
0x238: {  	v29 =	vadd.f32 v41, v0;
	v27 =	vadd.f32 v27, v2;
	v42 =	vmul.f32 v40, v22;
	v37 =	vpop (erf)  }
0x239: {  	v25 =	vmul.f32 v40, v25;
	v19 =	vadd.f32 v19, v0;
	v41 =	vmul.f32 v37, v1  }
0x23a: {  	v37 =	vmul.f32 v37, v3;
	v29 =	vmul.f32 v29, v33;
	v33 =	vadd.f32 v39, v2;
	[tilespmem:s3+$0x110] =	vst v42;
	v22 =	vpop (erf)  }
0x23b: {  	v27 =	vmul.f32 v27, v20;
	v20 =	vadd.f32 v41, v0;
	[tilespmem:s3+$0x190] =	vst v25;
	v25 =	vmul.f32 v22, v32  }
0x23c: {  	v26 =	vmul.f32 v19, v26;
	v19 =	vadd.f32 v37, v2;
	v22 =	vmul.f32 v22, v28;
	v32 =	vld [tilespmem:s9+$0x120]  }
0x23d: {  	v28 =	vadd.f32 v27, v29;
	v31 =	vmul.f32 v33, v31;
	v33 =	vmul.f32 v20, v23;
	v20 =	vld [tilespmem:s9+$0x1A0];
	[tilespmem:s13+$0x160] =	vst v25  }
0x23e: {  	v18 =	vadd.f32 v18, v2;
	v25 =	vmul.f32 v19, v34;
	v19 =	vmul.f32 $1.442695020e+00, v36;
	[tilespmem:s13+$0x1E0] =	vst v22  }
0x23f: {  	v22 =	vadd.f32 $1.000000010e-10, v28;
	v23 =	vadd.f32 v31, v26;
	v28 =	vld [tilespmem:s30+$0x170];
	(erf) = vpow2.f32 v24  }
0x240: {  	v34 =	vcvt.s32.f32 v38;
	v24 =	vadd.f32 v25, v33;
	v36 =	vld [tilespmem:s30+$0x1F0];
	(erf) = vpow2.f32 v35  }
0x241: {  	v23 =	vadd.f32 $1.000000010e-10, v23;
	(erf) = vrcp.f32 v22;
	v22 =	vcvt.s32.f32 v30  }
0x242: {  	v24 =	vadd.f32 $1.000000010e-10, v24;
	v20 =	vsub.f32 v20, v32;
	(erf) = vpow2.f32 v19  }
0x243: {  	v21 =	vcvt.s32.f32 v21;
	v19 =	vadd.f32 v11, v6;
	(erf) = vrcp.f32 v23  }
0x244: {  	v11 =	vmin.f32 v20, $6.000000000e+01;
	(erf) = vrcp.f32 v24;
	v20 =	vmul.f32 v34, v5  }
0x245: {  	v34 =	vmul.f32 v34, v7;
	v11 =	vmul.f32 $1.442695020e+00, v11;
	v24 =	vsub.f32 v36, v28  }
0x246: {  	v28 =	vadd.f32 v20, v4;
	v20 =	vmul.f32 v22, v5;
	v22 =	vmul.f32 v22, v7  }
0x247: {  	(erf) = vpow2.f32 v11;
	v11 =	vmul.f32 v21, v5;
	v24 =	vmin.f32 v24, $6.000000000e+01  }
0x248: {  	v32 =	vmul.f32 v21, v7;
	v30 =	vadd.f32 v34, v6;
	v21 =	vmul.f32 $1.442695020e+00, v24;
	v23 =	vpop (erf)  }
0x249: {  	v20 =	vadd.f32 v20, v4;
	v24 =	vld [tilespmem:s0+$0xA0];
	v39 =	vmul.f32 v23, v1;
	v35 =	vmul.f32 v23, v3;
	v36 =	vpop (erf)  }
0x24a: {  	v23 =	vadd.f32 v22, v6;
	v37 =	vpop (erf);
	v38 =	vmul.f32 v36, v1;
	(erf) = vpow2.f32 v21  }
0x24b: {  	v21 =	vmul.f32 v37, v29;
	v22 =	vmul.f32 v37, v27;
	v27 =	vadd.f32 v39, v0;
	v29 =	vpop (erf)  }
0x24c: {  	v36 =	vmul.f32 v36, v3;
	v35 =	vadd.f32 v35, v2;
	v34 =	vpop (erf);
	v37 =	vmul.f32 v29, v1;
	v39 =	vld [tilespmem:s29+$0xF0]  }
0x24d: {  	[tilespmem:s3+$0xFFFFFE10] =	vst v21;
	v21 =	vmul.f32 v34, v26;
	v26 =	vmul.f32 v34, v31;
	v31 =	vpop (erf);
	v34 =	vadd.f32 v38, v0  }
0x24e: {  	[tilespmem:s3+$0xFFFFFE90] =	vst v22;
	v22 =	vmul.f32 v31, v33;
	v24 =	vcvt.s32.f32 v24;
	v33 =	vadd.f32 v36, v2  }
0x24f: {  	v29 =	vmul.f32 v29, v3;
	v36 =	vld [tilespmem:s9+$0xFFFFFE20];
	[tilespmem:s3+$0xFFFFFF10] =	vst v21;
	v21 =	vmul.f32 v31, v25;
	v25 =	vadd.f32 v37, v0  }
0x250: {  	v38 =	vadd.f32 v11, v4;
	v31 =	vld [tilespmem:s9+$0xFFFFFEA0];
	[tilespmem:s3+$0xFFFFFF90] =	vst v26;
	v26 =	vmul.f32 v24, v5;
	v24 =	vmul.f32 v24, v7;
	v37 =	vpop (erf)  }
0x251: {  	v29 =	vadd.f32 v29, v2;
	v11 =	vld [tilespmem:s9+$0xFFFFFF20];
	[tilespmem:s3+$0x10] =	vst v22;
	v22 =	vmul.f32 v37, v1;
	v39 =	vcvt.s32.f32 v39  }
0x252: {  	v40 =	vld [tilespmem:s9+$0xFFFFFFA0];
	[tilespmem:s3+$0x90] =	vst v21;
	v21 =	vmul.f32 v37, v3;
	v26 =	vadd.f32 v26, v4;
	v24 =	vadd.f32 v24, v6  }
0x253: {  	v37 =	vld [tilespmem:s9+$0x20];
	v41 =	vadd.f32 v22, v0;
	v22 =	vmul.f32 v39, v5;
	v39 =	vmul.f32 v39, v7;
	v42 =	vpop (erf)  }
0x254: {  	v43 =	vld [tilespmem:s9+$0xA0];
	v44 =	vadd.f32 v21, v2;
	v45 =	vmul.f32 v42, v1;
	v42 =	vmul.f32 v42, v3  }
0x255: {  	v21 =	vmul.f32 v27, v28;
	v46 =	vld [tilespmem:s0+$0xFFFFFF20];
	v27 =	vadd.f32 v22, v4;
	v28 =	vadd.f32 v39, v6  }
0x256: {  	v22 =	vmul.f32 v35, v30;
	v39 =	vld [tilespmem:s0+$0xFFFFFFA0];
	v30 =	vadd.f32 v45, v0;
	v35 =	vadd.f32 v42, v2  }
0x257: {  	v31 =	vsub.f32 v31, v36;
	v26 =	vmul.f32 v41, v26;
	v24 =	vmul.f32 v44, v24;
	v36 =	vld [tilespmem:s0+$0x20]  }
0x258: {  	v40 =	vsub.f32 v40, v11;
	v11 =	vmul.f32 v30, v27;
	v27 =	vmul.f32 v35, v28  }
0x259: {  	v28 =	vmin.f32 v31, $6.000000000e+01;
	v31 =	vadd.f32 v24, v26;
	v30 =	vsub.f32 v43, v37  }
0x25a: {  	v28 =	vmul.f32 $1.442695020e+00, v28;
	v35 =	vmin.f32 v40, $6.000000000e+01;
	v37 =	vadd.f32 v27, v11  }
0x25b: {  	v35 =	vmul.f32 $1.442695020e+00, v35;
	v31 =	vadd.f32 $1.000000010e-10, v31;
	v30 =	vmin.f32 v30, $6.000000000e+01  }
0x25c: {  	v30 =	vmul.f32 $1.442695020e+00, v30;
	(erf) = vpow2.f32 v28;
	v28 =	vadd.f32 $1.000000010e-10, v37  }
0x25d: {  	v37 =	vcvt.s32.f32 v46;
	(erf) = vrcp.f32 v31;
	v31 =	vadd.f32 v32, v6  }
0x25e: {  	v32 =	vcvt.s32.f32 v39;
	v39 =	vadd.f32 v22, v21;
	(erf) = vrcp.f32 v28  }
0x25f: {  	v28 =	vcvt.s32.f32 v36;
	(erf) = vpow2.f32 v35;
	v35 =	vadd.f32 v15, v4  }
0x260: {  	v15 =	vmul.f32 v37, v5;
	(erf) = vpow2.f32 v30;
	v30 =	vadd.f32 $1.000000010e-10, v39  }
0x261: {  	v36 =	vmul.f32 v37, v7;
	v37 =	vmul.f32 v32, v5  }
0x262: {  	v41 =	vmul.f32 v32, v7;
	v32 =	vmul.f32 v28, v5;
	v39 =	vadd.f32 v15, v4  }
0x263: {  	v36 =	vadd.f32 v36, v6;
	v28 =	vmul.f32 v28, v7;
	v37 =	vadd.f32 v37, v4  }
0x264: {  	v34 =	vmul.f32 v34, v20;
	v40 =	vadd.f32 v41, v6;
	v32 =	vadd.f32 v32, v4  }
0x265: {  	v23 =	vmul.f32 v33, v23;
	v25 =	vmul.f32 v25, v38;
	v20 =	vadd.f32 v28, v6;
	v15 =	vpop (erf)  }
0x266: {  	v28 =	vmul.f32 v15, v1;
	v42 =	vmul.f32 v15, v3;
	v38 =	vpop (erf)  }
0x267: {  	v29 =	vmul.f32 v29, v31;
	v41 =	vadd.f32 v23, v34;
	v43 =	vmul.f32 v38, v26;
	v15 =	vpop (erf)  }
0x268: {  	v28 =	vadd.f32 v28, v0;
	v31 =	vadd.f32 v42, v2;
	v33 =	vpop (erf);
	v27 =	vmul.f32 v15, v27  }
0x269: {  	v24 =	vmul.f32 v38, v24;
	v38 =	vadd.f32 v29, v25;
	v42 =	vmul.f32 v33, v1;
	[tilespmem:s3+$0x120] =	vst v43;
	v26 =	vpop (erf)  }
0x26a: {  	v41 =	vadd.f32 $1.000000010e-10, v41;
	v33 =	vmul.f32 v33, v3;
	v43 =	vmul.f32 v26, v1;
	[tilespmem:s13+$0x1F0] =	vst v27  }
0x26b: {  	v27 =	vmul.f32 v28, v39;
	v26 =	vmul.f32 v26, v3;
	v28 =	vadd.f32 v42, v0;
	[tilespmem:s3+$0x1A0] =	vst v24  }
0x26c: {  	v24 =	vmul.f32 v31, v36;
	v31 =	vadd.f32 v33, v2;
	v33 =	vadd.f32 v43, v0;
	v36 =	vld [tilespmem:s9+$0x130]  }
0x26d: {  	v38 =	vadd.f32 $1.000000010e-10, v38;
	v26 =	vadd.f32 v26, v2;
	v28 =	vmul.f32 v28, v37;
	v37 =	vld [tilespmem:s9+$0x1B0]  }
0x26e: {  	v39 =	vadd.f32 v24, v27;
	v31 =	vmul.f32 v31, v40;
	v32 =	vmul.f32 v33, v32  }
0x26f: {  	v26 =	vmul.f32 v26, v20;
	(erf) = vrcp.f32 v30  }
0x270: {  	v20 =	vadd.f32 $1.000000010e-10, v39;
	v30 =	vadd.f32 v31, v28;
	(erf) = vrcp.f32 v41  }
0x271: {  	v10 =	vmul.f32 v10, v7;
	v33 =	vadd.f32 v26, v32;
	(erf) = vrcp.f32 v38  }
0x272: {  	v30 =	vadd.f32 $1.000000010e-10, v30;
	v36 =	vsub.f32 v37, v36;
	(erf) = vrcp.f32 v20  }
0x273: {  	v20 =	vadd.f32 $1.000000010e-10, v33;
	v33 =	vmul.f32 v9, v5;
	v37 =	vmul.f32 v9, v7  }
0x274: {  	v9 =	vmin.f32 v36, $6.000000000e+01;
	(erf) = vrcp.f32 v30;
	v30 =	vadd.f32 v10, v6  }
0x275: {  	v33 =	vadd.f32 v33, v4;
	v10 =	vmul.f32 $1.442695020e+00, v9;
	(erf) = vrcp.f32 v20  }
0x276: {  	v20 =	vmul.f32 v12, v8;
	v9 =	vmul.f32 v13, v19;
	v13 =	vadd.f32 v37, v6  }
0x277: {  	(erf) = vpow2.f32 v10;
	v10 =	vmul.f32 v14, v35  }
0x278: {  	v12 =	vmul.f32 v16, v30;
	v8 =	vmul.f32 v17, v33;
	v19 =	vadd.f32 v9, v20;
	v14 =	vpop (erf)  }
0x279: {  	v16 =	vld [tilespmem:s0+$0xB0];
	v17 =	vmul.f32 v14, v21;
	v14 =	vmul.f32 v14, v22;
	v21 =	vpop (erf)  }
0x27a: {  	v30 =	vadd.f32 v12, v10;
	v22 =	vmul.f32 v21, v34;
	v21 =	vmul.f32 v21, v23;
	v23 =	vpop (erf)  }
0x27b: {  	v34 =	vadd.f32 $1.000000010e-10, v19;
	v33 =	vpop (erf);
	[tilespmem:s13+$0xFFFFFE50] =	vst v17;
	v17 =	vmul.f32 v23, v25;
	v23 =	vmul.f32 v23, v29  }
0x27c: {  	v25 =	vmul.f32 v33, v27;
	v24 =	vmul.f32 v33, v24;
	[tilespmem:s13+$0xFFFFFED0] =	vst v14;
	v14 =	vadd.f32 $1.000000010e-10, v30  }
0x27d: {  	v13 =	vmul.f32 v18, v13;
	v27 =	vpop (erf);
	v29 =	vld [tilespmem:s30+$0xFFFFFE60];
	[tilespmem:s13+$0xFFFFFF50] =	vst v22;
	(erf) = vrcp.f32 v34  }
0x27e: {  	[tilespmem:s3+$0xFFFFFE20] =	vst v25;
	v18 =	vmul.f32 v27, v28;
	v16 =	vcvt.s32.f32 v16;
	v19 =	vpop (erf);
	v22 =	vld [tilespmem:s30+$0xFFFFFEE0]  }
0x27f: {  	v28 =	vadd.f32 v13, v8;
	[tilespmem:s3+$0xFFFFFEA0] =	vst v24;
	v24 =	vmul.f32 v27, v31;
	v25 =	vmul.f32 v19, v32;
	v27 =	vld [tilespmem:s29+$0xFFFFFF60]  }
0x280: {  	v30 =	vld [tilespmem:s9+$0xFFFFFE30];
	[tilespmem:s3+$0xFFFFFF20] =	vst v18;
	v18 =	vmul.f32 v16, v5;
	v16 =	vmul.f32 v16, v7;
	v31 =	vpop (erf)  }
0x281: {  	v28 =	vadd.f32 $1.000000010e-10, v28;
	v32 =	vld [tilespmem:s9+$0xFFFFFEB0];
	[tilespmem:s3+$0xFFFFFFA0] =	vst v24;
	v24 =	vmul.f32 v31, v1;
	v31 =	vmul.f32 v31, v3  }
0x282: {  	v19 =	vmul.f32 v19, v26;
	v33 =	vld [tilespmem:s9+$0xFFFFFF30];
	[tilespmem:s3+$0x20] =	vst v25;
	v18 =	vadd.f32 v18, v4;
	v16 =	vadd.f32 v16, v6  }
0x283: {  	v25 =	vld [tilespmem:s9+$0xFFFFFFB0];
	v24 =	vadd.f32 v24, v0;
	v26 =	vadd.f32 v31, v2;
	[tilespmem:s13+$0xFFFFFFD0] =	vst v21;
	(erf) = vrcp.f32 v14  }
0x284: {  	v31 =	vld [tilespmem:s0+$0xFFFFFF30];
	[tilespmem:s3+$0xA0] =	vst v19;
	v14 =	vcvt.s32.f32 v27;
	v19 =	vsub.f32 v22, v29;
	(erf) = vrcp.f32 v28  }
0x285: {  	v22 =	vld [tilespmem:s9+$0x30];
	v18 =	vmul.f32 v24, v18;
	v24 =	vmul.f32 v26, v16;
	[tilespmem:s13+$0x50] =	vst v17  }
0x286: {  	v16 =	vsub.f32 v32, v30;
	v17 =	vld [tilespmem:s9+$0xB0];
	v19 =	vmin.f32 v19, $6.000000000e+01;
	v26 =	vmul.f32 v14, v5;
	[tilespmem:s13+$0xD0] =	vst v23;
	v21 =	vpop (erf)  }
0x287: {  	v28 =	vmul.f32 v14, v7;
	v23 =	vld [tilespmem:s0+$0xFFFFFFB0];
	v27 =	vadd.f32 v24, v18;
	v19 =	vmul.f32 $1.442695020e+00, v19  }
0x288: {  	v16 =	vmin.f32 v16, $6.000000000e+01;
	v25 =	vsub.f32 v25, v33;
	v29 =	vld [tilespmem:s0+$0x30];
	v14 =	vadd.f32 v26, v4  }
0x289: {  	v26 =	vcvt.s32.f32 v31;
	v30 =	vmul.f32 $1.442695020e+00, v16;
	v27 =	vadd.f32 $1.000000010e-10, v27;
	v31 =	vld [tilespmem:s30+$0xFFFFFF60]  }
0x28a: {  	v16 =	vadd.f32 v28, v6;
	v25 =	vmin.f32 v25, $6.000000000e+01;
	v28 =	vld [tilespmem:s30+$0xFFFFFFE0];
	(erf) = vpow2.f32 v19  }
0x28b: {  	v19 =	vmul.f32 $1.442695020e+00, v25;
	v17 =	vsub.f32 v17, v22;
	(erf) = vrcp.f32 v27;
	v25 =	vld [tilespmem:s30+$0x60]  }
0x28c: {  	v27 =	vcvt.s32.f32 v23;
	(erf) = vpow2.f32 v30;
	v30 =	vld [tilespmem:s30+$0xE0];
	v23 =	vpop (erf)  }
0x28d: {  	v29 =	vcvt.s32.f32 v29;
	v17 =	vmin.f32 v17, $6.000000000e+01;
	(erf) = vpow2.f32 v19;
	v19 =	vld [tilespmem:s29+$0xFFFFFFE0];
	v22 =	vpop (erf)  }
0x28e: {  	v32 =	vmul.f32 v26, v5;
	v17 =	vmul.f32 $1.442695020e+00, v17;
	v33 =	vld [tilespmem:s29+$0x60]  }
0x28f: {  	v26 =	vmul.f32 v26, v7;
	v34 =	vmul.f32 v27, v5;
	v28 =	vsub.f32 v28, v31  }
0x290: {  	v27 =	vmul.f32 v27, v7;
	v31 =	vadd.f32 v32, v4;
	(erf) = vpow2.f32 v17  }
0x291: {  	v17 =	vadd.f32 v26, v6;
	v26 =	vmul.f32 v29, v5;
	v29 =	vmul.f32 v29, v7  }
0x292: {  	v32 =	vadd.f32 v34, v4;
	v27 =	vadd.f32 v27, v6;
	v28 =	vmin.f32 v28, $6.000000000e+01  }
0x293: {  	v26 =	vadd.f32 v26, v4;
	v29 =	vadd.f32 v29, v6;
	v28 =	vmul.f32 $1.442695020e+00, v28;
	v34 =	vpop (erf)  }
0x294: {  	v25 =	vsub.f32 v30, v25;
	v19 =	vcvt.s32.f32 v19;
	v33 =	vcvt.s32.f32 v33;
	v35 =	vpop (erf)  }
0x295: {  	v18 =	vmul.f32 v35, v18;
	v30 =	vpop (erf);
	(erf) = vpow2.f32 v28  }
0x296: {  	v25 =	vmin.f32 v25, $6.000000000e+01;
	v24 =	vmul.f32 v35, v24;
	v28 =	vmul.f32 v30, v1;
	v35 =	vpop (erf)  }
0x297: {  	v30 =	vmul.f32 v30, v3;
	v37 =	vmul.f32 v35, v1;
	[tilespmem:s3+$0x130] =	vst v18  }
0x298: {  	v18 =	vadd.f32 v28, v0;
	v28 =	vmul.f32 v35, v3;
	[tilespmem:s3+$0x1B0] =	vst v24;
	v24 =	vmul.f32 $1.442695020e+00, v25  }
0x299: {  	v25 =	vadd.f32 v30, v2;
	v30 =	vadd.f32 v37, v0;
	v35 =	vld [tilespmem:s9+$0x140];
	v36 =	vpop (erf);
	v37 =	vmul.f32 v34, v1  }
0x29a: {  	v28 =	vadd.f32 v28, v2;
	v38 =	vmul.f32 v36, v1;
	v36 =	vmul.f32 v36, v3;
	v39 =	vld [tilespmem:s9+$0x1C0]  }
0x29b: {  	v31 =	vmul.f32 v18, v31;
	v25 =	vmul.f32 v25, v17;
	v17 =	vadd.f32 v37, v0  }
0x29c: {  	v30 =	vmul.f32 v30, v32;
	v37 =	vadd.f32 v38, v0;
	v32 =	vadd.f32 v36, v2  }
0x29d: {  	v36 =	vadd.f32 v25, v31;
	v27 =	vmul.f32 v28, v27;
	(erf) = vpow2.f32 v24  }
0x29e: {  	v24 =	vmul.f32 v37, v26;
	v26 =	vmul.f32 v32, v29;
	v18 =	vpop (erf)  }
0x29f: {  	v28 =	vadd.f32 v27, v30;
	v32 =	vmul.f32 v34, v3;
	v29 =	vsub.f32 v39, v35  }
0x2a0: {  	v34 =	vadd.f32 $1.000000010e-10, v36;
	v36 =	vmul.f32 v18, v1;
	v35 =	vadd.f32 v26, v24  }
0x2a1: {  	v18 =	vmul.f32 v18, v3;
	v28 =	vadd.f32 $1.000000010e-10, v28;
	v29 =	vmin.f32 v29, $6.000000000e+01  }
0x2a2: {  	v35 =	vadd.f32 $1.000000010e-10, v35;
	v29 =	vmul.f32 $1.442695020e+00, v29;
	(erf) = vrcp.f32 v34  }
0x2a3: {  	(erf) = vrcp.f32 v28;
	v28 =	vadd.f32 v32, v2;
	v32 =	vmul.f32 v19, v5  }
0x2a4: {  	v37 =	vmul.f32 v19, v7;
	(erf) = vpow2.f32 v29;
	v29 =	vadd.f32 v36, v0  }
0x2a5: {  	v18 =	vadd.f32 v18, v2;
	v34 =	vmul.f32 v33, v5;
	(erf) = vrcp.f32 v35  }
0x2a6: {  	v33 =	vmul.f32 v33, v7;
	v36 =	vadd.f32 v37, v6;
	v32 =	vadd.f32 v32, v4;
	v35 =	vld [tilespmem:s0+$0xC0];
	v19 =	vpop (erf)  }
0x2a7: {  	v34 =	vadd.f32 v34, v4;
	v37 =	vmul.f32 v19, v1;
	v38 =	vmul.f32 v19, v3  }
0x2a8: {  	v19 =	vmul.f32 v17, v14;
	v17 =	vmul.f32 v28, v16;
	v28 =	vadd.f32 v33, v6  }
0x2a9: {  	v16 =	vmul.f32 v29, v32;
	v14 =	vadd.f32 v37, v0;
	v29 =	vadd.f32 v38, v2  }
0x2aa: {  	v20 =	vmul.f32 v21, v20;
	v18 =	vmul.f32 v18, v36;
	v32 =	vadd.f32 v17, v19  }
0x2ab: {  	v33 =	vcvt.s32.f32 v35;
	v35 =	vpop (erf);
	v14 =	vmul.f32 v14, v34  }
0x2ac: {  	v31 =	vmul.f32 v35, v31;
	v25 =	vmul.f32 v35, v25;
	v34 =	vpop (erf);
	v35 =	vadd.f32 v18, v16;
	[tilespmem:s28+$0xFFFFFE70] =	vst v20  }
0x2ad: {  	v32 =	vadd.f32 $1.000000010e-10, v32;
	v20 =	vmul.f32 v33, v5;
	v33 =	vmul.f32 v33, v7;
	v36 =	vpop (erf)  }
0x2ae: {  	[tilespmem:s3+$0xFFFFFE30] =	vst v31;
	v31 =	vmul.f32 v36, v1;
	v36 =	vmul.f32 v36, v3;
	v37 =	vpop (erf);
	v35 =	vadd.f32 $1.000000010e-10, v35  }
0x2af: {  	[tilespmem:s3+$0xFFFFFEB0] =	vst v25;
	v25 =	vmul.f32 v34, v30;
	v20 =	vadd.f32 v20, v4;
	v30 =	vadd.f32 v33, v6  }
0x2b0: {  	v27 =	vmul.f32 v34, v27;
	v33 =	vld [tilespmem:s9+$0xFFFFFE40];
	v31 =	vadd.f32 v31, v0;
	v34 =	vadd.f32 v36, v2  }
0x2b1: {  	v38 =	vmul.f32 v37, v24;
	v26 =	vmul.f32 v37, v26;
	v36 =	vld [tilespmem:s9+$0xFFFFFEC0];
	[tilespmem:s3+$0xFFFFFF30] =	vst v25  }
0x2b2: {  	v37 =	vld [tilespmem:s0+$0xFFFFFF40];
	[tilespmem:s3+$0xFFFFFFB0] =	vst v27;
	v25 =	vmul.f32 v31, v20;
	v24 =	vmul.f32 v34, v30  }
0x2b3: {  	v20 =	vmul.f32 v29, v28;
	v27 =	vld [tilespmem:s9+$0xFFFFFF40];
	[tilespmem:s3+$0x30] =	vst v38;
	(erf) = vrcp.f32 v32  }
0x2b4: {  	v9 =	vmul.f32 v21, v9;
	v28 =	vld [tilespmem:s9+$0xFFFFFFC0];
	[tilespmem:s3+$0xB0] =	vst v26;
	v26 =	vadd.f32 v24, v25;
	(erf) = vrcp.f32 v35  }
0x2b5: {  	v10 =	vmul.f32 v23, v10;
	v12 =	vmul.f32 v23, v12;
	v29 =	vadd.f32 v20, v14;
	v21 =	vld [tilespmem:s9+$0x40]  }
0x2b6: {  	v8 =	vmul.f32 v22, v8;
	v23 =	vsub.f32 v36, v33;
	v30 =	vld [tilespmem:s9+$0xC0];
	v26 =	vadd.f32 $1.000000010e-10, v26;
	[tilespmem:s28+$0xFFFFFEF0] =	vst v9  }
0x2b7: {  	v29 =	vadd.f32 $1.000000010e-10, v29;
	v9 =	vcvt.s32.f32 v37;
	v31 =	vld [tilespmem:s0+$0xFFFFFFC0];
	[tilespmem:s28+$0xFFFFFF70] =	vst v10;
	v10 =	vmul.f32 v22, v13  }
0x2b8: {  	v11 =	vmul.f32 v15, v11;
	v13 =	vmin.f32 v23, $6.000000000e+01;
	v22 =	vld [tilespmem:s0+$0x40];
	(erf) = vrcp.f32 v26;
	[tilespmem:s28+$0xFFFFFFF0] =	vst v12  }
.Ltmp0:
0x2b9: {  	v12 =	vmul.f32 $1.442695020e+00, v13;
	v23 =	vmul.f32 v9, v5;
	v15 =	vsub.f32 v28, v27;
	[tilespmem:s28+$0x70] =	vst v8;
	(pc) =	sbr.rel @p1 .LBB2_3-.Ltmp0, $4  }
0x2ba: {  	v8 =	vmul.f32 v9, v7;
	(erf) = vrcp.f32 v29;
	[tilespmem:s28+$0xF0] =	vst v10;
	s28 =	smov.u32 s13;
	s13 =	smov.u32 s3  }
0x2bb: {  	v9 =	vmin.f32 v15, $6.000000000e+01;
	v15 =	vsub.f32 v30, v21;
	(erf) = vpow2.f32 v12;
	[tilespmem:s28+$0x170] =	vst v11  }
0x2bc: {  	v10 =	vadd.f32 v23, v4;
	v11 =	vcvt.s32.f32 v31;
	v12 =	vmul.f32 $1.442695020e+00, v9;
	v13 =	vpop (erf)  }
0x2bd: {  	s9 =	sadd.s32 $0x400, s9;
	v8 =	vadd.f32 v8, v6;
	v9 =	vcvt.s32.f32 v22;
	v15 =	vmin.f32 v15, $6.000000000e+01;
	v21 =	vpop (erf)  }
0x2be: {  	_ =	sdelay $0x2  }
0x2bf: {  	v22 =	vpop (erf)  }
0x2c0: {  	v23 =	vmul.f32 v22, v25  }
0x2c1: {  	v22 =	vmul.f32 v22, v24  }
0x2c2: {  	[tilespmem:s3+$0x140] =	vst v23  }
0x2c3: {  	[tilespmem:s3+$0x1C0] =	vst v22  }
0x2c4: {  	v22 =	vld [tilespmem:s31+$0x150]  }
0x2c5: {  	v23 =	vld [tilespmem:s31+$0x1D0];
	_ =	sdelay $0x4  }
0x2c6: {  	v22 =	vsub.f32 v23, v22;
	_ =	sdelay $0x1  }
0x2c7: {  	v15 =	vmul.f32 $1.442695020e+00, v15;
	v22 =	vmin.f32 v22, $6.000000000e+01  }
0x2c8: {  	(erf) = vpow2.f32 v12;
	v12 =	vmul.f32 $1.442695020e+00, v22  }
0x2c9: {  	(erf) = vpow2.f32 v15  }
0x2ca: {  	(erf) = vpow2.f32 v12;
	_ =	sdelay $0x1  }
0x2cb: {  	v12 =	vld [tilespmem:s14+$0xD0];
	_ =	sdelay $0x2  }
0x2cc: {  	v15 =	vpop (erf)  }
0x2cd: {  	v22 =	vpop (erf)  }
0x2ce: {  	v23 =	vpop (erf);
	v12 =	vcvt.s32.f32 v12  }
0x2cf: {  	v24 =	vpop (erf)  }
0x2d0: {  	v25 =	vmul.f32 v12, v5;
	v12 =	vmul.f32 v12, v7;
	v26 =	vpop (erf)  }
0x2d1: {  	v27 =	vmul.f32 v26, v1;
	v26 =	vmul.f32 v26, v3  }
0x2d2: {  	v25 =	vadd.f32 v25, v4;
	v12 =	vadd.f32 v12, v6  }
0x2d3: {  	v27 =	vadd.f32 v27, v0;
	v26 =	vadd.f32 v26, v2;
	_ =	sdelay $0x1  }
0x2d4: {  	v25 =	vmul.f32 v27, v25;
	v12 =	vmul.f32 v26, v12;
	_ =	sdelay $0x1  }
0x2d5: {  	v26 =	vadd.f32 v12, v25;
	_ =	sdelay $0x1  }
0x2d6: {  	v26 =	vadd.f32 $1.000000010e-10, v26;
	_ =	sdelay $0x1  }
0x2d7: {  	(erf) = vrcp.f32 v26;
	_ =	sdelay $0x1  }
0x2d8: {  	v19 =	vmul.f32 v13, v19;
	v13 =	vmul.f32 v13, v17  }
0x2d9: {  	v16 =	vmul.f32 v21, v16  }
0x2da: {  	v17 =	vmul.f32 v21, v18;
	[tilespmem:s28+$0xFFFFFEE0] =	vst v13;
	v13 =	vmul.f32 v15, v14  }
0x2db: {  	[tilespmem:s28+$0xFFFFFE60] =	vst v19;
	v14 =	vmul.f32 v15, v20;
	v19 =	vmul.f32 v22, v1  }
0x2dc: {  	v21 =	vmul.f32 v22, v3;
	v20 =	vmul.f32 v23, v3  }
0x2dd: {  	[tilespmem:s28+$0xFFFFFF60] =	vst v16;
	v16 =	vadd.f32 v19, v0;
	v19 =	vmul.f32 v23, v1;
	v23 =	vmul.f32 v24, v1  }
0x2de: {  	[tilespmem:s28+$0xFFFFFFE0] =	vst v17;
	v15 =	vld [tilespmem:s30+$0xFFFFFE70];
	v21 =	vadd.f32 v21, v2;
	v24 =	vmul.f32 v24, v3;
	v27 =	vmul.f32 v9, v5  }
0x2df: {  	[tilespmem:s28+$0x60] =	vst v13;
	v22 =	vld [tilespmem:s30+$0xFFFFFEF0];
	v19 =	vadd.f32 v19, v0;
	v9 =	vmul.f32 v9, v7;
	v26 =	vmul.f32 v11, v5;
	v17 =	vpop (erf)  }
0x2e0: {  	[tilespmem:s28+$0xE0] =	vst v14;
	v14 =	vld [tilespmem:s30+$0xFFFFFFF0];
	v18 =	vadd.f32 v27, v4;
	v11 =	vmul.f32 v11, v7;
	v13 =	vmul.f32 v17, v25  }
0x2e1: {  	v9 =	vadd.f32 v9, v6;
	v27 =	vld [tilespmem:s30+$0xFFFFFF70];
	v26 =	vadd.f32 v26, v4;
	v12 =	vmul.f32 v17, v12  }
0x2e2: {  	v16 =	vmul.f32 v16, v10;
	v10 =	vld [tilespmem:s30+$0xF0];
	v11 =	vadd.f32 v11, v6;
	v17 =	vadd.f32 v20, v2;
	[tilespmem:s13+$0x150] =	vst v13  }
0x2e3: {  	v8 =	vmul.f32 v21, v8;
	v20 =	vadd.f32 v23, v0;
	v23 =	vld [tilespmem:s30+$0x70];
	v13 =	vadd.f32 v24, v2;
	[tilespmem:s13+$0x1D0] =	vst v12  }
0x2e4: {  	v12 =	vsub.f32 v22, v15;
	v15 =	vmul.f32 v19, v26;
	v17 =	vmul.f32 v17, v11;
	v11 =	vld [tilespmem:s31+$0x160]  }
0x2e5: {  	v19 =	vadd.f32 v8, v16;
	v18 =	vmul.f32 v20, v18;
	v9 =	vmul.f32 v13, v9;
	v13 =	vld [tilespmem:s31+$0x1E0]  }
0x2e6: {  	v14 =	vsub.f32 v14, v27;
	v20 =	vadd.f32 v17, v15  }
0x2e7: {  	v19 =	vadd.f32 $1.000000010e-10, v19;
	v21 =	vadd.f32 v9, v18  }
0x2e8: {  	v14 =	vmin.f32 v14, $6.000000000e+01;
	v12 =	vmin.f32 v12, $6.000000000e+01;
	v20 =	vadd.f32 $1.000000010e-10, v20  }
0x2e9: {  	v10 =	vsub.f32 v10, v23;
	(erf) = vrcp.f32 v19;
	v21 =	vadd.f32 $1.000000010e-10, v21  }
0x2ea: {  	v12 =	vmul.f32 $1.442695020e+00, v12;
	(erf) = vrcp.f32 v20;
	v11 =	vsub.f32 v13, v11  }
0x2eb: {  	v10 =	vmin.f32 v10, $6.000000000e+01;
	v13 =	vmul.f32 $1.442695020e+00, v14;
	(erf) = vrcp.f32 v21  }
0x2ec: {  	v10 =	vmul.f32 $1.442695020e+00, v10;
	(erf) = vpow2.f32 v12;
	v11 =	vmin.f32 v11, $6.000000000e+01  }
0x2ed: {  	(erf) = vpow2.f32 v13;
	v11 =	vmul.f32 $1.442695020e+00, v11  }
0x2ee: {  	(erf) = vpow2.f32 v10  }
0x2ef: {  	(erf) = vpow2.f32 v11;
	_ =	sdelay $0x1  }
0x2f0: {  	v10 =	vld [tilespmem:s14+$0xE0]  }
0x2f1: {  	v13 =	vpop (erf)  }
0x2f2: {  	v14 =	vpop (erf)  }
0x2f3: {  	v19 =	vpop (erf)  }
0x2f4: {  	v12 =	vpop (erf)  }
0x2f5: {  	v20 =	vcvt.s32.f32 v10;
	v11 =	vpop (erf)  }
0x2f6: {  	v10 =	vpop (erf)  }
0x2f7: {  	v21 =	vmul.f32 v20, v5;
	v20 =	vmul.f32 v20, v7;
	v22 =	vpop (erf)  }
0x2f8: {  	v23 =	vmul.f32 v22, v1;
	v22 =	vmul.f32 v22, v3  }
0x2f9: {  	v21 =	vadd.f32 v21, v4;
	v20 =	vadd.f32 v20, v6  }
0x2fa: {  	v23 =	vadd.f32 v23, v0;
	v22 =	vadd.f32 v22, v2;
	_ =	sdelay $0x1  }
0x2fb: {  	v21 =	vmul.f32 v23, v21;
	v20 =	vmul.f32 v22, v20;
	_ =	sdelay $0x1  }
0x2fc: {  	v22 =	vadd.f32 v20, v21;
	_ =	sdelay $0x1  }
0x2fd: {  	v22 =	vadd.f32 $1.000000010e-10, v22;
	_ =	sdelay $0x1  }
0x2fe: {  	(erf) = vrcp.f32 v22;
	_ =	sdelay $0x3  }
0x2ff: {  	v16 =	vmul.f32 v13, v16  }
0x300: {  	v8 =	vmul.f32 v13, v8  }
0x301: {  	v13 =	vmul.f32 v14, v15;
	[tilespmem:s13+$0xFFFFFE40] =	vst v16  }
0x302: {  	v14 =	vmul.f32 v14, v17;
	[tilespmem:s13+$0xFFFFFEC0] =	vst v8  }
0x303: {  	v8 =	vmul.f32 v19, v18;
	[tilespmem:s13+$0xFFFFFF40] =	vst v13;
	v13 =	vld [tilespmem:s31+$0xFFFFFE50]  }
0x304: {  	v9 =	vmul.f32 v19, v9;
	[tilespmem:s13+$0xFFFFFFC0] =	vst v14;
	v14 =	vld [tilespmem:s31+$0xFFFFFED0];
	v15 =	vpop (erf)  }
0x305: {  	[tilespmem:s13+$0x40] =	vst v8;
	v8 =	vld [tilespmem:s31+$0xFFFFFF50];
	v16 =	vmul.f32 v15, v21  }
0x306: {  	[tilespmem:s13+$0xC0] =	vst v9;
	v9 =	vld [tilespmem:s31+$0xFFFFFFD0];
	v15 =	vmul.f32 v15, v20  }
0x307: {  	v17 =	vld [tilespmem:s31+$0x50];
	[tilespmem:s13+$0x160] =	vst v16  }
0x308: {  	v16 =	vld [tilespmem:s31+$0xD0];
	[tilespmem:s13+$0x1E0] =	vst v15  }
0x309: {  	v15 =	vld [tilespmem:s31+$0x170]  }
0x30a: {  	v18 =	vld [tilespmem:s31+$0x1F0];
	_ =	sdelay $0x1  }
0x30b: {  	v13 =	vsub.f32 v14, v13  }
0x30c: {  	v8 =	vsub.f32 v9, v8  }
0x30d: {  	v13 =	vmin.f32 v13, $6.000000000e+01;
	v9 =	vsub.f32 v16, v17  }
0x30e: {  	v13 =	vmul.f32 $1.442695020e+00, v13;
	v8 =	vmin.f32 v8, $6.000000000e+01;
	v14 =	vsub.f32 v18, v15  }
0x30f: {  	v8 =	vmul.f32 $1.442695020e+00, v8;
	v9 =	vmin.f32 v9, $6.000000000e+01  }
0x310: {  	(erf) = vpow2.f32 v13;
	v9 =	vmul.f32 $1.442695020e+00, v9;
	v13 =	vmin.f32 v14, $6.000000000e+01  }
0x311: {  	(erf) = vpow2.f32 v8;
	v8 =	vmul.f32 $1.442695020e+00, v13  }
0x312: {  	(erf) = vpow2.f32 v9  }
0x313: {  	(erf) = vpow2.f32 v8;
	_ =	sdelay $0x1  }
0x314: {  	v9 =	vld [tilespmem:s14+$0xF0];
	_ =	sdelay $0x3  }
0x315: {  	v15 =	vpop (erf);
	v8 =	vld [tilespmem:s14+$0xFFFFFF50]  }
0x316: {  	v16 =	vpop (erf);
	v13 =	vld [tilespmem:s14+$0xFFFFFFD0];
	v9 =	vcvt.s32.f32 v9  }
0x317: {  	v24 =	vmul.f32 v16, v1;
	v16 =	vmul.f32 v16, v3;
	v17 =	vpop (erf)  }
0x318: {  	v18 =	vmul.f32 v9, v5;
	v9 =	vmul.f32 v9, v7;
	v19 =	vpop (erf)  }
0x319: {  	v14 =	vld [tilespmem:s14+$0x50];
	v20 =	vmul.f32 v19, v1;
	v19 =	vmul.f32 v19, v3  }
0x31a: {  	v8 =	vcvt.s32.f32 v8;
	v18 =	vadd.f32 v18, v4;
	v9 =	vadd.f32 v9, v6  }
0x31b: {  	v13 =	vcvt.s32.f32 v13;
	v20 =	vadd.f32 v20, v0;
	v19 =	vadd.f32 v19, v2  }
0x31c: {  	v21 =	vmul.f32 v8, v5;
	v22 =	vmul.f32 v8, v7  }
0x31d: {  	v8 =	vmul.f32 v20, v18;
	v18 =	vmul.f32 v19, v9  }
0x31e: {  	v24 =	vadd.f32 v24, v0;
	v16 =	vadd.f32 v16, v2;
	v14 =	vcvt.s32.f32 v14  }
0x31f: {  	v23 =	vmul.f32 v13, v5;
	v9 =	vadd.f32 v21, v4;
	v21 =	vadd.f32 v18, v8  }
0x320: {  	v20 =	vadd.f32 v22, v6;
	v22 =	vmul.f32 v15, v1;
	v15 =	vmul.f32 v15, v3  }
0x321: {  	v13 =	vmul.f32 v13, v7;
	v25 =	vmul.f32 v17, v1;
	v21 =	vadd.f32 $1.000000010e-10, v21  }
0x322: {  	v17 =	vmul.f32 v17, v3;
	v22 =	vadd.f32 v22, v0;
	v15 =	vadd.f32 v15, v2  }
0x323: {  	v13 =	vadd.f32 v13, v6;
	v19 =	vmul.f32 v14, v5;
	(erf) = vrcp.f32 v21  }
0x324: {  	v23 =	vadd.f32 v23, v4;
	v15 =	vmul.f32 v15, v20;
	v21 =	vmul.f32 v22, v9  }
0x325: {  	v13 =	vmul.f32 v16, v13;
	v16 =	vadd.f32 v17, v2;
	v14 =	vmul.f32 v14, v7  }
0x326: {  	v19 =	vadd.f32 v19, v4;
	v22 =	vmul.f32 v24, v23;
	v20 =	vadd.f32 v15, v21  }
0x327: {  	v14 =	vadd.f32 v14, v6;
	v9 =	vadd.f32 v25, v0  }
0x328: {  	v17 =	vadd.f32 $1.000000010e-10, v20;
	v20 =	vadd.f32 v13, v22;
	_ =	sdelay $0x1  }
0x329: {  	v14 =	vmul.f32 v16, v14;
	v23 =	vld [tilespmem:s29+$0xFFFFFF70];
	v19 =	vmul.f32 v9, v19;
	v16 =	vadd.f32 $1.000000010e-10, v20  }
0x32a: {  	v24 =	vld [tilespmem:s29+$0xFFFFFFF0];
	(erf) = vrcp.f32 v17  }
0x32b: {  	v20 =	vadd.f32 v14, v19;
	(erf) = vrcp.f32 v16;
	v9 =	vpop (erf)  }
0x32c: {  	v17 =	vld [tilespmem:s29+$0x70];
	v16 =	vmul.f32 v9, v18  }
0x32d: {  	v25 =	vmul.f32 v10, v1;
	v20 =	vadd.f32 $1.000000010e-10, v20  }
0x32e: {  	v10 =	vmul.f32 v10, v3;
	v18 =	vcvt.s32.f32 v23;
	[tilespmem:s13+$0x1F0] =	vst v16  }
0x32f: {  	v23 =	vcvt.s32.f32 v24;
	(erf) = vrcp.f32 v20  }
0x330: {  	v24 =	vmul.f32 v11, v1;
	v11 =	vmul.f32 v11, v3  }
0x331: {  	v17 =	vcvt.s32.f32 v17;
	v16 =	vmul.f32 v18, v5  }
0x332: {  	v18 =	vmul.f32 v18, v7;
	v24 =	vadd.f32 v24, v0;
	v27 =	vmul.f32 v23, v5  }
0x333: {  	v28 =	vadd.f32 v11, v2;
	v20 =	vmul.f32 v12, v1;
	v12 =	vmul.f32 v12, v3;
	v26 =	vpop (erf)  }
0x334: {  	v16 =	vadd.f32 v16, v4;
	v21 =	vmul.f32 v26, v21;
	v15 =	vmul.f32 v26, v15;
	v26 =	vpop (erf)  }
0x335: {  	v20 =	vadd.f32 v20, v0;
	v12 =	vadd.f32 v12, v2;
	v11 =	vmul.f32 v26, v22  }
0x336: {  	[tilespmem:s13+$0xFFFFFE50] =	vst v21;
	v21 =	vadd.f32 v25, v0;
	v22 =	vadd.f32 v10, v2;
	v13 =	vmul.f32 v26, v13  }
0x337: {  	[tilespmem:s13+$0xFFFFFED0] =	vst v15;
	v15 =	vadd.f32 v18, v6;
	v18 =	vmul.f32 v23, v7;
	v23 =	vmul.f32 v17, v5  }
0x338: {  	v26 =	vadd.f32 v27, v4;
	v17 =	vmul.f32 v17, v7;
	v10 =	vmul.f32 v20, v16;
	v25 =	vld [tilespmem:s31+$0xFFFFFE60];
	[tilespmem:s13+$0xFFFFFF50] =	vst v11;
	v16 =	vpop (erf)  }
0x339: {  	v20 =	vld [tilespmem:s31+$0xFFFFFEE0];
	[tilespmem:s13+$0xFFFFFFD0] =	vst v13;
	v13 =	vadd.f32 v18, v6;
	v11 =	vmul.f32 v12, v15;
	v15 =	vmul.f32 v16, v19  }
0x33a: {  	v17 =	vadd.f32 v17, v6;
	v18 =	vld [tilespmem:s31+$0xFFFFFF60];
	v19 =	vadd.f32 v23, v4;
	v16 =	vmul.f32 v16, v14  }
0x33b: {  	v12 =	vmul.f32 v24, v26;
	v24 =	vadd.f32 v11, v10;
	v23 =	vld [tilespmem:s31+$0xFFFFFFE0];
	v14 =	vmul.f32 v28, v13;
	[tilespmem:s13+$0x50] =	vst v15  }
0x33c: {  	v13 =	vmul.f32 v22, v17;
	v15 =	vmul.f32 v21, v19;
	[tilespmem:s13+$0xD0] =	vst v16  }
0x33d: {  	v17 =	vadd.f32 $1.000000010e-10, v24;
	v16 =	vadd.f32 v14, v12;
	v19 =	vld [tilespmem:s31+$0x60]  }
0x33e: {  	v20 =	vsub.f32 v20, v25;
	v22 =	vld [tilespmem:s31+$0xE0];
	v21 =	vadd.f32 v13, v15  }
0x33f: {  	(erf) = vrcp.f32 v17;
	v16 =	vadd.f32 $1.000000010e-10, v16  }
0x340: {  	v20 =	vmin.f32 v20, $6.000000000e+01;
	v18 =	vsub.f32 v23, v18;
	v17 =	vadd.f32 $1.000000010e-10, v21  }
0x341: {  	(erf) = vrcp.f32 v16;
	v16 =	vmul.f32 $1.442695020e+00, v20  }
0x342: {  	v18 =	vmin.f32 v18, $6.000000000e+01;
	(erf) = vrcp.f32 v17  }
0x343: {  	v17 =	vmul.f32 $1.442695020e+00, v18;
	v18 =	vld [tilespmem:s14+$0xFFFFFF60];
	(erf) = vpow2.f32 v16;
	v16 =	vsub.f32 v22, v19  }
0x344: {  	v20 =	vld [tilespmem:s14+$0x60]  }
0x345: {  	v16 =	vmin.f32 v16, $6.000000000e+01  }
0x346: {  	v19 =	vld [tilespmem:s14+$0xFFFFFFE0];
	(erf) = vpow2.f32 v17;
	v16 =	vmul.f32 $1.442695020e+00, v16;
	_ =	sdelay $0x1  }
0x347: {  	(erf) = vpow2.f32 v16;
	v16 =	vcvt.s32.f32 v18  }
0x348: {  	v20 =	vcvt.s32.f32 v20  }
0x349: {  	v18 =	vpop (erf)  }
0x34a: {  	v48 =	vmul.f32 v20, v5;
	v19 =	vcvt.s32.f32 v19;
	v17 =	vpop (erf)  }
0x34b: {  	v21 =	vmul.f32 v16, v5;
	v22 =	vmul.f32 v16, v7;
	v16 =	vpop (erf)  }
0x34c: {  	v20 =	vmul.f32 v20, v7;
	v27 =	vmul.f32 v19, v5;
	v23 =	vpop (erf)  }
0x34d: {  	v28 =	vadd.f32 v48, v4;
	v24 =	vmul.f32 v23, v1;
	v23 =	vmul.f32 v23, v3  }
0x34e: {  	v19 =	vmul.f32 v19, v7;
	v21 =	vadd.f32 v21, v4;
	v22 =	vadd.f32 v22, v6;
	v25 =	vpop (erf)  }
0x34f: {  	v26 =	vmul.f32 v25, v1;
	v24 =	vadd.f32 v24, v0;
	v23 =	vadd.f32 v23, v2  }
0x350: {  	v27 =	vadd.f32 v27, v4;
	v19 =	vadd.f32 v19, v6;
	v25 =	vmul.f32 v25, v3  }
0x351: {  	v26 =	vadd.f32 v26, v0;
	v29 =	vpop (erf);
	v21 =	vmul.f32 v24, v21;
	v22 =	vmul.f32 v23, v22  }
0x352: {  	v25 =	vadd.f32 v25, v2;
	v30 =	vmul.f32 v29, v1;
	v29 =	vmul.f32 v29, v3  }
0x353: {  	v20 =	vadd.f32 v20, v6;
	v23 =	vmul.f32 v26, v27;
	v27 =	vadd.f32 v22, v21  }
0x354: {  	v19 =	vmul.f32 v25, v19;
	v24 =	vadd.f32 v30, v0;
	v26 =	vadd.f32 v29, v2  }
0x355: {  	v27 =	vadd.f32 $1.000000010e-10, v27  }
0x356: {  	v25 =	vadd.f32 v19, v23;
	v24 =	vmul.f32 v24, v28;
	v20 =	vmul.f32 v26, v20  }
0x357: {  	(erf) = vrcp.f32 v27  }
0x358: {  	v25 =	vadd.f32 $1.000000010e-10, v25;
	v26 =	vadd.f32 v20, v24;
	_ =	sdelay $0x1  }
0x359: {  	(erf) = vrcp.f32 v25;
	v25 =	vadd.f32 $1.000000010e-10, v26;
	_ =	sdelay $0x1  }
0x35a: {  	(erf) = vrcp.f32 v25;
	_ =	sdelay $0x3  }
0x35b: {  	v25 =	vpop (erf)  }
0x35c: {  	v21 =	vmul.f32 v25, v21;
	_ =	sdelay $0x1  }
0x35d: {  	v26 =	vpop (erf);
	v22 =	vmul.f32 v25, v22  }
0x35e: {  	v23 =	vmul.f32 v26, v23;
	[tilespmem:s13+$0xFFFFFE60] =	vst v21  }
0x35f: {  	v19 =	vmul.f32 v26, v19;
	[tilespmem:s13+$0xFFFFFEE0] =	vst v22;
	v21 =	vpop (erf)  }
0x360: {  	[tilespmem:s13+$0xFFFFFF60] =	vst v23;
	v22 =	vmul.f32 v21, v24;
	v24 =	vld [tilespmem:s31+$0xFFFFFE70]  }
0x361: {  	[tilespmem:s13+$0xFFFFFFE0] =	vst v19;
	v20 =	vmul.f32 v21, v20;
	v21 =	vld [tilespmem:s31+$0xFFFFFEF0]  }
0x362: {  	v19 =	vld [tilespmem:s31+$0xFFFFFF70];
	[tilespmem:s13+$0x60] =	vst v22  }
0x363: {  	[tilespmem:s13+$0xE0] =	vst v20;
	v20 =	vld [tilespmem:s31+$0xFFFFFFF0]  }
0x364: {  	v22 =	vld [tilespmem:s31+$0x70]  }
0x365: {  	v23 =	vld [tilespmem:s31+$0xF0]  }
0x366: {  	v21 =	vsub.f32 v21, v24;
	_ =	sdelay $0x1  }
0x367: {  	v21 =	vmin.f32 v21, $6.000000000e+01;
	v19 =	vsub.f32 v20, v19  }
0x368: {  	v21 =	vmul.f32 $1.442695020e+00, v21  }
0x369: {  	v20 =	vsub.f32 v23, v22;
	v19 =	vmin.f32 v19, $6.000000000e+01  }
0x36a: {  	v19 =	vmul.f32 $1.442695020e+00, v19;
	(erf) = vpow2.f32 v21  }
0x36b: {  	v20 =	vmin.f32 v20, $6.000000000e+01;
	v21 =	vld [tilespmem:s14+$0x70]  }
0x36c: {  	v20 =	vmul.f32 $1.442695020e+00, v20;
	(erf) = vpow2.f32 v19;
	v19 =	vld [tilespmem:s14+$0xFFFFFF70];
	_ =	sdelay $0x1  }
0x36d: {  	(erf) = vpow2.f32 v20;
	v20 =	vld [tilespmem:s14+$0xFFFFFFF0];
	_ =	sdelay $0x1  }
0x36e: {  	v21 =	vcvt.s32.f32 v21  }
0x36f: {  	v19 =	vcvt.s32.f32 v19  }
0x370: {  	v51 =	vmul.f32 v21, v5;
	v21 =	vmul.f32 v21, v7  }
0x371: {  	v20 =	vcvt.s32.f32 v20;
	v22 =	vpop (erf);
	v23 =	vmul.f32 v19, v5  }
0x372: {  	v19 =	vmul.f32 v19, v7;
	v21 =	vadd.f32 v21, v6;
	v24 =	vmul.f32 v22, v1  }
0x373: {  	v22 =	vmul.f32 v22, v3;
	v50 =	vmul.f32 v20, v5;
	v23 =	vadd.f32 v23, v4  }
0x374: {  	v20 =	vmul.f32 v20, v7;
	v25 =	vpop (erf);
	v19 =	vadd.f32 v19, v6;
	v24 =	vadd.f32 v24, v0  }
0x375: {  	v26 =	vpop (erf);
	v27 =	vmul.f32 v25, v1;
	v25 =	vmul.f32 v25, v3;
	v22 =	vadd.f32 v22, v2  }
0x376: {  	v29 =	vadd.f32 v50, v4;
	v20 =	vadd.f32 v20, v6;
	v49 =	vmul.f32 v26, v1  }
0x377: {  	v26 =	vmul.f32 v26, v3;
	v27 =	vadd.f32 v27, v0;
	v25 =	vadd.f32 v25, v2  }
0x378: {  	v23 =	vmul.f32 v24, v23;
	v19 =	vmul.f32 v22, v19;
	v22 =	vadd.f32 v51, v4  }
0x379: {  	v28 =	vadd.f32 v49, v0;
	v26 =	vadd.f32 v26, v2  }
0x37a: {  	v24 =	vmul.f32 v27, v29;
	v27 =	vadd.f32 v19, v23;
	v20 =	vmul.f32 v25, v20  }
0x37b: {  	v22 =	vmul.f32 v28, v22  }
0x37c: {  	v21 =	vmul.f32 v26, v21;
	v25 =	vadd.f32 v20, v24;
	v27 =	vadd.f32 $1.000000010e-10, v27;
	_ =	sdelay $0x1  }
0x37d: {  	v26 =	vadd.f32 v21, v22;
	v25 =	vadd.f32 $1.000000010e-10, v25;
	(erf) = vrcp.f32 v27;
	_ =	sdelay $0x1  }
0x37e: {  	v26 =	vadd.f32 $1.000000010e-10, v26;
	(erf) = vrcp.f32 v25  }
0x37f: {  	v8 =	vmul.f32 v9, v8  }
0x380: {  	v10 =	vmul.f32 v18, v10;
	(erf) = vrcp.f32 v26  }
0x381: {  	[tilespmem:s13+$0x170] =	vst v8;
	v11 =	vmul.f32 v18, v11  }
0x382: {  	[tilespmem:s28+$0xFFFFFE70] =	vst v10;
	v10 =	vmul.f32 v17, v12  }
0x383: {  	v12 =	vmul.f32 v17, v14;
	[tilespmem:s28+$0xFFFFFEF0] =	vst v11  }
0x384: {  	[tilespmem:s28+$0xFFFFFF70] =	vst v10;
	v10 =	vmul.f32 v16, v13  }
0x385: {  	v11 =	vmul.f32 v16, v15;
	[tilespmem:s28+$0xFFFFFFF0] =	vst v12;
	v9 =	vpop (erf)  }
0x386: {  	[tilespmem:s28+$0xF0] =	vst v10;
	v10 =	vmul.f32 v9, v23  }
0x387: {  	[tilespmem:s28+$0x70] =	vst v11;
	v9 =	vmul.f32 v9, v19;
	v8 =	vpop (erf)  }
0x388: {  	[tilespmem:s13+$0xFFFFFE70] =	vst v10;
	v10 =	vmul.f32 v8, v24  }
0x389: {  	v11 =	vpop (erf);
	v8 =	vmul.f32 v8, v20;
	[tilespmem:s13+$0xFFFFFEF0] =	vst v9  }
0x38a: {  	s0 =	sadd.s32 s7, s26;
	v9 =	vmul.f32 v11, v22;
	[tilespmem:s13+$0xFFFFFF70] =	vst v10  }
0x38b: {  	s0 =	sshll.u32 s0, $0x5;
	v10 =	vmul.f32 v11, v21;
	[tilespmem:s13+$0xFFFFFFF0] =	vst v8  }
0x38c: {  	s0 =	sand.u32 $0x1FFFFFE0, s0;
	[tilespmem:s13+$0x70] =	vst v9  }
0x38d: {  	p1 =	seq.s32 s24, $0xF;
	s0 =	sadd.s32 s4, s0;
	[tilespmem:s13+$0xF0] =	vst v10  }
0x38e: {  	[hbm4b:s0+s5] =	stream.linear.scatter [tilespmem:s18], [sflag:$0x3], $0x4000, $0x38;
	[tilespmem:$0x14400] =	vst v63  }
0x38f: {  	s0 =	sadd.s32 @!p1 $0x80, s26  }
0x390: {  	s0 =	smin.u32 @!p1 s0, s8  }
0x391: {  	s0 =	sadd.s32 @!p1 s7, s0  }
0x392: {  	s3 =	sshll.u32 @!p1 s0, $0x4  }
0x393: {  	s6 =	simm.s32 @!p1 $0x0;
	s0 =	sshll.u32 @!p1 s0, $0x5;
	s3 =	sand.u32 @!p1 $0x1FFFFFF0, s3  }
0x394: {  	s9 =	simm.s32 @!p1 $0x400;
	s0 =	sand.u32 @!p1 $0x1FFFFFE0, s0;
	s3 =	sadd.s32 @!p1 s1, s3  }
0x395: {  	[tilespmem:s9], [sflag:$0x1] =	stream.linear.gather @!p1 [hbm4b:s3+s6], $0x2000, $0x38;
	[tilespmem:$0x14400] =	vst v63  }
0x396: {  	s0 =	sadd.s32 @!p1 s2, s0;
	s3 =	simm.s32 @!p1 $0x4400  }
0x397: {  	[tilespmem:s3], [sflag:$0x1] =	stream.linear.gather @!p1 [hbm4b:s0+s6], $0x4000, $0x38;
	[tilespmem:$0x14400] =	vst v63  }
0x398: {  	_ =	swait.ge [sflag:s19], $0x2000  }
0x399: {  	[sflag:s19] =	ssyncset.done $0x0  }
0x39a: {  	[sflag:s19] =	ssyncadd.s32 $0xFFFFE000  }
0x39b: {  	_ =	swait.ge [sflag:s19], $0x4000  }
0x39c: {  	[sflag:s19] =	ssyncset.done $0x0  }
0x39d: {  	s0 =	simm.s32 @!p0 $0x4;
	[sflag:s19] =	ssyncadd.s32 $0xFFFFC000  }
0x39e: {  	_ =	swait.ge @!p0 [sflag:s0], $0x4000  }
0x39f: {  	[sflag:s0] =	ssyncset.done @!p0 $0x0  }
0x3a0: {  	s29 =	simm.s32 $0x8600;
	[sflag:s0] =	ssyncadd.s32 @!p0 $0xFFFFC000  }
0x3a1: {  	v8 =	vld [tilespmem:s29+$0x100]  }
0x3a2: {  	v9 =	vld [tilespmem:s29+$0x180];
	_ =	sdelay $0x4  }
0x3a3: {  	v8 =	vsub.f32 v9, v8;
	_ =	sdelay $0x1  }
0x3a4: {  	v8 =	vmin.f32 v8, $6.000000000e+01  }
0x3a5: {  	v10 =	vld [tilespmem:s29+$0xFFFFFF00];
	v8 =	vmul.f32 $1.442695020e+00, v8  }
0x3a6: {  	s28 =	simm.s32 $0x2500;
	v11 =	vld [tilespmem:s29+$0xFFFFFF80]  }
0x3a7: {  	v12 =	vld [tilespmem:s28+$0x80];
	(erf) = vpow2.f32 v8  }
0x3a8: {  	v13 =	vld [tilespmem:s29+$0x80]  }
0x3a9: {  	v14 =	vld [tilespmem:s29+$0xFFFFFE00]  }
0x3aa: {  	v9 =	vld [tilespmem:s29+$0xFFFFFE80]  }
0x3ab: {  	v8 =	vld [tilespmem:s29+$0x0];
	_ =	sdelay $0x1  }
0x3ac: {  	v10 =	vsub.f32 v11, v10;
	v11 =	vcvt.s32.f32 v12;
	_ =	sdelay $0x1  }
0x3ad: {  	v10 =	vmin.f32 v10, $6.000000000e+01;
	v12 =	vmul.f32 v11, v5;
	v11 =	vmul.f32 v11, v7  }
0x3ae: {  	v10 =	vmul.f32 $1.442695020e+00, v10;
	v9 =	vsub.f32 v9, v14;
	v8 =	vsub.f32 v13, v8;
	v13 =	vpop (erf)  }
0x3af: {  	v12 =	vadd.f32 v12, v4;
	v14 =	vmul.f32 v13, v1;
	v13 =	vmul.f32 v13, v3  }
0x3b0: {  	v11 =	vadd.f32 v11, v6;
	(erf) = vpow2.f32 v10;
	v9 =	vmin.f32 v9, $6.000000000e+01  }
0x3b1: {  	v8 =	vmin.f32 v8, $6.000000000e+01;
	v14 =	vadd.f32 v14, v0;
	v13 =	vadd.f32 v13, v2  }
0x3b2: {  	v9 =	vmul.f32 $1.442695020e+00, v9;
	v8 =	vmul.f32 $1.442695020e+00, v8  }
0x3b3: {  	v10 =	vmul.f32 v14, v12;
	v11 =	vmul.f32 v13, v11  }
0x3b4: {  	(erf) = vpow2.f32 v8  }
0x3b5: {  	(erf) = vpow2.f32 v9;
	v9 =	vld [tilespmem:s28+$0xFFFFFF00];
	v8 =	vadd.f32 v11, v10  }
0x3b6: {  	v12 =	vld [tilespmem:s28+$0xFFFFFF80]  }
0x3b7: {  	v13 =	vld [tilespmem:s28+$0x0];
	v8 =	vadd.f32 $1.000000010e-10, v8;
	_ =	sdelay $0x1  }
0x3b8: {  	(erf) = vrcp.f32 v8;
	_ =	sdelay $0x1  }
0x3b9: {  	v12 =	vcvt.s32.f32 v12  }
0x3ba: {  	v13 =	vcvt.s32.f32 v13;
	v8 =	vcvt.s32.f32 v9;
	v9 =	vpop (erf)  }
0x3bb: {  	v16 =	vmul.f32 v9, v1;
	v9 =	vmul.f32 v9, v3  }
0x3bc: {  	v20 =	vmul.f32 v12, v5;
	v12 =	vmul.f32 v12, v7  }
0x3bd: {  	v15 =	vpop (erf);
	v22 =	vmul.f32 v13, v5;
	v14 =	vmul.f32 v8, v5  }
0x3be: {  	v17 =	vpop (erf);
	v8 =	vmul.f32 v8, v7;
	v19 =	vmul.f32 v15, v1  }
0x3bf: {  	v18 =	vmul.f32 v17, v1;
	v17 =	vmul.f32 v17, v3;
	v16 =	vadd.f32 v16, v0  }
0x3c0: {  	v15 =	vmul.f32 v15, v3;
	v14 =	vadd.f32 v14, v4;
	v8 =	vadd.f32 v8, v6;
	v21 =	vpop (erf)  }
0x3c1: {  	v18 =	vadd.f32 v18, v0;
	v17 =	vadd.f32 v17, v2;
	v10 =	vmul.f32 v21, v10  }
0x3c2: {  	s26 =	simm.s32 $0x10600;
	v9 =	vadd.f32 v9, v2;
	v12 =	vadd.f32 v12, v6;
	v11 =	vmul.f32 v21, v11  }
0x3c3: {  	v14 =	vmul.f32 v18, v14;
	v18 =	vadd.f32 v20, v4;
	v8 =	vmul.f32 v17, v8;
	[tilespmem:s26+$0x100] =	vst v10  }
0x3c4: {  	v15 =	vadd.f32 v15, v2;
	v9 =	vmul.f32 v9, v12;
	v10 =	vmul.f32 v13, v7;
	[tilespmem:s26+$0x180] =	vst v11  }
0x3c5: {  	v17 =	vadd.f32 v22, v4;
	v12 =	vadd.f32 v8, v14;
	v11 =	vmul.f32 v16, v18;
	v16 =	vld [tilespmem:s29+$0x110]  }
0x3c6: {  	v13 =	vadd.f32 v19, v0;
	v18 =	vld [tilespmem:s29+$0x190];
	v10 =	vadd.f32 v10, v6  }
0x3c7: {  	v12 =	vadd.f32 $1.000000010e-10, v12;
	v19 =	vadd.f32 v9, v11  }
0x3c8: {  	v13 =	vmul.f32 v13, v17;
	v10 =	vmul.f32 v15, v10  }
0x3c9: {  	(erf) = vrcp.f32 v12;
	v15 =	vadd.f32 $1.000000010e-10, v19  }
0x3ca: {  	v12 =	vadd.f32 v10, v13  }
0x3cb: {  	(erf) = vrcp.f32 v15;
	v15 =	vsub.f32 v18, v16  }
0x3cc: {  	v12 =	vadd.f32 $1.000000010e-10, v12  }
0x3cd: {  	v15 =	vmin.f32 v15, $6.000000000e+01  }
0x3ce: {  	(erf) = vrcp.f32 v12;
	v12 =	vmul.f32 $1.442695020e+00, v15;
	_ =	sdelay $0x3  }
0x3cf: {  	(erf) = vpow2.f32 v12;
	v12 =	vpop (erf)  }
0x3d0: {  	v14 =	vmul.f32 v12, v14  }
0x3d1: {  	v8 =	vmul.f32 v12, v8  }
0x3d2: {  	v15 =	vld [tilespmem:s28+$0x90];
	v16 =	vpop (erf);
	[tilespmem:s26+$0xFFFFFE00] =	vst v14  }
0x3d3: {  	v9 =	vmul.f32 v16, v9;
	[tilespmem:s26+$0xFFFFFE80] =	vst v8  }
0x3d4: {  	v12 =	vld [tilespmem:s29+$0xFFFFFE10]  }
0x3d5: {  	v11 =	vmul.f32 v16, v11;
	[tilespmem:s26+$0xFFFFFF80] =	vst v9;
	v9 =	vld [tilespmem:s29+$0xFFFFFE90]  }
0x3d6: {  	v8 =	vpop (erf)  }
0x3d7: {  	[tilespmem:s26+$0xFFFFFF00] =	vst v11;
	v11 =	vmul.f32 v8, v13;
	v13 =	vcvt.s32.f32 v15  }
0x3d8: {  	v8 =	vmul.f32 v8, v10;
	v10 =	vld [tilespmem:s29+$0xFFFFFF10];
	v14 =	vpop (erf)  }
0x3d9: {  	[tilespmem:s26+$0x0] =	vst v11;
	v11 =	vld [tilespmem:s29+$0xFFFFFF90];
	v15 =	vmul.f32 v14, v1;
	v16 =	vmul.f32 v13, v5  }
0x3da: {  	[tilespmem:s26+$0x80] =	vst v8;
	v8 =	vmul.f32 v13, v7;
	v13 =	vmul.f32 v14, v3;
	v9 =	vsub.f32 v9, v12  }
0x3db: {  	v14 =	vld [tilespmem:s29+$0x10];
	v15 =	vadd.f32 v15, v0;
	v16 =	vadd.f32 v16, v4  }
0x3dc: {  	v17 =	vld [tilespmem:s29+$0x90];
	v8 =	vadd.f32 v8, v6;
	v13 =	vadd.f32 v13, v2  }
0x3dd: {  	v9 =	vmin.f32 v9, $6.000000000e+01  }
0x3de: {  	v8 =	vmul.f32 v13, v8;
	v10 =	vsub.f32 v11, v10;
	v11 =	vmul.f32 v15, v16  }
0x3df: {  	v9 =	vmul.f32 $1.442695020e+00, v9  }
0x3e0: {  	v10 =	vmin.f32 v10, $6.000000000e+01;
	v12 =	vadd.f32 v8, v11  }
0x3e1: {  	v13 =	vld [tilespmem:s28+$0xFFFFFF10];
	v14 =	vsub.f32 v17, v14;
	(erf) = vpow2.f32 v9;
	v10 =	vmul.f32 $1.442695020e+00, v10  }
0x3e2: {  	v9 =	vld [tilespmem:s28+$0xFFFFFF90];
	v12 =	vadd.f32 $1.000000010e-10, v12  }
0x3e3: {  	v14 =	vmin.f32 v14, $6.000000000e+01;
	(erf) = vpow2.f32 v10  }
0x3e4: {  	v14 =	vmul.f32 $1.442695020e+00, v14;
	(erf) = vrcp.f32 v12  }
0x3e5: {  	v10 =	vld [tilespmem:s28+$0x10]  }
0x3e6: {  	v12 =	vcvt.s32.f32 v13;
	(erf) = vpow2.f32 v14  }
0x3e7: {  	v9 =	vcvt.s32.f32 v9  }
0x3e8: {  	v13 =	vmul.f32 v12, v5  }
0x3e9: {  	v12 =	vmul.f32 v12, v7;
	v14 =	vmul.f32 v9, v5  }
0x3ea: {  	v9 =	vmul.f32 v9, v7;
	v10 =	vcvt.s32.f32 v10;
	v13 =	vadd.f32 v13, v4;
	v16 =	vpop (erf)  }
0x3eb: {  	v12 =	vadd.f32 v12, v6;
	v14 =	vadd.f32 v14, v4;
	v17 =	vmul.f32 v16, v1  }
0x3ec: {  	v9 =	vadd.f32 v9, v6;
	v16 =	vmul.f32 v16, v3;
	v15 =	vmul.f32 v10, v5;
	v18 =	vpop (erf)  }
0x3ed: {  	v10 =	vmul.f32 v10, v7;
	v17 =	vadd.f32 v17, v0;
	v19 =	vpop (erf);
	v20 =	vmul.f32 v18, v1  }
0x3ee: {  	v16 =	vadd.f32 v16, v2;
	v18 =	vmul.f32 v18, v3;
	v11 =	vmul.f32 v19, v11  }
0x3ef: {  	v15 =	vadd.f32 v15, v4;
	v13 =	vmul.f32 v17, v13;
	v21 =	vpop (erf);
	v8 =	vmul.f32 v19, v8  }
0x3f0: {  	v12 =	vmul.f32 v16, v12;
	v19 =	vadd.f32 v20, v0;
	v20 =	vmul.f32 v21, v1;
	[tilespmem:s26+$0x110] =	vst v11  }
0x3f1: {  	v17 =	vmul.f32 v21, v3;
	v11 =	vadd.f32 v18, v2;
	[tilespmem:s26+$0x190] =	vst v8;
	v8 =	vadd.f32 v10, v6  }
0x3f2: {  	v18 =	vadd.f32 v12, v13;
	v10 =	vadd.f32 v20, v0;
	v16 =	vld [tilespmem:s29+$0x120]  }
0x3f3: {  	v14 =	vmul.f32 v19, v14;
	v17 =	vadd.f32 v17, v2;
	v9 =	vmul.f32 v11, v9;
	v11 =	vld [tilespmem:s29+$0x1A0]  }
0x3f4: {  	v10 =	vmul.f32 v10, v15  }
0x3f5: {  	v8 =	vmul.f32 v17, v8;
	v15 =	vadd.f32 $1.000000010e-10, v18;
	v17 =	vadd.f32 v9, v14;
	_ =	sdelay $0x1  }
0x3f6: {  	v18 =	vadd.f32 v8, v10;
	(erf) = vrcp.f32 v15;
	v17 =	vadd.f32 $1.000000010e-10, v17  }
0x3f7: {  	v11 =	vsub.f32 v11, v16  }
0x3f8: {  	v15 =	vadd.f32 $1.000000010e-10, v18;
	(erf) = vrcp.f32 v17  }
0x3f9: {  	v11 =	vmin.f32 v11, $6.000000000e+01  }
0x3fa: {  	(erf) = vrcp.f32 v15;
	v11 =	vmul.f32 $1.442695020e+00, v11;
	_ =	sdelay $0x1  }
0x3fb: {  	(erf) = vpow2.f32 v11;
	_ =	sdelay $0x1  }
0x3fc: {  	v11 =	vld [tilespmem:s28+$0xA0]  }
0x3fd: {  	v15 =	vpop (erf)  }
0x3fe: {  	v13 =	vmul.f32 v15, v13  }
0x3ff: {  	v12 =	vmul.f32 v15, v12;
	v15 =	vpop (erf)  }
0x400: {  	[tilespmem:s26+$0xFFFFFE10] =	vst v13;
	v13 =	vmul.f32 v15, v14  }
0x401: {  	[tilespmem:s26+$0xFFFFFE90] =	vst v12;
	v11 =	vcvt.s32.f32 v11;
	v9 =	vmul.f32 v15, v9;
	v14 =	vpop (erf)  }
0x402: {  	v12 =	vld [tilespmem:s29+$0xFFFFFE20];
	v10 =	vmul.f32 v14, v10;
	v8 =	vmul.f32 v14, v8;
	[tilespmem:s26+$0xFFFFFF10] =	vst v13  }
0x403: {  	v13 =	vld [tilespmem:s29+$0xFFFFFEA0];
	[tilespmem:s26+$0xFFFFFF90] =	vst v9;
	v9 =	vmul.f32 v11, v5;
	v11 =	vmul.f32 v11, v7;
	v14 =	vpop (erf)  }
0x404: {  	[tilespmem:s26+$0x10] =	vst v10;
	v10 =	vmul.f32 v14, v1;
	v14 =	vmul.f32 v14, v3  }
0x405: {  	[tilespmem:s26+$0x90] =	vst v8;
	v8 =	vadd.f32 v9, v4;
	v9 =	vadd.f32 v11, v6  }
0x406: {  	v15 =	vld [tilespmem:s29+$0xFFFFFF20];
	v10 =	vadd.f32 v10, v0;
	v14 =	vadd.f32 v14, v2  }
0x407: {  	v16 =	vld [tilespmem:s29+$0xFFFFFFA0]  }
0x408: {  	v11 =	vld [tilespmem:s29+$0x20];
	v12 =	vsub.f32 v13, v12;
	v8 =	vmul.f32 v10, v8;
	v9 =	vmul.f32 v14, v9  }
0x409: {  	v17 =	vld [tilespmem:s29+$0xA0]  }
0x40a: {  	v10 =	vmin.f32 v12, $6.000000000e+01;
	v12 =	vadd.f32 v9, v8  }
0x40b: {  	v10 =	vmul.f32 $1.442695020e+00, v10  }
0x40c: {  	v13 =	vsub.f32 v16, v15;
	v12 =	vadd.f32 $1.000000010e-10, v12  }
0x40d: {  	(erf) = vpow2.f32 v10  }
0x40e: {  	v14 =	vld [tilespmem:s28+$0xFFFFFF20];
	v11 =	vsub.f32 v17, v11;
	v13 =	vmin.f32 v13, $6.000000000e+01;
	(erf) = vrcp.f32 v12  }
0x40f: {  	v10 =	vmul.f32 $1.442695020e+00, v13;
	v13 =	vld [tilespmem:s28+$0x20]  }
0x410: {  	v11 =	vmin.f32 v11, $6.000000000e+01;
	v12 =	vld [tilespmem:s28+$0xFFFFFFA0]  }
0x411: {  	v11 =	vmul.f32 $1.442695020e+00, v11;
	(erf) = vpow2.f32 v10;
	_ =	sdelay $0x1  }
0x412: {  	v10 =	vcvt.s32.f32 v14;
	(erf) = vpow2.f32 v11  }
0x413: {  	v13 =	vcvt.s32.f32 v13  }
0x414: {  	v11 =	vcvt.s32.f32 v12;
	v12 =	vmul.f32 v10, v5  }
0x415: {  	v10 =	vmul.f32 v10, v7;
	v16 =	vmul.f32 v13, v5;
	v15 =	vpop (erf)  }
0x416: {  	v13 =	vmul.f32 v13, v7;
	v14 =	vmul.f32 v11, v5;
	v17 =	vpop (erf)  }
0x417: {  	v12 =	vadd.f32 v12, v4;
	v18 =	vmul.f32 v15, v1;
	v8 =	vmul.f32 v17, v8  }
0x418: {  	v10 =	vadd.f32 v10, v6;
	v15 =	vmul.f32 v15, v3;
	v9 =	vmul.f32 v17, v9  }
0x419: {  	v11 =	vmul.f32 v11, v7;
	v16 =	vadd.f32 v16, v4;
	v19 =	vpop (erf);
	v17 =	vadd.f32 v18, v0;
	[tilespmem:s26+$0x120] =	vst v8  }
0x41a: {  	v14 =	vadd.f32 v14, v4;
	v15 =	vadd.f32 v15, v2;
	v18 =	vmul.f32 v19, v1;
	[tilespmem:s26+$0x1A0] =	vst v9  }
0x41b: {  	v19 =	vmul.f32 v19, v3;
	v9 =	vadd.f32 v13, v6;
	v12 =	vmul.f32 v17, v12;
	v13 =	vld [tilespmem:s29+$0x130];
	v8 =	vpop (erf)  }
0x41c: {  	v17 =	vadd.f32 v18, v0;
	v18 =	vld [tilespmem:s29+$0x1B0];
	v20 =	vmul.f32 v8, v1;
	v8 =	vmul.f32 v8, v3  }
0x41d: {  	v11 =	vadd.f32 v11, v6;
	v10 =	vmul.f32 v15, v10;
	v15 =	vadd.f32 v19, v2  }
0x41e: {  	v19 =	vadd.f32 v20, v0;
	v8 =	vadd.f32 v8, v2  }
0x41f: {  	v14 =	vmul.f32 v17, v14;
	v11 =	vmul.f32 v15, v11  }
0x420: {  	v17 =	vadd.f32 v10, v12;
	v15 =	vmul.f32 v19, v16;
	v8 =	vmul.f32 v8, v9  }
0x421: {  	v13 =	vsub.f32 v18, v13;
	v16 =	vadd.f32 v11, v14  }
0x422: {  	v9 =	vadd.f32 $1.000000010e-10, v17;
	v17 =	vadd.f32 v8, v15  }
0x423: {  	v16 =	vadd.f32 $1.000000010e-10, v16  }
0x424: {  	v13 =	vmin.f32 v13, $6.000000000e+01;
	(erf) = vrcp.f32 v9;
	v9 =	vadd.f32 $1.000000010e-10, v17  }
0x425: {  	v13 =	vmul.f32 $1.442695020e+00, v13;
	(erf) = vrcp.f32 v16  }
0x426: {  	(erf) = vrcp.f32 v9  }
0x427: {  	(erf) = vpow2.f32 v13  }
0x428: {  	v9 =	vld [tilespmem:s28+$0xB0];
	_ =	sdelay $0x4  }
0x429: {  	v13 =	vpop (erf);
	v9 =	vcvt.s32.f32 v9  }
0x42a: {  	v12 =	vmul.f32 v13, v12;
	v10 =	vmul.f32 v13, v10;
	v13 =	vpop (erf)  }
0x42b: {  	v14 =	vmul.f32 v13, v14;
	v11 =	vmul.f32 v13, v11;
	v16 =	vpop (erf)  }
0x42c: {  	[tilespmem:s26+$0xFFFFFE20] =	vst v12;
	v12 =	vmul.f32 v9, v5;
	v9 =	vmul.f32 v9, v7;
	v13 =	vpop (erf)  }
0x42d: {  	[tilespmem:s26+$0xFFFFFEA0] =	vst v10;
	v10 =	vmul.f32 v13, v1;
	v13 =	vmul.f32 v13, v3  }
0x42e: {  	v12 =	vadd.f32 v12, v4;
	v9 =	vadd.f32 v9, v6  }
0x42f: {  	v17 =	vld [tilespmem:s29+$0xFFFFFE30];
	[tilespmem:s26+$0xFFFFFFA0] =	vst v11;
	v10 =	vadd.f32 v10, v0;
	v11 =	vadd.f32 v13, v2  }
0x430: {  	[tilespmem:s26+$0xFFFFFF20] =	vst v14;
	v14 =	vld [tilespmem:s29+$0xFFFFFEB0]  }
0x431: {  	v18 =	vld [tilespmem:s29+$0xFFFFFFB0];
	v10 =	vmul.f32 v10, v12;
	v9 =	vmul.f32 v11, v9  }
0x432: {  	v13 =	vld [tilespmem:s29+$0xFFFFFF30]  }
0x433: {  	v12 =	vadd.f32 v9, v10  }
0x434: {  	v11 =	vmul.f32 v16, v15  }
0x435: {  	v8 =	vmul.f32 v16, v8;
	v12 =	vadd.f32 $1.000000010e-10, v12  }
0x436: {  	v15 =	vld [tilespmem:s28+$0xFFFFFFB0];
	[tilespmem:s26+$0x20] =	vst v11;
	v11 =	vsub.f32 v14, v17  }
0x437: {  	[tilespmem:s26+$0xA0] =	vst v8;
	v14 =	vld [tilespmem:s28+$0xFFFFFF30];
	v8 =	vsub.f32 v18, v13;
	(erf) = vrcp.f32 v12  }
0x438: {  	v13 =	vld [tilespmem:s29+$0x30];
	v11 =	vmin.f32 v11, $6.000000000e+01  }
0x439: {  	v11 =	vmul.f32 $1.442695020e+00, v11;
	v8 =	vmin.f32 v8, $6.000000000e+01;
	v12 =	vld [tilespmem:s29+$0xB0]  }
0x43a: {  	v8 =	vmul.f32 $1.442695020e+00, v8  }
0x43b: {  	(erf) = vpow2.f32 v11  }
0x43c: {  	(erf) = vpow2.f32 v8;
	_ =	sdelay $0x1  }
0x43d: {  	v8 =	vcvt.s32.f32 v14;
	v11 =	vsub.f32 v12, v13;
	v12 =	vcvt.s32.f32 v15;
	_ =	sdelay $0x1  }
0x43e: {  	v13 =	vmul.f32 v8, v5;
	v11 =	vmin.f32 v11, $6.000000000e+01;
	v15 =	vmul.f32 v12, v5;
	v14 =	vpop (erf)  }
0x43f: {  	v11 =	vmul.f32 $1.442695020e+00, v11;
	v10 =	vmul.f32 v14, v10  }
0x440: {  	v8 =	vmul.f32 v8, v7;
	v9 =	vmul.f32 v14, v9  }
0x441: {  	v16 =	vld [tilespmem:s28+$0x30];
	(erf) = vpow2.f32 v11;
	[tilespmem:s26+$0x130] =	vst v10  }
0x442: {  	v12 =	vmul.f32 v12, v7;
	v8 =	vadd.f32 v8, v6;
	v11 =	vadd.f32 v13, v4;
	v13 =	vpop (erf);
	[tilespmem:s26+$0x1B0] =	vst v9  }
0x443: {  	v14 =	vmul.f32 v13, v1;
	v13 =	vmul.f32 v13, v3;
	v10 =	vadd.f32 v15, v4;
	v15 =	vpop (erf);
	v17 =	vld [tilespmem:s29+$0x140]  }
0x444: {  	v9 =	vadd.f32 v12, v6;
	v12 =	vmul.f32 v15, v1;
	v15 =	vmul.f32 v15, v3;
	v18 =	vld [tilespmem:s29+$0x1C0]  }
0x445: {  	v14 =	vadd.f32 v14, v0;
	v13 =	vadd.f32 v13, v2  }
0x446: {  	v16 =	vcvt.s32.f32 v16;
	v12 =	vadd.f32 v12, v0;
	v15 =	vadd.f32 v15, v2  }
0x447: {  	v11 =	vmul.f32 v14, v11;
	v8 =	vmul.f32 v13, v8  }
0x448: {  	v10 =	vmul.f32 v12, v10;
	v9 =	vmul.f32 v15, v9  }
0x449: {  	v12 =	vadd.f32 v8, v11;
	v17 =	vsub.f32 v18, v17  }
0x44a: {  	v13 =	vmul.f32 v16, v5;
	v16 =	vmul.f32 v16, v7;
	v14 =	vpop (erf);
	v15 =	vadd.f32 v9, v10  }
0x44b: {  	v12 =	vadd.f32 $1.000000010e-10, v12;
	v18 =	vmul.f32 v14, v1;
	v17 =	vmin.f32 v17, $6.000000000e+01  }
0x44c: {  	v14 =	vmul.f32 v14, v3;
	v15 =	vadd.f32 $1.000000010e-10, v15;
	v17 =	vmul.f32 $1.442695020e+00, v17  }
0x44d: {  	(erf) = vrcp.f32 v12;
	v12 =	vadd.f32 v13, v4;
	v13 =	vadd.f32 v16, v6  }
0x44e: {  	v14 =	vadd.f32 v14, v2;
	(erf) = vrcp.f32 v15;
	v15 =	vadd.f32 v18, v0  }
0x44f: {  	(erf) = vpow2.f32 v17  }
0x450: {  	v13 =	vmul.f32 v14, v13;
	v12 =	vmul.f32 v15, v12;
	_ =	sdelay $0x1  }
0x451: {  	v14 =	vld [tilespmem:s28+$0xC0];
	v15 =	vadd.f32 v13, v12;
	_ =	sdelay $0x1  }
0x452: {  	v15 =	vadd.f32 $1.000000010e-10, v15;
	_ =	sdelay $0x2  }
0x453: {  	v14 =	vcvt.s32.f32 v14;
	v16 =	vpop (erf)  }
0x454: {  	(erf) = vrcp.f32 v15;
	v15 =	vpop (erf)  }
0x455: {  	v17 =	vmul.f32 v14, v5;
	v14 =	vmul.f32 v14, v7;
	v18 =	vpop (erf)  }
0x456: {  	v19 =	vmul.f32 v18, v1;
	v18 =	vmul.f32 v18, v3  }
0x457: {  	v17 =	vadd.f32 v17, v4;
	v14 =	vadd.f32 v14, v6  }
0x458: {  	v19 =	vadd.f32 v19, v0;
	v18 =	vadd.f32 v18, v2  }
0x459: {  	v11 =	vmul.f32 v16, v11;
	v8 =	vmul.f32 v16, v8  }
0x45a: {  	v16 =	vmul.f32 v19, v17;
	v14 =	vmul.f32 v18, v14;
	_ =	sdelay $0x1  }
0x45b: {  	s0 =	simm.s32 $0x2700;
	[tilespmem:s26+$0xFFFFFEB0] =	vst v8;
	v8 =	vmul.f32 v15, v10;
	v10 =	vadd.f32 v14, v16  }
0x45c: {  	v25 =	vld [tilespmem:s0+$0xFFFFFF00]  }
0x45d: {  	s30 =	simm.s32 $0x8A00;
	v32 =	vld [tilespmem:s0+$0x0];
	v10 =	vadd.f32 $1.000000010e-10, v10  }
0x45e: {  	v21 =	vld [tilespmem:s30+$0xFFFFFE80];
	[tilespmem:s26+$0xFFFFFE30] =	vst v11;
	v9 =	vmul.f32 v15, v9  }
0x45f: {  	v20 =	vld [tilespmem:s30+$0x180];
	[tilespmem:s26+$0xFFFFFF30] =	vst v8;
	v11 =	vpop (erf);
	(erf) = vrcp.f32 v10  }
0x460: {  	v15 =	vld [tilespmem:s29+$0xFFFFFEC0];
	[tilespmem:s26+$0xFFFFFFB0] =	vst v9;
	v8 =	vmul.f32 v11, v12  }
0x461: {  	v9 =	vld [tilespmem:s29+$0xFFFFFF40];
	v11 =	vmul.f32 v11, v13  }
0x462: {  	v17 =	vld [tilespmem:s29+$0xFFFFFE40];
	[tilespmem:s26+$0x30] =	vst v8  }
0x463: {  	v8 =	vld [tilespmem:s29+$0xFFFFFFC0];
	[tilespmem:s26+$0xB0] =	vst v11  }
0x464: {  	v11 =	vld [tilespmem:s29+$0xC0]  }
0x465: {  	v10 =	vld [tilespmem:s29+$0x40]  }
0x466: {  	v19 =	vld [tilespmem:s30+$0x100]  }
0x467: {  	v12 =	vld [tilespmem:s28+$0xFFFFFF40]  }
0x468: {  	v13 =	vld [tilespmem:s28+$0xFFFFFFC0];
	v15 =	vsub.f32 v15, v17;
	v22 =	vpop (erf)  }
0x469: {  	v17 =	vld [tilespmem:s30+$0xFFFFFF00];
	v8 =	vsub.f32 v8, v9;
	v16 =	vmul.f32 v22, v16  }
0x46a: {  	v15 =	vmin.f32 v15, $6.000000000e+01;
	v9 =	vld [tilespmem:s30+$0xFFFFFF80];
	v10 =	vsub.f32 v11, v10;
	v14 =	vmul.f32 v22, v14  }
0x46b: {  	v19 =	vsub.f32 v20, v19;
	v15 =	vmul.f32 $1.442695020e+00, v15;
	v11 =	vld [tilespmem:s30+$0x0];
	v8 =	vmin.f32 v8, $6.000000000e+01;
	[tilespmem:s26+$0x140] =	vst v16  }
0x46c: {  	v8 =	vmul.f32 $1.442695020e+00, v8;
	v10 =	vmin.f32 v10, $6.000000000e+01;
	v22 =	vld [tilespmem:s30+$0x80];
	[tilespmem:s26+$0x1C0] =	vst v14  }
0x46d: {  	(erf) = vpow2.f32 v15;
	v10 =	vmul.f32 $1.442695020e+00, v10;
	v14 =	vmin.f32 v19, $6.000000000e+01;
	v15 =	vld [tilespmem:s29+$0x150]  }
0x46e: {  	(erf) = vpow2.f32 v8;
	v8 =	vmul.f32 $1.442695020e+00, v14;
	v14 =	vld [tilespmem:s29+$0x1D0]  }
0x46f: {  	v16 =	vld [tilespmem:s30+$0xFFFFFE00]  }
0x470: {  	v25 =	vcvt.s32.f32 v25;
	(erf) = vpow2.f32 v10  }
0x471: {  	v56 =	vcvt.s32.f32 v32;
	(erf) = vpow2.f32 v8  }
0x472: {  	v55 =	vmul.f32 v25, v5;
	v25 =	vmul.f32 v25, v7;
	v9 =	vsub.f32 v9, v17  }
0x473: {  	v12 =	vcvt.s32.f32 v12;
	v11 =	vsub.f32 v22, v11;
	v14 =	vsub.f32 v14, v15  }
0x474: {  	v18 =	vld [tilespmem:s28+$0x40];
	v10 =	vcvt.s32.f32 v13;
	v9 =	vmin.f32 v9, $6.000000000e+01;
	v16 =	vsub.f32 v21, v16  }
0x475: {  	v9 =	vmul.f32 $1.442695020e+00, v9;
	v19 =	vmul.f32 v12, v5;
	v11 =	vmin.f32 v11, $6.000000000e+01  }
0x476: {  	v17 =	vld [tilespmem:s0+$0x80];
	v8 =	vmul.f32 v12, v7;
	v11 =	vmul.f32 $1.442695020e+00, v11;
	v15 =	vmin.f32 v16, $6.000000000e+01  }
0x477: {  	(erf) = vpow2.f32 v9;
	v15 =	vmul.f32 $1.442695020e+00, v15;
	v9 =	vmin.f32 v14, $6.000000000e+01;
	v14 =	vpop (erf)  }
0x478: {  	(erf) = vpow2.f32 v11;
	v9 =	vmul.f32 $1.442695020e+00, v9;
	v16 =	vpop (erf)  }
0x479: {  	v12 =	vcvt.s32.f32 v18;
	v21 =	vld [tilespmem:s28+$0xD0];
	(erf) = vpow2.f32 v15;
	v18 =	vpop (erf)  }
0x47a: {  	v13 =	vmul.f32 v10, v5;
	v11 =	vadd.f32 v19, v4;
	(erf) = vpow2.f32 v9;
	v19 =	vpop (erf)  }
0x47b: {  	v15 =	vcvt.s32.f32 v17;
	v20 =	vmul.f32 v19, v1  }
0x47c: {  	v34 =	vmul.f32 v56, v5;
	v10 =	vmul.f32 v10, v7  }
0x47d: {  	v9 =	vadd.f32 v13, v4;
	v13 =	vmul.f32 v15, v5;
	v20 =	vadd.f32 v20, v0  }
0x47e: {  	v25 =	vadd.f32 v25, v6;
	v21 =	vcvt.s32.f32 v21;
	v17 =	vmul.f32 v12, v5  }
0x47f: {  	v15 =	vmul.f32 v15, v7;
	v19 =	vmul.f32 v19, v3;
	v13 =	vadd.f32 v13, v4  }
0x480: {  	v10 =	vadd.f32 v10, v6;
	v12 =	vmul.f32 v12, v7;
	v22 =	vmul.f32 v14, v1;
	v23 =	vpop (erf)  }
0x481: {  	v15 =	vadd.f32 v15, v6;
	v19 =	vadd.f32 v19, v2;
	v13 =	vmul.f32 v20, v13;
	v20 =	vpop (erf)  }
0x482: {  	v8 =	vadd.f32 v8, v6;
	v52 =	vmul.f32 v21, v5;
	v21 =	vmul.f32 v21, v7;
	v26 =	vpop (erf)  }
0x483: {  	v17 =	vadd.f32 v17, v4;
	v22 =	vadd.f32 v22, v0;
	v15 =	vmul.f32 v19, v15;
	v53 =	vpop (erf)  }
0x484: {  	v28 =	vadd.f32 v52, v4;
	v31 =	vmul.f32 v53, v1;
	v29 =	vmul.f32 v53, v3  }
0x485: {  	v14 =	vmul.f32 v14, v3;
	v21 =	vadd.f32 v21, v6;
	v27 =	vadd.f32 v15, v13  }
0x486: {  	v11 =	vmul.f32 v22, v11;
	v22 =	vadd.f32 v31, v0;
	v29 =	vadd.f32 v29, v2  }
0x487: {  	v24 =	vmul.f32 v18, v1;
	v57 =	vmul.f32 v23, v1;
	v27 =	vadd.f32 $1.000000010e-10, v27  }
0x488: {  	v54 =	vld [tilespmem:s0+$0xFFFFFF80];
	v14 =	vadd.f32 v14, v2;
	v22 =	vmul.f32 v22, v28;
	v21 =	vmul.f32 v29, v21  }
0x489: {  	v12 =	vadd.f32 v12, v6;
	v23 =	vmul.f32 v23, v3;
	(erf) = vrcp.f32 v27  }
0x48a: {  	v18 =	vmul.f32 v18, v3;
	v8 =	vmul.f32 v14, v8;
	v58 =	vadd.f32 v21, v22  }
0x48b: {  	v30 =	vadd.f32 v57, v0;
	v23 =	vadd.f32 v23, v2;
	v19 =	vmul.f32 v16, v1  }
0x48c: {  	v16 =	vmul.f32 v16, v3;
	v59 =	vmul.f32 v26, v1;
	v31 =	vadd.f32 $1.000000010e-10, v58  }
0x48d: {  	v19 =	vadd.f32 v19, v0;
	v26 =	vmul.f32 v26, v3;
	v27 =	vcvt.s32.f32 v54  }
0x48e: {  	v16 =	vadd.f32 v16, v2;
	v33 =	vmul.f32 v20, v1;
	(erf) = vrcp.f32 v31  }
0x48f: {  	v26 =	vadd.f32 v26, v2;
	v60 =	vmul.f32 v27, v5;
	v27 =	vmul.f32 v27, v7  }
0x490: {  	v20 =	vmul.f32 v20, v3;
	v32 =	vadd.f32 v59, v0;
	v28 =	vadd.f32 v55, v4  }
0x491: {  	v61 =	vadd.f32 v33, v0;
	v25 =	vmul.f32 v26, v25;
	v27 =	vadd.f32 v27, v6  }
0x492: {  	v29 =	vmul.f32 v56, v7;
	v28 =	vmul.f32 v32, v28;
	v31 =	vadd.f32 v60, v4;
	v62 =	vpop (erf)  }
0x493: {  	v20 =	vadd.f32 v20, v2;
	v23 =	vmul.f32 v23, v27;
	v13 =	vmul.f32 v62, v13  }
0x494: {  	s3 =	simm.s32 $0x10A00;
	v27 =	vadd.f32 v25, v28;
	v15 =	vmul.f32 v62, v15;
	v30 =	vmul.f32 v30, v31  }
0x495: {  	v9 =	vmul.f32 v19, v9;
	v26 =	vadd.f32 v34, v4;
	[tilespmem:s3+$0x100] =	vst v13;
	v13 =	vadd.f32 v29, v6  }
0x496: {  	v10 =	vmul.f32 v16, v10;
	v19 =	vadd.f32 $1.000000010e-10, v27;
	[tilespmem:s3+$0x180] =	vst v15;
	v15 =	vadd.f32 v23, v30  }
0x497: {  	v24 =	vadd.f32 v24, v0;
	v14 =	vmul.f32 v61, v26;
	v26 =	vld [tilespmem:s30+$0x110];
	v13 =	vmul.f32 v20, v13;
	v20 =	vpop (erf)  }
0x498: {  	(erf) = vrcp.f32 v19;
	v16 =	vld [tilespmem:s30+$0x190];
	v15 =	vadd.f32 $1.000000010e-10, v15;
	v19 =	vmul.f32 v20, v22  }
0x499: {  	v18 =	vadd.f32 v18, v2;
	v22 =	vadd.f32 v13, v14;
	v20 =	vmul.f32 v20, v21  }
0x49a: {  	v27 =	vadd.f32 v8, v11;
	(erf) = vrcp.f32 v15;
	[tilespmem:s26+$0x150] =	vst v19  }
0x49b: {  	v17 =	vmul.f32 v24, v17;
	v12 =	vmul.f32 v18, v12;
	v15 =	vadd.f32 $1.000000010e-10, v22;
	[tilespmem:s26+$0x1D0] =	vst v20  }
0x49c: {  	v18 =	vadd.f32 $1.000000010e-10, v27;
	v21 =	vadd.f32 v10, v9;
	v20 =	vld [tilespmem:s29+$0x160]  }
0x49d: {  	v16 =	vsub.f32 v16, v26;
	v19 =	vadd.f32 v12, v17;
	(erf) = vrcp.f32 v15;
	v15 =	vld [tilespmem:s29+$0x1E0]  }
0x49e: {  	v21 =	vadd.f32 $1.000000010e-10, v21  }
0x49f: {  	v16 =	vmin.f32 v16, $6.000000000e+01;
	v19 =	vadd.f32 $1.000000010e-10, v19;
	(erf) = vrcp.f32 v18  }
0x4a0: {  	v16 =	vmul.f32 $1.442695020e+00, v16;
	(erf) = vrcp.f32 v21  }
0x4a1: {  	(erf) = vrcp.f32 v19  }
0x4a2: {  	v18 =	vpop (erf);
	(erf) = vpow2.f32 v16;
	v15 =	vsub.f32 v15, v20  }
0x4a3: {  	v16 =	vmul.f32 v18, v28;
	v19 =	vpop (erf);
	v18 =	vmul.f32 v18, v25  }
0x4a4: {  	v20 =	vmul.f32 v19, v30;
	v15 =	vmin.f32 v15, $6.000000000e+01  }
0x4a5: {  	[tilespmem:s3+$0xFFFFFE00] =	vst v16;
	v16 =	vld [tilespmem:s0+$0x90];
	v15 =	vmul.f32 $1.442695020e+00, v15  }
0x4a6: {  	v19 =	vmul.f32 v19, v23;
	[tilespmem:s3+$0xFFFFFE80] =	vst v18  }
0x4a7: {  	v21 =	vld [tilespmem:s30+$0xFFFFFE10];
	[tilespmem:s3+$0xFFFFFF00] =	vst v20;
	v18 =	vpop (erf)  }
0x4a8: {  	[tilespmem:s3+$0xFFFFFF80] =	vst v19;
	v19 =	vld [tilespmem:s30+$0xFFFFFE90];
	v20 =	vpop (erf);
	v14 =	vmul.f32 v18, v14;
	(erf) = vpow2.f32 v15  }
0x4a9: {  	v13 =	vmul.f32 v18, v13;
	v11 =	vmul.f32 v20, v11;
	v15 =	vpop (erf)  }
0x4aa: {  	v18 =	vld [tilespmem:s30+$0xFFFFFF10];
	v8 =	vmul.f32 v20, v8;
	[tilespmem:s3+$0x0] =	vst v14;
	v14 =	vcvt.s32.f32 v16;
	v20 =	vpop (erf)  }
0x4ab: {  	v16 =	vld [tilespmem:s28+$0xE0];
	v9 =	vmul.f32 v15, v9;
	v10 =	vmul.f32 v15, v10;
	v15 =	vpop (erf)  }
0x4ac: {  	[tilespmem:s3+$0x80] =	vst v13;
	v13 =	vld [tilespmem:s30+$0xFFFFFF90];
	v24 =	vmul.f32 v14, v5;
	v23 =	vmul.f32 v15, v1  }
0x4ad: {  	v19 =	vsub.f32 v19, v21;
	v22 =	vld [tilespmem:s30+$0x10];
	v17 =	vmul.f32 v20, v17  }
0x4ae: {  	v12 =	vmul.f32 v20, v12;
	v20 =	vld [tilespmem:s30+$0x90];
	v21 =	vadd.f32 v23, v0;
	v23 =	vadd.f32 v24, v4  }
0x4af: {  	v14 =	vmul.f32 v14, v7  }
0x4b0: {  	[tilespmem:s26+$0xFFFFFE40] =	vst v11;
	v15 =	vmul.f32 v15, v3;
	v16 =	vcvt.s32.f32 v16  }
0x4b1: {  	v11 =	vld [tilespmem:s0+$0xFFFFFF90];
	[tilespmem:s26+$0xFFFFFEC0] =	vst v8;
	v19 =	vmin.f32 v19, $6.000000000e+01;
	v14 =	vadd.f32 v14, v6;
	v13 =	vsub.f32 v13, v18  }
0x4b2: {  	v8 =	vld [tilespmem:s0+$0x10];
	[tilespmem:s26+$0xFFFFFF40] =	vst v9;
	v15 =	vadd.f32 v15, v2;
	v18 =	vmul.f32 v21, v23;
	v21 =	vmul.f32 v16, v5;
	v23 =	vpop (erf)  }
0x4b3: {  	v9 =	vld [tilespmem:s29+$0xFFFFFE50];
	[tilespmem:s26+$0xFFFFFFC0] =	vst v10;
	v16 =	vmul.f32 v16, v7;
	v20 =	vsub.f32 v20, v22;
	v22 =	vmul.f32 v23, v1  }
0x4b4: {  	[tilespmem:s26+$0x40] =	vst v17;
	v17 =	vld [tilespmem:s29+$0xFFFFFF50];
	v14 =	vmul.f32 v15, v14;
	v15 =	vadd.f32 v21, v4;
	v23 =	vmul.f32 v23, v3  }
0x4b5: {  	v19 =	vmul.f32 $1.442695020e+00, v19;
	[tilespmem:s26+$0xC0] =	vst v12;
	v12 =	vld [tilespmem:s29+$0xFFFFFFD0];
	v16 =	vadd.f32 v16, v6;
	v21 =	vadd.f32 v22, v0  }
0x4b6: {  	v10 =	vmin.f32 v13, $6.000000000e+01;
	v13 =	vld [tilespmem:s29+$0xFFFFFED0];
	v22 =	vadd.f32 v23, v2;
	v23 =	vadd.f32 v14, v18  }
0x4b7: {  	v24 =	vld [tilespmem:s0+$0xFFFFFF10];
	(erf) = vpow2.f32 v19;
	v10 =	vmul.f32 $1.442695020e+00, v10  }
0x4b8: {  	v11 =	vcvt.s32.f32 v11;
	v16 =	vmul.f32 v22, v16;
	v22 =	vadd.f32 $1.000000010e-10, v23  }
0x4b9: {  	(erf) = vpow2.f32 v10;
	v15 =	vmul.f32 v21, v15  }
0x4ba: {  	v20 =	vmin.f32 v20, $6.000000000e+01;
	v12 =	vsub.f32 v12, v17;
	(erf) = vrcp.f32 v22  }
0x4bb: {  	v19 =	vld [tilespmem:s29+$0xD0];
	v20 =	vmul.f32 $1.442695020e+00, v20;
	v9 =	vsub.f32 v13, v9;
	v10 =	vadd.f32 v16, v15  }
0x4bc: {  	v8 =	vcvt.s32.f32 v8;
	v12 =	vmin.f32 v12, $6.000000000e+01;
	v21 =	vld [tilespmem:s29+$0x50];
	v23 =	vcvt.s32.f32 v24  }
0x4bd: {  	v9 =	vmin.f32 v9, $6.000000000e+01;
	(erf) = vpow2.f32 v20;
	v10 =	vadd.f32 $1.000000010e-10, v10  }
0x4be: {  	v12 =	vmul.f32 $1.442695020e+00, v12;
	v9 =	vmul.f32 $1.442695020e+00, v9  }
0x4bf: {  	v13 =	vmul.f32 v23, v5;
	(erf) = vrcp.f32 v10  }
0x4c0: {  	v17 =	vmul.f32 v23, v7;
	v20 =	vmul.f32 v8, v5  }
0x4c1: {  	v8 =	vmul.f32 v8, v7;
	v13 =	vadd.f32 v13, v4;
	v19 =	vsub.f32 v19, v21;
	v21 =	vpop (erf)  }
0x4c2: {  	v17 =	vadd.f32 v17, v6;
	v10 =	vmul.f32 v11, v5;
	v22 =	vmul.f32 v21, v1;
	v23 =	vpop (erf)  }
0x4c3: {  	v20 =	vadd.f32 v20, v4;
	v11 =	vmul.f32 v11, v7;
	v21 =	vmul.f32 v21, v3;
	v25 =	vpop (erf)  }
0x4c4: {  	v24 =	vmul.f32 v23, v1;
	v22 =	vadd.f32 v22, v0;
	v18 =	vmul.f32 v25, v18  }
0x4c5: {  	v8 =	vadd.f32 v8, v6;
	v23 =	vmul.f32 v23, v3;
	(erf) = vpow2.f32 v9  }
0x4c6: {  	v10 =	vadd.f32 v10, v4;
	v21 =	vadd.f32 v21, v2;
	v13 =	vmul.f32 v22, v13;
	v26 =	vpop (erf)  }
0x4c7: {  	v11 =	vadd.f32 v11, v6;
	v14 =	vmul.f32 v25, v14;
	v22 =	vmul.f32 v26, v3  }
0x4c8: {  	v24 =	vadd.f32 v24, v0;
	v17 =	vmul.f32 v21, v17;
	v25 =	vld [tilespmem:s28+$0xFFFFFF50];
	v27 =	vmul.f32 v26, v1;
	[tilespmem:s3+$0x110] =	vst v18;
	v18 =	vpop (erf)  }
0x4c9: {  	v23 =	vadd.f32 v23, v2;
	v26 =	vld [tilespmem:s28+$0xFFFFFFD0];
	[tilespmem:s3+$0x190] =	vst v14;
	v21 =	vadd.f32 v22, v2;
	v14 =	vmul.f32 v18, v15  }
0x4ca: {  	v22 =	vld [tilespmem:s30+$0x120];
	v15 =	vadd.f32 v27, v0;
	v16 =	vmul.f32 v18, v16;
	v18 =	vadd.f32 v17, v13  }
0x4cb: {  	v19 =	vmin.f32 v19, $6.000000000e+01;
	v10 =	vmul.f32 v24, v10;
	v11 =	vmul.f32 v23, v11;
	v23 =	vld [tilespmem:s30+$0x1A0];
	[tilespmem:s26+$0x160] =	vst v14  }
0x4cc: {  	v8 =	vmul.f32 v21, v8;
	v14 =	vld [tilespmem:s28+$0x50];
	v15 =	vmul.f32 v15, v20;
	[tilespmem:s26+$0x1E0] =	vst v16;
	v16 =	vadd.f32 $1.000000010e-10, v18  }
0x4cd: {  	v9 =	vmul.f32 $1.442695020e+00, v19;
	(erf) = vpow2.f32 v12;
	v18 =	vadd.f32 v11, v10;
	v20 =	vld [tilespmem:s29+$0x170]  }
0x4ce: {  	v21 =	vld [tilespmem:s29+$0x1F0];
	v19 =	vadd.f32 v8, v15;
	(erf) = vrcp.f32 v16  }
0x4cf: {  	v12 =	vcvt.s32.f32 v25;
	v18 =	vadd.f32 $1.000000010e-10, v18;
	(erf) = vpow2.f32 v9  }
0x4d0: {  	v9 =	vcvt.s32.f32 v26;
	v16 =	vadd.f32 $1.000000010e-10, v19;
	v19 =	vsub.f32 v23, v22  }
0x4d1: {  	(erf) = vrcp.f32 v18;
	v14 =	vcvt.s32.f32 v14  }
0x4d2: {  	v18 =	vmin.f32 v19, $6.000000000e+01;
	(erf) = vrcp.f32 v16;
	v16 =	vmul.f32 v12, v5  }
0x4d3: {  	v19 =	vsub.f32 v21, v20;
	v12 =	vmul.f32 v12, v7;
	v20 =	vmul.f32 v9, v5  }
0x4d4: {  	v9 =	vmul.f32 v9, v7;
	v21 =	vpop (erf);
	v18 =	vmul.f32 $1.442695020e+00, v18  }
0x4d5: {  	v23 =	vmul.f32 v21, v1;
	v21 =	vmul.f32 v21, v3  }
0x4d6: {  	v24 =	vpop (erf);
	v12 =	vadd.f32 v12, v6;
	(erf) = vpow2.f32 v18;
	v18 =	vmin.f32 v19, $6.000000000e+01  }
0x4d7: {  	v22 =	vld [tilespmem:s0+$0xA0];
	v19 =	vmul.f32 v14, v5;
	v21 =	vadd.f32 v21, v2;
	v18 =	vmul.f32 $1.442695020e+00, v18;
	v25 =	vpop (erf)  }
0x4d8: {  	v27 =	vld [tilespmem:s28+$0xF0];
	v14 =	vmul.f32 v14, v7;
	v13 =	vmul.f32 v25, v13  }
0x4d9: {  	v12 =	vmul.f32 v21, v12;
	(erf) = vpow2.f32 v18;
	v26 =	vpop (erf)  }
0x4da: {  	v18 =	vmul.f32 v24, v1;
	v17 =	vmul.f32 v25, v17;
	v25 =	vpop (erf)  }
0x4db: {  	v63 =	vadd.f32 v9, v6;
	v24 =	vmul.f32 v24, v3;
	[tilespmem:s3+$0xFFFFFE10] =	vst v13;
	v9 =	vmul.f32 v25, v10  }
0x4dc: {  	v16 =	vadd.f32 v16, v4;
	v11 =	vmul.f32 v25, v11;
	[tilespmem:s3+$0xFFFFFE90] =	vst v17;
	v17 =	vcvt.s32.f32 v22;
	v13 =	vpop (erf)  }
0x4dd: {  	v10 =	vadd.f32 v23, v0;
	v25 =	vcvt.s32.f32 v27;
	v22 =	vld [tilespmem:s30+$0xFFFFFE20];
	[tilespmem:s3+$0xFFFFFF10] =	vst v9;
	v15 =	vmul.f32 v13, v15  }
0x4de: {  	v23 =	vadd.f32 v24, v2;
	v9 =	vld [tilespmem:s30+$0xFFFFFEA0];
	[tilespmem:s3+$0xFFFFFF90] =	vst v11;
	v11 =	vmul.f32 v17, v5;
	v8 =	vmul.f32 v13, v8  }
0x4df: {  	v17 =	vmul.f32 v17, v7;
	v37 =	vmul.f32 v25, v5;
	v13 =	vadd.f32 v18, v0;
	v18 =	vpop (erf);
	[tilespmem:s3+$0x10] =	vst v15  }
0x4e0: {  	v24 =	vld [tilespmem:s30+$0xFFFFFF20];
	v11 =	vadd.f32 v11, v4;
	v15 =	vmul.f32 v18, v1;
	[tilespmem:s3+$0x90] =	vst v8;
	v8 =	vmul.f32 v18, v3  }
0x4e1: {  	v25 =	vmul.f32 v25, v7;
	v27 =	vld [tilespmem:s30+$0xFFFFFFA0];
	v17 =	vadd.f32 v17, v6;
	v30 =	vadd.f32 v37, v4  }
0x4e2: {  	v16 =	vmul.f32 v10, v16;
	v15 =	vadd.f32 v15, v0;
	v38 =	vpop (erf);
	v8 =	vadd.f32 v8, v2  }
0x4e3: {  	v22 =	vsub.f32 v9, v22;
	v40 =	vmul.f32 v38, v1;
	v31 =	vmul.f32 v38, v3  }
0x4e4: {  	v25 =	vadd.f32 v25, v6;
	v18 =	vld [tilespmem:s30+$0x20];
	v11 =	vmul.f32 v15, v11;
	v15 =	vmul.f32 v8, v17  }
0x4e5: {  	v39 =	vld [tilespmem:s30+$0xA0];
	v22 =	vmin.f32 v22, $6.000000000e+01;
	v10 =	vadd.f32 v40, v0;
	v31 =	vadd.f32 v31, v2  }
0x4e6: {  	v17 =	vsub.f32 v27, v24;
	v22 =	vmul.f32 $1.442695020e+00, v22;
	v24 =	vadd.f32 v15, v11  }
0x4e7: {  	v20 =	vadd.f32 v20, v4;
	v21 =	vld [tilespmem:s0+$0x20];
	v8 =	vmul.f32 v10, v30;
	v9 =	vmul.f32 v31, v25  }
0x4e8: {  	v19 =	vadd.f32 v19, v4;
	v36 =	vmul.f32 v26, v1;
	v24 =	vadd.f32 $1.000000010e-10, v24  }
0x4e9: {  	v26 =	vmul.f32 v26, v3;
	v10 =	vld [tilespmem:s0+$0xFFFFFF20];
	(erf) = vpow2.f32 v22;
	v27 =	vadd.f32 v9, v8  }
0x4ea: {  	v23 =	vmul.f32 v23, v63;
	v18 =	vsub.f32 v39, v18;
	v25 =	vld [tilespmem:s0+$0xFFFFFFA0];
	(erf) = vrcp.f32 v24  }
0x4eb: {  	v13 =	vmul.f32 v13, v20;
	v17 =	vmin.f32 v17, $6.000000000e+01;
	v22 =	vadd.f32 $1.000000010e-10, v27  }
0x4ec: {  	v21 =	vcvt.s32.f32 v21;
	v17 =	vmul.f32 $1.442695020e+00, v17;
	v18 =	vmin.f32 v18, $6.000000000e+01  }
0x4ed: {  	v14 =	vadd.f32 v14, v6;
	v18 =	vmul.f32 $1.442695020e+00, v18;
	(erf) = vrcp.f32 v22  }
0x4ee: {  	v43 =	vadd.f32 v23, v13;
	v10 =	vcvt.s32.f32 v10;
	(erf) = vpow2.f32 v17  }
0x4ef: {  	v27 =	vadd.f32 v36, v0;
	v24 =	vcvt.s32.f32 v25;
	(erf) = vpow2.f32 v18  }
0x4f0: {  	v30 =	vadd.f32 $1.000000010e-10, v43;
	v18 =	vmul.f32 v10, v5;
	v10 =	vmul.f32 v10, v7  }
0x4f1: {  	v19 =	vmul.f32 v27, v19;
	v17 =	vadd.f32 v12, v16;
	v25 =	vmul.f32 v24, v5  }
0x4f2: {  	v24 =	vmul.f32 v24, v7;
	v20 =	vpop (erf);
	v41 =	vadd.f32 v10, v6;
	v10 =	vmul.f32 v21, v7  }
0x4f3: {  	v22 =	vadd.f32 v26, v2;
	v27 =	vmul.f32 v20, v1;
	v20 =	vmul.f32 v20, v3;
	v42 =	vpop (erf)  }
0x4f4: {  	v26 =	vmul.f32 v21, v5;
	v17 =	vadd.f32 $1.000000010e-10, v17;
	v11 =	vmul.f32 v42, v11  }
0x4f5: {  	v14 =	vmul.f32 v22, v14;
	v21 =	vadd.f32 v24, v6;
	v20 =	vadd.f32 v20, v2  }
0x4f6: {  	v24 =	vadd.f32 v26, v4;
	v26 =	vadd.f32 v10, v6;
	v15 =	vmul.f32 v42, v15;
	v10 =	vpop (erf)  }
0x4f7: {  	v25 =	vadd.f32 v25, v4;
	v22 =	vadd.f32 v27, v0;
	v20 =	vmul.f32 v20, v41;
	[tilespmem:s3+$0x120] =	vst v11;
	v27 =	vpop (erf)  }
0x4f8: {  	v18 =	vadd.f32 v18, v4;
	[tilespmem:s3+$0x1A0] =	vst v15;
	v44 =	vmul.f32 v27, v1;
	v11 =	vpop (erf);
	v27 =	vmul.f32 v27, v3  }
0x4f9: {  	v45 =	vadd.f32 v14, v19;
	v48 =	vld [tilespmem:s30+$0x1B0];
	v46 =	vmul.f32 v11, v1;
	v11 =	vmul.f32 v11, v3  }
0x4fa: {  	v15 =	vmul.f32 v22, v18;
	v18 =	vadd.f32 v44, v0;
	v22 =	vadd.f32 v27, v2;
	v27 =	vld [tilespmem:s30+$0x130]  }
0x4fb: {  	(erf) = vrcp.f32 v17;
	v47 =	vadd.f32 v46, v0;
	v11 =	vadd.f32 v11, v2  }
0x4fc: {  	v18 =	vmul.f32 v18, v25;
	v21 =	vmul.f32 v22, v21;
	v22 =	vadd.f32 v20, v15  }
0x4fd: {  	v25 =	vadd.f32 $1.000000010e-10, v45;
	v24 =	vmul.f32 v47, v24;
	v11 =	vmul.f32 v11, v26  }
0x4fe: {  	(erf) = vrcp.f32 v30;
	v17 =	vadd.f32 v21, v18;
	v22 =	vadd.f32 $1.000000010e-10, v22  }
0x4ff: {  	(erf) = vrcp.f32 v25;
	v26 =	vadd.f32 v11, v24;
	v25 =	vsub.f32 v48, v27  }
0x500: {  	v17 =	vadd.f32 $1.000000010e-10, v17;
	(erf) = vrcp.f32 v22  }
0x501: {  	v22 =	vadd.f32 $1.000000010e-10, v26;
	v25 =	vmin.f32 v25, $6.000000000e+01  }
0x502: {  	(erf) = vrcp.f32 v17;
	v17 =	vmul.f32 $1.442695020e+00, v25  }
0x503: {  	(erf) = vrcp.f32 v22;
	_ =	sdelay $0x1  }
0x504: {  	(erf) = vpow2.f32 v17  }
0x505: {  	v22 =	vld [tilespmem:s0+$0xB0];
	v17 =	vpop (erf)  }
0x506: {  	v16 =	vmul.f32 v17, v16;
	v25 =	vpop (erf);
	v12 =	vmul.f32 v17, v12  }
0x507: {  	v17 =	vpop (erf)  }
0x508: {  	v26 =	vpop (erf);
	[tilespmem:s26+$0xFFFFFE50] =	vst v16  }
0x509: {  	[tilespmem:s26+$0xFFFFFED0] =	vst v12;
	v15 =	vmul.f32 v26, v15  }
0x50a: {  	v22 =	vcvt.s32.f32 v22;
	v16 =	vmul.f32 v26, v20;
	v20 =	vld [tilespmem:s29+$0xFFFFFE60];
	v12 =	vpop (erf)  }
0x50b: {  	v18 =	vmul.f32 v12, v18;
	v26 =	vpop (erf);
	[tilespmem:s3+$0xFFFFFE20] =	vst v15;
	v15 =	vld [tilespmem:s29+$0xFFFFFEE0];
	v12 =	vmul.f32 v12, v21  }
0x50c: {  	[tilespmem:s3+$0xFFFFFEA0] =	vst v16;
	v16 =	vld [tilespmem:s28+$0xFFFFFF60];
	v21 =	vmul.f32 v26, v24;
	v24 =	vmul.f32 v22, v5  }
0x50d: {  	v22 =	vmul.f32 v22, v7;
	v27 =	vpop (erf);
	v49 =	vld [tilespmem:s30+$0xFFFFFE30];
	v11 =	vmul.f32 v26, v11;
	[tilespmem:s3+$0xFFFFFF20] =	vst v18  }
0x50e: {  	v50 =	vld [tilespmem:s30+$0xFFFFFEB0];
	v18 =	vmul.f32 v27, v1;
	v27 =	vmul.f32 v27, v3;
	[tilespmem:s3+$0xFFFFFFA0] =	vst v12  }
0x50f: {  	v13 =	vmul.f32 v25, v13;
	v12 =	vadd.f32 v24, v4;
	v22 =	vadd.f32 v22, v6;
	v24 =	vld [tilespmem:s30+$0xFFFFFF30];
	[tilespmem:s3+$0x20] =	vst v21  }
0x510: {  	v23 =	vmul.f32 v25, v23;
	v25 =	vld [tilespmem:s30+$0xFFFFFFB0];
	[tilespmem:s3+$0xA0] =	vst v11;
	v18 =	vadd.f32 v18, v0;
	v21 =	vadd.f32 v27, v2  }
0x511: {  	v19 =	vmul.f32 v17, v19;
	v14 =	vmul.f32 v17, v14;
	v17 =	vld [tilespmem:s30+$0xB0]  }
0x512: {  	v11 =	vsub.f32 v15, v20;
	v15 =	vld [tilespmem:s30+$0x30];
	v12 =	vmul.f32 v18, v12;
	v18 =	vmul.f32 v21, v22;
	_ =	sdelay $0x1  }
0x513: {  	v16 =	vcvt.s32.f32 v16;
	v11 =	vmin.f32 v11, $6.000000000e+01;
	v21 =	vadd.f32 v18, v12  }
0x514: {  	[tilespmem:s26+$0xFFFFFF50] =	vst v13;
	v13 =	vld [tilespmem:s0+$0xFFFFFFB0];
	v20 =	vsub.f32 v50, v49;
	v11 =	vmul.f32 $1.442695020e+00, v11  }
0x515: {  	v22 =	vld [tilespmem:s0+$0xFFFFFF30];
	v26 =	vmul.f32 v16, v5;
	v24 =	vsub.f32 v25, v24;
	v21 =	vadd.f32 $1.000000010e-10, v21  }
0x516: {  	[tilespmem:s26+$0xFFFFFFD0] =	vst v23;
	v23 =	vld [tilespmem:s0+$0x30];
	v20 =	vmin.f32 v20, $6.000000000e+01;
	(erf) = vpow2.f32 v11;
	v15 =	vsub.f32 v17, v15  }
0x517: {  	v20 =	vmul.f32 $1.442695020e+00, v20;
	v11 =	vld [tilespmem:s29+$0xFFFFFF60];
	v24 =	vmin.f32 v24, $6.000000000e+01;
	(erf) = vrcp.f32 v21  }
0x518: {  	[tilespmem:s26+$0x50] =	vst v19;
	v16 =	vmul.f32 v16, v7;
	v17 =	vld [tilespmem:s29+$0xFFFFFFE0];
	v19 =	vmul.f32 $1.442695020e+00, v24;
	v15 =	vmin.f32 v15, $6.000000000e+01  }
0x519: {  	(erf) = vpow2.f32 v20;
	v15 =	vmul.f32 $1.442695020e+00, v15  }
0x51a: {  	[tilespmem:s26+$0xD0] =	vst v14;
	v14 =	vcvt.s32.f32 v22;
	v22 =	vld [tilespmem:s28+$0xFFFFFFE0];
	(erf) = vpow2.f32 v19  }
0x51b: {  	v13 =	vcvt.s32.f32 v13;
	v21 =	vld [tilespmem:s29+$0xE0];
	(erf) = vpow2.f32 v15  }
0x51c: {  	v20 =	vld [tilespmem:s29+$0x60];
	v24 =	vmul.f32 v14, v5;
	v14 =	vmul.f32 v14, v7  }
0x51d: {  	v19 =	vadd.f32 v26, v4;
	v15 =	vcvt.s32.f32 v23;
	v11 =	vsub.f32 v17, v11  }
0x51e: {  	v17 =	vmul.f32 v13, v5;
	v24 =	vadd.f32 v24, v4;
	v13 =	vmul.f32 v13, v7  }
0x51f: {  	v22 =	vcvt.s32.f32 v22;
	v25 =	vmul.f32 v15, v5;
	v11 =	vmin.f32 v11, $6.000000000e+01;
	v26 =	vpop (erf)  }
0x520: {  	v14 =	vadd.f32 v14, v6;
	v15 =	vmul.f32 v15, v7;
	v11 =	vmul.f32 $1.442695020e+00, v11;
	v27 =	vpop (erf)  }
0x521: {  	v17 =	vadd.f32 v17, v4;
	v20 =	vsub.f32 v21, v20;
	v12 =	vmul.f32 v27, v12  }
0x522: {  	v13 =	vadd.f32 v13, v6;
	v21 =	vpop (erf);
	v18 =	vmul.f32 v27, v18;
	(erf) = vpow2.f32 v11  }
0x523: {  	v11 =	vmul.f32 v21, v1;
	v27 =	vpop (erf);
	[tilespmem:s3+$0x130] =	vst v12;
	v12 =	vmin.f32 v20, $6.000000000e+01;
	v20 =	vmul.f32 v21, v3  }
0x524: {  	v25 =	vadd.f32 v25, v4;
	v21 =	vmul.f32 v27, v1;
	[tilespmem:s3+$0x1B0] =	vst v18;
	v18 =	vmul.f32 v27, v3;
	v51 =	vpop (erf)  }
0x525: {  	v23 =	vld [tilespmem:s28+$0x60];
	v11 =	vadd.f32 v11, v0;
	v12 =	vmul.f32 $1.442695020e+00, v12;
	v52 =	vmul.f32 v51, v1  }
0x526: {  	v27 =	vld [tilespmem:s30+$0x140];
	v28 =	vmul.f32 v51, v3;
	v20 =	vadd.f32 v20, v2;
	v21 =	vadd.f32 v21, v0  }
0x527: {  	v53 =	vld [tilespmem:s30+$0x1C0];
	v18 =	vadd.f32 v18, v2;
	v11 =	vmul.f32 v11, v24;
	(erf) = vpow2.f32 v12  }
0x528: {  	v15 =	vadd.f32 v15, v6;
	v12 =	vmul.f32 v26, v1;
	v20 =	vmul.f32 v20, v14  }
0x529: {  	v21 =	vmul.f32 v21, v17;
	v14 =	vadd.f32 v52, v0;
	v13 =	vmul.f32 v18, v13  }
0x52a: {  	v23 =	vcvt.s32.f32 v23;
	v17 =	vadd.f32 v28, v2;
	v18 =	vadd.f32 v20, v11  }
0x52b: {  	v12 =	vadd.f32 v12, v0;
	v24 =	vmul.f32 v14, v25;
	v14 =	vadd.f32 v13, v21  }
0x52c: {  	v25 =	vsub.f32 v53, v27;
	v15 =	vmul.f32 v17, v15;
	v18 =	vadd.f32 $1.000000010e-10, v18  }
0x52d: {  	v26 =	vmul.f32 v26, v3;
	v19 =	vmul.f32 v12, v19;
	v14 =	vadd.f32 $1.000000010e-10, v14  }
0x52e: {  	v17 =	vpop (erf);
	v25 =	vmin.f32 v25, $6.000000000e+01;
	v54 =	vadd.f32 v15, v24;
	(erf) = vrcp.f32 v18  }
0x52f: {  	v27 =	vmul.f32 v17, v1;
	v25 =	vmul.f32 $1.442695020e+00, v25  }
0x530: {  	v17 =	vmul.f32 v17, v3;
	(erf) = vrcp.f32 v14;
	v14 =	vadd.f32 $1.000000010e-10, v54  }
0x531: {  	v18 =	vadd.f32 v26, v2;
	(erf) = vpow2.f32 v25;
	v25 =	vmul.f32 v22, v5  }
0x532: {  	v26 =	vadd.f32 v27, v0;
	v27 =	vld [tilespmem:s0+$0xC0];
	v22 =	vmul.f32 v22, v7;
	(erf) = vrcp.f32 v14  }
0x533: {  	v55 =	vpop (erf);
	v14 =	vadd.f32 v17, v2;
	v17 =	vmul.f32 v23, v5;
	v25 =	vadd.f32 v25, v4  }
0x534: {  	v16 =	vadd.f32 v16, v6;
	v56 =	vmul.f32 v55, v1;
	v23 =	vmul.f32 v23, v7  }
0x535: {  	v28 =	vmul.f32 v55, v3;
	v22 =	vadd.f32 v22, v6;
	v57 =	vadd.f32 v17, v4  }
0x536: {  	v17 =	vmul.f32 v18, v16;
	v12 =	vadd.f32 v56, v0;
	v16 =	vmul.f32 v26, v25  }
0x537: {  	v18 =	vmul.f32 v14, v22;
	v22 =	vadd.f32 v23, v6;
	v23 =	vcvt.s32.f32 v27;
	v25 =	vpop (erf)  }
0x538: {  	v14 =	vmul.f32 v12, v57;
	v11 =	vmul.f32 v25, v11  }
0x539: {  	v27 =	vmul.f32 v23, v5;
	v20 =	vmul.f32 v25, v20;
	v25 =	vpop (erf)  }
0x53a: {  	v12 =	vadd.f32 v28, v2;
	v26 =	vadd.f32 v17, v19;
	v23 =	vmul.f32 v23, v7;
	v58 =	vpop (erf);
	[tilespmem:s3+$0xFFFFFE30] =	vst v11  }
0x53b: {  	v59 =	vadd.f32 v18, v16;
	v11 =	vmul.f32 v58, v1;
	v28 =	vmul.f32 v58, v3;
	[tilespmem:s3+$0xFFFFFEB0] =	vst v20  }
0x53c: {  	v23 =	vadd.f32 v23, v6;
	v20 =	vmul.f32 v25, v21;
	v21 =	vadd.f32 v27, v4;
	v60 =	vld [tilespmem:s30+$0xFFFFFE40]  }
0x53d: {  	v13 =	vmul.f32 v25, v13;
	v27 =	vpop (erf);
	v61 =	vld [tilespmem:s30+$0xFFFFFEC0];
	v11 =	vadd.f32 v11, v0;
	v28 =	vadd.f32 v28, v2  }
0x53e: {  	v26 =	vadd.f32 $1.000000010e-10, v26;
	v15 =	vmul.f32 v27, v15;
	v62 =	vld [tilespmem:s0+$0xFFFFFF40];
	[tilespmem:s3+$0xFFFFFF30] =	vst v20;
	v20 =	vmul.f32 v27, v24  }
0x53f: {  	[tilespmem:s3+$0xFFFFFFB0] =	vst v13;
	v27 =	vadd.f32 $1.000000010e-10, v59;
	v25 =	vmul.f32 v11, v21;
	v24 =	vmul.f32 v28, v23  }
0x540: {  	(erf) = vrcp.f32 v26;
	v11 =	vld [tilespmem:s30+$0xFFFFFF40];
	[tilespmem:s3+$0x30] =	vst v20;
	v20 =	vmul.f32 v12, v22  }
0x541: {  	[tilespmem:s3+$0xB0] =	vst v15;
	v12 =	vld [tilespmem:s30+$0xFFFFFFC0];
	(erf) = vrcp.f32 v27;
	v13 =	vadd.f32 v24, v25  }
0x542: {  	v15 =	vld [tilespmem:s30+$0x40];
	v21 =	vadd.f32 v20, v14  }
0x543: {  	v23 =	vld [tilespmem:s30+$0xC0];
	v22 =	vsub.f32 v61, v60;
	v26 =	vcvt.s32.f32 v62;
	v13 =	vadd.f32 $1.000000010e-10, v13  }
0x544: {  	v9 =	vmul.f32 v10, v9;
	v63 =	vld [tilespmem:s0+$0x40];
	v21 =	vadd.f32 $1.000000010e-10, v21  }
0x545: {  	v27 =	vld [tilespmem:s0+$0xFFFFFFC0];
	v22 =	vmin.f32 v22, $6.000000000e+01;
	(erf) = vrcp.f32 v13;
	v13 =	vmul.f32 v26, v5  }
0x546: {  	v8 =	vmul.f32 v10, v8;
	v10 =	vmul.f32 $1.442695020e+00, v22;
	v11 =	vsub.f32 v12, v11  }
0x547: {  	v22 =	vmul.f32 v26, v7;
	(erf) = vrcp.f32 v21  }
0x548: {  	v15 =	vsub.f32 v23, v15;
	v12 =	vmin.f32 v11, $6.000000000e+01;
	(erf) = vpow2.f32 v10  }
0x549: {  	s14 =	simm.s32 $0x2700;
	[tilespmem:s26+$0x1F0] =	vst v9;
	v9 =	vcvt.s32.f32 v63;
	v10 =	vadd.f32 v13, v4;
	v12 =	vmul.f32 $1.442695020e+00, v12;
	v13 =	vpop (erf)  }
0x54a: {  	s13 =	simm.s32 $0x10A00;
	s9 =	simm.s32 $0x8E00;
	s6 =	simm.s32 $0x4;
	[tilespmem:s26+$0x170] =	vst v8;
	v11 =	vcvt.s32.f32 v27;
	v8 =	vadd.f32 v22, v6;
	v15 =	vmin.f32 v15, $6.000000000e+01;
	v21 =	vpop (erf)  }
.LBB2_5:
0x54b: {  	v22 =	vld [tilespmem:s9+$0x100];
	v15 =	vmul.f32 $1.442695020e+00, v15;
	(erf) = vpow2.f32 v12  }
0x54c: {  	v12 =	vmul.f32 v11, v5;
	v11 =	vmul.f32 v11, v7;
	v23 =	vld [tilespmem:s9+$0x180]  }
0x54d: {  	v27 =	vmul.f32 v9, v5;
	v26 =	vld [tilespmem:s9+$0xFFFFFE80];
	(erf) = vpow2.f32 v15  }
0x54e: {  	v9 =	vmul.f32 v9, v7;
	v15 =	vadd.f32 v12, v4;
	v11 =	vadd.f32 v11, v6;
	v28 =	vld [tilespmem:s9+$0xFFFFFF00];
	v29 =	vpop (erf)  }
0x54f: {  	v19 =	vmul.f32 v13, v19;
	v12 =	vadd.f32 v27, v4;
	v30 =	vld [tilespmem:s9+$0xFFFFFF80];
	v25 =	vmul.f32 v29, v25  }
0x550: {  	v13 =	vmul.f32 v13, v17;
	v9 =	vadd.f32 v9, v6;
	v24 =	vmul.f32 v29, v24;
	v27 =	vld [tilespmem:s9+$0x0];
	v17 =	vpop (erf)  }
0x551: {  	v16 =	vmul.f32 v21, v16;
	v18 =	vmul.f32 v21, v18;
	v29 =	vld [tilespmem:s9+$0x80];
	v22 =	vsub.f32 v23, v22;
	[tilespmem:s3+$0x140] =	vst v25;
	v23 =	vpop (erf)  }
0x552: {  	v21 =	vld [tilespmem:s9+$0xFFFFFE00];
	v25 =	vmul.f32 v23, v1;
	v23 =	vmul.f32 v23, v3;
	[tilespmem:s3+$0x1C0] =	vst v24  }
0x553: {  	v14 =	vmul.f32 v17, v14;
	v22 =	vmin.f32 v22, $6.000000000e+01;
	v24 =	vld [tilespmem:s30+$0x150];
	[tilespmem:s26+$0xFFFFFE60] =	vst v19;
	v19 =	vmul.f32 v17, v20  }
0x554: {  	v20 =	vsub.f32 v30, v28;
	v31 =	vmul.f32 $1.442695020e+00, v22;
	v25 =	vadd.f32 v25, v0;
	v28 =	vld [tilespmem:s30+$0x1D0];
	v30 =	vpop (erf);
	[tilespmem:s26+$0xFFFFFEE0] =	vst v13  }
0x555: {  	v17 =	vadd.f32 v23, v2;
	v13 =	vmul.f32 v30, v1;
	v23 =	vmul.f32 v30, v3;
	v30 =	vld [tilespmem:s29+$0xFFFFFE70];
	[tilespmem:s26+$0xFFFFFF60] =	vst v16  }
0x556: {  	v16 =	vmin.f32 v20, $6.000000000e+01;
	v20 =	vsub.f32 v29, v27;
	(erf) = vpow2.f32 v31;
	v22 =	vpop (erf);
	v27 =	vld [tilespmem:s29+$0xFFFFFEF0];
	[tilespmem:s26+$0xFFFFFFE0] =	vst v18  }
0x557: {  	s0 =	sadd.s32 $0x200, s0;
	v18 =	vsub.f32 v26, v21;
	v16 =	vmul.f32 $1.442695020e+00, v16;
	v21 =	vmul.f32 v22, v1;
	v26 =	vld [tilespmem:s29+$0xFFFFFF70];
	[tilespmem:s26+$0x60] =	vst v14  }
0x558: {  	v29 =	vadd.f32 v13, v0;
	v13 =	vmul.f32 v22, v3;
	v14 =	vmin.f32 v20, $6.000000000e+01;
	v20 =	vld [tilespmem:s0+$0x80];
	[tilespmem:s26+$0xE0] =	vst v19  }
0x559: {  	v19 =	vld [tilespmem:s0+$0xFFFFFF00];
	v18 =	vmin.f32 v18, $6.000000000e+01;
	v14 =	vmul.f32 $1.442695020e+00, v14;
	v22 =	vsub.f32 v28, v24  }
0x55a: {  	v23 =	vadd.f32 v23, v2;
	v18 =	vmul.f32 $1.442695020e+00, v18;
	v24 =	vld [tilespmem:s0+$0xFFFFFF80];
	(erf) = vpow2.f32 v16  }
0x55b: {  	v21 =	vadd.f32 v21, v0;
	v16 =	vld [tilespmem:s0+$0x0];
	(erf) = vpow2.f32 v14;
	v14 =	vmin.f32 v22, $6.000000000e+01  }
0x55c: {  	(erf) = vpow2.f32 v18;
	v18 =	vadd.f32 v13, v2;
	v14 =	vmul.f32 $1.442695020e+00, v14;
	v22 =	vld [tilespmem:s29+$0xFFFFFFF0]  }
0x55d: {  	v13 =	vmul.f32 v25, v10;
	v25 =	vsub.f32 v27, v30;
	v20 =	vcvt.s32.f32 v20;
	v27 =	vld [tilespmem:s29+$0x70]  }
0x55e: {  	v19 =	vcvt.s32.f32 v19;
	(erf) = vpow2.f32 v14;
	v28 =	vld [tilespmem:s29+$0xF0];
	s29 =	smov.u32 s30;
	s30 =	smov.u32 s9  }
0x55f: {  	v25 =	vmin.f32 v25, $6.000000000e+01;
	v14 =	vmul.f32 v20, v5;
	v20 =	vmul.f32 v20, v7;
	v30 =	vpop (erf);
	v10 =	vld [tilespmem:s28+$0xFFFFFF70]  }
0x560: {  	v31 =	vmul.f32 v30, v1;
	v30 =	vmul.f32 v30, v3;
	v32 =	vld [tilespmem:s14+$0xD0]  }
0x561: {  	v24 =	vcvt.s32.f32 v24;
	v33 =	vadd.f32 v14, v4;
	v20 =	vadd.f32 v20, v6;
	v14 =	vld [tilespmem:s28+$0xFFFFFFF0]  }
0x562: {  	s6 =	sadd.s32 $0x4, s6;
	v34 =	vcvt.s32.f32 v16;
	v31 =	vadd.f32 v31, v0;
	v37 =	vadd.f32 v30, v2;
	v16 =	vld [tilespmem:s28+$0x70];
	s28 =	smov.u32 s14;
	s14 =	smov.u32 s0  }
0x563: {  	p0 =	slt.u32 s6, $0x3C;
	v35 =	vmul.f32 v19, v5;
	v19 =	vmul.f32 v19, v7;
	v22 =	vsub.f32 v22, v26;
	v36 =	vpop (erf)  }
0x564: {  	v27 =	vsub.f32 v28, v27;
	v26 =	vmul.f32 v31, v33;
	v20 =	vmul.f32 v37, v20;
	v30 =	vpop (erf)  }
0x565: {  	v28 =	vadd.f32 v35, v4;
	v31 =	vmul.f32 v36, v1;
	v33 =	vpop (erf);
	v32 =	vcvt.s32.f32 v32  }
0x566: {  	v35 =	vmul.f32 v33, v1;
	v33 =	vmul.f32 v33, v3;
	v37 =	vadd.f32 v20, v26  }
0x567: {  	v31 =	vadd.f32 v31, v0;
	v38 =	vmul.f32 v32, v5;
	v32 =	vmul.f32 v32, v7;
	v39 =	vpop (erf)  }
0x568: {  	v37 =	vadd.f32 $1.000000010e-10, v37;
	v40 =	vmul.f32 v39, v1;
	v39 =	vmul.f32 v39, v3  }
0x569: {  	v36 =	vmul.f32 v36, v3;
	v38 =	vadd.f32 v38, v4;
	v32 =	vadd.f32 v32, v6  }
0x56a: {  	v41 =	vmul.f32 v30, v1;
	v40 =	vadd.f32 v40, v0;
	v39 =	vadd.f32 v39, v2  }
0x56b: {  	v30 =	vmul.f32 v30, v3;
	v35 =	vadd.f32 v35, v0;
	(erf) = vrcp.f32 v37  }
0x56c: {  	v33 =	vadd.f32 v33, v2;
	v37 =	vmul.f32 v40, v38;
	v32 =	vmul.f32 v39, v32  }
0x56d: {  	v36 =	vadd.f32 v36, v2;
	v38 =	vmul.f32 v24, v5;
	v24 =	vmul.f32 v24, v7  }
0x56e: {  	v39 =	vmul.f32 v34, v5;
	v34 =	vmul.f32 v34, v7;
	v40 =	vadd.f32 v32, v37  }
0x56f: {  	v30 =	vadd.f32 v30, v2;
	v28 =	vmul.f32 v35, v28;
	v35 =	vadd.f32 v41, v0  }
0x570: {  	v17 =	vmul.f32 v17, v8;
	v19 =	vadd.f32 v19, v6;
	v8 =	vadd.f32 $1.000000010e-10, v40  }
0x571: {  	v15 =	vmul.f32 v29, v15;
	v38 =	vadd.f32 v38, v4;
	v24 =	vadd.f32 v24, v6  }
0x572: {  	v29 =	vadd.f32 v39, v4;
	v34 =	vadd.f32 v34, v6;
	(erf) = vrcp.f32 v8  }
0x573: {  	v8 =	vmul.f32 v33, v19;
	v19 =	vmul.f32 v31, v38;
	v31 =	vadd.f32 v17, v13  }
0x574: {  	v22 =	vmin.f32 v22, $6.000000000e+01;
	v24 =	vmul.f32 v36, v24;
	v29 =	vmul.f32 v35, v29;
	v33 =	vpop (erf)  }
0x575: {  	v11 =	vmul.f32 v23, v11;
	v30 =	vmul.f32 v30, v34;
	v35 =	vadd.f32 v8, v28  }
0x576: {  	v12 =	vmul.f32 v21, v12;
	v23 =	vadd.f32 v24, v19;
	v26 =	vmul.f32 v33, v26  }
0x577: {  	s3 =	sadd.s32 $0x400, s3;
	v34 =	vadd.f32 v30, v29;
	v20 =	vmul.f32 v33, v20;
	v21 =	vadd.f32 $1.000000010e-10, v35  }
0x578: {  	v18 =	vmul.f32 v18, v9;
	v23 =	vadd.f32 $1.000000010e-10, v23;
	[tilespmem:s3+$0x100] =	vst v26;
	v26 =	vadd.f32 v11, v15  }
0x579: {  	v33 =	vadd.f32 $1.000000010e-10, v34;
	[tilespmem:s3+$0x180] =	vst v20;
	(erf) = vrcp.f32 v21;
	v20 =	vadd.f32 $1.000000010e-10, v31  }
0x57a: {  	v21 =	vld [tilespmem:s9+$0x110];
	(erf) = vrcp.f32 v23;
	v23 =	vadd.f32 $1.000000010e-10, v26;
	v26 =	vadd.f32 v18, v12  }
0x57b: {  	v25 =	vmul.f32 $1.442695020e+00, v25;
	v27 =	vmin.f32 v27, $6.000000000e+01;
	v31 =	vld [tilespmem:s9+$0x190];
	(erf) = vrcp.f32 v33;
	v9 =	vpop (erf)  }
0x57c: {  	v26 =	vadd.f32 $1.000000010e-10, v26;
	v33 =	vmul.f32 v9, v37;
	(erf) = vrcp.f32 v20  }
0x57d: {  	v9 =	vmul.f32 v9, v32;
	(erf) = vrcp.f32 v23  }
0x57e: {  	v20 =	vmul.f32 $1.442695020e+00, v22;
	[tilespmem:s13+$0x150] =	vst v33;
	(erf) = vrcp.f32 v26  }
0x57f: {  	[tilespmem:s13+$0x1D0] =	vst v9;
	v9 =	vmul.f32 $1.442695020e+00, v27;
	(erf) = vpow2.f32 v25  }
0x580: {  	v23 =	vcvt.s32.f32 v10;
	v25 =	vsub.f32 v31, v21;
	v22 =	vld [tilespmem:s29+$0x160];
	(erf) = vpow2.f32 v20  }
0x581: {  	v10 =	vcvt.s32.f32 v14;
	v20 =	vld [tilespmem:s29+$0x1E0];
	(erf) = vpow2.f32 v9  }
0x582: {  	v9 =	vcvt.s32.f32 v16;
	v14 =	vmin.f32 v25, $6.000000000e+01;
	v21 =	vpop (erf);
	v25 =	vmul.f32 v23, v5  }
0x583: {  	v16 =	vmul.f32 v21, v28;
	v28 =	vmul.f32 $1.442695020e+00, v14;
	v26 =	vpop (erf)  }
0x584: {  	v21 =	vmul.f32 v21, v8;
	v19 =	vmul.f32 v26, v19;
	v27 =	vpop (erf);
	v8 =	vadd.f32 v25, v4  }
0x585: {  	[tilespmem:s3+$0xFFFFFE00] =	vst v16;
	v16 =	vmul.f32 v26, v24;
	(erf) = vpow2.f32 v28;
	v14 =	vpop (erf)  }
0x586: {  	v24 =	vmul.f32 v27, v30;
	[tilespmem:s3+$0xFFFFFE80] =	vst v21;
	v21 =	vmul.f32 v27, v29;
	v26 =	vsub.f32 v20, v22;
	v22 =	vpop (erf)  }
0x587: {  	v13 =	vmul.f32 v14, v13;
	v14 =	vmul.f32 v14, v17;
	v25 =	vld [tilespmem:s9+$0xFFFFFE10];
	[tilespmem:s3+$0xFFFFFF00] =	vst v19;
	v17 =	vpop (erf)  }
0x588: {  	v15 =	vmul.f32 v22, v15;
	v11 =	vmul.f32 v22, v11;
	[tilespmem:s3+$0xFFFFFF80] =	vst v16;
	v16 =	vld [tilespmem:s0+$0x90];
	v26 =	vmin.f32 v26, $6.000000000e+01;
	v20 =	vpop (erf)  }
0x589: {  	v22 =	vld [tilespmem:s9+$0xFFFFFE90];
	[tilespmem:s3+$0x0] =	vst v21;
	v21 =	vmul.f32 v17, v12;
	v12 =	vmul.f32 $1.442695020e+00, v26;
	v19 =	vpop (erf)  }
0x58a: {  	v17 =	vmul.f32 v17, v18;
	v18 =	vmul.f32 v20, v1;
	v26 =	vld [tilespmem:s9+$0xFFFFFF10];
	[tilespmem:s3+$0x80] =	vst v24;
	v24 =	vpop (erf)  }
0x58b: {  	v27 =	vld [tilespmem:s9+$0xFFFFFF90];
	[tilespmem:s13+$0xFFFFFE40] =	vst v13;
	(erf) = vpow2.f32 v12;
	v13 =	vmul.f32 v20, v3  }
0x58c: {  	v12 =	vadd.f32 v18, v0;
	v20 =	vld [tilespmem:s9+$0x10];
	[tilespmem:s13+$0xFFFFFEC0] =	vst v14;
	v14 =	vmul.f32 v19, v1;
	v19 =	vmul.f32 v19, v3  }
0x58d: {  	v29 =	vmul.f32 v24, v1;
	v16 =	vcvt.s32.f32 v16;
	[tilespmem:s13+$0xFFFFFF40] =	vst v15;
	v28 =	vld [tilespmem:s28+$0xE0];
	v13 =	vadd.f32 v13, v2  }
0x58e: {  	v18 =	vmul.f32 v24, v3;
	v15 =	vsub.f32 v22, v25;
	v22 =	vld [tilespmem:s9+$0x90];
	v25 =	vpop (erf);
	[tilespmem:s13+$0xFFFFFFC0] =	vst v11;
	v11 =	vmul.f32 v23, v7  }
0x58f: {  	v14 =	vadd.f32 v14, v0;
	v23 =	vld [tilespmem:s0+$0xFFFFFF10];
	v24 =	vmul.f32 v25, v1;
	v30 =	vmul.f32 v16, v5;
	[tilespmem:s13+$0x40] =	vst v21  }
0x590: {  	v21 =	vmin.f32 v15, $6.000000000e+01;
	v31 =	vld [tilespmem:s0+$0xFFFFFF90];
	v26 =	vsub.f32 v27, v26;
	[tilespmem:s13+$0xC0] =	vst v17;
	v15 =	vmul.f32 v10, v5  }
0x591: {  	v16 =	vmul.f32 v16, v7;
	v17 =	vld [tilespmem:s0+$0x10];
	v24 =	vadd.f32 v24, v0;
	v27 =	vadd.f32 v30, v4  }
0x592: {  	v25 =	vmul.f32 v25, v3;
	v26 =	vmin.f32 v26, $6.000000000e+01;
	v30 =	vld [tilespmem:s29+$0xFFFFFE50];
	v28 =	vcvt.s32.f32 v28  }
0x593: {  	v16 =	vadd.f32 v16, v6;
	v20 =	vsub.f32 v22, v20;
	v22 =	vmul.f32 v24, v27;
	v24 =	vld [tilespmem:s29+$0xFFFFFED0]  }
0x594: {  	v25 =	vadd.f32 v25, v2;
	v27 =	vld [tilespmem:s29+$0xFFFFFF50];
	v32 =	vmul.f32 v28, v5;
	v28 =	vmul.f32 v28, v7;
	v33 =	vpop (erf)  }
0x595: {  	v20 =	vmin.f32 v20, $6.000000000e+01;
	v34 =	vld [tilespmem:s29+$0xFFFFFFD0];
	v35 =	vmul.f32 v33, v1;
	v33 =	vmul.f32 v33, v3  }
0x596: {  	v25 =	vmul.f32 v25, v16;
	v16 =	vld [tilespmem:s29+$0x50];
	v32 =	vadd.f32 v32, v4;
	v28 =	vadd.f32 v28, v6  }
0x597: {  	v21 =	vmul.f32 $1.442695020e+00, v21;
	v36 =	vld [tilespmem:s29+$0xD0];
	v35 =	vadd.f32 v35, v0;
	v33 =	vadd.f32 v33, v2  }
0x598: {  	v26 =	vmul.f32 $1.442695020e+00, v26;
	v37 =	vadd.f32 v25, v22;
	v20 =	vmul.f32 $1.442695020e+00, v20;
	v38 =	vld [tilespmem:s28+$0xFFFFFF50]  }
0x599: {  	v24 =	vsub.f32 v24, v30;
	v30 =	vld [tilespmem:s28+$0xFFFFFFD0];
	v32 =	vmul.f32 v35, v32;
	v28 =	vmul.f32 v33, v28  }
0x59a: {  	v23 =	vcvt.s32.f32 v23;
	v33 =	vadd.f32 $1.000000010e-10, v37;
	(erf) = vpow2.f32 v21;
	v21 =	vld [tilespmem:s28+$0x50]  }
0x59b: {  	v31 =	vcvt.s32.f32 v31;
	(erf) = vpow2.f32 v26;
	v26 =	vadd.f32 v28, v32  }
0x59c: {  	v17 =	vcvt.s32.f32 v17;
	v27 =	vsub.f32 v34, v27;
	(erf) = vrcp.f32 v33  }
0x59d: {  	v33 =	vmul.f32 v23, v5;
	(erf) = vpow2.f32 v20;
	v20 =	vadd.f32 $1.000000010e-10, v26  }
0x59e: {  	v23 =	vmul.f32 v23, v7;
	v16 =	vsub.f32 v36, v16;
	v26 =	vmul.f32 v31, v5  }
0x59f: {  	v31 =	vmul.f32 v31, v7;
	v33 =	vadd.f32 v33, v4;
	(erf) = vrcp.f32 v20  }
0x5a0: {  	v20 =	vadd.f32 v23, v6;
	v23 =	vmul.f32 v17, v5;
	v17 =	vmul.f32 v17, v7  }
0x5a1: {  	v24 =	vmin.f32 v24, $6.000000000e+01;
	v26 =	vadd.f32 v26, v4;
	v31 =	vadd.f32 v31, v6  }
0x5a2: {  	v39 =	vmin.f32 v27, $6.000000000e+01;
	v23 =	vadd.f32 v23, v4;
	v34 =	vadd.f32 v17, v6  }
0x5a3: {  	v24 =	vmul.f32 $1.442695020e+00, v24;
	v35 =	vmul.f32 $1.442695020e+00, v39;
	v36 =	vmin.f32 v16, $6.000000000e+01;
	v27 =	vpop (erf)  }
0x5a4: {  	v16 =	vadd.f32 v19, v2;
	v41 =	vmul.f32 v27, v1;
	v27 =	vmul.f32 v27, v3;
	v17 =	vpop (erf)  }
0x5a5: {  	v19 =	vmul.f32 v17, v1;
	v39 =	vmul.f32 v17, v3;
	v40 =	vpop (erf);
	v17 =	vadd.f32 v29, v0  }
0x5a6: {  	v29 =	vadd.f32 v41, v0;
	v27 =	vadd.f32 v27, v2;
	v42 =	vmul.f32 v40, v22;
	v37 =	vpop (erf)  }
0x5a7: {  	v25 =	vmul.f32 v40, v25;
	v19 =	vadd.f32 v19, v0;
	v41 =	vmul.f32 v37, v1  }
0x5a8: {  	v37 =	vmul.f32 v37, v3;
	v29 =	vmul.f32 v29, v33;
	v33 =	vadd.f32 v39, v2;
	[tilespmem:s3+$0x110] =	vst v42;
	v22 =	vpop (erf)  }
0x5a9: {  	v27 =	vmul.f32 v27, v20;
	v20 =	vadd.f32 v41, v0;
	[tilespmem:s3+$0x190] =	vst v25;
	v25 =	vmul.f32 v22, v32  }
0x5aa: {  	v26 =	vmul.f32 v19, v26;
	v19 =	vadd.f32 v37, v2;
	v22 =	vmul.f32 v22, v28;
	v32 =	vld [tilespmem:s9+$0x120]  }
0x5ab: {  	v28 =	vadd.f32 v27, v29;
	v31 =	vmul.f32 v33, v31;
	v33 =	vmul.f32 v20, v23;
	v20 =	vld [tilespmem:s9+$0x1A0];
	[tilespmem:s13+$0x160] =	vst v25  }
0x5ac: {  	v18 =	vadd.f32 v18, v2;
	v25 =	vmul.f32 v19, v34;
	v19 =	vmul.f32 $1.442695020e+00, v36;
	[tilespmem:s13+$0x1E0] =	vst v22  }
0x5ad: {  	v22 =	vadd.f32 $1.000000010e-10, v28;
	v23 =	vadd.f32 v31, v26;
	v28 =	vld [tilespmem:s29+$0x170];
	(erf) = vpow2.f32 v24  }
0x5ae: {  	v34 =	vcvt.s32.f32 v38;
	v24 =	vadd.f32 v25, v33;
	v36 =	vld [tilespmem:s29+$0x1F0];
	(erf) = vpow2.f32 v35  }
0x5af: {  	v23 =	vadd.f32 $1.000000010e-10, v23;
	(erf) = vrcp.f32 v22;
	v22 =	vcvt.s32.f32 v30  }
0x5b0: {  	v24 =	vadd.f32 $1.000000010e-10, v24;
	v20 =	vsub.f32 v20, v32;
	(erf) = vpow2.f32 v19  }
0x5b1: {  	v21 =	vcvt.s32.f32 v21;
	v19 =	vadd.f32 v11, v6;
	(erf) = vrcp.f32 v23  }
0x5b2: {  	v11 =	vmin.f32 v20, $6.000000000e+01;
	(erf) = vrcp.f32 v24;
	v20 =	vmul.f32 v34, v5  }
0x5b3: {  	v34 =	vmul.f32 v34, v7;
	v11 =	vmul.f32 $1.442695020e+00, v11;
	v24 =	vsub.f32 v36, v28  }
0x5b4: {  	v28 =	vadd.f32 v20, v4;
	v20 =	vmul.f32 v22, v5;
	v22 =	vmul.f32 v22, v7  }
0x5b5: {  	(erf) = vpow2.f32 v11;
	v11 =	vmul.f32 v21, v5;
	v24 =	vmin.f32 v24, $6.000000000e+01  }
0x5b6: {  	v32 =	vmul.f32 v21, v7;
	v30 =	vadd.f32 v34, v6;
	v21 =	vmul.f32 $1.442695020e+00, v24;
	v23 =	vpop (erf)  }
0x5b7: {  	v20 =	vadd.f32 v20, v4;
	v24 =	vld [tilespmem:s0+$0xA0];
	v39 =	vmul.f32 v23, v1;
	v35 =	vmul.f32 v23, v3;
	v36 =	vpop (erf)  }
0x5b8: {  	v23 =	vadd.f32 v22, v6;
	v37 =	vpop (erf);
	v38 =	vmul.f32 v36, v1;
	(erf) = vpow2.f32 v21  }
0x5b9: {  	v21 =	vmul.f32 v37, v29;
	v22 =	vmul.f32 v37, v27;
	v27 =	vadd.f32 v39, v0;
	v29 =	vpop (erf)  }
0x5ba: {  	v36 =	vmul.f32 v36, v3;
	v35 =	vadd.f32 v35, v2;
	v34 =	vpop (erf);
	v37 =	vmul.f32 v29, v1;
	v39 =	vld [tilespmem:s28+$0xF0]  }
0x5bb: {  	[tilespmem:s3+$0xFFFFFE10] =	vst v21;
	v21 =	vmul.f32 v34, v26;
	v26 =	vmul.f32 v34, v31;
	v31 =	vpop (erf);
	v34 =	vadd.f32 v38, v0  }
0x5bc: {  	[tilespmem:s3+$0xFFFFFE90] =	vst v22;
	v22 =	vmul.f32 v31, v33;
	v24 =	vcvt.s32.f32 v24;
	v33 =	vadd.f32 v36, v2  }
0x5bd: {  	v29 =	vmul.f32 v29, v3;
	v36 =	vld [tilespmem:s9+$0xFFFFFE20];
	[tilespmem:s3+$0xFFFFFF10] =	vst v21;
	v21 =	vmul.f32 v31, v25;
	v25 =	vadd.f32 v37, v0  }
0x5be: {  	v38 =	vadd.f32 v11, v4;
	v31 =	vld [tilespmem:s9+$0xFFFFFEA0];
	[tilespmem:s3+$0xFFFFFF90] =	vst v26;
	v26 =	vmul.f32 v24, v5;
	v24 =	vmul.f32 v24, v7;
	v37 =	vpop (erf)  }
0x5bf: {  	v29 =	vadd.f32 v29, v2;
	v11 =	vld [tilespmem:s9+$0xFFFFFF20];
	[tilespmem:s3+$0x10] =	vst v22;
	v22 =	vmul.f32 v37, v1;
	v39 =	vcvt.s32.f32 v39  }
0x5c0: {  	v40 =	vld [tilespmem:s9+$0xFFFFFFA0];
	[tilespmem:s3+$0x90] =	vst v21;
	v21 =	vmul.f32 v37, v3;
	v26 =	vadd.f32 v26, v4;
	v24 =	vadd.f32 v24, v6  }
0x5c1: {  	v37 =	vld [tilespmem:s9+$0x20];
	v41 =	vadd.f32 v22, v0;
	v22 =	vmul.f32 v39, v5;
	v39 =	vmul.f32 v39, v7;
	v42 =	vpop (erf)  }
0x5c2: {  	v43 =	vld [tilespmem:s9+$0xA0];
	v44 =	vadd.f32 v21, v2;
	v45 =	vmul.f32 v42, v1;
	v42 =	vmul.f32 v42, v3  }
0x5c3: {  	v21 =	vmul.f32 v27, v28;
	v46 =	vld [tilespmem:s0+$0xFFFFFF20];
	v27 =	vadd.f32 v22, v4;
	v28 =	vadd.f32 v39, v6  }
0x5c4: {  	v22 =	vmul.f32 v35, v30;
	v39 =	vld [tilespmem:s0+$0xFFFFFFA0];
	v30 =	vadd.f32 v45, v0;
	v35 =	vadd.f32 v42, v2  }
0x5c5: {  	v31 =	vsub.f32 v31, v36;
	v26 =	vmul.f32 v41, v26;
	v24 =	vmul.f32 v44, v24;
	v36 =	vld [tilespmem:s0+$0x20]  }
0x5c6: {  	v40 =	vsub.f32 v40, v11;
	v11 =	vmul.f32 v30, v27;
	v27 =	vmul.f32 v35, v28  }
0x5c7: {  	v28 =	vmin.f32 v31, $6.000000000e+01;
	v31 =	vadd.f32 v24, v26;
	v30 =	vsub.f32 v43, v37  }
0x5c8: {  	v28 =	vmul.f32 $1.442695020e+00, v28;
	v35 =	vmin.f32 v40, $6.000000000e+01;
	v37 =	vadd.f32 v27, v11  }
0x5c9: {  	v35 =	vmul.f32 $1.442695020e+00, v35;
	v31 =	vadd.f32 $1.000000010e-10, v31;
	v30 =	vmin.f32 v30, $6.000000000e+01  }
0x5ca: {  	v30 =	vmul.f32 $1.442695020e+00, v30;
	(erf) = vpow2.f32 v28;
	v28 =	vadd.f32 $1.000000010e-10, v37  }
0x5cb: {  	v37 =	vcvt.s32.f32 v46;
	(erf) = vrcp.f32 v31;
	v31 =	vadd.f32 v32, v6  }
0x5cc: {  	v32 =	vcvt.s32.f32 v39;
	v39 =	vadd.f32 v22, v21;
	(erf) = vrcp.f32 v28  }
0x5cd: {  	v28 =	vcvt.s32.f32 v36;
	(erf) = vpow2.f32 v35;
	v35 =	vadd.f32 v15, v4  }
0x5ce: {  	v15 =	vmul.f32 v37, v5;
	(erf) = vpow2.f32 v30;
	v30 =	vadd.f32 $1.000000010e-10, v39  }
0x5cf: {  	v36 =	vmul.f32 v37, v7;
	v37 =	vmul.f32 v32, v5  }
0x5d0: {  	v41 =	vmul.f32 v32, v7;
	v32 =	vmul.f32 v28, v5;
	v39 =	vadd.f32 v15, v4  }
0x5d1: {  	v36 =	vadd.f32 v36, v6;
	v28 =	vmul.f32 v28, v7;
	v37 =	vadd.f32 v37, v4  }
0x5d2: {  	v34 =	vmul.f32 v34, v20;
	v40 =	vadd.f32 v41, v6;
	v32 =	vadd.f32 v32, v4  }
0x5d3: {  	v23 =	vmul.f32 v33, v23;
	v25 =	vmul.f32 v25, v38;
	v20 =	vadd.f32 v28, v6;
	v15 =	vpop (erf)  }
0x5d4: {  	v28 =	vmul.f32 v15, v1;
	v42 =	vmul.f32 v15, v3;
	v38 =	vpop (erf)  }
0x5d5: {  	v29 =	vmul.f32 v29, v31;
	v41 =	vadd.f32 v23, v34;
	v43 =	vmul.f32 v38, v26;
	v15 =	vpop (erf)  }
0x5d6: {  	v28 =	vadd.f32 v28, v0;
	v31 =	vadd.f32 v42, v2;
	v33 =	vpop (erf);
	v27 =	vmul.f32 v15, v27  }
0x5d7: {  	v24 =	vmul.f32 v38, v24;
	v38 =	vadd.f32 v29, v25;
	v42 =	vmul.f32 v33, v1;
	[tilespmem:s3+$0x120] =	vst v43;
	v26 =	vpop (erf)  }
0x5d8: {  	v41 =	vadd.f32 $1.000000010e-10, v41;
	v33 =	vmul.f32 v33, v3;
	v43 =	vmul.f32 v26, v1;
	[tilespmem:s13+$0x1F0] =	vst v27  }
0x5d9: {  	v27 =	vmul.f32 v28, v39;
	v26 =	vmul.f32 v26, v3;
	v28 =	vadd.f32 v42, v0;
	[tilespmem:s3+$0x1A0] =	vst v24  }
0x5da: {  	v24 =	vmul.f32 v31, v36;
	v31 =	vadd.f32 v33, v2;
	v33 =	vadd.f32 v43, v0;
	v36 =	vld [tilespmem:s9+$0x130]  }
0x5db: {  	v38 =	vadd.f32 $1.000000010e-10, v38;
	v26 =	vadd.f32 v26, v2;
	v28 =	vmul.f32 v28, v37;
	v37 =	vld [tilespmem:s9+$0x1B0]  }
0x5dc: {  	v39 =	vadd.f32 v24, v27;
	v31 =	vmul.f32 v31, v40;
	v32 =	vmul.f32 v33, v32  }
0x5dd: {  	v26 =	vmul.f32 v26, v20;
	(erf) = vrcp.f32 v30  }
0x5de: {  	v20 =	vadd.f32 $1.000000010e-10, v39;
	v30 =	vadd.f32 v31, v28;
	(erf) = vrcp.f32 v41  }
0x5df: {  	v10 =	vmul.f32 v10, v7;
	v33 =	vadd.f32 v26, v32;
	(erf) = vrcp.f32 v38  }
0x5e0: {  	v30 =	vadd.f32 $1.000000010e-10, v30;
	v36 =	vsub.f32 v37, v36;
	(erf) = vrcp.f32 v20  }
0x5e1: {  	v20 =	vadd.f32 $1.000000010e-10, v33;
	v33 =	vmul.f32 v9, v5;
	v37 =	vmul.f32 v9, v7  }
0x5e2: {  	v9 =	vmin.f32 v36, $6.000000000e+01;
	(erf) = vrcp.f32 v30;
	v30 =	vadd.f32 v10, v6  }
0x5e3: {  	v33 =	vadd.f32 v33, v4;
	v10 =	vmul.f32 $1.442695020e+00, v9;
	(erf) = vrcp.f32 v20  }
0x5e4: {  	v20 =	vmul.f32 v12, v8;
	v9 =	vmul.f32 v13, v19;
	v13 =	vadd.f32 v37, v6  }
0x5e5: {  	(erf) = vpow2.f32 v10;
	v10 =	vmul.f32 v14, v35  }
0x5e6: {  	v12 =	vmul.f32 v16, v30;
	v8 =	vmul.f32 v17, v33;
	v19 =	vadd.f32 v9, v20;
	v14 =	vpop (erf)  }
0x5e7: {  	v16 =	vld [tilespmem:s0+$0xB0];
	v17 =	vmul.f32 v14, v21;
	v14 =	vmul.f32 v14, v22;
	v21 =	vpop (erf)  }
0x5e8: {  	v30 =	vadd.f32 v12, v10;
	v22 =	vmul.f32 v21, v34;
	v21 =	vmul.f32 v21, v23;
	v23 =	vpop (erf)  }
0x5e9: {  	v34 =	vadd.f32 $1.000000010e-10, v19;
	v33 =	vpop (erf);
	[tilespmem:s13+$0xFFFFFE50] =	vst v17;
	v17 =	vmul.f32 v23, v25;
	v23 =	vmul.f32 v23, v29  }
0x5ea: {  	v25 =	vmul.f32 v33, v27;
	v24 =	vmul.f32 v33, v24;
	[tilespmem:s13+$0xFFFFFED0] =	vst v14;
	v14 =	vadd.f32 $1.000000010e-10, v30  }
0x5eb: {  	v13 =	vmul.f32 v18, v13;
	v27 =	vpop (erf);
	v29 =	vld [tilespmem:s29+$0xFFFFFE60];
	[tilespmem:s13+$0xFFFFFF50] =	vst v22;
	(erf) = vrcp.f32 v34  }
0x5ec: {  	[tilespmem:s3+$0xFFFFFE20] =	vst v25;
	v18 =	vmul.f32 v27, v28;
	v16 =	vcvt.s32.f32 v16;
	v19 =	vpop (erf);
	v22 =	vld [tilespmem:s29+$0xFFFFFEE0]  }
0x5ed: {  	v28 =	vadd.f32 v13, v8;
	[tilespmem:s3+$0xFFFFFEA0] =	vst v24;
	v24 =	vmul.f32 v27, v31;
	v25 =	vmul.f32 v19, v32;
	v27 =	vld [tilespmem:s28+$0xFFFFFF60]  }
0x5ee: {  	v30 =	vld [tilespmem:s9+$0xFFFFFE30];
	[tilespmem:s3+$0xFFFFFF20] =	vst v18;
	v18 =	vmul.f32 v16, v5;
	v16 =	vmul.f32 v16, v7;
	v31 =	vpop (erf)  }
0x5ef: {  	v28 =	vadd.f32 $1.000000010e-10, v28;
	v32 =	vld [tilespmem:s9+$0xFFFFFEB0];
	[tilespmem:s3+$0xFFFFFFA0] =	vst v24;
	v24 =	vmul.f32 v31, v1;
	v31 =	vmul.f32 v31, v3  }
0x5f0: {  	v19 =	vmul.f32 v19, v26;
	v33 =	vld [tilespmem:s9+$0xFFFFFF30];
	[tilespmem:s3+$0x20] =	vst v25;
	v18 =	vadd.f32 v18, v4;
	v16 =	vadd.f32 v16, v6  }
0x5f1: {  	v25 =	vld [tilespmem:s9+$0xFFFFFFB0];
	v24 =	vadd.f32 v24, v0;
	v26 =	vadd.f32 v31, v2;
	[tilespmem:s13+$0xFFFFFFD0] =	vst v21;
	(erf) = vrcp.f32 v14  }
0x5f2: {  	v31 =	vld [tilespmem:s0+$0xFFFFFF30];
	[tilespmem:s3+$0xA0] =	vst v19;
	v14 =	vcvt.s32.f32 v27;
	v19 =	vsub.f32 v22, v29;
	(erf) = vrcp.f32 v28  }
0x5f3: {  	v22 =	vld [tilespmem:s9+$0x30];
	v18 =	vmul.f32 v24, v18;
	v24 =	vmul.f32 v26, v16;
	[tilespmem:s13+$0x50] =	vst v17  }
0x5f4: {  	v16 =	vsub.f32 v32, v30;
	v17 =	vld [tilespmem:s9+$0xB0];
	v19 =	vmin.f32 v19, $6.000000000e+01;
	v26 =	vmul.f32 v14, v5;
	[tilespmem:s13+$0xD0] =	vst v23;
	v21 =	vpop (erf)  }
0x5f5: {  	v28 =	vmul.f32 v14, v7;
	v23 =	vld [tilespmem:s0+$0xFFFFFFB0];
	v27 =	vadd.f32 v24, v18;
	v19 =	vmul.f32 $1.442695020e+00, v19  }
0x5f6: {  	v16 =	vmin.f32 v16, $6.000000000e+01;
	v25 =	vsub.f32 v25, v33;
	v29 =	vld [tilespmem:s0+$0x30];
	v14 =	vadd.f32 v26, v4  }
0x5f7: {  	v26 =	vcvt.s32.f32 v31;
	v30 =	vmul.f32 $1.442695020e+00, v16;
	v27 =	vadd.f32 $1.000000010e-10, v27;
	v31 =	vld [tilespmem:s29+$0xFFFFFF60]  }
0x5f8: {  	v16 =	vadd.f32 v28, v6;
	v25 =	vmin.f32 v25, $6.000000000e+01;
	v28 =	vld [tilespmem:s29+$0xFFFFFFE0];
	(erf) = vpow2.f32 v19  }
0x5f9: {  	v19 =	vmul.f32 $1.442695020e+00, v25;
	v17 =	vsub.f32 v17, v22;
	(erf) = vrcp.f32 v27;
	v25 =	vld [tilespmem:s29+$0x60]  }
0x5fa: {  	v27 =	vcvt.s32.f32 v23;
	(erf) = vpow2.f32 v30;
	v30 =	vld [tilespmem:s29+$0xE0];
	v23 =	vpop (erf)  }
0x5fb: {  	v29 =	vcvt.s32.f32 v29;
	v17 =	vmin.f32 v17, $6.000000000e+01;
	(erf) = vpow2.f32 v19;
	v19 =	vld [tilespmem:s28+$0xFFFFFFE0];
	v22 =	vpop (erf)  }
0x5fc: {  	v32 =	vmul.f32 v26, v5;
	v17 =	vmul.f32 $1.442695020e+00, v17;
	v33 =	vld [tilespmem:s28+$0x60]  }
0x5fd: {  	v26 =	vmul.f32 v26, v7;
	v34 =	vmul.f32 v27, v5;
	v28 =	vsub.f32 v28, v31  }
0x5fe: {  	v27 =	vmul.f32 v27, v7;
	v31 =	vadd.f32 v32, v4;
	(erf) = vpow2.f32 v17  }
0x5ff: {  	v17 =	vadd.f32 v26, v6;
	v26 =	vmul.f32 v29, v5;
	v29 =	vmul.f32 v29, v7  }
0x600: {  	v32 =	vadd.f32 v34, v4;
	v27 =	vadd.f32 v27, v6;
	v28 =	vmin.f32 v28, $6.000000000e+01  }
0x601: {  	v26 =	vadd.f32 v26, v4;
	v29 =	vadd.f32 v29, v6;
	v28 =	vmul.f32 $1.442695020e+00, v28;
	v34 =	vpop (erf)  }
0x602: {  	v25 =	vsub.f32 v30, v25;
	v19 =	vcvt.s32.f32 v19;
	v33 =	vcvt.s32.f32 v33;
	v35 =	vpop (erf)  }
0x603: {  	v18 =	vmul.f32 v35, v18;
	v30 =	vpop (erf);
	(erf) = vpow2.f32 v28  }
0x604: {  	v25 =	vmin.f32 v25, $6.000000000e+01;
	v24 =	vmul.f32 v35, v24;
	v28 =	vmul.f32 v30, v1;
	v35 =	vpop (erf)  }
0x605: {  	v30 =	vmul.f32 v30, v3;
	v37 =	vmul.f32 v35, v1;
	[tilespmem:s3+$0x130] =	vst v18  }
0x606: {  	v18 =	vadd.f32 v28, v0;
	v28 =	vmul.f32 v35, v3;
	[tilespmem:s3+$0x1B0] =	vst v24;
	v24 =	vmul.f32 $1.442695020e+00, v25  }
0x607: {  	v25 =	vadd.f32 v30, v2;
	v30 =	vadd.f32 v37, v0;
	v35 =	vld [tilespmem:s9+$0x140];
	v36 =	vpop (erf);
	v37 =	vmul.f32 v34, v1  }
0x608: {  	v28 =	vadd.f32 v28, v2;
	v38 =	vmul.f32 v36, v1;
	v36 =	vmul.f32 v36, v3;
	v39 =	vld [tilespmem:s9+$0x1C0]  }
0x609: {  	v31 =	vmul.f32 v18, v31;
	v25 =	vmul.f32 v25, v17;
	v17 =	vadd.f32 v37, v0  }
0x60a: {  	v30 =	vmul.f32 v30, v32;
	v37 =	vadd.f32 v38, v0;
	v32 =	vadd.f32 v36, v2  }
0x60b: {  	v36 =	vadd.f32 v25, v31;
	v27 =	vmul.f32 v28, v27;
	(erf) = vpow2.f32 v24  }
0x60c: {  	v24 =	vmul.f32 v37, v26;
	v26 =	vmul.f32 v32, v29;
	v18 =	vpop (erf)  }
0x60d: {  	v28 =	vadd.f32 v27, v30;
	v32 =	vmul.f32 v34, v3;
	v29 =	vsub.f32 v39, v35  }
0x60e: {  	v34 =	vadd.f32 $1.000000010e-10, v36;
	v36 =	vmul.f32 v18, v1;
	v35 =	vadd.f32 v26, v24  }
0x60f: {  	v18 =	vmul.f32 v18, v3;
	v28 =	vadd.f32 $1.000000010e-10, v28;
	v29 =	vmin.f32 v29, $6.000000000e+01  }
0x610: {  	v35 =	vadd.f32 $1.000000010e-10, v35;
	v29 =	vmul.f32 $1.442695020e+00, v29;
	(erf) = vrcp.f32 v34  }
0x611: {  	(erf) = vrcp.f32 v28;
	v28 =	vadd.f32 v32, v2;
	v32 =	vmul.f32 v19, v5  }
0x612: {  	v37 =	vmul.f32 v19, v7;
	(erf) = vpow2.f32 v29;
	v29 =	vadd.f32 v36, v0  }
0x613: {  	v18 =	vadd.f32 v18, v2;
	v34 =	vmul.f32 v33, v5;
	(erf) = vrcp.f32 v35  }
0x614: {  	v33 =	vmul.f32 v33, v7;
	v36 =	vadd.f32 v37, v6;
	v32 =	vadd.f32 v32, v4;
	v35 =	vld [tilespmem:s0+$0xC0];
	v19 =	vpop (erf)  }
0x615: {  	v34 =	vadd.f32 v34, v4;
	v37 =	vmul.f32 v19, v1;
	v38 =	vmul.f32 v19, v3  }
0x616: {  	v19 =	vmul.f32 v17, v14;
	v17 =	vmul.f32 v28, v16;
	v28 =	vadd.f32 v33, v6  }
0x617: {  	v16 =	vmul.f32 v29, v32;
	v14 =	vadd.f32 v37, v0;
	v29 =	vadd.f32 v38, v2  }
0x618: {  	v20 =	vmul.f32 v21, v20;
	v18 =	vmul.f32 v18, v36;
	v32 =	vadd.f32 v17, v19  }
0x619: {  	v33 =	vcvt.s32.f32 v35;
	v35 =	vpop (erf);
	v14 =	vmul.f32 v14, v34  }
0x61a: {  	v31 =	vmul.f32 v35, v31;
	v25 =	vmul.f32 v35, v25;
	v34 =	vpop (erf);
	v35 =	vadd.f32 v18, v16;
	[tilespmem:s26+$0xFFFFFE70] =	vst v20  }
0x61b: {  	v32 =	vadd.f32 $1.000000010e-10, v32;
	v20 =	vmul.f32 v33, v5;
	v33 =	vmul.f32 v33, v7;
	v36 =	vpop (erf)  }
0x61c: {  	[tilespmem:s3+$0xFFFFFE30] =	vst v31;
	v31 =	vmul.f32 v36, v1;
	v36 =	vmul.f32 v36, v3;
	v37 =	vpop (erf);
	v35 =	vadd.f32 $1.000000010e-10, v35  }
0x61d: {  	[tilespmem:s3+$0xFFFFFEB0] =	vst v25;
	v25 =	vmul.f32 v34, v30;
	v20 =	vadd.f32 v20, v4;
	v30 =	vadd.f32 v33, v6  }
0x61e: {  	v27 =	vmul.f32 v34, v27;
	v33 =	vld [tilespmem:s9+$0xFFFFFE40];
	v31 =	vadd.f32 v31, v0;
	v34 =	vadd.f32 v36, v2  }
0x61f: {  	v38 =	vmul.f32 v37, v24;
	v26 =	vmul.f32 v37, v26;
	v36 =	vld [tilespmem:s9+$0xFFFFFEC0];
	[tilespmem:s3+$0xFFFFFF30] =	vst v25  }
0x620: {  	v37 =	vld [tilespmem:s0+$0xFFFFFF40];
	[tilespmem:s3+$0xFFFFFFB0] =	vst v27;
	v25 =	vmul.f32 v31, v20;
	v24 =	vmul.f32 v34, v30  }
0x621: {  	v20 =	vmul.f32 v29, v28;
	v27 =	vld [tilespmem:s9+$0xFFFFFF40];
	[tilespmem:s3+$0x30] =	vst v38;
	(erf) = vrcp.f32 v32  }
0x622: {  	v9 =	vmul.f32 v21, v9;
	v28 =	vld [tilespmem:s9+$0xFFFFFFC0];
	[tilespmem:s3+$0xB0] =	vst v26;
	v26 =	vadd.f32 v24, v25;
	(erf) = vrcp.f32 v35  }
0x623: {  	v10 =	vmul.f32 v23, v10;
	v12 =	vmul.f32 v23, v12;
	v29 =	vadd.f32 v20, v14;
	v21 =	vld [tilespmem:s9+$0x40]  }
0x624: {  	v8 =	vmul.f32 v22, v8;
	v23 =	vsub.f32 v36, v33;
	v30 =	vld [tilespmem:s9+$0xC0];
	v26 =	vadd.f32 $1.000000010e-10, v26;
	[tilespmem:s26+$0xFFFFFEF0] =	vst v9  }
0x625: {  	v29 =	vadd.f32 $1.000000010e-10, v29;
	v9 =	vcvt.s32.f32 v37;
	v31 =	vld [tilespmem:s0+$0xFFFFFFC0];
	[tilespmem:s26+$0xFFFFFF70] =	vst v10;
	v10 =	vmul.f32 v22, v13  }
0x626: {  	v11 =	vmul.f32 v15, v11;
	v13 =	vmin.f32 v23, $6.000000000e+01;
	v22 =	vld [tilespmem:s0+$0x40];
	(erf) = vrcp.f32 v26;
	[tilespmem:s26+$0xFFFFFFF0] =	vst v12  }
.Ltmp1:
0x627: {  	v12 =	vmul.f32 $1.442695020e+00, v13;
	v23 =	vmul.f32 v9, v5;
	v15 =	vsub.f32 v28, v27;
	[tilespmem:s26+$0x70] =	vst v8;
	(pc) =	sbr.rel @p0 .LBB2_5-.Ltmp1, $4  }
0x628: {  	v8 =	vmul.f32 v9, v7;
	(erf) = vrcp.f32 v29;
	[tilespmem:s26+$0xF0] =	vst v10;
	s26 =	smov.u32 s13;
	s13 =	smov.u32 s3  }
0x629: {  	v9 =	vmin.f32 v15, $6.000000000e+01;
	v15 =	vsub.f32 v30, v21;
	(erf) = vpow2.f32 v12;
	[tilespmem:s26+$0x170] =	vst v11  }
0x62a: {  	v10 =	vadd.f32 v23, v4;
	v11 =	vcvt.s32.f32 v31;
	v12 =	vmul.f32 $1.442695020e+00, v9;
	v13 =	vpop (erf)  }
0x62b: {  	s9 =	sadd.s32 $0x400, s9;
	v8 =	vadd.f32 v8, v6;
	v9 =	vcvt.s32.f32 v22;
	v15 =	vmin.f32 v15, $6.000000000e+01;
	v21 =	vpop (erf)  }
0x62c: {  	_ =	sdelay $0x2  }
0x62d: {  	v22 =	vpop (erf)  }
0x62e: {  	v23 =	vmul.f32 v22, v25  }
0x62f: {  	v22 =	vmul.f32 v22, v24  }
0x630: {  	[tilespmem:s3+$0x140] =	vst v23  }
0x631: {  	[tilespmem:s3+$0x1C0] =	vst v22  }
0x632: {  	v22 =	vld [tilespmem:s30+$0x150]  }
0x633: {  	v23 =	vld [tilespmem:s30+$0x1D0];
	_ =	sdelay $0x4  }
0x634: {  	v22 =	vsub.f32 v23, v22;
	_ =	sdelay $0x1  }
0x635: {  	v15 =	vmul.f32 $1.442695020e+00, v15;
	v22 =	vmin.f32 v22, $6.000000000e+01  }
0x636: {  	(erf) = vpow2.f32 v12;
	v32 =	vmul.f32 $1.442695020e+00, v22  }
0x637: {  	(erf) = vpow2.f32 v15  }
0x638: {  	(erf) = vpow2.f32 v32;
	_ =	sdelay $0x1  }
0x639: {  	v33 =	vld [tilespmem:s14+$0xD0];
	_ =	sdelay $0x2  }
0x63a: {  	v34 =	vpop (erf)  }
0x63b: {  	v35 =	vpop (erf)  }
0x63c: {  	v36 =	vpop (erf);
	v12 =	vcvt.s32.f32 v33  }
0x63d: {  	v37 =	vpop (erf)  }
0x63e: {  	v38 =	vmul.f32 v12, v5;
	v12 =	vmul.f32 v12, v7;
	v26 =	vpop (erf)  }
0x63f: {  	v27 =	vmul.f32 v26, v1;
	v26 =	vmul.f32 v26, v3  }
0x640: {  	v25 =	vadd.f32 v38, v4;
	v12 =	vadd.f32 v12, v6  }
0x641: {  	v27 =	vadd.f32 v27, v0;
	v26 =	vadd.f32 v26, v2;
	_ =	sdelay $0x1  }
0x642: {  	v25 =	vmul.f32 v27, v25;
	v12 =	vmul.f32 v26, v12;
	_ =	sdelay $0x1  }
0x643: {  	v26 =	vadd.f32 v12, v25;
	_ =	sdelay $0x1  }
0x644: {  	v26 =	vadd.f32 $1.000000010e-10, v26;
	_ =	sdelay $0x1  }
0x645: {  	(erf) = vrcp.f32 v26  }
0x646: {  	v39 =	vmul.f32 v11, v5  }
0x647: {  	v40 =	vmul.f32 v11, v7;
	v19 =	vmul.f32 v13, v19  }
0x648: {  	v43 =	vmul.f32 v13, v17;
	v16 =	vmul.f32 v21, v16  }
0x649: {  	v44 =	vmul.f32 v21, v18;
	v41 =	vmul.f32 v9, v5  }
0x64a: {  	v42 =	vmul.f32 v9, v7;
	[tilespmem:s26+$0xFFFFFE60] =	vst v19;
	v46 =	vmul.f32 v35, v1  }
0x64b: {  	v11 =	vadd.f32 v40, v6;
	[tilespmem:s26+$0xFFFFFEE0] =	vst v43;
	v45 =	vadd.f32 v41, v4;
	v48 =	vmul.f32 v34, v14  }
0x64c: {  	[tilespmem:s26+$0xFFFFFF60] =	vst v16;
	v49 =	vmul.f32 v34, v20;
	v47 =	vmul.f32 v35, v3;
	v51 =	vadd.f32 v46, v0  }
0x64d: {  	[tilespmem:s26+$0xFFFFFFE0] =	vst v44;
	v9 =	vadd.f32 v42, v6;
	v50 =	vld [tilespmem:s29+$0xFFFFFE70];
	v52 =	vmul.f32 v36, v1;
	v53 =	vmul.f32 v36, v3  }
0x64e: {  	v57 =	vld [tilespmem:s29+$0xFFFFFF70];
	v21 =	vadd.f32 v47, v2;
	v16 =	vmul.f32 v51, v10;
	v56 =	vmul.f32 v37, v1;
	v55 =	vpop (erf)  }
0x64f: {  	v59 =	vld [tilespmem:s29+$0xFFFFFFF0];
	[tilespmem:s26+$0x60] =	vst v48;
	v19 =	vadd.f32 v52, v0;
	v24 =	vmul.f32 v37, v3;
	v58 =	vmul.f32 v55, v25  }
0x650: {  	v54 =	vld [tilespmem:s29+$0xFFFFFEF0];
	[tilespmem:s26+$0xE0] =	vst v49;
	v60 =	vadd.f32 v53, v2;
	v61 =	vadd.f32 v56, v0;
	v12 =	vmul.f32 v55, v12  }
0x651: {  	v62 =	vld [tilespmem:s29+$0x70];
	v8 =	vmul.f32 v21, v8;
	v63 =	vadd.f32 v24, v2;
	v26 =	vadd.f32 v39, v4;
	[tilespmem:s13+$0x150] =	vst v58  }
0x652: {  	v24 =	vld [tilespmem:s29+$0xF0];
	v17 =	vmul.f32 v60, v11;
	v18 =	vmul.f32 v61, v45;
	[tilespmem:s13+$0x1D0] =	vst v12  }
0x653: {  	v9 =	vmul.f32 v63, v9;
	v26 =	vmul.f32 v19, v26;
	v28 =	vld [tilespmem:s30+$0x160]  }
0x654: {  	v14 =	vsub.f32 v59, v57;
	v29 =	vadd.f32 v8, v16;
	v30 =	vld [tilespmem:s30+$0x1E0]  }
0x655: {  	v32 =	vadd.f32 v9, v18;
	v31 =	vadd.f32 v17, v26  }
0x656: {  	v19 =	vadd.f32 $1.000000010e-10, v29;
	v25 =	vsub.f32 v54, v50  }
0x657: {  	v14 =	vmin.f32 v14, $6.000000000e+01;
	v10 =	vsub.f32 v24, v62;
	v20 =	vadd.f32 $1.000000010e-10, v31  }
0x658: {  	v21 =	vadd.f32 $1.000000010e-10, v32;
	(erf) = vrcp.f32 v19;
	v12 =	vmin.f32 v25, $6.000000000e+01  }
0x659: {  	(erf) = vrcp.f32 v20;
	v12 =	vmul.f32 $1.442695020e+00, v12;
	v11 =	vsub.f32 v30, v28  }
0x65a: {  	v33 =	vmul.f32 $1.442695020e+00, v14;
	v10 =	vmin.f32 v10, $6.000000000e+01;
	(erf) = vrcp.f32 v21  }
0x65b: {  	v10 =	vmul.f32 $1.442695020e+00, v10;
	(erf) = vpow2.f32 v12;
	v11 =	vmin.f32 v11, $6.000000000e+01  }
0x65c: {  	(erf) = vpow2.f32 v33;
	v11 =	vmul.f32 $1.442695020e+00, v11  }
0x65d: {  	(erf) = vpow2.f32 v10  }
0x65e: {  	(erf) = vpow2.f32 v11;
	_ =	sdelay $0x1  }
0x65f: {  	v34 =	vld [tilespmem:s14+$0xE0]  }
0x660: {  	v35 =	vpop (erf)  }
0x661: {  	v36 =	vpop (erf)  }
0x662: {  	v37 =	vpop (erf)  }
0x663: {  	v10 =	vpop (erf)  }
0x664: {  	v38 =	vcvt.s32.f32 v34;
	v12 =	vpop (erf)  }
0x665: {  	v11 =	vpop (erf)  }
0x666: {  	v39 =	vmul.f32 v38, v5;
	v20 =	vmul.f32 v38, v7;
	v40 =	vpop (erf)  }
0x667: {  	v41 =	vmul.f32 v40, v1;
	v22 =	vmul.f32 v40, v3  }
0x668: {  	v21 =	vadd.f32 v39, v4;
	v20 =	vadd.f32 v20, v6  }
0x669: {  	v23 =	vadd.f32 v41, v0;
	v22 =	vadd.f32 v22, v2;
	_ =	sdelay $0x1  }
0x66a: {  	v21 =	vmul.f32 v23, v21;
	v20 =	vmul.f32 v22, v20;
	_ =	sdelay $0x1  }
0x66b: {  	v22 =	vadd.f32 v20, v21;
	_ =	sdelay $0x1  }
0x66c: {  	v22 =	vadd.f32 $1.000000010e-10, v22;
	_ =	sdelay $0x1  }
0x66d: {  	(erf) = vrcp.f32 v22;
	_ =	sdelay $0x2  }
0x66e: {  	v16 =	vmul.f32 v35, v16  }
0x66f: {  	v8 =	vmul.f32 v35, v8  }
0x670: {  	[tilespmem:s13+$0xFFFFFE40] =	vst v16;
	v42 =	vmul.f32 v36, v26  }
0x671: {  	[tilespmem:s13+$0xFFFFFEC0] =	vst v8;
	v14 =	vmul.f32 v36, v17  }
0x672: {  	v43 =	vld [tilespmem:s30+$0xFFFFFE50];
	v8 =	vmul.f32 v37, v18;
	[tilespmem:s13+$0xFFFFFF40] =	vst v42  }
0x673: {  	v44 =	vld [tilespmem:s30+$0xFFFFFED0];
	[tilespmem:s13+$0xFFFFFFC0] =	vst v14  }
0x674: {  	v9 =	vmul.f32 v37, v9;
	[tilespmem:s13+$0x40] =	vst v8;
	v8 =	vld [tilespmem:s30+$0xFFFFFF50];
	v45 =	vpop (erf)  }
0x675: {  	v47 =	vld [tilespmem:s30+$0xFFFFFFD0];
	v46 =	vmul.f32 v45, v21  }
0x676: {  	[tilespmem:s13+$0xC0] =	vst v9;
	v15 =	vmul.f32 v45, v20  }
0x677: {  	v48 =	vld [tilespmem:s30+$0x50];
	[tilespmem:s13+$0x160] =	vst v46  }
0x678: {  	v49 =	vld [tilespmem:s30+$0xD0];
	[tilespmem:s13+$0x1E0] =	vst v15  }
0x679: {  	v13 =	vsub.f32 v44, v43;
	v15 =	vld [tilespmem:s30+$0x170]  }
0x67a: {  	v8 =	vsub.f32 v47, v8;
	v50 =	vld [tilespmem:s30+$0x1F0]  }
0x67b: {  	v51 =	vmin.f32 v13, $6.000000000e+01  }
0x67c: {  	v9 =	vmul.f32 $1.442695020e+00, v51;
	v8 =	vmin.f32 v8, $6.000000000e+01  }
0x67d: {  	v8 =	vmul.f32 $1.442695020e+00, v8  }
0x67e: {  	v52 =	vsub.f32 v49, v48;
	(erf) = vpow2.f32 v9  }
0x67f: {  	v55 =	vld [tilespmem:s14+$0xFFFFFFD0];
	(erf) = vpow2.f32 v8;
	v53 =	vsub.f32 v50, v15  }
0x680: {  	v56 =	vld [tilespmem:s14+$0x50];
	v13 =	vmin.f32 v52, $6.000000000e+01  }
0x681: {  	v13 =	vmul.f32 $1.442695020e+00, v13;
	v14 =	vmin.f32 v53, $6.000000000e+01  }
0x682: {  	v8 =	vmul.f32 $1.442695020e+00, v14  }
0x683: {  	v54 =	vld [tilespmem:s14+$0xFFFFFF50];
	(erf) = vpow2.f32 v13  }
0x684: {  	(erf) = vpow2.f32 v8  }
0x685: {  	v58 =	vcvt.s32.f32 v56;
	v9 =	vcvt.s32.f32 v55  }
0x686: {  	v57 =	vld [tilespmem:s14+$0xF0]  }
0x687: {  	v61 =	vmul.f32 v58, v5;
	v59 =	vmul.f32 v9, v5;
	v60 =	vpop (erf)  }
0x688: {  	v9 =	vmul.f32 v9, v7;
	v29 =	vpop (erf);
	v8 =	vcvt.s32.f32 v54  }
0x689: {  	v38 =	vadd.f32 v61, v4;
	v62 =	vmul.f32 v60, v1;
	v30 =	vmul.f32 v29, v1  }
0x68a: {  	v16 =	vadd.f32 v59, v4;
	v15 =	vmul.f32 v8, v5;
	v8 =	vmul.f32 v8, v7  }
0x68b: {  	v31 =	vadd.f32 v9, v6;
	v17 =	vmul.f32 v29, v3;
	v13 =	vcvt.s32.f32 v57  }
0x68c: {  	v32 =	vpop (erf);
	v19 =	vadd.f32 v62, v0;
	v63 =	vadd.f32 v8, v6;
	v8 =	vmul.f32 v60, v3  }
0x68d: {  	v21 =	vadd.f32 v30, v0;
	v33 =	vmul.f32 v13, v5;
	v13 =	vmul.f32 v13, v7;
	v34 =	vpop (erf)  }
0x68e: {  	v35 =	vadd.f32 v8, v2;
	v8 =	vmul.f32 v34, v1;
	v24 =	vmul.f32 v34, v3  }
0x68f: {  	v36 =	vmul.f32 v32, v1;
	v23 =	vadd.f32 v33, v4;
	v13 =	vadd.f32 v13, v6  }
0x690: {  	v37 =	vmul.f32 v32, v3;
	v8 =	vadd.f32 v8, v0;
	v24 =	vadd.f32 v24, v2  }
0x691: {  	v17 =	vadd.f32 v17, v2;
	v14 =	vmul.f32 v58, v7;
	v15 =	vadd.f32 v15, v4  }
0x692: {  	v26 =	vadd.f32 v36, v0;
	v8 =	vmul.f32 v8, v23;
	v9 =	vmul.f32 v24, v13  }
0x693: {  	v40 =	vadd.f32 v37, v2;
	v15 =	vmul.f32 v19, v15;
	v39 =	vmul.f32 v35, v63  }
0x694: {  	v16 =	vmul.f32 v21, v16;
	v17 =	vmul.f32 v17, v31;
	v41 =	vadd.f32 v9, v8  }
0x695: {  	v14 =	vadd.f32 v14, v6;
	v42 =	vadd.f32 v39, v15  }
0x696: {  	v22 =	vadd.f32 v17, v16;
	v20 =	vadd.f32 $1.000000010e-10, v41  }
0x697: {  	v14 =	vmul.f32 v40, v14;
	v43 =	vadd.f32 $1.000000010e-10, v42;
	v13 =	vmul.f32 v26, v38  }
0x698: {  	v44 =	vld [tilespmem:s28+$0xFFFFFF70];
	(erf) = vrcp.f32 v20  }
0x699: {  	v47 =	vld [tilespmem:s28+$0x70];
	v46 =	vadd.f32 $1.000000010e-10, v22;
	v48 =	vadd.f32 v14, v13;
	(erf) = vrcp.f32 v43;
	_ =	sdelay $0x1  }
0x69a: {  	v22 =	vadd.f32 $1.000000010e-10, v48;
	(erf) = vrcp.f32 v46  }
0x69b: {  	v51 =	vmul.f32 v10, v3  }
0x69c: {  	v49 =	vcvt.s32.f32 v44;
	(erf) = vrcp.f32 v22  }
0x69d: {  	v52 =	vmul.f32 v12, v1;
	v45 =	vld [tilespmem:s28+$0xFFFFFFF0];
	v21 =	vcvt.s32.f32 v47  }
0x69e: {  	v12 =	vmul.f32 v12, v3;
	v50 =	vmul.f32 v10, v1  }
0x69f: {  	v62 =	vmul.f32 v21, v5;
	v21 =	vmul.f32 v21, v7  }
0x6a0: {  	v25 =	vadd.f32 v52, v0;
	v53 =	vmul.f32 v11, v1;
	v11 =	vmul.f32 v11, v3;
	v10 =	vpop (erf)  }
0x6a1: {  	v29 =	vadd.f32 v12, v2;
	v19 =	vmul.f32 v49, v7;
	v23 =	vmul.f32 v49, v5;
	v54 =	vpop (erf)  }
0x6a2: {  	v21 =	vadd.f32 v21, v6;
	v20 =	vcvt.s32.f32 v45;
	v15 =	vmul.f32 v54, v15  }
0x6a3: {  	v58 =	vadd.f32 v11, v2;
	v60 =	vadd.f32 v19, v6;
	v18 =	vmul.f32 v54, v39;
	v55 =	vpop (erf)  }
0x6a4: {  	v23 =	vadd.f32 v23, v4;
	v28 =	vmul.f32 v20, v5;
	v56 =	vmul.f32 v55, v16;
	[tilespmem:s13+$0xFFFFFE50] =	vst v15  }
0x6a5: {  	v61 =	vmul.f32 v20, v7;
	v22 =	vadd.f32 v50, v0;
	v59 =	vmul.f32 v55, v17;
	v31 =	vpop (erf);
	[tilespmem:s13+$0xFFFFFED0] =	vst v18  }
0x6a6: {  	v24 =	vadd.f32 v51, v2;
	v30 =	vadd.f32 v28, v4;
	v34 =	vmul.f32 v31, v13;
	v63 =	vld [tilespmem:s30+$0xFFFFFE60];
	[tilespmem:s13+$0xFFFFFF50] =	vst v56  }
0x6a7: {  	v33 =	vadd.f32 v61, v6;
	v11 =	vmul.f32 v22, v23;
	v22 =	vmul.f32 v31, v14;
	v32 =	vld [tilespmem:s30+$0xFFFFFEE0];
	[tilespmem:s13+$0xFFFFFFD0] =	vst v59  }
0x6a8: {  	v57 =	vadd.f32 v53, v0;
	v19 =	vadd.f32 v62, v4;
	v12 =	vmul.f32 v24, v60;
	v35 =	vld [tilespmem:s30+$0xFFFFFF60];
	[tilespmem:s13+$0x50] =	vst v34  }
0x6a9: {  	v13 =	vmul.f32 v25, v30;
	v15 =	vmul.f32 v29, v33;
	v36 =	vld [tilespmem:s30+$0xFFFFFFE0];
	[tilespmem:s13+$0xD0] =	vst v22  }
0x6aa: {  	v37 =	vadd.f32 v12, v11;
	v16 =	vmul.f32 v57, v19;
	v14 =	vmul.f32 v58, v21;
	v40 =	vld [tilespmem:s30+$0x60]  }
0x6ab: {  	v38 =	vadd.f32 v15, v13;
	v42 =	vld [tilespmem:s30+$0xE0]  }
0x6ac: {  	v39 =	vadd.f32 $1.000000010e-10, v37;
	v41 =	vadd.f32 v14, v16  }
0x6ad: {  	v17 =	vadd.f32 $1.000000010e-10, v38;
	v20 =	vsub.f32 v32, v63  }
0x6ae: {  	(erf) = vrcp.f32 v39;
	v18 =	vsub.f32 v36, v35  }
0x6af: {  	v43 =	vadd.f32 $1.000000010e-10, v41;
	(erf) = vrcp.f32 v17;
	v20 =	vmin.f32 v20, $6.000000000e+01  }
0x6b0: {  	v45 =	vsub.f32 v42, v40;
	v44 =	vmul.f32 $1.442695020e+00, v20;
	v18 =	vmin.f32 v18, $6.000000000e+01  }
0x6b1: {  	v46 =	vld [tilespmem:s14+$0xFFFFFF60];
	(erf) = vrcp.f32 v43;
	v18 =	vmul.f32 $1.442695020e+00, v18  }
0x6b2: {  	v48 =	vld [tilespmem:s14+$0x60];
	v17 =	vmin.f32 v45, $6.000000000e+01;
	(erf) = vpow2.f32 v44  }
0x6b3: {  	v17 =	vmul.f32 $1.442695020e+00, v17;
	(erf) = vpow2.f32 v18  }
0x6b4: {  	v47 =	vld [tilespmem:s14+$0xFFFFFFE0]  }
0x6b5: {  	(erf) = vpow2.f32 v17  }
0x6b6: {  	v49 =	vcvt.s32.f32 v46  }
0x6b7: {  	v21 =	vcvt.s32.f32 v48  }
0x6b8: {  	v50 =	vmul.f32 v49, v5;
	v51 =	vmul.f32 v49, v7;
	v19 =	vpop (erf)  }
0x6b9: {  	v20 =	vcvt.s32.f32 v47;
	v57 =	vmul.f32 v21, v5;
	v18 =	vpop (erf)  }
0x6ba: {  	v22 =	vadd.f32 v50, v4;
	v23 =	vadd.f32 v51, v6;
	v21 =	vmul.f32 v21, v7;
	v17 =	vpop (erf)  }
0x6bb: {  	v56 =	vmul.f32 v20, v5;
	v20 =	vmul.f32 v20, v7;
	v29 =	vadd.f32 v57, v4;
	v52 =	vpop (erf)  }
0x6bc: {  	v21 =	vadd.f32 v21, v6;
	v53 =	vmul.f32 v52, v1;
	v54 =	vpop (erf);
	v24 =	vmul.f32 v52, v3  }
0x6bd: {  	v28 =	vadd.f32 v56, v4;
	v20 =	vadd.f32 v20, v6;
	v55 =	vmul.f32 v54, v1  }
0x6be: {  	v26 =	vmul.f32 v54, v3;
	v30 =	vpop (erf);
	v25 =	vadd.f32 v53, v0;
	v24 =	vadd.f32 v24, v2  }
0x6bf: {  	v31 =	vmul.f32 v30, v1;
	v30 =	vmul.f32 v30, v3;
	v27 =	vadd.f32 v55, v0  }
0x6c0: {  	v26 =	vadd.f32 v26, v2;
	v22 =	vmul.f32 v25, v22;
	v23 =	vmul.f32 v24, v23  }
0x6c1: {  	v59 =	vadd.f32 v31, v0;
	v60 =	vadd.f32 v30, v2  }
0x6c2: {  	v58 =	vmul.f32 v27, v28;
	v20 =	vmul.f32 v26, v20;
	v61 =	vadd.f32 v23, v22  }
0x6c3: {  	v25 =	vmul.f32 v59, v29  }
0x6c4: {  	v21 =	vmul.f32 v60, v21;
	v26 =	vadd.f32 v20, v58;
	v28 =	vadd.f32 $1.000000010e-10, v61;
	_ =	sdelay $0x1  }
0x6c5: {  	v27 =	vadd.f32 v21, v25;
	v26 =	vadd.f32 $1.000000010e-10, v26;
	(erf) = vrcp.f32 v28;
	_ =	sdelay $0x1  }
0x6c6: {  	v62 =	vadd.f32 $1.000000010e-10, v27;
	(erf) = vrcp.f32 v26;
	_ =	sdelay $0x1  }
0x6c7: {  	(erf) = vrcp.f32 v62;
	_ =	sdelay $0x4  }
0x6c8: {  	v63 =	vpop (erf)  }
0x6c9: {  	v22 =	vmul.f32 v63, v22  }
0x6ca: {  	v30 =	vpop (erf);
	v23 =	vmul.f32 v63, v23  }
0x6cb: {  	v24 =	vmul.f32 v30, v58;
	[tilespmem:s13+$0xFFFFFE60] =	vst v22  }
0x6cc: {  	v31 =	vpop (erf);
	v20 =	vmul.f32 v30, v20;
	[tilespmem:s13+$0xFFFFFEE0] =	vst v23  }
0x6cd: {  	v32 =	vmul.f32 v31, v25;
	v33 =	vld [tilespmem:s30+$0xFFFFFE70];
	[tilespmem:s13+$0xFFFFFF60] =	vst v24  }
0x6ce: {  	v21 =	vmul.f32 v31, v21;
	v34 =	vld [tilespmem:s30+$0xFFFFFEF0];
	[tilespmem:s13+$0xFFFFFFE0] =	vst v20  }
0x6cf: {  	v20 =	vld [tilespmem:s30+$0xFFFFFF70];
	[tilespmem:s13+$0x60] =	vst v32  }
0x6d0: {  	[tilespmem:s13+$0xE0] =	vst v21;
	v35 =	vld [tilespmem:s30+$0xFFFFFFF0]  }
0x6d1: {  	v23 =	vld [tilespmem:s30+$0x70]  }
0x6d2: {  	v36 =	vld [tilespmem:s30+$0xF0];
	_ =	sdelay $0x1  }
0x6d3: {  	v22 =	vsub.f32 v34, v33  }
0x6d4: {  	v20 =	vsub.f32 v35, v20  }
0x6d5: {  	v22 =	vmin.f32 v22, $6.000000000e+01  }
0x6d6: {  	v37 =	vsub.f32 v36, v23;
	v22 =	vmul.f32 $1.442695020e+00, v22;
	v20 =	vmin.f32 v20, $6.000000000e+01  }
0x6d7: {  	v40 =	vld [tilespmem:s14+$0x70];
	v20 =	vmul.f32 $1.442695020e+00, v20  }
0x6d8: {  	v38 =	vld [tilespmem:s14+$0xFFFFFF70];
	v21 =	vmin.f32 v37, $6.000000000e+01;
	(erf) = vpow2.f32 v22  }
0x6d9: {  	v39 =	vld [tilespmem:s14+$0xFFFFFFF0];
	v21 =	vmul.f32 $1.442695020e+00, v21;
	(erf) = vpow2.f32 v20;
	_ =	sdelay $0x1  }
0x6da: {  	(erf) = vpow2.f32 v21  }
0x6db: {  	v22 =	vcvt.s32.f32 v40  }
0x6dc: {  	v20 =	vcvt.s32.f32 v38  }
0x6dd: {  	v21 =	vcvt.s32.f32 v39;
	v49 =	vmul.f32 v22, v5  }
0x6de: {  	v22 =	vmul.f32 v22, v7;
	v42 =	vmul.f32 v20, v5  }
0x6df: {  	v20 =	vmul.f32 v20, v7;
	v48 =	vmul.f32 v21, v5;
	v50 =	vadd.f32 v49, v4  }
0x6e0: {  	v21 =	vmul.f32 v21, v7;
	v22 =	vadd.f32 v22, v6;
	v24 =	vadd.f32 v42, v4;
	v41 =	vpop (erf)  }
0x6e1: {  	v20 =	vadd.f32 v20, v6;
	v43 =	vmul.f32 v41, v1;
	v44 =	vpop (erf);
	v23 =	vmul.f32 v41, v3  }
0x6e2: {  	v30 =	vadd.f32 v48, v4;
	v21 =	vadd.f32 v21, v6;
	v46 =	vmul.f32 v44, v1  }
0x6e3: {  	v45 =	vpop (erf);
	v26 =	vmul.f32 v44, v3;
	v25 =	vadd.f32 v43, v0;
	v23 =	vadd.f32 v23, v2  }
0x6e4: {  	v47 =	vmul.f32 v45, v1;
	v27 =	vmul.f32 v45, v3;
	v28 =	vadd.f32 v46, v0  }
0x6e5: {  	v26 =	vadd.f32 v26, v2;
	v24 =	vmul.f32 v25, v24;
	v20 =	vmul.f32 v23, v20  }
0x6e6: {  	v29 =	vadd.f32 v47, v0;
	v27 =	vadd.f32 v27, v2  }
0x6e7: {  	v51 =	vmul.f32 v28, v30;
	v21 =	vmul.f32 v26, v21;
	v52 =	vadd.f32 v20, v24  }
0x6e8: {  	v23 =	vmul.f32 v29, v50  }
0x6e9: {  	v22 =	vmul.f32 v27, v22;
	v26 =	vadd.f32 v21, v51;
	v28 =	vadd.f32 $1.000000010e-10, v52;
	_ =	sdelay $0x1  }
0x6ea: {  	v27 =	vadd.f32 v22, v23;
	v26 =	vadd.f32 $1.000000010e-10, v26;
	(erf) = vrcp.f32 v28;
	_ =	sdelay $0x1  }
0x6eb: {  	v9 =	vmul.f32 v10, v9;
	v27 =	vadd.f32 $1.000000010e-10, v27;
	(erf) = vrcp.f32 v26  }
0x6ec: {  	v8 =	vmul.f32 v10, v8  }
0x6ed: {  	[tilespmem:s13+$0x1F0] =	vst v9;
	v11 =	vmul.f32 v19, v11;
	(erf) = vrcp.f32 v27  }
0x6ee: {  	[tilespmem:s13+$0x170] =	vst v8;
	v56 =	vmul.f32 v17, v16  }
0x6ef: {  	[tilespmem:s26+$0xFFFFFE70] =	vst v11;
	v57 =	vmul.f32 v17, v14  }
0x6f0: {  	[tilespmem:s26+$0x70] =	vst v56;
	v54 =	vmul.f32 v18, v13  }
0x6f1: {  	[tilespmem:s26+$0xF0] =	vst v57;
	v53 =	vmul.f32 v19, v12  }
0x6f2: {  	v55 =	vmul.f32 v18, v15;
	[tilespmem:s26+$0xFFFFFF70] =	vst v54;
	v58 =	vpop (erf)  }
0x6f3: {  	[tilespmem:s26+$0xFFFFFEF0] =	vst v53;
	v59 =	vmul.f32 v58, v24  }
0x6f4: {  	[tilespmem:s26+$0xFFFFFFF0] =	vst v55;
	v8 =	vpop (erf);
	v9 =	vmul.f32 v58, v20  }
0x6f5: {  	s24 =	sadd.s32 $0x1, s24;
	v60 =	vmul.f32 v8, v51;
	[tilespmem:s13+$0xFFFFFE70] =	vst v59  }
0x6f6: {  	p0 =	sne.s32 s24, $0x10;
	v61 =	vpop (erf);
	v8 =	vmul.f32 v8, v21;
	[tilespmem:s13+$0xFFFFFEF0] =	vst v9  }
.Ltmp2:
0x6f7: {  	v62 =	vmul.f32 v61, v23;
	[tilespmem:s13+$0xFFFFFF70] =	vst v60;
	(pc) =	sbr.rel @p0 .LBB2_2-.Ltmp2, $4  }
0x6f8: {  	v63 =	vmul.f32 v61, v22;
	[tilespmem:s13+$0xFFFFFFF0] =	vst v8  }
0x6f9: {  	[tilespmem:s13+$0x70] =	vst v62  }
0x6fa: {  	s0 =	sadd.s32 s4, s25;
	[tilespmem:s13+$0xF0] =	vst v63  }
0x6fb: {  	[hbm4b:s0+s5] =	stream.linear.scatter [tilespmem:s20], [sflag:$0x4], $0x4000, $0x38;
	[tilespmem:$0x14400] =	vst v63  }
0x6fc: {  	s23 =	sadd.s32 $0x1, s23  }
0x6fd: {  	_ =	swait.ge [sflag:s21], $0x4000;
	p0 =	sne.s32 s23, s11  }
.Ltmp3:
0x6fe: {  	[sflag:s21] =	ssyncset.done $0x0;
	(pc) =	sbr.rel @p0 .LBB2_1-.Ltmp3, $4  }
0x6ff: {  	[sflag:s21] =	ssyncadd.s32 $0xFFFFC000  }
0x700: {  	_ =	swait.ge [sflag:s22], $0x4000  }
0x701: {  	[sflag:s22] =	ssyncset.done $0x0  }
0x702: {  	[sflag:s22] =	ssyncadd.s32 $0xFFFFC000  }
0x703: {  	_ =	sfence.sel $0x180000  }
0x704: {  	[bflag:$0x0] =	sbarrier.arrive $0xFFFF  }
0x705: {  	_ =	strace $0x90000047  }
0x706: {  	s0 =	stileid.u32;
	[bflag:$0x2] =	sbarrier.arrive $0xFFFF  }
0x707: {  	p0 =	sne.s32 s0, $0x0;
	s0 =	rddreg [dreg:$0x4]  }
0x708: {  	s0 =	sadd.s32 @!p0 $0x100000, s0  }
0x709: {  	[sflag:s0] =	ssyncadd.tile.s32 @!p0 $0x1;
	_ =	shalt  }
.Lfunc_end2:
_tile_overlayer_lowered:
.L_overlay_start_2:
0x70a: {  	(tag) =	ssettag $0x2  }
0x70b: {  	s0 =	rddreg [dreg:$0x0];
	s2 =	stileid.u32  }
0x70c: {  	s1 =	rddreg [dreg:$0x1];
	p0 =	sne.s32 s2, $0x0  }
0x70d: {  	s3 =	rddreg [dreg:$0x2];
	[bflag:$0x3] =	sbarrier.arrive $0xFFFF;
	s2 =	simm.s32 @!p0 $0x1C05  }
0x70e: {  	[timem:s3], [sflag:s2] =	dma.local @!p0 [hbm:s0], s1  }
0x70f: {  	s0 =	simm.s32 @!p0 $0x5  }
0x710: {  	_ =	swait.ge @!p0 [sflag:s0], s1  }
0x711: {  	s1 =	ssub.s32 @!p0 $0x0, s1;
	[sflag:s0] =	ssyncset.done @!p0 $0x0  }
0x712: {  	[sflag:s0] =	ssyncadd.s32 @!p0 s1  }
0x713: {  	[bflag:$0x3] =	sbarrier.arrive $0xFFFF  }
0x714: {  	_ =	shalt  }

</sc_bundles>
